<compile_context>
chip_gen: v7x
topology: tpu7x:2x2x1
jax: 0.10.2.dev20260603
libtpu: 0.0.44.dev20260713+nightly
codegen_flags: <defaults>
</compile_context>

<pallas_src>
import functools
import jax
import jax.numpy as jnp
from jax import lax
from jax.experimental import pallas as pl
from jax.experimental.pallas import tpu as pltpu
from jax.experimental.pallas import tpu_sc as plsc

N_HASHES = 4
CHUNK = 144
RED = 4
PAD = 2360


def _embed_body(xp_ref, wt_ref, wa_ref, rotf_ref, bm_ref, ba_ref, comb_ref, codes_ref,
                *, BLK, Cin, C, D, H, W):
    HW = H * W
    base = pl.program_id(0) * BLK
    t = base + lax.broadcasted_iota(jnp.int32, (BLK, 1), 0)
    w_out = t % W
    h_out = (t // W) % H
    acc = jnp.zeros((BLK, C), dtype=jnp.float32)
    for k in range(27):
        kz, ky, kx = k // 9, (k // 3) % 3, k % 3
        off = (kz - 1) * HW + (ky - 1) * W + (kx - 1)
        sl = xp_ref[pl.ds(PAD + off + base, BLK), :]
        wv = w_out + (kx - 1)
        hv = h_out + (ky - 1)
        valid = (wv >= 0) & (wv < W) & (hv >= 0) & (hv < H)
        sl = jnp.where(valid, sl, 0.0)
        acc = acc + jax.lax.dot_general(sl, wt_ref[k], (((1,), (0,)), ((), ())),
                                        preferred_element_type=jnp.float32)
    acc = acc + bm_ref[:]
    xc = xp_ref[pl.ds(PAD + base, BLK), :]
    ya = jax.lax.dot_general(xc, wa_ref[:], (((1,), (0,)), ((), ())),
                             preferred_element_type=jnp.float32) + ba_ref[:]
    pad = jnp.zeros((BLK, 128 - C - Cin), dtype=jnp.float32)
    comb_ref[:] = jnp.concatenate([acc, ya, pad], axis=1)
    r = jax.lax.dot_general(acc, rotf_ref[:], (((1,), (0,)), ((), ())),
                            preferred_element_type=jnp.float32)
    nb2 = rotf_ref.shape[1] // N_HASHES
    iota64 = lax.broadcasted_iota(jnp.int32, (BLK, 2 * nb2), 1)
    cols = []
    for h in range(N_HASHES):
        rh = r[:, nb2 * h:nb2 * (h + 1)]
        both = jnp.concatenate([rh, -rh], axis=1)
        mx = jnp.max(both, axis=1, keepdims=True)
        idx = jnp.min(jnp.where(both >= mx, iota64, 2 * nb2), axis=1)
        cols.append(idx[:, None].astype(jnp.int32))
    codes_ref[:] = jnp.concatenate(
        cols + [jnp.zeros((BLK, 8 - N_HASHES), jnp.int32)], axis=1)


def _rank1_body(codes_ref, tril_ref, within_ref, counts_ref, pref_ref, *, RBLK, NB):
    rb = pl.program_id(1)

    @pl.when(rb == 0)
    def _():
        pref_ref[:] = jnp.zeros((1, NB), jnp.float32)

    c = codes_ref[0, 0]
    onehot = (c == lax.broadcasted_iota(jnp.int32, (RBLK, NB), 1)).astype(jnp.float32)
    cum = jax.lax.dot_general(tril_ref[:], onehot, (((1,), (0,)), ((), ())),
                              preferred_element_type=jnp.float32) + pref_ref[:]
    within_ref[0, 0] = jnp.sum(cum * onehot, axis=1, keepdims=True)
    pref_ref[:] = pref_ref[:] + jnp.sum(onehot, axis=0, keepdims=True)
    counts_ref[0] = pref_ref[:]


def _rank2_body(codes_ref, within_ref, counts_ref, g_ref, *, RBLK, NB, L):
    h = pl.program_id(0)
    c = codes_ref[0, 0]
    onehot = (c == lax.broadcasted_iota(jnp.int32, (RBLK, NB), 1)).astype(jnp.float32)
    ci = lax.broadcasted_iota(jnp.int32, (NB, NB), 0)
    cj = lax.broadcasted_iota(jnp.int32, (NB, NB), 1)
    ut = (ci < cj).astype(jnp.float32)
    offs = jax.lax.dot_general(counts_ref[0], ut, (((1,), (0,)), ((), ())),
                               preferred_element_type=jnp.float32)
    offlook = jnp.sum(onehot * offs, axis=1, keepdims=True)
    g_ref[0, 0] = (within_ref[0, 0] + offlook).astype(jnp.int32) + h * L


def _attn_body(main_ref, left_ref, right_ref, out_ref, *, C, Cin, GB):
    left = left_ref[0, 0]
    right = right_ref[0, 0]
    for i in range(GB):
        cur = main_ref[0, i]
        prv = main_ref[0, i - 1] if i > 0 else left
        nxt = main_ref[0, i + 1] if i < GB - 1 else right
        xq = cur[:, :C]
        keys = jnp.concatenate([cur, prv, nxt], axis=0)
        xk = keys[:, :C]
        yv = keys[:, C:C + Cin]
        nrm = jnp.sqrt(jnp.sum(xk * xk, axis=1, keepdims=True))
        nrm = jnp.maximum(nrm, 5e-5)
        xkn = xk / nrm
        scores = jax.lax.dot_general(xq, xkn, (((1,), (1,)), ((), ())),
                                     preferred_element_type=jnp.float32)
        m = jnp.max(scores, axis=1, keepdims=True)
        e = jnp.exp(scores - m)
        s = jnp.sum(e, axis=1, keepdims=True)
        p = e / s
        ret = jax.lax.dot_general(p, yv, (((1,), (0,)), ((), ())),
                                  preferred_element_type=jnp.float32)
        b = m + jnp.log(s)
        out_ref[0, i] = jnp.concatenate(
            [ret, jnp.broadcast_to(b, (ret.shape[0], 128 - Cin))], axis=1)


def _combine_body(rt_ref, x_ref, out_ref, *, Cin, NPB, NCB):
    i = pl.program_id(0)
    out_ref[:] = jnp.zeros_like(out_ref)

    @pl.when((i >= NPB) & (i < NPB + NCB))
    def _():
        xs = [rt_ref[h, :, Cin:Cin + 1] for h in range(N_HASHES)]
        m = xs[0]
        for h in range(1, N_HASHES):
            m = jnp.maximum(m, xs[h])
        es = [jnp.exp(s - m) for s in xs]
        den = es[0]
        for h in range(1, N_HASHES):
            den = den + es[h]
        out = jnp.zeros_like(x_ref[:])
        for h in range(N_HASHES):
            out = out + rt_ref[h, :, :Cin] * (es[h] / den)
        out_ref[:] = out + x_ref[:]


def _final_body(xp_ref, wt_ref, bc_ref, out_ref, *, BLK, Cin, D, H, W, PADF):
    HW = H * W
    base = pl.program_id(0) * BLK
    t = base + lax.broadcasted_iota(jnp.int32, (BLK, 1), 0)
    w_out = t % W
    h_out = (t // W) % H
    acc = jnp.zeros((BLK, Cin), dtype=jnp.float32)
    for k in range(27):
        kz, ky, kx = k // 9, (k // 3) % 3, k % 3
        off = (kz - 1) * HW + (ky - 1) * W + (kx - 1)
        sl = jnp.maximum(xp_ref[pl.ds(PADF + off + base, BLK), :], 0.0)
        wv = w_out + (kx - 1)
        hv = h_out + (ky - 1)
        valid = (wv >= 0) & (wv < W) & (hv >= 0) & (hv < H)
        sl = jnp.where(valid, sl, 0.0)
        acc = acc + jax.lax.dot_general(sl, wt_ref[k], (((1,), (0,)), ((), ())),
                                        preferred_element_type=jnp.float32)
    out_ref[:] = xp_ref[pl.ds(PADF + base, BLK), :] + acc + bc_ref[:]


def _sc_scatter_body(comb_hbm, g_hbm, table_hbm, idx_v, src_v, sem, *, NC, L):
    wid = lax.axis_index("s") * NC + lax.axis_index("c")
    base_t = (wid % 8) * 1152
    pltpu.sync_copy(g_hbm.at[wid], idx_v)
    handles = []
    for j in range(9):
        b = j % 2
        if j >= 2:
            handles[j - 2].wait()
        pltpu.sync_copy(comb_hbm.at[pl.ds(base_t + j * 128, 128)], src_v.at[b])
        handles.append(pltpu.async_copy(src_v.at[b], table_hbm.at[idx_v.at[j]], sem))
    handles[7].wait()
    handles[8].wait()


def _sc_gather_body(table_hbm, g_hbm, out_hbm, idx_v, dst_v, sem, *, NC, L):
    wid = lax.axis_index("s") * NC + lax.axis_index("c")
    base = wid * 1152
    pltpu.sync_copy(g_hbm.at[wid], idx_v)
    handles = []
    for j in range(9):
        b = j % 2
        handles.append(pltpu.async_copy(table_hbm.at[idx_v.at[j]],
                                        dst_v.at[b], sem))
        if j >= 1:
            handles[j - 1].wait()
            pltpu.sync_copy(dst_v.at[(j - 1) % 2],
                            out_hbm.at[pl.ds(base + (j - 1) * 128, 128)])
    handles[8].wait()
    pltpu.sync_copy(dst_v.at[0], out_hbm.at[pl.ds(base + 8 * 128, 128)])


def kernel(x, w_match, b_match, w_asm, b_asm, rot, w_conv, b_conv):
    N, Cin, D, H, W = x.shape
    L = D * H * W
    C = Cin // RED
    NK = L // CHUNK
    xt = x.reshape(Cin, L).T
    xp = jnp.zeros((L + 2 * PAD, Cin), jnp.float32).at[PAD:PAD + L].set(xt)
    wt = w_match.transpose(2, 3, 4, 1, 0).reshape(27, Cin, C)
    wa = w_asm.reshape(Cin, Cin).T
    rotf = rot.reshape(C, -1)
    wc = w_conv.transpose(2, 3, 4, 1, 0).reshape(27, Cin, Cin)

    EBLK = 1152
    comb, codes8 = pl.pallas_call(
        functools.partial(_embed_body, BLK=EBLK, Cin=Cin, C=C, D=D, H=H, W=W),
        grid=(L // EBLK,),
        in_specs=[
            pl.BlockSpec((L + 2 * PAD, Cin), lambda i: (0, 0)),
            pl.BlockSpec((27, Cin, C), lambda i: (0, 0, 0)),
            pl.BlockSpec((Cin, Cin), lambda i: (0, 0)),
            pl.BlockSpec((C, 128), lambda i: (0, 0)),
            pl.BlockSpec((1, C), lambda i: (0, 0)),
            pl.BlockSpec((1, Cin), lambda i: (0, 0)),
        ],
        out_specs=[pl.BlockSpec((EBLK, 128), lambda i: (i, 0)),
                   pl.BlockSpec((EBLK, 8), lambda i: (i, 0))],
        out_shape=[jax.ShapeDtypeStruct((L, 128), jnp.float32),
                   jax.ShapeDtypeStruct((L, 8), jnp.int32)],
    )(xp, wt, wa, rotf, b_match.reshape(1, C), b_asm.reshape(1, Cin))

    RBLK = 1152
    NRB = L // RBLK
    NB = 64
    codes3 = codes8[:, :N_HASHES].T.reshape(N_HASHES, NRB, RBLK, 1)
    tril = jnp.tril(jnp.ones((RBLK, RBLK), jnp.float32), -1)
    within, counts = pl.pallas_call(
        functools.partial(_rank1_body, RBLK=RBLK, NB=NB),
        grid=(N_HASHES, NRB),
        in_specs=[
            pl.BlockSpec((1, 1, RBLK, 1), lambda h, rb: (h, rb, 0, 0)),
            pl.BlockSpec((RBLK, RBLK), lambda h, rb: (0, 0)),
        ],
        out_specs=[pl.BlockSpec((1, 1, RBLK, 1), lambda h, rb: (h, rb, 0, 0)),
                   pl.BlockSpec((1, 1, NB), lambda h, rb: (h, 0, 0))],
        out_shape=[jax.ShapeDtypeStruct((N_HASHES, NRB, RBLK, 1), jnp.float32),
                   jax.ShapeDtypeStruct((N_HASHES, 1, NB), jnp.float32)],
        scratch_shapes=[pltpu.VMEM((1, NB), jnp.float32)],
    )(codes3, tril)
    g4 = pl.pallas_call(
        functools.partial(_rank2_body, RBLK=RBLK, NB=NB, L=L),
        grid=(N_HASHES, NRB),
        in_specs=[
            pl.BlockSpec((1, 1, RBLK, 1), lambda h, rb: (h, rb, 0, 0)),
            pl.BlockSpec((1, 1, RBLK, 1), lambda h, rb: (h, rb, 0, 0)),
            pl.BlockSpec((1, 1, NB), lambda h, rb: (h, 0, 0)),
        ],
        out_specs=pl.BlockSpec((1, 1, RBLK, 1), lambda h, rb: (h, rb, 0, 0)),
        out_shape=jax.ShapeDtypeStruct((N_HASHES, NRB, RBLK, 1), jnp.int32),
    )(codes3, within, counts)
    g32 = g4.reshape(32, 9, 128)

    mesh = plsc.VectorSubcoreMesh(core_axis_name="c", subcore_axis_name="s")
    table = pl.kernel(
        functools.partial(_sc_scatter_body, NC=2, L=L),
        mesh=mesh,
        out_type=jax.ShapeDtypeStruct((N_HASHES * L, 128), jnp.float32),
        scratch_types=[pltpu.VMEM((9, 128), jnp.int32),
                       pltpu.VMEM((2, 128, 128), jnp.float32),
                       pltpu.SemaphoreType.DMA],
    )(comb, g32)
    table = table.reshape(N_HASHES, NK, CHUNK, 128)

    GB = 8
    ret_plus = pl.pallas_call(
        functools.partial(_attn_body, C=C, Cin=Cin, GB=GB),
        grid=(N_HASHES, NK // GB),
        in_specs=[
            pl.BlockSpec((1, GB, CHUNK, 128), lambda h, kb: (h, kb, 0, 0)),
            pl.BlockSpec((1, 1, CHUNK, 128),
                         lambda h, kb: (h, (kb * GB - 1) % NK, 0, 0)),
            pl.BlockSpec((1, 1, CHUNK, 128),
                         lambda h, kb: (h, ((kb + 1) * GB) % NK, 0, 0)),
        ],
        out_specs=pl.BlockSpec((1, GB, CHUNK, 128), lambda h, kb: (h, kb, 0, 0)),
        out_shape=jax.ShapeDtypeStruct((N_HASHES, NK, CHUNK, 128), jnp.float32),
    )(table, table, table)

    rt = pl.kernel(
        functools.partial(_sc_gather_body, NC=2, L=L),
        mesh=mesh,
        out_type=jax.ShapeDtypeStruct((N_HASHES * L, 128), jnp.float32),
        scratch_types=[pltpu.VMEM((9, 128), jnp.int32),
                       pltpu.VMEM((2, 128, 128), jnp.float32),
                       pltpu.SemaphoreType.DMA],
    )(ret_plus.reshape(N_HASHES * L, 128), g32)
    rt = rt.reshape(N_HASHES, L, 128)

    BLK = 1152
    PAD2 = 3 * BLK
    NCB = L // BLK
    xp1 = pl.pallas_call(
        functools.partial(_combine_body, Cin=Cin, NPB=3, NCB=NCB),
        grid=(NCB + 6,),
        in_specs=[
            pl.BlockSpec((N_HASHES, BLK, 128), lambda i: (0, (i - 3) % NCB, 0)),
            pl.BlockSpec((BLK, Cin), lambda i: ((i - 3) % NCB, 0)),
        ],
        out_specs=pl.BlockSpec((BLK, Cin), lambda i: (i, 0)),
        out_shape=jax.ShapeDtypeStruct((L + 2 * PAD2, Cin), jnp.float32),
    )(rt, xt)

    out = pl.pallas_call(
        functools.partial(_final_body, BLK=BLK, Cin=Cin, D=D, H=H, W=W, PADF=PAD2),
        grid=(L // BLK,),
        in_specs=[
            pl.BlockSpec((L + 2 * PAD2, Cin), lambda i: (0, 0)),
            pl.BlockSpec((27, Cin, Cin), lambda i: (0, 0, 0)),
            pl.BlockSpec((1, Cin), lambda i: (0, 0)),
        ],
        out_specs=pl.BlockSpec((BLK, Cin), lambda i: (i, 0)),
        out_shape=jax.ShapeDtypeStruct((L, Cin), jnp.float32),
    )(xp1, wc, b_conv.reshape(1, Cin))

    return out.T.reshape(N, Cin, D, H, W)

# --- scband reference (transcript-rebuilt; emitter-appended) ---
"""Pipeline reference for scband-nlsalayer-10591389352526 (READ-ONLY COPY).

The authoritative reference and input builder live on the scoring server;
editing this copy changes nothing except your own understanding.
"""

import jax, jax.numpy as jnp
import numpy as np

N_HASHES = 4
CHUNK = 144
REDUCTION = 4
RES_SCALE = 1.0

def conv3d(x, w, b, pad):
    out = jax.lax.conv_general_dilated(
        x, w, window_strides=(1, 1, 1),
        padding=[(pad, pad)] * 3,
        dimension_numbers=('NCDHW', 'OIDHW', 'NCDHW'))
    return out + b.reshape(1, -1, 1, 1, 1)

def add_adjacent(t):
    back = jnp.concatenate([t[:, :, -1:], t[:, :, :-1]], axis=2)
    fwd = jnp.concatenate([t[:, :, 1:], t[:, :, :1]], axis=2)
    return jnp.concatenate([t, back, fwd], axis=3)

def nlsa(x, w_match, b_match, w_asm, b_asm, rot):
    N, Cin, D, H, W = x.shape
    L = D * H * W
    xm = conv3d(x, w_match, b_match, 1)
    ya = conv3d(x, w_asm, b_asm, 0)
    C = Cin // REDUCTION
    x_embed = xm.reshape(N, C, L).transpose(0, 2, 1)
    y_embed = ya.reshape(N, Cin, L).transpose(0, 2, 1)
    hash_buckets = min(L // CHUNK + (L // CHUNK) % 2, 128)
    rotated = jnp.einsum('btf,fhi->bhti', x_embed, rot)
    rotated = jnp.concatenate([rotated, -rotated], axis=-1)
    hash_codes = jnp.argmax(rotated, axis=-1)
    offsets = (jnp.arange(N_HASHES) * hash_buckets).reshape(1, -1, 1)
    hash_codes = (hash_codes + offsets).reshape(N, -1)
    indices = jnp.argsort(hash_codes, axis=-1)
    undo_sort = jnp.argsort(indices, axis=-1)
    mod_indices = indices % L
    x_sorted = jnp.take_along_axis(x_embed, mod_indices[..., None], axis=1)
    y_sorted = jnp.take_along_axis(y_embed, mod_indices[..., None], axis=1)
    padding = (CHUNK - L % CHUNK) % CHUNK
    x_att = x_sorted.reshape(N, N_HASHES, L, C)
    y_att = y_sorted.reshape(N, N_HASHES, L, Cin)
    if padding:
        x_att = jnp.concatenate([x_att, x_att[:, :, -padding:, :]], axis=2)
        y_att = jnp.concatenate([y_att, y_att[:, :, -padding:, :]], axis=2)
    x_att = x_att.reshape(N, N_HASHES, -1, CHUNK, C)
    y_att = y_att.reshape(N, N_HASHES, -1, CHUNK, Cin)
    norm = jnp.maximum(jnp.linalg.norm(x_att, axis=-1, keepdims=True), 5e-5)
    x_matchv = x_att / norm
    x_matchv = add_adjacent(x_matchv)
    y_adj = add_adjacent(y_att)
    raw_score = jnp.einsum('bhkie,bhkje->bhkij', x_att, x_matchv)
    bucket_score = jax.scipy.special.logsumexp(raw_score, axis=-1, keepdims=True)
    score = jnp.exp(raw_score - bucket_score)
    bucket_score = bucket_score.reshape(N, N_HASHES, -1)
    ret = jnp.einsum('bhkij,bhkje->bhkie', score, y_adj)
    ret = ret.reshape(N, N_HASHES, -1, Cin)
    if padding:
        ret = ret[:, :, :L, :]
        bucket_score = bucket_score[:, :, :L]
    ret = ret.reshape(N, -1, Cin)
    bucket_score = bucket_score.reshape(N, -1)
    ret = jnp.take_along_axis(ret, undo_sort[..., None], axis=1)
    bucket_score = jnp.take_along_axis(bucket_score, undo_sort, axis=1)
    ret = ret.reshape(N, N_HASHES, L, Cin)
    bucket_score = bucket_score.reshape(N, N_HASHES, L, 1)
    probs = jax.nn.softmax(bucket_score, axis=1)
    ret = jnp.sum(ret * probs, axis=1)
    ret = ret.transpose(0, 2, 1).reshape(N, Cin, D, H, W) * RES_SCALE + x
    return ret

def setup_inputs(seed: int = 0):
    key = jax.random.key(seed)
    ks = jax.random.split(key, 8)
    n_feats = 96
    x = jax.random.normal(ks[0], (1, n_feats, 4, 48, 48), dtype=jnp.float32)
    c = n_feats // REDUCTION
    w_match = jax.random.normal(ks[1], (c, n_feats, 3, 3, 3), dtype=jnp.float32) * 0.02
    b_match = jnp.zeros((c,), dtype=jnp.float32)
    w_asm = jax.random.normal(ks[2], (n_feats, n_feats, 1, 1, 1), dtype=jnp.float32) * 0.02
    b_asm = jnp.zeros((n_feats,), dtype=jnp.float32)
    L = 4 * 48 * 48
    hash_buckets = min(L // CHUNK + (L // CHUNK) % 2, 128)
    rot = jax.random.normal(ks[3], (c, N_HASHES, hash_buckets // 2), dtype=jnp.float32)
    w_conv = jax.random.normal(ks[4], (n_feats, n_feats, 3, 3, 3), dtype=jnp.float32) * 0.02
    b_conv = jnp.zeros((n_feats,), dtype=jnp.float32)
    return {"x": x, "w_match": w_match, "b_match": b_match, "w_asm": w_asm,
            "b_asm": b_asm, "rot": rot, "w_conv": w_conv, "b_conv": b_conv}

def reference(x, w_match, b_match, w_asm, b_asm, rot, w_conv, b_conv):
    x1 = nlsa(x, w_match, b_match, w_asm, b_asm, rot)
    a = conv3d(jax.nn.relu(x1), w_conv, b_conv, 1)
    return x1 + a

if __name__ == "__main__":
    import jax
    _d = setup_inputs()
    print(jax.jit(kernel)(*tuple(_d.values())))

</pallas_src>

<mosaic_0001>
#map = affine_map<(d0, d1) -> (0, 0)>
#map1 = affine_map<(d0, d1) -> (0, 0, 0)>
module attributes {stable_mosaic.version = 14 : i64} {
  func.func @_sc_gather_body(%arg0: i32, %arg1: i32, %arg2: memref<36864x128xf32, #tpu.memory_space<hbm>>, %arg3: memref<32x9x128xi32, #tpu.memory_space<hbm>>, %arg4: memref<36864x128xf32, #tpu.memory_space<hbm>>, %arg5: memref<9x128xi32, #tpu.memory_space<vmem>>, %arg6: memref<2x128x128xf32, #tpu.memory_space<vmem>>, %arg7: memref<!tpu.dma_semaphore, #tpu.memory_space<semaphore_mem>>) attributes {dimension_semantics = [#tpu.dimension_semantics<core_parallel>, #tpu.dimension_semantics<subcore_parallel>], iteration_bounds = array<i64: 2, 16>, scalar_prefetch = 0 : i64, scratch_operands = 3 : i64, tpu.core_type = #tpu.core_type<sc_vector_subcore>, window_params = [{transform_indices = #map}, {transform_indices = #map1}, {transform_indices = #map}]} {
    %mul3A = arith.constant 2 : i32
    %mul3A_0 = arith.muli %arg1, %mul3A : i32
    %add3A = arith.addi %mul3A_0, %arg0 : i32
    %mul3A_1 = arith.constant 1152 : i32
    %mul3A_2 = arith.muli %add3A, %mul3A_1 : i32
    "tpu.region"() ({
      %run_scoped3A_243 = tpu.sem_alloc : memref<!tpu.dma_semaphore, #tpu.memory_space<semaphore_mem>>
      %dma_start3A_244 = arith.constant 0 : i32
      %dma_start3A_245 = arith.constant 0 : i32
      %dma_start3A_246 = tpu.memref_slice %arg3[%add3A, %dma_start3A_244, %dma_start3A_245] : memref<32x9x128xi32, #tpu.memory_space<hbm>> -> memref<1x9x128xi32, #tpu.memory_space<hbm>>
      %dma_start3A_247 = tpu.memref_squeeze %dma_start3A_246 : memref<1x9x128xi32, #tpu.memory_space<hbm>> -> memref<9x128xi32, #tpu.memory_space<hbm>>
      %dma_start3A_248 = arith.constant 0 : i32
      %dma_start3A_249 = arith.constant 0 : i32
      %dma_start3A_250 = tpu.memref_slice %arg3[%add3A, %dma_start3A_248, %dma_start3A_249] : memref<32x9x128xi32, #tpu.memory_space<hbm>> -> memref<1x9x128xi32, #tpu.memory_space<hbm>>
      %dma_start3A_251 = tpu.memref_squeeze %dma_start3A_250 : memref<1x9x128xi32, #tpu.memory_space<hbm>> -> memref<9x128xi32, #tpu.memory_space<hbm>>
      tpu.enqueue_dma source(%dma_start3A_251 : memref<9x128xi32, #tpu.memory_space<hbm>>) target(%arg5 : memref<9x128xi32, #tpu.memory_space<vmem>>) target_semaphore(%run_scoped3A_243 : memref<!tpu.dma_semaphore, #tpu.memory_space<semaphore_mem>>)
      %dma_wait3A_252 = arith.constant 0 : i32
      %dma_wait3A_253 = arith.constant 0 : i32
      %dma_wait3A_254 = tpu.memref_slice %arg3[%add3A, %dma_wait3A_252, %dma_wait3A_253] : memref<32x9x128xi32, #tpu.memory_space<hbm>> -> memref<1x9x128xi32, #tpu.memory_space<hbm>>
      %dma_wait3A_255 = tpu.memref_squeeze %dma_wait3A_254 : memref<1x9x128xi32, #tpu.memory_space<hbm>> -> memref<9x128xi32, #tpu.memory_space<hbm>>
      %dma_wait3A_256 = arith.constant 0 : i32
      %dma_wait3A_257 = arith.constant 0 : i32
      %dma_wait3A_258 = tpu.memref_slice %arg3[%add3A, %dma_wait3A_256, %dma_wait3A_257] : memref<32x9x128xi32, #tpu.memory_space<hbm>> -> memref<1x9x128xi32, #tpu.memory_space<hbm>>
      %dma_wait3A_259 = tpu.memref_squeeze %dma_wait3A_258 : memref<1x9x128xi32, #tpu.memory_space<hbm>> -> memref<9x128xi32, #tpu.memory_space<hbm>>
      tpu.wait_dma2 semaphore(%run_scoped3A_243 : memref<!tpu.dma_semaphore, #tpu.memory_space<semaphore_mem>>) src(%dma_wait3A_259 : memref<9x128xi32, #tpu.memory_space<hbm>>) dst(%arg5 : memref<9x128xi32, #tpu.memory_space<vmem>>)
      tpu.yield
    }) : () -> ()
    %dma_start3A = arith.constant 0 : i32
    %dma_start3A_3 = arith.constant 0 : i32
    %dma_start3A_4 = arith.constant 0 : i32
    %dma_start3A_5 = arith.constant 0 : i32
    %dma_start3A_6 = tpu.memref_slice %arg6[%dma_start3A_3, %dma_start3A_4, %dma_start3A_5] : memref<2x128x128xf32, #tpu.memory_space<vmem>> -> memref<1x128x128xf32, #tpu.memory_space<vmem>>
    %dma_start3A_7 = tpu.memref_squeeze %dma_start3A_6 : memref<1x128x128xf32, #tpu.memory_space<vmem>> -> memref<128x128xf32, #tpu.memory_space<vmem>>
    %dma_start3A_8 = arith.constant 0 : i32
    %dma_start3A_9 = tpu.memref_slice %arg5[%dma_start3A, %dma_start3A_8] : memref<9x128xi32, #tpu.memory_space<vmem>> -> memref<1x128xi32, #tpu.memory_space<vmem>>
    %dma_start3A_10 = tpu.memref_squeeze %dma_start3A_9 : memref<1x128xi32, #tpu.memory_space<vmem>> -> memref<128xi32, #tpu.memory_space<vmem>>
    %dma_start3A_11 = arith.constant 0 : i32
    %dma_start3A_12 = arith.constant 0 : i32
    %dma_start3A_13 = tpu.memref_slice %arg2[%dma_start3A_11, %dma_start3A_12] : memref<36864x128xf32, #tpu.memory_space<hbm>> -> memref<36864x128xf32, #tpu.memory_space<hbm>>
    tpu.enqueue_indirect_dma source(%dma_start3A_13 : memref<36864x128xf32, #tpu.memory_space<hbm>>) target(%dma_start3A_7 : memref<128x128xf32, #tpu.memory_space<vmem>>) offsets(%dma_start3A_10 : memref<128xi32, #tpu.memory_space<vmem>>) semaphore(%arg7 : memref<!tpu.dma_semaphore, #tpu.memory_space<semaphore_mem>>)
    %dma_start3A_14 = arith.constant 1 : i32
    %dma_start3A_15 = arith.constant 1 : i32
    %dma_start3A_16 = arith.constant 0 : i32
    %dma_start3A_17 = arith.constant 0 : i32
    %dma_start3A_18 = tpu.memref_slice %arg6[%dma_start3A_15, %dma_start3A_16, %dma_start3A_17] : memref<2x128x128xf32, #tpu.memory_space<vmem>> -> memref<1x128x128xf32, #tpu.memory_space<vmem>>
    %dma_start3A_19 = tpu.memref_squeeze %dma_start3A_18 : memref<1x128x128xf32, #tpu.memory_space<vmem>> -> memref<128x128xf32, #tpu.memory_space<vmem>>
    %dma_start3A_20 = arith.constant 0 : i32
    %dma_start3A_21 = tpu.memref_slice %arg5[%dma_start3A_14, %dma_start3A_20] : memref<9x128xi32, #tpu.memory_space<vmem>> -> memref<1x128xi32, #tpu.memory_space<vmem>>
    %dma_start3A_22 = tpu.memref_squeeze %dma_start3A_21 : memref<1x128xi32, #tpu.memory_space<vmem>> -> memref<128xi32, #tpu.memory_space<vmem>>
    %dma_start3A_23 = arith.constant 0 : i32
    %dma_start3A_24 = arith.constant 0 : i32
    %dma_start3A_25 = tpu.memref_slice %arg2[%dma_start3A_23, %dma_start3A_24] : memref<36864x128xf32, #tpu.memory_space<hbm>> -> memref<36864x128xf32, #tpu.memory_space<hbm>>
    tpu.enqueue_indirect_dma source(%dma_start3A_25 : memref<36864x128xf32, #tpu.memory_space<hbm>>) target(%dma_start3A_19 : memref<128x128xf32, #tpu.memory_space<vmem>>) offsets(%dma_start3A_22 : memref<128xi32, #tpu.memory_space<vmem>>) semaphore(%arg7 : memref<!tpu.dma_semaphore, #tpu.memory_space<semaphore_mem>>)
    %dma_wait3A = arith.constant 0 : i32
    %dma_wait3A_26 = arith.constant 0 : i32
    %dma_wait3A_27 = arith.constant 0 : i32
    %dma_wait3A_28 = arith.constant 0 : i32
    %dma_wait3A_29 = tpu.memref_slice %arg6[%dma_wait3A_26, %dma_wait3A_27, %dma_wait3A_28] : memref<2x128x128xf32, #tpu.memory_space<vmem>> -> memref<1x128x128xf32, #tpu.memory_space<vmem>>
    %dma_wait3A_30 = tpu.memref_squeeze %dma_wait3A_29 : memref<1x128x128xf32, #tpu.memory_space<vmem>> -> memref<128x128xf32, #tpu.memory_space<vmem>>
    %dma_wait3A_31 = arith.constant 0 : i32
    %dma_wait3A_32 = tpu.memref_slice %arg5[%dma_wait3A, %dma_wait3A_31] : memref<9x128xi32, #tpu.memory_space<vmem>> -> memref<1x128xi32, #tpu.memory_space<vmem>>
    %dma_wait3A_33 = tpu.memref_squeeze %dma_wait3A_32 : memref<1x128xi32, #tpu.memory_space<vmem>> -> memref<128xi32, #tpu.memory_space<vmem>>
    %dma_wait3A_34 = arith.constant 0 : i32
    %dma_wait3A_35 = arith.constant 0 : i32
    %dma_wait3A_36 = tpu.memref_slice %arg2[%dma_wait3A_34, %dma_wait3A_35] : memref<36864x128xf32, #tpu.memory_space<hbm>> -> memref<36864x128xf32, #tpu.memory_space<hbm>>
    tpu.wait_indirect_dma semaphore(%arg7 : memref<!tpu.dma_semaphore, #tpu.memory_space<semaphore_mem>>) src(%dma_wait3A_36 : memref<36864x128xf32, #tpu.memory_space<hbm>>) dst(%dma_wait3A_30 : memref<128x128xf32, #tpu.memory_space<vmem>>)
    %add3A_37 = arith.constant 0 : i32
    %add3A_38 = arith.addi %mul3A_2, %add3A_37 : i32
    %run_scoped3A = arith.constant 0 : i32
    "tpu.region"() ({
      %run_scoped3A_243 = tpu.sem_alloc : memref<!tpu.dma_semaphore, #tpu.memory_space<semaphore_mem>>
      %dma_start3A_244 = arith.constant 0 : i32
      %dma_start3A_245 = arith.constant 0 : i32
      %dma_start3A_246 = tpu.memref_slice %arg6[%run_scoped3A, %dma_start3A_244, %dma_start3A_245] : memref<2x128x128xf32, #tpu.memory_space<vmem>> -> memref<1x128x128xf32, #tpu.memory_space<vmem>>
      %dma_start3A_247 = tpu.memref_squeeze %dma_start3A_246 : memref<1x128x128xf32, #tpu.memory_space<vmem>> -> memref<128x128xf32, #tpu.memory_space<vmem>>
      %dma_start3A_248 = arith.constant 0 : i32
      %dma_start3A_249 = tpu.memref_slice %arg4[%add3A_38, %dma_start3A_248] : memref<36864x128xf32, #tpu.memory_space<hbm>> -> memref<128x128xf32, #tpu.memory_space<hbm>>
      %dma_start3A_250 = arith.constant 0 : i32
      %dma_start3A_251 = tpu.memref_slice %arg4[%add3A_38, %dma_start3A_250] : memref<36864x128xf32, #tpu.memory_space<hbm>> -> memref<128x128xf32, #tpu.memory_space<hbm>>
      %dma_start3A_252 = arith.constant 0 : i32
      %dma_start3A_253 = arith.constant 0 : i32
      %dma_start3A_254 = tpu.memref_slice %arg6[%run_scoped3A, %dma_start3A_252, %dma_start3A_253] : memref<2x128x128xf32, #tpu.memory_space<vmem>> -> memref<1x128x128xf32, #tpu.memory_space<vmem>>
      %dma_start3A_255 = tpu.memref_squeeze %dma_start3A_254 : memref<1x128x128xf32, #tpu.memory_space<vmem>> -> memref<128x128xf32, #tpu.memory_space<vmem>>
      tpu.enqueue_dma source(%dma_start3A_255 : memref<128x128xf32, #tpu.memory_space<vmem>>) target(%dma_start3A_251 : memref<128x128xf32, #tpu.memory_space<hbm>>) target_semaphore(%run_scoped3A_243 : memref<!tpu.dma_semaphore, #tpu.memory_space<semaphore_mem>>)
      %dma_wait3A_256 = arith.constant 0 : i32
      %dma_wait3A_257 = arith.constant 0 : i32
      %dma_wait3A_258 = tpu.memref_slice %arg6[%run_scoped3A, %dma_wait3A_256, %dma_wait3A_257] : memref<2x128x128xf32, #tpu.memory_space<vmem>> -> memref<1x128x128xf32, #tpu.memory_space<vmem>>
      %dma_wait3A_259 = tpu.memref_squeeze %dma_wait3A_258 : memref<1x128x128xf32, #tpu.memory_space<vmem>> -> memref<128x128xf32, #tpu.memory_space<vmem>>
      %dma_wait3A_260 = arith.constant 0 : i32
      %dma_wait3A_261 = tpu.memref_slice %arg4[%add3A_38, %dma_wait3A_260] : memref<36864x128xf32, #tpu.memory_space<hbm>> -> memref<128x128xf32, #tpu.memory_space<hbm>>
      %dma_wait3A_262 = arith.constant 0 : i32
      %dma_wait3A_263 = tpu.memref_slice %arg4[%add3A_38, %dma_wait3A_262] : memref<36864x128xf32, #tpu.memory_space<hbm>> -> memref<128x128xf32, #tpu.memory_space<hbm>>
      %dma_wait3A_264 = arith.constant 0 : i32
      %dma_wait3A_265 = arith.constant 0 : i32
      %dma_wait3A_266 = tpu.memref_slice %arg6[%run_scoped3A, %dma_wait3A_264, %dma_wait3A_265] : memref<2x128x128xf32, #tpu.memory_space<vmem>> -> memref<1x128x128xf32, #tpu.memory_space<vmem>>
      %dma_wait3A_267 = tpu.memref_squeeze %dma_wait3A_266 : memref<1x128x128xf32, #tpu.memory_space<vmem>> -> memref<128x128xf32, #tpu.memory_space<vmem>>
      tpu.wait_dma2 semaphore(%run_scoped3A_243 : memref<!tpu.dma_semaphore, #tpu.memory_space<semaphore_mem>>) src(%dma_wait3A_267 : memref<128x128xf32, #tpu.memory_space<vmem>>) dst(%dma_wait3A_263 : memref<128x128xf32, #tpu.memory_space<hbm>>)
      tpu.yield
    }) : () -> ()
    %dma_start3A_39 = arith.constant 2 : i32
    %dma_start3A_40 = arith.constant 0 : i32
    %dma_start3A_41 = arith.constant 0 : i32
    %dma_start3A_42 = arith.constant 0 : i32
    %dma_start3A_43 = tpu.memref_slice %arg6[%dma_start3A_40, %dma_start3A_41, %dma_start3A_42] : memref<2x128x128xf32, #tpu.memory_space<vmem>> -> memref<1x128x128xf32, #tpu.memory_space<vmem>>
    %dma_start3A_44 = tpu.memref_squeeze %dma_start3A_43 : memref<1x128x128xf32, #tpu.memory_space<vmem>> -> memref<128x128xf32, #tpu.memory_space<vmem>>
    %dma_start3A_45 = arith.constant 0 : i32
    %dma_start3A_46 = tpu.memref_slice %arg5[%dma_start3A_39, %dma_start3A_45] : memref<9x128xi32, #tpu.memory_space<vmem>> -> memref<1x128xi32, #tpu.memory_space<vmem>>
    %dma_start3A_47 = tpu.memref_squeeze %dma_start3A_46 : memref<1x128xi32, #tpu.memory_space<vmem>> -> memref<128xi32, #tpu.memory_space<vmem>>
    %dma_start3A_48 = arith.constant 0 : i32
    %dma_start3A_49 = arith.constant 0 : i32
    %dma_start3A_50 = tpu.memref_slice %arg2[%dma_start3A_48, %dma_start3A_49] : memref<36864x128xf32, #tpu.memory_space<hbm>> -> memref<36864x128xf32, #tpu.memory_space<hbm>>
    tpu.enqueue_indirect_dma source(%dma_start3A_50 : memref<36864x128xf32, #tpu.memory_space<hbm>>) target(%dma_start3A_44 : memref<128x128xf32, #tpu.memory_space<vmem>>) offsets(%dma_start3A_47 : memref<128xi32, #tpu.memory_space<vmem>>) semaphore(%arg7 : memref<!tpu.dma_semaphore, #tpu.memory_space<semaphore_mem>>)
    %dma_wait3A_51 = arith.constant 1 : i32
    %dma_wait3A_52 = arith.constant 1 : i32
    %dma_wait3A_53 = arith.constant 0 : i32
    %dma_wait3A_54 = arith.constant 0 : i32
    %dma_wait3A_55 = tpu.memref_slice %arg6[%dma_wait3A_52, %dma_wait3A_53, %dma_wait3A_54] : memref<2x128x128xf32, #tpu.memory_space<vmem>> -> memref<1x128x128xf32, #tpu.memory_space<vmem>>
    %dma_wait3A_56 = tpu.memref_squeeze %dma_wait3A_55 : memref<1x128x128xf32, #tpu.memory_space<vmem>> -> memref<128x128xf32, #tpu.memory_space<vmem>>
    %dma_wait3A_57 = arith.constant 0 : i32
    %dma_wait3A_58 = tpu.memref_slice %arg5[%dma_wait3A_51, %dma_wait3A_57] : memref<9x128xi32, #tpu.memory_space<vmem>> -> memref<1x128xi32, #tpu.memory_space<vmem>>
    %dma_wait3A_59 = tpu.memref_squeeze %dma_wait3A_58 : memref<1x128xi32, #tpu.memory_space<vmem>> -> memref<128xi32, #tpu.memory_space<vmem>>
    %dma_wait3A_60 = arith.constant 0 : i32
    %dma_wait3A_61 = arith.constant 0 : i32
    %dma_wait3A_62 = tpu.memref_slice %arg2[%dma_wait3A_60, %dma_wait3A_61] : memref<36864x128xf32, #tpu.memory_space<hbm>> -> memref<36864x128xf32, #tpu.memory_space<hbm>>
    tpu.wait_indirect_dma semaphore(%arg7 : memref<!tpu.dma_semaphore, #tpu.memory_space<semaphore_mem>>) src(%dma_wait3A_62 : memref<36864x128xf32, #tpu.memory_space<hbm>>) dst(%dma_wait3A_56 : memref<128x128xf32, #tpu.memory_space<vmem>>)
    %add3A_63 = arith.constant 128 : i32
    %add3A_64 = arith.addi %mul3A_2, %add3A_63 : i32
    %run_scoped3A_65 = arith.constant 1 : i32
    "tpu.region"() ({
      %run_scoped3A_243 = tpu.sem_alloc : memref<!tpu.dma_semaphore, #tpu.memory_space<semaphore_mem>>
      %dma_start3A_244 = arith.constant 0 : i32
      %dma_start3A_245 = arith.constant 0 : i32
      %dma_start3A_246 = tpu.memref_slice %arg6[%run_scoped3A_65, %dma_start3A_244, %dma_start3A_245] : memref<2x128x128xf32, #tpu.memory_space<vmem>> -> memref<1x128x128xf32, #tpu.memory_space<vmem>>
      %dma_start3A_247 = tpu.memref_squeeze %dma_start3A_246 : memref<1x128x128xf32, #tpu.memory_space<vmem>> -> memref<128x128xf32, #tpu.memory_space<vmem>>
      %dma_start3A_248 = arith.constant 0 : i32
      %dma_start3A_249 = tpu.memref_slice %arg4[%add3A_64, %dma_start3A_248] : memref<36864x128xf32, #tpu.memory_space<hbm>> -> memref<128x128xf32, #tpu.memory_space<hbm>>
      %dma_start3A_250 = arith.constant 0 : i32
      %dma_start3A_251 = tpu.memref_slice %arg4[%add3A_64, %dma_start3A_250] : memref<36864x128xf32, #tpu.memory_space<hbm>> -> memref<128x128xf32, #tpu.memory_space<hbm>>
      %dma_start3A_252 = arith.constant 0 : i32
      %dma_start3A_253 = arith.constant 0 : i32
      %dma_start3A_254 = tpu.memref_slice %arg6[%run_scoped3A_65, %dma_start3A_252, %dma_start3A_253] : memref<2x128x128xf32, #tpu.memory_space<vmem>> -> memref<1x128x128xf32, #tpu.memory_space<vmem>>
      %dma_start3A_255 = tpu.memref_squeeze %dma_start3A_254 : memref<1x128x128xf32, #tpu.memory_space<vmem>> -> memref<128x128xf32, #tpu.memory_space<vmem>>
      tpu.enqueue_dma source(%dma_start3A_255 : memref<128x128xf32, #tpu.memory_space<vmem>>) target(%dma_start3A_251 : memref<128x128xf32, #tpu.memory_space<hbm>>) target_semaphore(%run_scoped3A_243 : memref<!tpu.dma_semaphore, #tpu.memory_space<semaphore_mem>>)
      %dma_wait3A_256 = arith.constant 0 : i32
      %dma_wait3A_257 = arith.constant 0 : i32
      %dma_wait3A_258 = tpu.memref_slice %arg6[%run_scoped3A_65, %dma_wait3A_256, %dma_wait3A_257] : memref<2x128x128xf32, #tpu.memory_space<vmem>> -> memref<1x128x128xf32, #tpu.memory_space<vmem>>
      %dma_wait3A_259 = tpu.memref_squeeze %dma_wait3A_258 : memref<1x128x128xf32, #tpu.memory_space<vmem>> -> memref<128x128xf32, #tpu.memory_space<vmem>>
      %dma_wait3A_260 = arith.constant 0 : i32
      %dma_wait3A_261 = tpu.memref_slice %arg4[%add3A_64, %dma_wait3A_260] : memref<36864x128xf32, #tpu.memory_space<hbm>> -> memref<128x128xf32, #tpu.memory_space<hbm>>
      %dma_wait3A_262 = arith.constant 0 : i32
      %dma_wait3A_263 = tpu.memref_slice %arg4[%add3A_64, %dma_wait3A_262] : memref<36864x128xf32, #tpu.memory_space<hbm>> -> memref<128x128xf32, #tpu.memory_space<hbm>>
      %dma_wait3A_264 = arith.constant 0 : i32
      %dma_wait3A_265 = arith.constant 0 : i32
      %dma_wait3A_266 = tpu.memref_slice %arg6[%run_scoped3A_65, %dma_wait3A_264, %dma_wait3A_265] : memref<2x128x128xf32, #tpu.memory_space<vmem>> -> memref<1x128x128xf32, #tpu.memory_space<vmem>>
      %dma_wait3A_267 = tpu.memref_squeeze %dma_wait3A_266 : memref<1x128x128xf32, #tpu.memory_space<vmem>> -> memref<128x128xf32, #tpu.memory_space<vmem>>
      tpu.wait_dma2 semaphore(%run_scoped3A_243 : memref<!tpu.dma_semaphore, #tpu.memory_space<semaphore_mem>>) src(%dma_wait3A_267 : memref<128x128xf32, #tpu.memory_space<vmem>>) dst(%dma_wait3A_263 : memref<128x128xf32, #tpu.memory_space<hbm>>)
      tpu.yield
    }) : () -> ()
    %dma_start3A_66 = arith.constant 3 : i32
    %dma_start3A_67 = arith.constant 1 : i32
    %dma_start3A_68 = arith.constant 0 : i32
    %dma_start3A_69 = arith.constant 0 : i32
    %dma_start3A_70 = tpu.memref_slice %arg6[%dma_start3A_67, %dma_start3A_68, %dma_start3A_69] : memref<2x128x128xf32, #tpu.memory_space<vmem>> -> memref<1x128x128xf32, #tpu.memory_space<vmem>>
    %dma_start3A_71 = tpu.memref_squeeze %dma_start3A_70 : memref<1x128x128xf32, #tpu.memory_space<vmem>> -> memref<128x128xf32, #tpu.memory_space<vmem>>
    %dma_start3A_72 = arith.constant 0 : i32
    %dma_start3A_73 = tpu.memref_slice %arg5[%dma_start3A_66, %dma_start3A_72] : memref<9x128xi32, #tpu.memory_space<vmem>> -> memref<1x128xi32, #tpu.memory_space<vmem>>
    %dma_start3A_74 = tpu.memref_squeeze %dma_start3A_73 : memref<1x128xi32, #tpu.memory_space<vmem>> -> memref<128xi32, #tpu.memory_space<vmem>>
    %dma_start3A_75 = arith.constant 0 : i32
    %dma_start3A_76 = arith.constant 0 : i32
    %dma_start3A_77 = tpu.memref_slice %arg2[%dma_start3A_75, %dma_start3A_76] : memref<36864x128xf32, #tpu.memory_space<hbm>> -> memref<36864x128xf32, #tpu.memory_space<hbm>>
    tpu.enqueue_indirect_dma source(%dma_start3A_77 : memref<36864x128xf32, #tpu.memory_space<hbm>>) target(%dma_start3A_71 : memref<128x128xf32, #tpu.memory_space<vmem>>) offsets(%dma_start3A_74 : memref<128xi32, #tpu.memory_space<vmem>>) semaphore(%arg7 : memref<!tpu.dma_semaphore, #tpu.memory_space<semaphore_mem>>)
    %dma_wait3A_78 = arith.constant 2 : i32
    %dma_wait3A_79 = arith.constant 0 : i32
    %dma_wait3A_80 = arith.constant 0 : i32
    %dma_wait3A_81 = arith.constant 0 : i32
    %dma_wait3A_82 = tpu.memref_slice %arg6[%dma_wait3A_79, %dma_wait3A_80, %dma_wait3A_81] : memref<2x128x128xf32, #tpu.memory_space<vmem>> -> memref<1x128x128xf32, #tpu.memory_space<vmem>>
    %dma_wait3A_83 = tpu.memref_squeeze %dma_wait3A_82 : memref<1x128x128xf32, #tpu.memory_space<vmem>> -> memref<128x128xf32, #tpu.memory_space<vmem>>
    %dma_wait3A_84 = arith.constant 0 : i32
    %dma_wait3A_85 = tpu.memref_slice %arg5[%dma_wait3A_78, %dma_wait3A_84] : memref<9x128xi32, #tpu.memory_space<vmem>> -> memref<1x128xi32, #tpu.memory_space<vmem>>
    %dma_wait3A_86 = tpu.memref_squeeze %dma_wait3A_85 : memref<1x128xi32, #tpu.memory_space<vmem>> -> memref<128xi32, #tpu.memory_space<vmem>>
    %dma_wait3A_87 = arith.constant 0 : i32
    %dma_wait3A_88 = arith.constant 0 : i32
    %dma_wait3A_89 = tpu.memref_slice %arg2[%dma_wait3A_87, %dma_wait3A_88] : memref<36864x128xf32, #tpu.memory_space<hbm>> -> memref<36864x128xf32, #tpu.memory_space<hbm>>
    tpu.wait_indirect_dma semaphore(%arg7 : memref<!tpu.dma_semaphore, #tpu.memory_space<semaphore_mem>>) src(%dma_wait3A_89 : memref<36864x128xf32, #tpu.memory_space<hbm>>) dst(%dma_wait3A_83 : memref<128x128xf32, #tpu.memory_space<vmem>>)
    %add3A_90 = arith.constant 256 : i32
    %add3A_91 = arith.addi %mul3A_2, %add3A_90 : i32
    %run_scoped3A_92 = arith.constant 0 : i32
    "tpu.region"() ({
      %run_scoped3A_243 = tpu.sem_alloc : memref<!tpu.dma_semaphore, #tpu.memory_space<semaphore_mem>>
      %dma_start3A_244 = arith.constant 0 : i32
      %dma_start3A_245 = arith.constant 0 : i32
      %dma_start3A_246 = tpu.memref_slice %arg6[%run_scoped3A_92, %dma_start3A_244, %dma_start3A_245] : memref<2x128x128xf32, #tpu.memory_space<vmem>> -> memref<1x128x128xf32, #tpu.memory_space<vmem>>
      %dma_start3A_247 = tpu.memref_squeeze %dma_start3A_246 : memref<1x128x128xf32, #tpu.memory_space<vmem>> -> memref<128x128xf32, #tpu.memory_space<vmem>>
      %dma_start3A_248 = arith.constant 0 : i32
      %dma_start3A_249 = tpu.memref_slice %arg4[%add3A_91, %dma_start3A_248] : memref<36864x128xf32, #tpu.memory_space<hbm>> -> memref<128x128xf32, #tpu.memory_space<hbm>>
      %dma_start3A_250 = arith.constant 0 : i32
      %dma_start3A_251 = tpu.memref_slice %arg4[%add3A_91, %dma_start3A_250] : memref<36864x128xf32, #tpu.memory_space<hbm>> -> memref<128x128xf32, #tpu.memory_space<hbm>>
      %dma_start3A_252 = arith.constant 0 : i32
      %dma_start3A_253 = arith.constant 0 : i32
      %dma_start3A_254 = tpu.memref_slice %arg6[%run_scoped3A_92, %dma_start3A_252, %dma_start3A_253] : memref<2x128x128xf32, #tpu.memory_space<vmem>> -> memref<1x128x128xf32, #tpu.memory_space<vmem>>
      %dma_start3A_255 = tpu.memref_squeeze %dma_start3A_254 : memref<1x128x128xf32, #tpu.memory_space<vmem>> -> memref<128x128xf32, #tpu.memory_space<vmem>>
      tpu.enqueue_dma source(%dma_start3A_255 : memref<128x128xf32, #tpu.memory_space<vmem>>) target(%dma_start3A_251 : memref<128x128xf32, #tpu.memory_space<hbm>>) target_semaphore(%run_scoped3A_243 : memref<!tpu.dma_semaphore, #tpu.memory_space<semaphore_mem>>)
      %dma_wait3A_256 = arith.constant 0 : i32
      %dma_wait3A_257 = arith.constant 0 : i32
      %dma_wait3A_258 = tpu.memref_slice %arg6[%run_scoped3A_92, %dma_wait3A_256, %dma_wait3A_257] : memref<2x128x128xf32, #tpu.memory_space<vmem>> -> memref<1x128x128xf32, #tpu.memory_space<vmem>>
      %dma_wait3A_259 = tpu.memref_squeeze %dma_wait3A_258 : memref<1x128x128xf32, #tpu.memory_space<vmem>> -> memref<128x128xf32, #tpu.memory_space<vmem>>
      %dma_wait3A_260 = arith.constant 0 : i32
      %dma_wait3A_261 = tpu.memref_slice %arg4[%add3A_91, %dma_wait3A_260] : memref<36864x128xf32, #tpu.memory_space<hbm>> -> memref<128x128xf32, #tpu.memory_space<hbm>>
      %dma_wait3A_262 = arith.constant 0 : i32
      %dma_wait3A_263 = tpu.memref_slice %arg4[%add3A_91, %dma_wait3A_262] : memref<36864x128xf32, #tpu.memory_space<hbm>> -> memref<128x128xf32, #tpu.memory_space<hbm>>
      %dma_wait3A_264 = arith.constant 0 : i32
      %dma_wait3A_265 = arith.constant 0 : i32
      %dma_wait3A_266 = tpu.memref_slice %arg6[%run_scoped3A_92, %dma_wait3A_264, %dma_wait3A_265] : memref<2x128x128xf32, #tpu.memory_space<vmem>> -> memref<1x128x128xf32, #tpu.memory_space<vmem>>
      %dma_wait3A_267 = tpu.memref_squeeze %dma_wait3A_266 : memref<1x128x128xf32, #tpu.memory_space<vmem>> -> memref<128x128xf32, #tpu.memory_space<vmem>>
      tpu.wait_dma2 semaphore(%run_scoped3A_243 : memref<!tpu.dma_semaphore, #tpu.memory_space<semaphore_mem>>) src(%dma_wait3A_267 : memref<128x128xf32, #tpu.memory_space<vmem>>) dst(%dma_wait3A_263 : memref<128x128xf32, #tpu.memory_space<hbm>>)
      tpu.yield
    }) : () -> ()
    %dma_start3A_93 = arith.constant 4 : i32
    %dma_start3A_94 = arith.constant 0 : i32
    %dma_start3A_95 = arith.constant 0 : i32
    %dma_start3A_96 = arith.constant 0 : i32
    %dma_start3A_97 = tpu.memref_slice %arg6[%dma_start3A_94, %dma_start3A_95, %dma_start3A_96] : memref<2x128x128xf32, #tpu.memory_space<vmem>> -> memref<1x128x128xf32, #tpu.memory_space<vmem>>
    %dma_start3A_98 = tpu.memref_squeeze %dma_start3A_97 : memref<1x128x128xf32, #tpu.memory_space<vmem>> -> memref<128x128xf32, #tpu.memory_space<vmem>>
    %dma_start3A_99 = arith.constant 0 : i32
    %dma_start3A_100 = tpu.memref_slice %arg5[%dma_start3A_93, %dma_start3A_99] : memref<9x128xi32, #tpu.memory_space<vmem>> -> memref<1x128xi32, #tpu.memory_space<vmem>>
    %dma_start3A_101 = tpu.memref_squeeze %dma_start3A_100 : memref<1x128xi32, #tpu.memory_space<vmem>> -> memref<128xi32, #tpu.memory_space<vmem>>
    %dma_start3A_102 = arith.constant 0 : i32
    %dma_start3A_103 = arith.constant 0 : i32
    %dma_start3A_104 = tpu.memref_slice %arg2[%dma_start3A_102, %dma_start3A_103] : memref<36864x128xf32, #tpu.memory_space<hbm>> -> memref<36864x128xf32, #tpu.memory_space<hbm>>
    tpu.enqueue_indirect_dma source(%dma_start3A_104 : memref<36864x128xf32, #tpu.memory_space<hbm>>) target(%dma_start3A_98 : memref<128x128xf32, #tpu.memory_space<vmem>>) offsets(%dma_start3A_101 : memref<128xi32, #tpu.memory_space<vmem>>) semaphore(%arg7 : memref<!tpu.dma_semaphore, #tpu.memory_space<semaphore_mem>>)
    %dma_wait3A_105 = arith.constant 3 : i32
    %dma_wait3A_106 = arith.constant 1 : i32
    %dma_wait3A_107 = arith.constant 0 : i32
    %dma_wait3A_108 = arith.constant 0 : i32
    %dma_wait3A_109 = tpu.memref_slice %arg6[%dma_wait3A_106, %dma_wait3A_107, %dma_wait3A_108] : memref<2x128x128xf32, #tpu.memory_space<vmem>> -> memref<1x128x128xf32, #tpu.memory_space<vmem>>
    %dma_wait3A_110 = tpu.memref_squeeze %dma_wait3A_109 : memref<1x128x128xf32, #tpu.memory_space<vmem>> -> memref<128x128xf32, #tpu.memory_space<vmem>>
    %dma_wait3A_111 = arith.constant 0 : i32
    %dma_wait3A_112 = tpu.memref_slice %arg5[%dma_wait3A_105, %dma_wait3A_111] : memref<9x128xi32, #tpu.memory_space<vmem>> -> memref<1x128xi32, #tpu.memory_space<vmem>>
    %dma_wait3A_113 = tpu.memref_squeeze %dma_wait3A_112 : memref<1x128xi32, #tpu.memory_space<vmem>> -> memref<128xi32, #tpu.memory_space<vmem>>
    %dma_wait3A_114 = arith.constant 0 : i32
    %dma_wait3A_115 = arith.constant 0 : i32
    %dma_wait3A_116 = tpu.memref_slice %arg2[%dma_wait3A_114, %dma_wait3A_115] : memref<36864x128xf32, #tpu.memory_space<hbm>> -> memref<36864x128xf32, #tpu.memory_space<hbm>>
    tpu.wait_indirect_dma semaphore(%arg7 : memref<!tpu.dma_semaphore, #tpu.memory_space<semaphore_mem>>) src(%dma_wait3A_116 : memref<36864x128xf32, #tpu.memory_space<hbm>>) dst(%dma_wait3A_110 : memref<128x128xf32, #tpu.memory_space<vmem>>)
    %add3A_117 = arith.constant 384 : i32
    %add3A_118 = arith.addi %mul3A_2, %add3A_117 : i32
    %run_scoped3A_119 = arith.constant 1 : i32
    "tpu.region"() ({
      %run_scoped3A_243 = tpu.sem_alloc : memref<!tpu.dma_semaphore, #tpu.memory_space<semaphore_mem>>
      %dma_start3A_244 = arith.constant 0 : i32
      %dma_start3A_245 = arith.constant 0 : i32
      %dma_start3A_246 = tpu.memref_slice %arg6[%run_scoped3A_119, %dma_start3A_244, %dma_start3A_245] : memref<2x128x128xf32, #tpu.memory_space<vmem>> -> memref<1x128x128xf32, #tpu.memory_space<vmem>>
      %dma_start3A_247 = tpu.memref_squeeze %dma_start3A_246 : memref<1x128x128xf32, #tpu.memory_space<vmem>> -> memref<128x128xf32, #tpu.memory_space<vmem>>
      %dma_start3A_248 = arith.constant 0 : i32
      %dma_start3A_249 = tpu.memref_slice %arg4[%add3A_118, %dma_start3A_248] : memref<36864x128xf32, #tpu.memory_space<hbm>> -> memref<128x128xf32, #tpu.memory_space<hbm>>
      %dma_start3A_250 = arith.constant 0 : i32
      %dma_start3A_251 = tpu.memref_slice %arg4[%add3A_118, %dma_start3A_250] : memref<36864x128xf32, #tpu.memory_space<hbm>> -> memref<128x128xf32, #tpu.memory_space<hbm>>
      %dma_start3A_252 = arith.constant 0 : i32
      %dma_start3A_253 = arith.constant 0 : i32
      %dma_start3A_254 = tpu.memref_slice %arg6[%run_scoped3A_119, %dma_start3A_252, %dma_start3A_253] : memref<2x128x128xf32, #tpu.memory_space<vmem>> -> memref<1x128x128xf32, #tpu.memory_space<vmem>>
      %dma_start3A_255 = tpu.memref_squeeze %dma_start3A_254 : memref<1x128x128xf32, #tpu.memory_space<vmem>> -> memref<128x128xf32, #tpu.memory_space<vmem>>
      tpu.enqueue_dma source(%dma_start3A_255 : memref<128x128xf32, #tpu.memory_space<vmem>>) target(%dma_start3A_251 : memref<128x128xf32, #tpu.memory_space<hbm>>) target_semaphore(%run_scoped3A_243 : memref<!tpu.dma_semaphore, #tpu.memory_space<semaphore_mem>>)
      %dma_wait3A_256 = arith.constant 0 : i32
      %dma_wait3A_257 = arith.constant 0 : i32
      %dma_wait3A_258 = tpu.memref_slice %arg6[%run_scoped3A_119, %dma_wait3A_256, %dma_wait3A_257] : memref<2x128x128xf32, #tpu.memory_space<vmem>> -> memref<1x128x128xf32, #tpu.memory_space<vmem>>
      %dma_wait3A_259 = tpu.memref_squeeze %dma_wait3A_258 : memref<1x128x128xf32, #tpu.memory_space<vmem>> -> memref<128x128xf32, #tpu.memory_space<vmem>>
      %dma_wait3A_260 = arith.constant 0 : i32
      %dma_wait3A_261 = tpu.memref_slice %arg4[%add3A_118, %dma_wait3A_260] : memref<36864x128xf32, #tpu.memory_space<hbm>> -> memref<128x128xf32, #tpu.memory_space<hbm>>
      %dma_wait3A_262 = arith.constant 0 : i32
      %dma_wait3A_263 = tpu.memref_slice %arg4[%add3A_118, %dma_wait3A_262] : memref<36864x128xf32, #tpu.memory_space<hbm>> -> memref<128x128xf32, #tpu.memory_space<hbm>>
      %dma_wait3A_264 = arith.constant 0 : i32
      %dma_wait3A_265 = arith.constant 0 : i32
      %dma_wait3A_266 = tpu.memref_slice %arg6[%run_scoped3A_119, %dma_wait3A_264, %dma_wait3A_265] : memref<2x128x128xf32, #tpu.memory_space<vmem>> -> memref<1x128x128xf32, #tpu.memory_space<vmem>>
      %dma_wait3A_267 = tpu.memref_squeeze %dma_wait3A_266 : memref<1x128x128xf32, #tpu.memory_space<vmem>> -> memref<128x128xf32, #tpu.memory_space<vmem>>
      tpu.wait_dma2 semaphore(%run_scoped3A_243 : memref<!tpu.dma_semaphore, #tpu.memory_space<semaphore_mem>>) src(%dma_wait3A_267 : memref<128x128xf32, #tpu.memory_space<vmem>>) dst(%dma_wait3A_263 : memref<128x128xf32, #tpu.memory_space<hbm>>)
      tpu.yield
    }) : () -> ()
    %dma_start3A_120 = arith.constant 5 : i32
    %dma_start3A_121 = arith.constant 1 : i32
    %dma_start3A_122 = arith.constant 0 : i32
    %dma_start3A_123 = arith.constant 0 : i32
    %dma_start3A_124 = tpu.memref_slice %arg6[%dma_start3A_121, %dma_start3A_122, %dma_start3A_123] : memref<2x128x128xf32, #tpu.memory_space<vmem>> -> memref<1x128x128xf32, #tpu.memory_space<vmem>>
    %dma_start3A_125 = tpu.memref_squeeze %dma_start3A_124 : memref<1x128x128xf32, #tpu.memory_space<vmem>> -> memref<128x128xf32, #tpu.memory_space<vmem>>
    %dma_start3A_126 = arith.constant 0 : i32
    %dma_start3A_127 = tpu.memref_slice %arg5[%dma_start3A_120, %dma_start3A_126] : memref<9x128xi32, #tpu.memory_space<vmem>> -> memref<1x128xi32, #tpu.memory_space<vmem>>
    %dma_start3A_128 = tpu.memref_squeeze %dma_start3A_127 : memref<1x128xi32, #tpu.memory_space<vmem>> -> memref<128xi32, #tpu.memory_space<vmem>>
    %dma_start3A_129 = arith.constant 0 : i32
    %dma_start3A_130 = arith.constant 0 : i32
    %dma_start3A_131 = tpu.memref_slice %arg2[%dma_start3A_129, %dma_start3A_130] : memref<36864x128xf32, #tpu.memory_space<hbm>> -> memref<36864x128xf32, #tpu.memory_space<hbm>>
    tpu.enqueue_indirect_dma source(%dma_start3A_131 : memref<36864x128xf32, #tpu.memory_space<hbm>>) target(%dma_start3A_125 : memref<128x128xf32, #tpu.memory_space<vmem>>) offsets(%dma_start3A_128 : memref<128xi32, #tpu.memory_space<vmem>>) semaphore(%arg7 : memref<!tpu.dma_semaphore, #tpu.memory_space<semaphore_mem>>)
    %dma_wait3A_132 = arith.constant 4 : i32
    %dma_wait3A_133 = arith.constant 0 : i32
    %dma_wait3A_134 = arith.constant 0 : i32
    %dma_wait3A_135 = arith.constant 0 : i32
    %dma_wait3A_136 = tpu.memref_slice %arg6[%dma_wait3A_133, %dma_wait3A_134, %dma_wait3A_135] : memref<2x128x128xf32, #tpu.memory_space<vmem>> -> memref<1x128x128xf32, #tpu.memory_space<vmem>>
    %dma_wait3A_137 = tpu.memref_squeeze %dma_wait3A_136 : memref<1x128x128xf32, #tpu.memory_space<vmem>> -> memref<128x128xf32, #tpu.memory_space<vmem>>
    %dma_wait3A_138 = arith.constant 0 : i32
    %dma_wait3A_139 = tpu.memref_slice %arg5[%dma_wait3A_132, %dma_wait3A_138] : memref<9x128xi32, #tpu.memory_space<vmem>> -> memref<1x128xi32, #tpu.memory_space<vmem>>
    %dma_wait3A_140 = tpu.memref_squeeze %dma_wait3A_139 : memref<1x128xi32, #tpu.memory_space<vmem>> -> memref<128xi32, #tpu.memory_space<vmem>>
    %dma_wait3A_141 = arith.constant 0 : i32
    %dma_wait3A_142 = arith.constant 0 : i32
    %dma_wait3A_143 = tpu.memref_slice %arg2[%dma_wait3A_141, %dma_wait3A_142] : memref<36864x128xf32, #tpu.memory_space<hbm>> -> memref<36864x128xf32, #tpu.memory_space<hbm>>
    tpu.wait_indirect_dma semaphore(%arg7 : memref<!tpu.dma_semaphore, #tpu.memory_space<semaphore_mem>>) src(%dma_wait3A_143 : memref<36864x128xf32, #tpu.memory_space<hbm>>) dst(%dma_wait3A_137 : memref<128x128xf32, #tpu.memory_space<vmem>>)
    %add3A_144 = arith.constant 512 : i32
    %add3A_145 = arith.addi %mul3A_2, %add3A_144 : i32
    %run_scoped3A_146 = arith.constant 0 : i32
    "tpu.region"() ({
      %run_scoped3A_243 = tpu.sem_alloc : memref<!tpu.dma_semaphore, #tpu.memory_space<semaphore_mem>>
      %dma_start3A_244 = arith.constant 0 : i32
      %dma_start3A_245 = arith.constant 0 : i32
      %dma_start3A_246 = tpu.memref_slice %arg6[%run_scoped3A_146, %dma_start3A_244, %dma_start3A_245] : memref<2x128x128xf32, #tpu.memory_space<vmem>> -> memref<1x128x128xf32, #tpu.memory_space<vmem>>
      %dma_start3A_247 = tpu.memref_squeeze %dma_start3A_246 : memref<1x128x128xf32, #tpu.memory_space<vmem>> -> memref<128x128xf32, #tpu.memory_space<vmem>>
      %dma_start3A_248 = arith.constant 0 : i32
      %dma_start3A_249 = tpu.memref_slice %arg4[%add3A_145, %dma_start3A_248] : memref<36864x128xf32, #tpu.memory_space<hbm>> -> memref<128x128xf32, #tpu.memory_space<hbm>>
      %dma_start3A_250 = arith.constant 0 : i32
      %dma_start3A_251 = tpu.memref_slice %arg4[%add3A_145, %dma_start3A_250] : memref<36864x128xf32, #tpu.memory_space<hbm>> -> memref<128x128xf32, #tpu.memory_space<hbm>>
      %dma_start3A_252 = arith.constant 0 : i32
      %dma_start3A_253 = arith.constant 0 : i32
      %dma_start3A_254 = tpu.memref_slice %arg6[%run_scoped3A_146, %dma_start3A_252, %dma_start3A_253] : memref<2x128x128xf32, #tpu.memory_space<vmem>> -> memref<1x128x128xf32, #tpu.memory_space<vmem>>
      %dma_start3A_255 = tpu.memref_squeeze %dma_start3A_254 : memref<1x128x128xf32, #tpu.memory_space<vmem>> -> memref<128x128xf32, #tpu.memory_space<vmem>>
      tpu.enqueue_dma source(%dma_start3A_255 : memref<128x128xf32, #tpu.memory_space<vmem>>) target(%dma_start3A_251 : memref<128x128xf32, #tpu.memory_space<hbm>>) target_semaphore(%run_scoped3A_243 : memref<!tpu.dma_semaphore, #tpu.memory_space<semaphore_mem>>)
      %dma_wait3A_256 = arith.constant 0 : i32
      %dma_wait3A_257 = arith.constant 0 : i32
      %dma_wait3A_258 = tpu.memref_slice %arg6[%run_scoped3A_146, %dma_wait3A_256, %dma_wait3A_257] : memref<2x128x128xf32, #tpu.memory_space<vmem>> -> memref<1x128x128xf32, #tpu.memory_space<vmem>>
      %dma_wait3A_259 = tpu.memref_squeeze %dma_wait3A_258 : memref<1x128x128xf32, #tpu.memory_space<vmem>> -> memref<128x128xf32, #tpu.memory_space<vmem>>
      %dma_wait3A_260 = arith.constant 0 : i32
      %dma_wait3A_261 = tpu.memref_slice %arg4[%add3A_145, %dma_wait3A_260] : memref<36864x128xf32, #tpu.memory_space<hbm>> -> memref<128x128xf32, #tpu.memory_space<hbm>>
      %dma_wait3A_262 = arith.constant 0 : i32
      %dma_wait3A_263 = tpu.memref_slice %arg4[%add3A_145, %dma_wait3A_262] : memref<36864x128xf32, #tpu.memory_space<hbm>> -> memref<128x128xf32, #tpu.memory_space<hbm>>
      %dma_wait3A_264 = arith.constant 0 : i32
      %dma_wait3A_265 = arith.constant 0 : i32
      %dma_wait3A_266 = tpu.memref_slice %arg6[%run_scoped3A_146, %dma_wait3A_264, %dma_wait3A_265] : memref<2x128x128xf32, #tpu.memory_space<vmem>> -> memref<1x128x128xf32, #tpu.memory_space<vmem>>
      %dma_wait3A_267 = tpu.memref_squeeze %dma_wait3A_266 : memref<1x128x128xf32, #tpu.memory_space<vmem>> -> memref<128x128xf32, #tpu.memory_space<vmem>>
      tpu.wait_dma2 semaphore(%run_scoped3A_243 : memref<!tpu.dma_semaphore, #tpu.memory_space<semaphore_mem>>) src(%dma_wait3A_267 : memref<128x128xf32, #tpu.memory_space<vmem>>) dst(%dma_wait3A_263 : memref<128x128xf32, #tpu.memory_space<hbm>>)
      tpu.yield
    }) : () -> ()
    %dma_start3A_147 = arith.constant 6 : i32
    %dma_start3A_148 = arith.constant 0 : i32
    %dma_start3A_149 = arith.constant 0 : i32
    %dma_start3A_150 = arith.constant 0 : i32
    %dma_start3A_151 = tpu.memref_slice %arg6[%dma_start3A_148, %dma_start3A_149, %dma_start3A_150] : memref<2x128x128xf32, #tpu.memory_space<vmem>> -> memref<1x128x128xf32, #tpu.memory_space<vmem>>
    %dma_start3A_152 = tpu.memref_squeeze %dma_start3A_151 : memref<1x128x128xf32, #tpu.memory_space<vmem>> -> memref<128x128xf32, #tpu.memory_space<vmem>>
    %dma_start3A_153 = arith.constant 0 : i32
    %dma_start3A_154 = tpu.memref_slice %arg5[%dma_start3A_147, %dma_start3A_153] : memref<9x128xi32, #tpu.memory_space<vmem>> -> memref<1x128xi32, #tpu.memory_space<vmem>>
    %dma_start3A_155 = tpu.memref_squeeze %dma_start3A_154 : memref<1x128xi32, #tpu.memory_space<vmem>> -> memref<128xi32, #tpu.memory_space<vmem>>
    %dma_start3A_156 = arith.constant 0 : i32
    %dma_start3A_157 = arith.constant 0 : i32
    %dma_start3A_158 = tpu.memref_slice %arg2[%dma_start3A_156, %dma_start3A_157] : memref<36864x128xf32, #tpu.memory_space<hbm>> -> memref<36864x128xf32, #tpu.memory_space<hbm>>
    tpu.enqueue_indirect_dma source(%dma_start3A_158 : memref<36864x128xf32, #tpu.memory_space<hbm>>) target(%dma_start3A_152 : memref<128x128xf32, #tpu.memory_space<vmem>>) offsets(%dma_start3A_155 : memref<128xi32, #tpu.memory_space<vmem>>) semaphore(%arg7 : memref<!tpu.dma_semaphore, #tpu.memory_space<semaphore_mem>>)
    %dma_wait3A_159 = arith.constant 5 : i32
    %dma_wait3A_160 = arith.constant 1 : i32
    %dma_wait3A_161 = arith.constant 0 : i32
    %dma_wait3A_162 = arith.constant 0 : i32
    %dma_wait3A_163 = tpu.memref_slice %arg6[%dma_wait3A_160, %dma_wait3A_161, %dma_wait3A_162] : memref<2x128x128xf32, #tpu.memory_space<vmem>> -> memref<1x128x128xf32, #tpu.memory_space<vmem>>
    %dma_wait3A_164 = tpu.memref_squeeze %dma_wait3A_163 : memref<1x128x128xf32, #tpu.memory_space<vmem>> -> memref<128x128xf32, #tpu.memory_space<vmem>>
    %dma_wait3A_165 = arith.constant 0 : i32
    %dma_wait3A_166 = tpu.memref_slice %arg5[%dma_wait3A_159, %dma_wait3A_165] : memref<9x128xi32, #tpu.memory_space<vmem>> -> memref<1x128xi32, #tpu.memory_space<vmem>>
    %dma_wait3A_167 = tpu.memref_squeeze %dma_wait3A_166 : memref<1x128xi32, #tpu.memory_space<vmem>> -> memref<128xi32, #tpu.memory_space<vmem>>
    %dma_wait3A_168 = arith.constant 0 : i32
    %dma_wait3A_169 = arith.constant 0 : i32
    %dma_wait3A_170 = tpu.memref_slice %arg2[%dma_wait3A_168, %dma_wait3A_169] : memref<36864x128xf32, #tpu.memory_space<hbm>> -> memref<36864x128xf32, #tpu.memory_space<hbm>>
    tpu.wait_indirect_dma semaphore(%arg7 : memref<!tpu.dma_semaphore, #tpu.memory_space<semaphore_mem>>) src(%dma_wait3A_170 : memref<36864x128xf32, #tpu.memory_space<hbm>>) dst(%dma_wait3A_164 : memref<128x128xf32, #tpu.memory_space<vmem>>)
    %add3A_171 = arith.constant 640 : i32
    %add3A_172 = arith.addi %mul3A_2, %add3A_171 : i32
    %run_scoped3A_173 = arith.constant 1 : i32
    "tpu.region"() ({
      %run_scoped3A_243 = tpu.sem_alloc : memref<!tpu.dma_semaphore, #tpu.memory_space<semaphore_mem>>
      %dma_start3A_244 = arith.constant 0 : i32
      %dma_start3A_245 = arith.constant 0 : i32
      %dma_start3A_246 = tpu.memref_slice %arg6[%run_scoped3A_173, %dma_start3A_244, %dma_start3A_245] : memref<2x128x128xf32, #tpu.memory_space<vmem>> -> memref<1x128x128xf32, #tpu.memory_space<vmem>>
      %dma_start3A_247 = tpu.memref_squeeze %dma_start3A_246 : memref<1x128x128xf32, #tpu.memory_space<vmem>> -> memref<128x128xf32, #tpu.memory_space<vmem>>
      %dma_start3A_248 = arith.constant 0 : i32
      %dma_start3A_249 = tpu.memref_slice %arg4[%add3A_172, %dma_start3A_248] : memref<36864x128xf32, #tpu.memory_space<hbm>> -> memref<128x128xf32, #tpu.memory_space<hbm>>
      %dma_start3A_250 = arith.constant 0 : i32
      %dma_start3A_251 = tpu.memref_slice %arg4[%add3A_172, %dma_start3A_250] : memref<36864x128xf32, #tpu.memory_space<hbm>> -> memref<128x128xf32, #tpu.memory_space<hbm>>
      %dma_start3A_252 = arith.constant 0 : i32
      %dma_start3A_253 = arith.constant 0 : i32
      %dma_start3A_254 = tpu.memref_slice %arg6[%run_scoped3A_173, %dma_start3A_252, %dma_start3A_253] : memref<2x128x128xf32, #tpu.memory_space<vmem>> -> memref<1x128x128xf32, #tpu.memory_space<vmem>>
      %dma_start3A_255 = tpu.memref_squeeze %dma_start3A_254 : memref<1x128x128xf32, #tpu.memory_space<vmem>> -> memref<128x128xf32, #tpu.memory_space<vmem>>
      tpu.enqueue_dma source(%dma_start3A_255 : memref<128x128xf32, #tpu.memory_space<vmem>>) target(%dma_start3A_251 : memref<128x128xf32, #tpu.memory_space<hbm>>) target_semaphore(%run_scoped3A_243 : memref<!tpu.dma_semaphore, #tpu.memory_space<semaphore_mem>>)
      %dma_wait3A_256 = arith.constant 0 : i32
      %dma_wait3A_257 = arith.constant 0 : i32
      %dma_wait3A_258 = tpu.memref_slice %arg6[%run_scoped3A_173, %dma_wait3A_256, %dma_wait3A_257] : memref<2x128x128xf32, #tpu.memory_space<vmem>> -> memref<1x128x128xf32, #tpu.memory_space<vmem>>
      %dma_wait3A_259 = tpu.memref_squeeze %dma_wait3A_258 : memref<1x128x128xf32, #tpu.memory_space<vmem>> -> memref<128x128xf32, #tpu.memory_space<vmem>>
      %dma_wait3A_260 = arith.constant 0 : i32
      %dma_wait3A_261 = tpu.memref_slice %arg4[%add3A_172, %dma_wait3A_260] : memref<36864x128xf32, #tpu.memory_space<hbm>> -> memref<128x128xf32, #tpu.memory_space<hbm>>
      %dma_wait3A_262 = arith.constant 0 : i32
      %dma_wait3A_263 = tpu.memref_slice %arg4[%add3A_172, %dma_wait3A_262] : memref<36864x128xf32, #tpu.memory_space<hbm>> -> memref<128x128xf32, #tpu.memory_space<hbm>>
      %dma_wait3A_264 = arith.constant 0 : i32
      %dma_wait3A_265 = arith.constant 0 : i32
      %dma_wait3A_266 = tpu.memref_slice %arg6[%run_scoped3A_173, %dma_wait3A_264, %dma_wait3A_265] : memref<2x128x128xf32, #tpu.memory_space<vmem>> -> memref<1x128x128xf32, #tpu.memory_space<vmem>>
      %dma_wait3A_267 = tpu.memref_squeeze %dma_wait3A_266 : memref<1x128x128xf32, #tpu.memory_space<vmem>> -> memref<128x128xf32, #tpu.memory_space<vmem>>
      tpu.wait_dma2 semaphore(%run_scoped3A_243 : memref<!tpu.dma_semaphore, #tpu.memory_space<semaphore_mem>>) src(%dma_wait3A_267 : memref<128x128xf32, #tpu.memory_space<vmem>>) dst(%dma_wait3A_263 : memref<128x128xf32, #tpu.memory_space<hbm>>)
      tpu.yield
    }) : () -> ()
    %dma_start3A_174 = arith.constant 7 : i32
    %dma_start3A_175 = arith.constant 1 : i32
    %dma_start3A_176 = arith.constant 0 : i32
    %dma_start3A_177 = arith.constant 0 : i32
    %dma_start3A_178 = tpu.memref_slice %arg6[%dma_start3A_175, %dma_start3A_176, %dma_start3A_177] : memref<2x128x128xf32, #tpu.memory_space<vmem>> -> memref<1x128x128xf32, #tpu.memory_space<vmem>>
    %dma_start3A_179 = tpu.memref_squeeze %dma_start3A_178 : memref<1x128x128xf32, #tpu.memory_space<vmem>> -> memref<128x128xf32, #tpu.memory_space<vmem>>
    %dma_start3A_180 = arith.constant 0 : i32
    %dma_start3A_181 = tpu.memref_slice %arg5[%dma_start3A_174, %dma_start3A_180] : memref<9x128xi32, #tpu.memory_space<vmem>> -> memref<1x128xi32, #tpu.memory_space<vmem>>
    %dma_start3A_182 = tpu.memref_squeeze %dma_start3A_181 : memref<1x128xi32, #tpu.memory_space<vmem>> -> memref<128xi32, #tpu.memory_space<vmem>>
    %dma_start3A_183 = arith.constant 0 : i32
    %dma_start3A_184 = arith.constant 0 : i32
    %dma_start3A_185 = tpu.memref_slice %arg2[%dma_start3A_183, %dma_start3A_184] : memref<36864x128xf32, #tpu.memory_space<hbm>> -> memref<36864x128xf32, #tpu.memory_space<hbm>>
    tpu.enqueue_indirect_dma source(%dma_start3A_185 : memref<36864x128xf32, #tpu.memory_space<hbm>>) target(%dma_start3A_179 : memref<128x128xf32, #tpu.memory_space<vmem>>) offsets(%dma_start3A_182 : memref<128xi32, #tpu.memory_space<vmem>>) semaphore(%arg7 : memref<!tpu.dma_semaphore, #tpu.memory_space<semaphore_mem>>)
    %dma_wait3A_186 = arith.constant 6 : i32
    %dma_wait3A_187 = arith.constant 0 : i32
    %dma_wait3A_188 = arith.constant 0 : i32
    %dma_wait3A_189 = arith.constant 0 : i32
    %dma_wait3A_190 = tpu.memref_slice %arg6[%dma_wait3A_187, %dma_wait3A_188, %dma_wait3A_189] : memref<2x128x128xf32, #tpu.memory_space<vmem>> -> memref<1x128x128xf32, #tpu.memory_space<vmem>>
    %dma_wait3A_191 = tpu.memref_squeeze %dma_wait3A_190 : memref<1x128x128xf32, #tpu.memory_space<vmem>> -> memref<128x128xf32, #tpu.memory_space<vmem>>
    %dma_wait3A_192 = arith.constant 0 : i32
    %dma_wait3A_193 = tpu.memref_slice %arg5[%dma_wait3A_186, %dma_wait3A_192] : memref<9x128xi32, #tpu.memory_space<vmem>> -> memref<1x128xi32, #tpu.memory_space<vmem>>
    %dma_wait3A_194 = tpu.memref_squeeze %dma_wait3A_193 : memref<1x128xi32, #tpu.memory_space<vmem>> -> memref<128xi32, #tpu.memory_space<vmem>>
    %dma_wait3A_195 = arith.constant 0 : i32
    %dma_wait3A_196 = arith.constant 0 : i32
    %dma_wait3A_197 = tpu.memref_slice %arg2[%dma_wait3A_195, %dma_wait3A_196] : memref<36864x128xf32, #tpu.memory_space<hbm>> -> memref<36864x128xf32, #tpu.memory_space<hbm>>
    tpu.wait_indirect_dma semaphore(%arg7 : memref<!tpu.dma_semaphore, #tpu.memory_space<semaphore_mem>>) src(%dma_wait3A_197 : memref<36864x128xf32, #tpu.memory_space<hbm>>) dst(%dma_wait3A_191 : memref<128x128xf32, #tpu.memory_space<vmem>>)
    %add3A_198 = arith.constant 768 : i32
    %add3A_199 = arith.addi %mul3A_2, %add3A_198 : i32
    %run_scoped3A_200 = arith.constant 0 : i32
    "tpu.region"() ({
      %run_scoped3A_243 = tpu.sem_alloc : memref<!tpu.dma_semaphore, #tpu.memory_space<semaphore_mem>>
      %dma_start3A_244 = arith.constant 0 : i32
      %dma_start3A_245 = arith.constant 0 : i32
      %dma_start3A_246 = tpu.memref_slice %arg6[%run_scoped3A_200, %dma_start3A_244, %dma_start3A_245] : memref<2x128x128xf32, #tpu.memory_space<vmem>> -> memref<1x128x128xf32, #tpu.memory_space<vmem>>
      %dma_start3A_247 = tpu.memref_squeeze %dma_start3A_246 : memref<1x128x128xf32, #tpu.memory_space<vmem>> -> memref<128x128xf32, #tpu.memory_space<vmem>>
      %dma_start3A_248 = arith.constant 0 : i32
      %dma_start3A_249 = tpu.memref_slice %arg4[%add3A_199, %dma_start3A_248] : memref<36864x128xf32, #tpu.memory_space<hbm>> -> memref<128x128xf32, #tpu.memory_space<hbm>>
      %dma_start3A_250 = arith.constant 0 : i32
      %dma_start3A_251 = tpu.memref_slice %arg4[%add3A_199, %dma_start3A_250] : memref<36864x128xf32, #tpu.memory_space<hbm>> -> memref<128x128xf32, #tpu.memory_space<hbm>>
      %dma_start3A_252 = arith.constant 0 : i32
      %dma_start3A_253 = arith.constant 0 : i32
      %dma_start3A_254 = tpu.memref_slice %arg6[%run_scoped3A_200, %dma_start3A_252, %dma_start3A_253] : memref<2x128x128xf32, #tpu.memory_space<vmem>> -> memref<1x128x128xf32, #tpu.memory_space<vmem>>
      %dma_start3A_255 = tpu.memref_squeeze %dma_start3A_254 : memref<1x128x128xf32, #tpu.memory_space<vmem>> -> memref<128x128xf32, #tpu.memory_space<vmem>>
      tpu.enqueue_dma source(%dma_start3A_255 : memref<128x128xf32, #tpu.memory_space<vmem>>) target(%dma_start3A_251 : memref<128x128xf32, #tpu.memory_space<hbm>>) target_semaphore(%run_scoped3A_243 : memref<!tpu.dma_semaphore, #tpu.memory_space<semaphore_mem>>)
      %dma_wait3A_256 = arith.constant 0 : i32
      %dma_wait3A_257 = arith.constant 0 : i32
      %dma_wait3A_258 = tpu.memref_slice %arg6[%run_scoped3A_200, %dma_wait3A_256, %dma_wait3A_257] : memref<2x128x128xf32, #tpu.memory_space<vmem>> -> memref<1x128x128xf32, #tpu.memory_space<vmem>>
      %dma_wait3A_259 = tpu.memref_squeeze %dma_wait3A_258 : memref<1x128x128xf32, #tpu.memory_space<vmem>> -> memref<128x128xf32, #tpu.memory_space<vmem>>
      %dma_wait3A_260 = arith.constant 0 : i32
      %dma_wait3A_261 = tpu.memref_slice %arg4[%add3A_199, %dma_wait3A_260] : memref<36864x128xf32, #tpu.memory_space<hbm>> -> memref<128x128xf32, #tpu.memory_space<hbm>>
      %dma_wait3A_262 = arith.constant 0 : i32
      %dma_wait3A_263 = tpu.memref_slice %arg4[%add3A_199, %dma_wait3A_262] : memref<36864x128xf32, #tpu.memory_space<hbm>> -> memref<128x128xf32, #tpu.memory_space<hbm>>
      %dma_wait3A_264 = arith.constant 0 : i32
      %dma_wait3A_265 = arith.constant 0 : i32
      %dma_wait3A_266 = tpu.memref_slice %arg6[%run_scoped3A_200, %dma_wait3A_264, %dma_wait3A_265] : memref<2x128x128xf32, #tpu.memory_space<vmem>> -> memref<1x128x128xf32, #tpu.memory_space<vmem>>
      %dma_wait3A_267 = tpu.memref_squeeze %dma_wait3A_266 : memref<1x128x128xf32, #tpu.memory_space<vmem>> -> memref<128x128xf32, #tpu.memory_space<vmem>>
      tpu.wait_dma2 semaphore(%run_scoped3A_243 : memref<!tpu.dma_semaphore, #tpu.memory_space<semaphore_mem>>) src(%dma_wait3A_267 : memref<128x128xf32, #tpu.memory_space<vmem>>) dst(%dma_wait3A_263 : memref<128x128xf32, #tpu.memory_space<hbm>>)
      tpu.yield
    }) : () -> ()
    %dma_start3A_201 = arith.constant 8 : i32
    %dma_start3A_202 = arith.constant 0 : i32
    %dma_start3A_203 = arith.constant 0 : i32
    %dma_start3A_204 = arith.constant 0 : i32
    %dma_start3A_205 = tpu.memref_slice %arg6[%dma_start3A_202, %dma_start3A_203, %dma_start3A_204] : memref<2x128x128xf32, #tpu.memory_space<vmem>> -> memref<1x128x128xf32, #tpu.memory_space<vmem>>
    %dma_start3A_206 = tpu.memref_squeeze %dma_start3A_205 : memref<1x128x128xf32, #tpu.memory_space<vmem>> -> memref<128x128xf32, #tpu.memory_space<vmem>>
    %dma_start3A_207 = arith.constant 0 : i32
    %dma_start3A_208 = tpu.memref_slice %arg5[%dma_start3A_201, %dma_start3A_207] : memref<9x128xi32, #tpu.memory_space<vmem>> -> memref<1x128xi32, #tpu.memory_space<vmem>>
    %dma_start3A_209 = tpu.memref_squeeze %dma_start3A_208 : memref<1x128xi32, #tpu.memory_space<vmem>> -> memref<128xi32, #tpu.memory_space<vmem>>
    %dma_start3A_210 = arith.constant 0 : i32
    %dma_start3A_211 = arith.constant 0 : i32
    %dma_start3A_212 = tpu.memref_slice %arg2[%dma_start3A_210, %dma_start3A_211] : memref<36864x128xf32, #tpu.memory_space<hbm>> -> memref<36864x128xf32, #tpu.memory_space<hbm>>
    tpu.enqueue_indirect_dma source(%dma_start3A_212 : memref<36864x128xf32, #tpu.memory_space<hbm>>) target(%dma_start3A_206 : memref<128x128xf32, #tpu.memory_space<vmem>>) offsets(%dma_start3A_209 : memref<128xi32, #tpu.memory_space<vmem>>) semaphore(%arg7 : memref<!tpu.dma_semaphore, #tpu.memory_space<semaphore_mem>>)
    %dma_wait3A_213 = arith.constant 7 : i32
    %dma_wait3A_214 = arith.constant 1 : i32
    %dma_wait3A_215 = arith.constant 0 : i32
    %dma_wait3A_216 = arith.constant 0 : i32
    %dma_wait3A_217 = tpu.memref_slice %arg6[%dma_wait3A_214, %dma_wait3A_215, %dma_wait3A_216] : memref<2x128x128xf32, #tpu.memory_space<vmem>> -> memref<1x128x128xf32, #tpu.memory_space<vmem>>
    %dma_wait3A_218 = tpu.memref_squeeze %dma_wait3A_217 : memref<1x128x128xf32, #tpu.memory_space<vmem>> -> memref<128x128xf32, #tpu.memory_space<vmem>>
    %dma_wait3A_219 = arith.constant 0 : i32
    %dma_wait3A_220 = tpu.memref_slice %arg5[%dma_wait3A_213, %dma_wait3A_219] : memref<9x128xi32, #tpu.memory_space<vmem>> -> memref<1x128xi32, #tpu.memory_space<vmem>>
    %dma_wait3A_221 = tpu.memref_squeeze %dma_wait3A_220 : memref<1x128xi32, #tpu.memory_space<vmem>> -> memref<128xi32, #tpu.memory_space<vmem>>
    %dma_wait3A_222 = arith.constant 0 : i32
    %dma_wait3A_223 = arith.constant 0 : i32
    %dma_wait3A_224 = tpu.memref_slice %arg2[%dma_wait3A_222, %dma_wait3A_223] : memref<36864x128xf32, #tpu.memory_space<hbm>> -> memref<36864x128xf32, #tpu.memory_space<hbm>>
    tpu.wait_indirect_dma semaphore(%arg7 : memref<!tpu.dma_semaphore, #tpu.memory_space<semaphore_mem>>) src(%dma_wait3A_224 : memref<36864x128xf32, #tpu.memory_space<hbm>>) dst(%dma_wait3A_218 : memref<128x128xf32, #tpu.memory_space<vmem>>)
    %add3A_225 = arith.constant 896 : i32
    %add3A_226 = arith.addi %mul3A_2, %add3A_225 : i32
    %run_scoped3A_227 = arith.constant 1 : i32
    "tpu.region"() ({
      %run_scoped3A_243 = tpu.sem_alloc : memref<!tpu.dma_semaphore, #tpu.memory_space<semaphore_mem>>
      %dma_start3A_244 = arith.constant 0 : i32
      %dma_start3A_245 = arith.constant 0 : i32
      %dma_start3A_246 = tpu.memref_slice %arg6[%run_scoped3A_227, %dma_start3A_244, %dma_start3A_245] : memref<2x128x128xf32, #tpu.memory_space<vmem>> -> memref<1x128x128xf32, #tpu.memory_space<vmem>>
      %dma_start3A_247 = tpu.memref_squeeze %dma_start3A_246 : memref<1x128x128xf32, #tpu.memory_space<vmem>> -> memref<128x128xf32, #tpu.memory_space<vmem>>
      %dma_start3A_248 = arith.constant 0 : i32
      %dma_start3A_249 = tpu.memref_slice %arg4[%add3A_226, %dma_start3A_248] : memref<36864x128xf32, #tpu.memory_space<hbm>> -> memref<128x128xf32, #tpu.memory_space<hbm>>
      %dma_start3A_250 = arith.constant 0 : i32
      %dma_start3A_251 = tpu.memref_slice %arg4[%add3A_226, %dma_start3A_250] : memref<36864x128xf32, #tpu.memory_space<hbm>> -> memref<128x128xf32, #tpu.memory_space<hbm>>
      %dma_start3A_252 = arith.constant 0 : i32
      %dma_start3A_253 = arith.constant 0 : i32
      %dma_start3A_254 = tpu.memref_slice %arg6[%run_scoped3A_227, %dma_start3A_252, %dma_start3A_253] : memref<2x128x128xf32, #tpu.memory_space<vmem>> -> memref<1x128x128xf32, #tpu.memory_space<vmem>>
      %dma_start3A_255 = tpu.memref_squeeze %dma_start3A_254 : memref<1x128x128xf32, #tpu.memory_space<vmem>> -> memref<128x128xf32, #tpu.memory_space<vmem>>
      tpu.enqueue_dma source(%dma_start3A_255 : memref<128x128xf32, #tpu.memory_space<vmem>>) target(%dma_start3A_251 : memref<128x128xf32, #tpu.memory_space<hbm>>) target_semaphore(%run_scoped3A_243 : memref<!tpu.dma_semaphore, #tpu.memory_space<semaphore_mem>>)
      %dma_wait3A_256 = arith.constant 0 : i32
      %dma_wait3A_257 = arith.constant 0 : i32
      %dma_wait3A_258 = tpu.memref_slice %arg6[%run_scoped3A_227, %dma_wait3A_256, %dma_wait3A_257] : memref<2x128x128xf32, #tpu.memory_space<vmem>> -> memref<1x128x128xf32, #tpu.memory_space<vmem>>
      %dma_wait3A_259 = tpu.memref_squeeze %dma_wait3A_258 : memref<1x128x128xf32, #tpu.memory_space<vmem>> -> memref<128x128xf32, #tpu.memory_space<vmem>>
      %dma_wait3A_260 = arith.constant 0 : i32
      %dma_wait3A_261 = tpu.memref_slice %arg4[%add3A_226, %dma_wait3A_260] : memref<36864x128xf32, #tpu.memory_space<hbm>> -> memref<128x128xf32, #tpu.memory_space<hbm>>
      %dma_wait3A_262 = arith.constant 0 : i32
      %dma_wait3A_263 = tpu.memref_slice %arg4[%add3A_226, %dma_wait3A_262] : memref<36864x128xf32, #tpu.memory_space<hbm>> -> memref<128x128xf32, #tpu.memory_space<hbm>>
      %dma_wait3A_264 = arith.constant 0 : i32
      %dma_wait3A_265 = arith.constant 0 : i32
      %dma_wait3A_266 = tpu.memref_slice %arg6[%run_scoped3A_227, %dma_wait3A_264, %dma_wait3A_265] : memref<2x128x128xf32, #tpu.memory_space<vmem>> -> memref<1x128x128xf32, #tpu.memory_space<vmem>>
      %dma_wait3A_267 = tpu.memref_squeeze %dma_wait3A_266 : memref<1x128x128xf32, #tpu.memory_space<vmem>> -> memref<128x128xf32, #tpu.memory_space<vmem>>
      tpu.wait_dma2 semaphore(%run_scoped3A_243 : memref<!tpu.dma_semaphore, #tpu.memory_space<semaphore_mem>>) src(%dma_wait3A_267 : memref<128x128xf32, #tpu.memory_space<vmem>>) dst(%dma_wait3A_263 : memref<128x128xf32, #tpu.memory_space<hbm>>)
      tpu.yield
    }) : () -> ()
    %dma_wait3A_228 = arith.constant 8 : i32
    %dma_wait3A_229 = arith.constant 0 : i32
    %dma_wait3A_230 = arith.constant 0 : i32
    %dma_wait3A_231 = arith.constant 0 : i32
    %dma_wait3A_232 = tpu.memref_slice %arg6[%dma_wait3A_229, %dma_wait3A_230, %dma_wait3A_231] : memref<2x128x128xf32, #tpu.memory_space<vmem>> -> memref<1x128x128xf32, #tpu.memory_space<vmem>>
    %dma_wait3A_233 = tpu.memref_squeeze %dma_wait3A_232 : memref<1x128x128xf32, #tpu.memory_space<vmem>> -> memref<128x128xf32, #tpu.memory_space<vmem>>
    %dma_wait3A_234 = arith.constant 0 : i32
    %dma_wait3A_235 = tpu.memref_slice %arg5[%dma_wait3A_228, %dma_wait3A_234] : memref<9x128xi32, #tpu.memory_space<vmem>> -> memref<1x128xi32, #tpu.memory_space<vmem>>
    %dma_wait3A_236 = tpu.memref_squeeze %dma_wait3A_235 : memref<1x128xi32, #tpu.memory_space<vmem>> -> memref<128xi32, #tpu.memory_space<vmem>>
    %dma_wait3A_237 = arith.constant 0 : i32
    %dma_wait3A_238 = arith.constant 0 : i32
    %dma_wait3A_239 = tpu.memref_slice %arg2[%dma_wait3A_237, %dma_wait3A_238] : memref<36864x128xf32, #tpu.memory_space<hbm>> -> memref<36864x128xf32, #tpu.memory_space<hbm>>
    tpu.wait_indirect_dma semaphore(%arg7 : memref<!tpu.dma_semaphore, #tpu.memory_space<semaphore_mem>>) src(%dma_wait3A_239 : memref<36864x128xf32, #tpu.memory_space<hbm>>) dst(%dma_wait3A_233 : memref<128x128xf32, #tpu.memory_space<vmem>>)
    %add3A_240 = arith.constant 1024 : i32
    %add3A_241 = arith.addi %mul3A_2, %add3A_240 : i32
    %run_scoped3A_242 = arith.constant 0 : i32
    "tpu.region"() ({
      %run_scoped3A_243 = tpu.sem_alloc : memref<!tpu.dma_semaphore, #tpu.memory_space<semaphore_mem>>
      %dma_start3A_244 = arith.constant 0 : i32
      %dma_start3A_245 = arith.constant 0 : i32
      %dma_start3A_246 = tpu.memref_slice %arg6[%run_scoped3A_242, %dma_start3A_244, %dma_start3A_245] : memref<2x128x128xf32, #tpu.memory_space<vmem>> -> memref<1x128x128xf32, #tpu.memory_space<vmem>>
      %dma_start3A_247 = tpu.memref_squeeze %dma_start3A_246 : memref<1x128x128xf32, #tpu.memory_space<vmem>> -> memref<128x128xf32, #tpu.memory_space<vmem>>
      %dma_start3A_248 = arith.constant 0 : i32
      %dma_start3A_249 = tpu.memref_slice %arg4[%add3A_241, %dma_start3A_248] : memref<36864x128xf32, #tpu.memory_space<hbm>> -> memref<128x128xf32, #tpu.memory_space<hbm>>
      %dma_start3A_250 = arith.constant 0 : i32
      %dma_start3A_251 = tpu.memref_slice %arg4[%add3A_241, %dma_start3A_250] : memref<36864x128xf32, #tpu.memory_space<hbm>> -> memref<128x128xf32, #tpu.memory_space<hbm>>
      %dma_start3A_252 = arith.constant 0 : i32
      %dma_start3A_253 = arith.constant 0 : i32
      %dma_start3A_254 = tpu.memref_slice %arg6[%run_scoped3A_242, %dma_start3A_252, %dma_start3A_253] : memref<2x128x128xf32, #tpu.memory_space<vmem>> -> memref<1x128x128xf32, #tpu.memory_space<vmem>>
      %dma_start3A_255 = tpu.memref_squeeze %dma_start3A_254 : memref<1x128x128xf32, #tpu.memory_space<vmem>> -> memref<128x128xf32, #tpu.memory_space<vmem>>
      tpu.enqueue_dma source(%dma_start3A_255 : memref<128x128xf32, #tpu.memory_space<vmem>>) target(%dma_start3A_251 : memref<128x128xf32, #tpu.memory_space<hbm>>) target_semaphore(%run_scoped3A_243 : memref<!tpu.dma_semaphore, #tpu.memory_space<semaphore_mem>>)
      %dma_wait3A_256 = arith.constant 0 : i32
      %dma_wait3A_257 = arith.constant 0 : i32
      %dma_wait3A_258 = tpu.memref_slice %arg6[%run_scoped3A_242, %dma_wait3A_256, %dma_wait3A_257] : memref<2x128x128xf32, #tpu.memory_space<vmem>> -> memref<1x128x128xf32, #tpu.memory_space<vmem>>
      %dma_wait3A_259 = tpu.memref_squeeze %dma_wait3A_258 : memref<1x128x128xf32, #tpu.memory_space<vmem>> -> memref<128x128xf32, #tpu.memory_space<vmem>>
      %dma_wait3A_260 = arith.constant 0 : i32
      %dma_wait3A_261 = tpu.memref_slice %arg4[%add3A_241, %dma_wait3A_260] : memref<36864x128xf32, #tpu.memory_space<hbm>> -> memref<128x128xf32, #tpu.memory_space<hbm>>
      %dma_wait3A_262 = arith.constant 0 : i32
      %dma_wait3A_263 = tpu.memref_slice %arg4[%add3A_241, %dma_wait3A_262] : memref<36864x128xf32, #tpu.memory_space<hbm>> -> memref<128x128xf32, #tpu.memory_space<hbm>>
      %dma_wait3A_264 = arith.constant 0 : i32
      %dma_wait3A_265 = arith.constant 0 : i32
      %dma_wait3A_266 = tpu.memref_slice %arg6[%run_scoped3A_242, %dma_wait3A_264, %dma_wait3A_265] : memref<2x128x128xf32, #tpu.memory_space<vmem>> -> memref<1x128x128xf32, #tpu.memory_space<vmem>>
      %dma_wait3A_267 = tpu.memref_squeeze %dma_wait3A_266 : memref<1x128x128xf32, #tpu.memory_space<vmem>> -> memref<128x128xf32, #tpu.memory_space<vmem>>
      tpu.wait_dma2 semaphore(%run_scoped3A_243 : memref<!tpu.dma_semaphore, #tpu.memory_space<semaphore_mem>>) src(%dma_wait3A_267 : memref<128x128xf32, #tpu.memory_space<vmem>>) dst(%dma_wait3A_263 : memref<128x128xf32, #tpu.memory_space<hbm>>)
      tpu.yield
    }) : () -> ()
    return
  }
}

#map = affine_map<(d0, d1) -> (0, 0)>
#map1 = affine_map<(d0, d1) -> (0, 0, 0)>
module attributes {stable_mosaic.version = 14 : i64} {
  func.func @_sc_scatter_body(%arg0: i32, %arg1: i32, %arg2: memref<9216x128xf32, #tpu.memory_space<hbm>>, %arg3: memref<32x9x128xi32, #tpu.memory_space<hbm>>, %arg4: memref<36864x128xf32, #tpu.memory_space<hbm>>, %arg5: memref<9x128xi32, #tpu.memory_space<vmem>>, %arg6: memref<2x128x128xf32, #tpu.memory_space<vmem>>, %arg7: memref<!tpu.dma_semaphore, #tpu.memory_space<semaphore_mem>>) attributes {dimension_semantics = [#tpu.dimension_semantics<core_parallel>, #tpu.dimension_semantics<subcore_parallel>], iteration_bounds = array<i64: 2, 16>, scalar_prefetch = 0 : i64, scratch_operands = 3 : i64, tpu.core_type = #tpu.core_type<sc_vector_subcore>, window_params = [{transform_indices = #map}, {transform_indices = #map1}, {transform_indices = #map}]} {
    %mul3A = arith.constant 2 : i32
    %mul3A_0 = arith.muli %arg1, %mul3A : i32
    %add3A = arith.addi %mul3A_0, %arg0 : i32
    %jit3A = arith.constant 8 : i32
    %eq3A = arith.constant 0 : i32
    %eq3A_1 = arith.cmpi eq, %jit3A, %eq3A : i32
    %jit3A_2 = arith.constant 1 : i32
    %select_n3A = arith.select %eq3A_1, %jit3A_2, %jit3A : i32
    %rem3A = arith.remsi %add3A, %select_n3A : i32
    %ne3A = arith.constant 0 : i32
    %ne3A_3 = arith.cmpi ne, %rem3A, %ne3A : i32
    %lt3A = arith.constant 0 : i32
    %lt3A_4 = arith.cmpi slt, %rem3A, %lt3A : i32
    %lt3A_5 = arith.constant 0 : i32
    %lt3A_6 = arith.cmpi slt, %select_n3A, %lt3A_5 : i32
    %ne3A_7 = arith.xori %lt3A_4, %lt3A_6 : i1
    %and3A = arith.andi %ne3A_7, %ne3A_3 : i1
    %add3A_8 = arith.addi %rem3A, %select_n3A : i32
    %select_n3A_9 = arith.select %and3A, %add3A_8, %rem3A : i32
    %mul3A_10 = arith.constant 1152 : i32
    %mul3A_11 = arith.muli %select_n3A_9, %mul3A_10 : i32
    "tpu.region"() ({
      %run_scoped3A_252 = tpu.sem_alloc : memref<!tpu.dma_semaphore, #tpu.memory_space<semaphore_mem>>
      %dma_start3A_253 = arith.constant 0 : i32
      %dma_start3A_254 = arith.constant 0 : i32
      %dma_start3A_255 = tpu.memref_slice %arg3[%add3A, %dma_start3A_253, %dma_start3A_254] : memref<32x9x128xi32, #tpu.memory_space<hbm>> -> memref<1x9x128xi32, #tpu.memory_space<hbm>>
      %dma_start3A_256 = tpu.memref_squeeze %dma_start3A_255 : memref<1x9x128xi32, #tpu.memory_space<hbm>> -> memref<9x128xi32, #tpu.memory_space<hbm>>
      %dma_start3A_257 = arith.constant 0 : i32
      %dma_start3A_258 = arith.constant 0 : i32
      %dma_start3A_259 = tpu.memref_slice %arg3[%add3A, %dma_start3A_257, %dma_start3A_258] : memref<32x9x128xi32, #tpu.memory_space<hbm>> -> memref<1x9x128xi32, #tpu.memory_space<hbm>>
      %dma_start3A_260 = tpu.memref_squeeze %dma_start3A_259 : memref<1x9x128xi32, #tpu.memory_space<hbm>> -> memref<9x128xi32, #tpu.memory_space<hbm>>
      tpu.enqueue_dma source(%dma_start3A_260 : memref<9x128xi32, #tpu.memory_space<hbm>>) target(%arg5 : memref<9x128xi32, #tpu.memory_space<vmem>>) target_semaphore(%run_scoped3A_252 : memref<!tpu.dma_semaphore, #tpu.memory_space<semaphore_mem>>)
      %dma_wait3A_261 = arith.constant 0 : i32
      %dma_wait3A_262 = arith.constant 0 : i32
      %dma_wait3A_263 = tpu.memref_slice %arg3[%add3A, %dma_wait3A_261, %dma_wait3A_262] : memref<32x9x128xi32, #tpu.memory_space<hbm>> -> memref<1x9x128xi32, #tpu.memory_space<hbm>>
      %dma_wait3A_264 = tpu.memref_squeeze %dma_wait3A_263 : memref<1x9x128xi32, #tpu.memory_space<hbm>> -> memref<9x128xi32, #tpu.memory_space<hbm>>
      %dma_wait3A_265 = arith.constant 0 : i32
      %dma_wait3A_266 = arith.constant 0 : i32
      %dma_wait3A_267 = tpu.memref_slice %arg3[%add3A, %dma_wait3A_265, %dma_wait3A_266] : memref<32x9x128xi32, #tpu.memory_space<hbm>> -> memref<1x9x128xi32, #tpu.memory_space<hbm>>
      %dma_wait3A_268 = tpu.memref_squeeze %dma_wait3A_267 : memref<1x9x128xi32, #tpu.memory_space<hbm>> -> memref<9x128xi32, #tpu.memory_space<hbm>>
      tpu.wait_dma2 semaphore(%run_scoped3A_252 : memref<!tpu.dma_semaphore, #tpu.memory_space<semaphore_mem>>) src(%dma_wait3A_268 : memref<9x128xi32, #tpu.memory_space<hbm>>) dst(%arg5 : memref<9x128xi32, #tpu.memory_space<vmem>>)
      tpu.yield
    }) : () -> ()
    %add3A_12 = arith.constant 0 : i32
    %add3A_13 = arith.addi %mul3A_11, %add3A_12 : i32
    %run_scoped3A = arith.constant 0 : i32
    "tpu.region"() ({
      %run_scoped3A_252 = tpu.sem_alloc : memref<!tpu.dma_semaphore, #tpu.memory_space<semaphore_mem>>
      %dma_start3A_253 = arith.constant 0 : i32
      %dma_start3A_254 = arith.constant 0 : i32
      %dma_start3A_255 = tpu.memref_slice %arg6[%run_scoped3A, %dma_start3A_253, %dma_start3A_254] : memref<2x128x128xf32, #tpu.memory_space<vmem>> -> memref<1x128x128xf32, #tpu.memory_space<vmem>>
      %dma_start3A_256 = tpu.memref_squeeze %dma_start3A_255 : memref<1x128x128xf32, #tpu.memory_space<vmem>> -> memref<128x128xf32, #tpu.memory_space<vmem>>
      %dma_start3A_257 = arith.constant 0 : i32
      %dma_start3A_258 = tpu.memref_slice %arg2[%add3A_13, %dma_start3A_257] : memref<9216x128xf32, #tpu.memory_space<hbm>> -> memref<128x128xf32, #tpu.memory_space<hbm>>
      %dma_start3A_259 = arith.constant 0 : i32
      %dma_start3A_260 = arith.constant 0 : i32
      %dma_start3A_261 = tpu.memref_slice %arg6[%run_scoped3A, %dma_start3A_259, %dma_start3A_260] : memref<2x128x128xf32, #tpu.memory_space<vmem>> -> memref<1x128x128xf32, #tpu.memory_space<vmem>>
      %dma_start3A_262 = tpu.memref_squeeze %dma_start3A_261 : memref<1x128x128xf32, #tpu.memory_space<vmem>> -> memref<128x128xf32, #tpu.memory_space<vmem>>
      %dma_start3A_263 = arith.constant 0 : i32
      %dma_start3A_264 = tpu.memref_slice %arg2[%add3A_13, %dma_start3A_263] : memref<9216x128xf32, #tpu.memory_space<hbm>> -> memref<128x128xf32, #tpu.memory_space<hbm>>
      tpu.enqueue_dma source(%dma_start3A_264 : memref<128x128xf32, #tpu.memory_space<hbm>>) target(%dma_start3A_262 : memref<128x128xf32, #tpu.memory_space<vmem>>) target_semaphore(%run_scoped3A_252 : memref<!tpu.dma_semaphore, #tpu.memory_space<semaphore_mem>>)
      %dma_wait3A_265 = arith.constant 0 : i32
      %dma_wait3A_266 = arith.constant 0 : i32
      %dma_wait3A_267 = tpu.memref_slice %arg6[%run_scoped3A, %dma_wait3A_265, %dma_wait3A_266] : memref<2x128x128xf32, #tpu.memory_space<vmem>> -> memref<1x128x128xf32, #tpu.memory_space<vmem>>
      %dma_wait3A_268 = tpu.memref_squeeze %dma_wait3A_267 : memref<1x128x128xf32, #tpu.memory_space<vmem>> -> memref<128x128xf32, #tpu.memory_space<vmem>>
      %dma_wait3A_269 = arith.constant 0 : i32
      %dma_wait3A_270 = tpu.memref_slice %arg2[%add3A_13, %dma_wait3A_269] : memref<9216x128xf32, #tpu.memory_space<hbm>> -> memref<128x128xf32, #tpu.memory_space<hbm>>
      %dma_wait3A_271 = arith.constant 0 : i32
      %dma_wait3A_272 = arith.constant 0 : i32
      %dma_wait3A_273 = tpu.memref_slice %arg6[%run_scoped3A, %dma_wait3A_271, %dma_wait3A_272] : memref<2x128x128xf32, #tpu.memory_space<vmem>> -> memref<1x128x128xf32, #tpu.memory_space<vmem>>
      %dma_wait3A_274 = tpu.memref_squeeze %dma_wait3A_273 : memref<1x128x128xf32, #tpu.memory_space<vmem>> -> memref<128x128xf32, #tpu.memory_space<vmem>>
      %dma_wait3A_275 = arith.constant 0 : i32
      %dma_wait3A_276 = tpu.memref_slice %arg2[%add3A_13, %dma_wait3A_275] : memref<9216x128xf32, #tpu.memory_space<hbm>> -> memref<128x128xf32, #tpu.memory_space<hbm>>
      tpu.wait_dma2 semaphore(%run_scoped3A_252 : memref<!tpu.dma_semaphore, #tpu.memory_space<semaphore_mem>>) src(%dma_wait3A_276 : memref<128x128xf32, #tpu.memory_space<hbm>>) dst(%dma_wait3A_274 : memref<128x128xf32, #tpu.memory_space<vmem>>)
      tpu.yield
    }) : () -> ()
    %dma_start3A = arith.constant 0 : i32
    %dma_start3A_14 = arith.constant 0 : i32
    %dma_start3A_15 = arith.constant 0 : i32
    %dma_start3A_16 = arith.constant 0 : i32
    %dma_start3A_17 = tpu.memref_slice %arg6[%dma_start3A, %dma_start3A_15, %dma_start3A_16] : memref<2x128x128xf32, #tpu.memory_space<vmem>> -> memref<1x128x128xf32, #tpu.memory_space<vmem>>
    %dma_start3A_18 = tpu.memref_squeeze %dma_start3A_17 : memref<1x128x128xf32, #tpu.memory_space<vmem>> -> memref<128x128xf32, #tpu.memory_space<vmem>>
    %dma_start3A_19 = arith.constant 0 : i32
    %dma_start3A_20 = tpu.memref_slice %arg5[%dma_start3A_14, %dma_start3A_19] : memref<9x128xi32, #tpu.memory_space<vmem>> -> memref<1x128xi32, #tpu.memory_space<vmem>>
    %dma_start3A_21 = tpu.memref_squeeze %dma_start3A_20 : memref<1x128xi32, #tpu.memory_space<vmem>> -> memref<128xi32, #tpu.memory_space<vmem>>
    %dma_start3A_22 = arith.constant 0 : i32
    %dma_start3A_23 = arith.constant 0 : i32
    %dma_start3A_24 = tpu.memref_slice %arg4[%dma_start3A_22, %dma_start3A_23] : memref<36864x128xf32, #tpu.memory_space<hbm>> -> memref<36864x128xf32, #tpu.memory_space<hbm>>
    tpu.enqueue_indirect_dma source(%dma_start3A_18 : memref<128x128xf32, #tpu.memory_space<vmem>>) target(%dma_start3A_24 : memref<36864x128xf32, #tpu.memory_space<hbm>>) offsets(%dma_start3A_21 : memref<128xi32, #tpu.memory_space<vmem>>) semaphore(%arg7 : memref<!tpu.dma_semaphore, #tpu.memory_space<semaphore_mem>>)
    %add3A_25 = arith.constant 128 : i32
    %add3A_26 = arith.addi %mul3A_11, %add3A_25 : i32
    %run_scoped3A_27 = arith.constant 1 : i32
    "tpu.region"() ({
      %run_scoped3A_252 = tpu.sem_alloc : memref<!tpu.dma_semaphore, #tpu.memory_space<semaphore_mem>>
      %dma_start3A_253 = arith.constant 0 : i32
      %dma_start3A_254 = arith.constant 0 : i32
      %dma_start3A_255 = tpu.memref_slice %arg6[%run_scoped3A_27, %dma_start3A_253, %dma_start3A_254] : memref<2x128x128xf32, #tpu.memory_space<vmem>> -> memref<1x128x128xf32, #tpu.memory_space<vmem>>
      %dma_start3A_256 = tpu.memref_squeeze %dma_start3A_255 : memref<1x128x128xf32, #tpu.memory_space<vmem>> -> memref<128x128xf32, #tpu.memory_space<vmem>>
      %dma_start3A_257 = arith.constant 0 : i32
      %dma_start3A_258 = tpu.memref_slice %arg2[%add3A_26, %dma_start3A_257] : memref<9216x128xf32, #tpu.memory_space<hbm>> -> memref<128x128xf32, #tpu.memory_space<hbm>>
      %dma_start3A_259 = arith.constant 0 : i32
      %dma_start3A_260 = arith.constant 0 : i32
      %dma_start3A_261 = tpu.memref_slice %arg6[%run_scoped3A_27, %dma_start3A_259, %dma_start3A_260] : memref<2x128x128xf32, #tpu.memory_space<vmem>> -> memref<1x128x128xf32, #tpu.memory_space<vmem>>
      %dma_start3A_262 = tpu.memref_squeeze %dma_start3A_261 : memref<1x128x128xf32, #tpu.memory_space<vmem>> -> memref<128x128xf32, #tpu.memory_space<vmem>>
      %dma_start3A_263 = arith.constant 0 : i32
      %dma_start3A_264 = tpu.memref_slice %arg2[%add3A_26, %dma_start3A_263] : memref<9216x128xf32, #tpu.memory_space<hbm>> -> memref<128x128xf32, #tpu.memory_space<hbm>>
      tpu.enqueue_dma source(%dma_start3A_264 : memref<128x128xf32, #tpu.memory_space<hbm>>) target(%dma_start3A_262 : memref<128x128xf32, #tpu.memory_space<vmem>>) target_semaphore(%run_scoped3A_252 : memref<!tpu.dma_semaphore, #tpu.memory_space<semaphore_mem>>)
      %dma_wait3A_265 = arith.constant 0 : i32
      %dma_wait3A_266 = arith.constant 0 : i32
      %dma_wait3A_267 = tpu.memref_slice %arg6[%run_scoped3A_27, %dma_wait3A_265, %dma_wait3A_266] : memref<2x128x128xf32, #tpu.memory_space<vmem>> -> memref<1x128x128xf32, #tpu.memory_space<vmem>>
      %dma_wait3A_268 = tpu.memref_squeeze %dma_wait3A_267 : memref<1x128x128xf32, #tpu.memory_space<vmem>> -> memref<128x128xf32, #tpu.memory_space<vmem>>
      %dma_wait3A_269 = arith.constant 0 : i32
      %dma_wait3A_270 = tpu.memref_slice %arg2[%add3A_26, %dma_wait3A_269] : memref<9216x128xf32, #tpu.memory_space<hbm>> -> memref<128x128xf32, #tpu.memory_space<hbm>>
      %dma_wait3A_271 = arith.constant 0 : i32
      %dma_wait3A_272 = arith.constant 0 : i32
      %dma_wait3A_273 = tpu.memref_slice %arg6[%run_scoped3A_27, %dma_wait3A_271, %dma_wait3A_272] : memref<2x128x128xf32, #tpu.memory_space<vmem>> -> memref<1x128x128xf32, #tpu.memory_space<vmem>>
      %dma_wait3A_274 = tpu.memref_squeeze %dma_wait3A_273 : memref<1x128x128xf32, #tpu.memory_space<vmem>> -> memref<128x128xf32, #tpu.memory_space<vmem>>
      %dma_wait3A_275 = arith.constant 0 : i32
      %dma_wait3A_276 = tpu.memref_slice %arg2[%add3A_26, %dma_wait3A_275] : memref<9216x128xf32, #tpu.memory_space<hbm>> -> memref<128x128xf32, #tpu.memory_space<hbm>>
      tpu.wait_dma2 semaphore(%run_scoped3A_252 : memref<!tpu.dma_semaphore, #tpu.memory_space<semaphore_mem>>) src(%dma_wait3A_276 : memref<128x128xf32, #tpu.memory_space<hbm>>) dst(%dma_wait3A_274 : memref<128x128xf32, #tpu.memory_space<vmem>>)
      tpu.yield
    }) : () -> ()
    %dma_start3A_28 = arith.constant 1 : i32
    %dma_start3A_29 = arith.constant 1 : i32
    %dma_start3A_30 = arith.constant 0 : i32
    %dma_start3A_31 = arith.constant 0 : i32
    %dma_start3A_32 = tpu.memref_slice %arg6[%dma_start3A_28, %dma_start3A_30, %dma_start3A_31] : memref<2x128x128xf32, #tpu.memory_space<vmem>> -> memref<1x128x128xf32, #tpu.memory_space<vmem>>
    %dma_start3A_33 = tpu.memref_squeeze %dma_start3A_32 : memref<1x128x128xf32, #tpu.memory_space<vmem>> -> memref<128x128xf32, #tpu.memory_space<vmem>>
    %dma_start3A_34 = arith.constant 0 : i32
    %dma_start3A_35 = tpu.memref_slice %arg5[%dma_start3A_29, %dma_start3A_34] : memref<9x128xi32, #tpu.memory_space<vmem>> -> memref<1x128xi32, #tpu.memory_space<vmem>>
    %dma_start3A_36 = tpu.memref_squeeze %dma_start3A_35 : memref<1x128xi32, #tpu.memory_space<vmem>> -> memref<128xi32, #tpu.memory_space<vmem>>
    %dma_start3A_37 = arith.constant 0 : i32
    %dma_start3A_38 = arith.constant 0 : i32
    %dma_start3A_39 = tpu.memref_slice %arg4[%dma_start3A_37, %dma_start3A_38] : memref<36864x128xf32, #tpu.memory_space<hbm>> -> memref<36864x128xf32, #tpu.memory_space<hbm>>
    tpu.enqueue_indirect_dma source(%dma_start3A_33 : memref<128x128xf32, #tpu.memory_space<vmem>>) target(%dma_start3A_39 : memref<36864x128xf32, #tpu.memory_space<hbm>>) offsets(%dma_start3A_36 : memref<128xi32, #tpu.memory_space<vmem>>) semaphore(%arg7 : memref<!tpu.dma_semaphore, #tpu.memory_space<semaphore_mem>>)
    %dma_wait3A = arith.constant 0 : i32
    %dma_wait3A_40 = arith.constant 0 : i32
    %dma_wait3A_41 = arith.constant 0 : i32
    %dma_wait3A_42 = arith.constant 0 : i32
    %dma_wait3A_43 = tpu.memref_slice %arg6[%dma_wait3A, %dma_wait3A_41, %dma_wait3A_42] : memref<2x128x128xf32, #tpu.memory_space<vmem>> -> memref<1x128x128xf32, #tpu.memory_space<vmem>>
    %dma_wait3A_44 = tpu.memref_squeeze %dma_wait3A_43 : memref<1x128x128xf32, #tpu.memory_space<vmem>> -> memref<128x128xf32, #tpu.memory_space<vmem>>
    %dma_wait3A_45 = arith.constant 0 : i32
    %dma_wait3A_46 = tpu.memref_slice %arg5[%dma_wait3A_40, %dma_wait3A_45] : memref<9x128xi32, #tpu.memory_space<vmem>> -> memref<1x128xi32, #tpu.memory_space<vmem>>
    %dma_wait3A_47 = tpu.memref_squeeze %dma_wait3A_46 : memref<1x128xi32, #tpu.memory_space<vmem>> -> memref<128xi32, #tpu.memory_space<vmem>>
    %dma_wait3A_48 = arith.constant 0 : i32
    %dma_wait3A_49 = arith.constant 0 : i32
    %dma_wait3A_50 = tpu.memref_slice %arg4[%dma_wait3A_48, %dma_wait3A_49] : memref<36864x128xf32, #tpu.memory_space<hbm>> -> memref<36864x128xf32, #tpu.memory_space<hbm>>
    tpu.wait_indirect_dma semaphore(%arg7 : memref<!tpu.dma_semaphore, #tpu.memory_space<semaphore_mem>>) src(%dma_wait3A_44 : memref<128x128xf32, #tpu.memory_space<vmem>>) dst(%dma_wait3A_50 : memref<36864x128xf32, #tpu.memory_space<hbm>>)
    %add3A_51 = arith.constant 256 : i32
    %add3A_52 = arith.addi %mul3A_11, %add3A_51 : i32
    %run_scoped3A_53 = arith.constant 0 : i32
    "tpu.region"() ({
      %run_scoped3A_252 = tpu.sem_alloc : memref<!tpu.dma_semaphore, #tpu.memory_space<semaphore_mem>>
      %dma_start3A_253 = arith.constant 0 : i32
      %dma_start3A_254 = arith.constant 0 : i32
      %dma_start3A_255 = tpu.memref_slice %arg6[%run_scoped3A_53, %dma_start3A_253, %dma_start3A_254] : memref<2x128x128xf32, #tpu.memory_space<vmem>> -> memref<1x128x128xf32, #tpu.memory_space<vmem>>
      %dma_start3A_256 = tpu.memref_squeeze %dma_start3A_255 : memref<1x128x128xf32, #tpu.memory_space<vmem>> -> memref<128x128xf32, #tpu.memory_space<vmem>>
      %dma_start3A_257 = arith.constant 0 : i32
      %dma_start3A_258 = tpu.memref_slice %arg2[%add3A_52, %dma_start3A_257] : memref<9216x128xf32, #tpu.memory_space<hbm>> -> memref<128x128xf32, #tpu.memory_space<hbm>>
      %dma_start3A_259 = arith.constant 0 : i32
      %dma_start3A_260 = arith.constant 0 : i32
      %dma_start3A_261 = tpu.memref_slice %arg6[%run_scoped3A_53, %dma_start3A_259, %dma_start3A_260] : memref<2x128x128xf32, #tpu.memory_space<vmem>> -> memref<1x128x128xf32, #tpu.memory_space<vmem>>
      %dma_start3A_262 = tpu.memref_squeeze %dma_start3A_261 : memref<1x128x128xf32, #tpu.memory_space<vmem>> -> memref<128x128xf32, #tpu.memory_space<vmem>>
      %dma_start3A_263 = arith.constant 0 : i32
      %dma_start3A_264 = tpu.memref_slice %arg2[%add3A_52, %dma_start3A_263] : memref<9216x128xf32, #tpu.memory_space<hbm>> -> memref<128x128xf32, #tpu.memory_space<hbm>>
      tpu.enqueue_dma source(%dma_start3A_264 : memref<128x128xf32, #tpu.memory_space<hbm>>) target(%dma_start3A_262 : memref<128x128xf32, #tpu.memory_space<vmem>>) target_semaphore(%run_scoped3A_252 : memref<!tpu.dma_semaphore, #tpu.memory_space<semaphore_mem>>)
      %dma_wait3A_265 = arith.constant 0 : i32
      %dma_wait3A_266 = arith.constant 0 : i32
      %dma_wait3A_267 = tpu.memref_slice %arg6[%run_scoped3A_53, %dma_wait3A_265, %dma_wait3A_266] : memref<2x128x128xf32, #tpu.memory_space<vmem>> -> memref<1x128x128xf32, #tpu.memory_space<vmem>>
      %dma_wait3A_268 = tpu.memref_squeeze %dma_wait3A_267 : memref<1x128x128xf32, #tpu.memory_space<vmem>> -> memref<128x128xf32, #tpu.memory_space<vmem>>
      %dma_wait3A_269 = arith.constant 0 : i32
      %dma_wait3A_270 = tpu.memref_slice %arg2[%add3A_52, %dma_wait3A_269] : memref<9216x128xf32, #tpu.memory_space<hbm>> -> memref<128x128xf32, #tpu.memory_space<hbm>>
      %dma_wait3A_271 = arith.constant 0 : i32
      %dma_wait3A_272 = arith.constant 0 : i32
      %dma_wait3A_273 = tpu.memref_slice %arg6[%run_scoped3A_53, %dma_wait3A_271, %dma_wait3A_272] : memref<2x128x128xf32, #tpu.memory_space<vmem>> -> memref<1x128x128xf32, #tpu.memory_space<vmem>>
      %dma_wait3A_274 = tpu.memref_squeeze %dma_wait3A_273 : memref<1x128x128xf32, #tpu.memory_space<vmem>> -> memref<128x128xf32, #tpu.memory_space<vmem>>
      %dma_wait3A_275 = arith.constant 0 : i32
      %dma_wait3A_276 = tpu.memref_slice %arg2[%add3A_52, %dma_wait3A_275] : memref<9216x128xf32, #tpu.memory_space<hbm>> -> memref<128x128xf32, #tpu.memory_space<hbm>>
      tpu.wait_dma2 semaphore(%run_scoped3A_252 : memref<!tpu.dma_semaphore, #tpu.memory_space<semaphore_mem>>) src(%dma_wait3A_276 : memref<128x128xf32, #tpu.memory_space<hbm>>) dst(%dma_wait3A_274 : memref<128x128xf32, #tpu.memory_space<vmem>>)
      tpu.yield
    }) : () -> ()
    %dma_start3A_54 = arith.constant 0 : i32
    %dma_start3A_55 = arith.constant 2 : i32
    %dma_start3A_56 = arith.constant 0 : i32
    %dma_start3A_57 = arith.constant 0 : i32
    %dma_start3A_58 = tpu.memref_slice %arg6[%dma_start3A_54, %dma_start3A_56, %dma_start3A_57] : memref<2x128x128xf32, #tpu.memory_space<vmem>> -> memref<1x128x128xf32, #tpu.memory_space<vmem>>
    %dma_start3A_59 = tpu.memref_squeeze %dma_start3A_58 : memref<1x128x128xf32, #tpu.memory_space<vmem>> -> memref<128x128xf32, #tpu.memory_space<vmem>>
    %dma_start3A_60 = arith.constant 0 : i32
    %dma_start3A_61 = tpu.memref_slice %arg5[%dma_start3A_55, %dma_start3A_60] : memref<9x128xi32, #tpu.memory_space<vmem>> -> memref<1x128xi32, #tpu.memory_space<vmem>>
    %dma_start3A_62 = tpu.memref_squeeze %dma_start3A_61 : memref<1x128xi32, #tpu.memory_space<vmem>> -> memref<128xi32, #tpu.memory_space<vmem>>
    %dma_start3A_63 = arith.constant 0 : i32
    %dma_start3A_64 = arith.constant 0 : i32
    %dma_start3A_65 = tpu.memref_slice %arg4[%dma_start3A_63, %dma_start3A_64] : memref<36864x128xf32, #tpu.memory_space<hbm>> -> memref<36864x128xf32, #tpu.memory_space<hbm>>
    tpu.enqueue_indirect_dma source(%dma_start3A_59 : memref<128x128xf32, #tpu.memory_space<vmem>>) target(%dma_start3A_65 : memref<36864x128xf32, #tpu.memory_space<hbm>>) offsets(%dma_start3A_62 : memref<128xi32, #tpu.memory_space<vmem>>) semaphore(%arg7 : memref<!tpu.dma_semaphore, #tpu.memory_space<semaphore_mem>>)
    %dma_wait3A_66 = arith.constant 1 : i32
    %dma_wait3A_67 = arith.constant 1 : i32
    %dma_wait3A_68 = arith.constant 0 : i32
    %dma_wait3A_69 = arith.constant 0 : i32
    %dma_wait3A_70 = tpu.memref_slice %arg6[%dma_wait3A_66, %dma_wait3A_68, %dma_wait3A_69] : memref<2x128x128xf32, #tpu.memory_space<vmem>> -> memref<1x128x128xf32, #tpu.memory_space<vmem>>
    %dma_wait3A_71 = tpu.memref_squeeze %dma_wait3A_70 : memref<1x128x128xf32, #tpu.memory_space<vmem>> -> memref<128x128xf32, #tpu.memory_space<vmem>>
    %dma_wait3A_72 = arith.constant 0 : i32
    %dma_wait3A_73 = tpu.memref_slice %arg5[%dma_wait3A_67, %dma_wait3A_72] : memref<9x128xi32, #tpu.memory_space<vmem>> -> memref<1x128xi32, #tpu.memory_space<vmem>>
    %dma_wait3A_74 = tpu.memref_squeeze %dma_wait3A_73 : memref<1x128xi32, #tpu.memory_space<vmem>> -> memref<128xi32, #tpu.memory_space<vmem>>
    %dma_wait3A_75 = arith.constant 0 : i32
    %dma_wait3A_76 = arith.constant 0 : i32
    %dma_wait3A_77 = tpu.memref_slice %arg4[%dma_wait3A_75, %dma_wait3A_76] : memref<36864x128xf32, #tpu.memory_space<hbm>> -> memref<36864x128xf32, #tpu.memory_space<hbm>>
    tpu.wait_indirect_dma semaphore(%arg7 : memref<!tpu.dma_semaphore, #tpu.memory_space<semaphore_mem>>) src(%dma_wait3A_71 : memref<128x128xf32, #tpu.memory_space<vmem>>) dst(%dma_wait3A_77 : memref<36864x128xf32, #tpu.memory_space<hbm>>)
    %add3A_78 = arith.constant 384 : i32
    %add3A_79 = arith.addi %mul3A_11, %add3A_78 : i32
    %run_scoped3A_80 = arith.constant 1 : i32
    "tpu.region"() ({
      %run_scoped3A_252 = tpu.sem_alloc : memref<!tpu.dma_semaphore, #tpu.memory_space<semaphore_mem>>
      %dma_start3A_253 = arith.constant 0 : i32
      %dma_start3A_254 = arith.constant 0 : i32
      %dma_start3A_255 = tpu.memref_slice %arg6[%run_scoped3A_80, %dma_start3A_253, %dma_start3A_254] : memref<2x128x128xf32, #tpu.memory_space<vmem>> -> memref<1x128x128xf32, #tpu.memory_space<vmem>>
      %dma_start3A_256 = tpu.memref_squeeze %dma_start3A_255 : memref<1x128x128xf32, #tpu.memory_space<vmem>> -> memref<128x128xf32, #tpu.memory_space<vmem>>
      %dma_start3A_257 = arith.constant 0 : i32
      %dma_start3A_258 = tpu.memref_slice %arg2[%add3A_79, %dma_start3A_257] : memref<9216x128xf32, #tpu.memory_space<hbm>> -> memref<128x128xf32, #tpu.memory_space<hbm>>
      %dma_start3A_259 = arith.constant 0 : i32
      %dma_start3A_260 = arith.constant 0 : i32
      %dma_start3A_261 = tpu.memref_slice %arg6[%run_scoped3A_80, %dma_start3A_259, %dma_start3A_260] : memref<2x128x128xf32, #tpu.memory_space<vmem>> -> memref<1x128x128xf32, #tpu.memory_space<vmem>>
      %dma_start3A_262 = tpu.memref_squeeze %dma_start3A_261 : memref<1x128x128xf32, #tpu.memory_space<vmem>> -> memref<128x128xf32, #tpu.memory_space<vmem>>
      %dma_start3A_263 = arith.constant 0 : i32
      %dma_start3A_264 = tpu.memref_slice %arg2[%add3A_79, %dma_start3A_263] : memref<9216x128xf32, #tpu.memory_space<hbm>> -> memref<128x128xf32, #tpu.memory_space<hbm>>
      tpu.enqueue_dma source(%dma_start3A_264 : memref<128x128xf32, #tpu.memory_space<hbm>>) target(%dma_start3A_262 : memref<128x128xf32, #tpu.memory_space<vmem>>) target_semaphore(%run_scoped3A_252 : memref<!tpu.dma_semaphore, #tpu.memory_space<semaphore_mem>>)
      %dma_wait3A_265 = arith.constant 0 : i32
      %dma_wait3A_266 = arith.constant 0 : i32
      %dma_wait3A_267 = tpu.memref_slice %arg6[%run_scoped3A_80, %dma_wait3A_265, %dma_wait3A_266] : memref<2x128x128xf32, #tpu.memory_space<vmem>> -> memref<1x128x128xf32, #tpu.memory_space<vmem>>
      %dma_wait3A_268 = tpu.memref_squeeze %dma_wait3A_267 : memref<1x128x128xf32, #tpu.memory_space<vmem>> -> memref<128x128xf32, #tpu.memory_space<vmem>>
      %dma_wait3A_269 = arith.constant 0 : i32
      %dma_wait3A_270 = tpu.memref_slice %arg2[%add3A_79, %dma_wait3A_269] : memref<9216x128xf32, #tpu.memory_space<hbm>> -> memref<128x128xf32, #tpu.memory_space<hbm>>
      %dma_wait3A_271 = arith.constant 0 : i32
      %dma_wait3A_272 = arith.constant 0 : i32
      %dma_wait3A_273 = tpu.memref_slice %arg6[%run_scoped3A_80, %dma_wait3A_271, %dma_wait3A_272] : memref<2x128x128xf32, #tpu.memory_space<vmem>> -> memref<1x128x128xf32, #tpu.memory_space<vmem>>
      %dma_wait3A_274 = tpu.memref_squeeze %dma_wait3A_273 : memref<1x128x128xf32, #tpu.memory_space<vmem>> -> memref<128x128xf32, #tpu.memory_space<vmem>>
      %dma_wait3A_275 = arith.constant 0 : i32
      %dma_wait3A_276 = tpu.memref_slice %arg2[%add3A_79, %dma_wait3A_275] : memref<9216x128xf32, #tpu.memory_space<hbm>> -> memref<128x128xf32, #tpu.memory_space<hbm>>
      tpu.wait_dma2 semaphore(%run_scoped3A_252 : memref<!tpu.dma_semaphore, #tpu.memory_space<semaphore_mem>>) src(%dma_wait3A_276 : memref<128x128xf32, #tpu.memory_space<hbm>>) dst(%dma_wait3A_274 : memref<128x128xf32, #tpu.memory_space<vmem>>)
      tpu.yield
    }) : () -> ()
    %dma_start3A_81 = arith.constant 1 : i32
    %dma_start3A_82 = arith.constant 3 : i32
    %dma_start3A_83 = arith.constant 0 : i32
    %dma_start3A_84 = arith.constant 0 : i32
    %dma_start3A_85 = tpu.memref_slice %arg6[%dma_start3A_81, %dma_start3A_83, %dma_start3A_84] : memref<2x128x128xf32, #tpu.memory_space<vmem>> -> memref<1x128x128xf32, #tpu.memory_space<vmem>>
    %dma_start3A_86 = tpu.memref_squeeze %dma_start3A_85 : memref<1x128x128xf32, #tpu.memory_space<vmem>> -> memref<128x128xf32, #tpu.memory_space<vmem>>
    %dma_start3A_87 = arith.constant 0 : i32
    %dma_start3A_88 = tpu.memref_slice %arg5[%dma_start3A_82, %dma_start3A_87] : memref<9x128xi32, #tpu.memory_space<vmem>> -> memref<1x128xi32, #tpu.memory_space<vmem>>
    %dma_start3A_89 = tpu.memref_squeeze %dma_start3A_88 : memref<1x128xi32, #tpu.memory_space<vmem>> -> memref<128xi32, #tpu.memory_space<vmem>>
    %dma_start3A_90 = arith.constant 0 : i32
    %dma_start3A_91 = arith.constant 0 : i32
    %dma_start3A_92 = tpu.memref_slice %arg4[%dma_start3A_90, %dma_start3A_91] : memref<36864x128xf32, #tpu.memory_space<hbm>> -> memref<36864x128xf32, #tpu.memory_space<hbm>>
    tpu.enqueue_indirect_dma source(%dma_start3A_86 : memref<128x128xf32, #tpu.memory_space<vmem>>) target(%dma_start3A_92 : memref<36864x128xf32, #tpu.memory_space<hbm>>) offsets(%dma_start3A_89 : memref<128xi32, #tpu.memory_space<vmem>>) semaphore(%arg7 : memref<!tpu.dma_semaphore, #tpu.memory_space<semaphore_mem>>)
    %dma_wait3A_93 = arith.constant 0 : i32
    %dma_wait3A_94 = arith.constant 2 : i32
    %dma_wait3A_95 = arith.constant 0 : i32
    %dma_wait3A_96 = arith.constant 0 : i32
    %dma_wait3A_97 = tpu.memref_slice %arg6[%dma_wait3A_93, %dma_wait3A_95, %dma_wait3A_96] : memref<2x128x128xf32, #tpu.memory_space<vmem>> -> memref<1x128x128xf32, #tpu.memory_space<vmem>>
    %dma_wait3A_98 = tpu.memref_squeeze %dma_wait3A_97 : memref<1x128x128xf32, #tpu.memory_space<vmem>> -> memref<128x128xf32, #tpu.memory_space<vmem>>
    %dma_wait3A_99 = arith.constant 0 : i32
    %dma_wait3A_100 = tpu.memref_slice %arg5[%dma_wait3A_94, %dma_wait3A_99] : memref<9x128xi32, #tpu.memory_space<vmem>> -> memref<1x128xi32, #tpu.memory_space<vmem>>
    %dma_wait3A_101 = tpu.memref_squeeze %dma_wait3A_100 : memref<1x128xi32, #tpu.memory_space<vmem>> -> memref<128xi32, #tpu.memory_space<vmem>>
    %dma_wait3A_102 = arith.constant 0 : i32
    %dma_wait3A_103 = arith.constant 0 : i32
    %dma_wait3A_104 = tpu.memref_slice %arg4[%dma_wait3A_102, %dma_wait3A_103] : memref<36864x128xf32, #tpu.memory_space<hbm>> -> memref<36864x128xf32, #tpu.memory_space<hbm>>
    tpu.wait_indirect_dma semaphore(%arg7 : memref<!tpu.dma_semaphore, #tpu.memory_space<semaphore_mem>>) src(%dma_wait3A_98 : memref<128x128xf32, #tpu.memory_space<vmem>>) dst(%dma_wait3A_104 : memref<36864x128xf32, #tpu.memory_space<hbm>>)
    %add3A_105 = arith.constant 512 : i32
    %add3A_106 = arith.addi %mul3A_11, %add3A_105 : i32
    %run_scoped3A_107 = arith.constant 0 : i32
    "tpu.region"() ({
      %run_scoped3A_252 = tpu.sem_alloc : memref<!tpu.dma_semaphore, #tpu.memory_space<semaphore_mem>>
      %dma_start3A_253 = arith.constant 0 : i32
      %dma_start3A_254 = arith.constant 0 : i32
      %dma_start3A_255 = tpu.memref_slice %arg6[%run_scoped3A_107, %dma_start3A_253, %dma_start3A_254] : memref<2x128x128xf32, #tpu.memory_space<vmem>> -> memref<1x128x128xf32, #tpu.memory_space<vmem>>
      %dma_start3A_256 = tpu.memref_squeeze %dma_start3A_255 : memref<1x128x128xf32, #tpu.memory_space<vmem>> -> memref<128x128xf32, #tpu.memory_space<vmem>>
      %dma_start3A_257 = arith.constant 0 : i32
      %dma_start3A_258 = tpu.memref_slice %arg2[%add3A_106, %dma_start3A_257] : memref<9216x128xf32, #tpu.memory_space<hbm>> -> memref<128x128xf32, #tpu.memory_space<hbm>>
      %dma_start3A_259 = arith.constant 0 : i32
      %dma_start3A_260 = arith.constant 0 : i32
      %dma_start3A_261 = tpu.memref_slice %arg6[%run_scoped3A_107, %dma_start3A_259, %dma_start3A_260] : memref<2x128x128xf32, #tpu.memory_space<vmem>> -> memref<1x128x128xf32, #tpu.memory_space<vmem>>
      %dma_start3A_262 = tpu.memref_squeeze %dma_start3A_261 : memref<1x128x128xf32, #tpu.memory_space<vmem>> -> memref<128x128xf32, #tpu.memory_space<vmem>>
      %dma_start3A_263 = arith.constant 0 : i32
      %dma_start3A_264 = tpu.memref_slice %arg2[%add3A_106, %dma_start3A_263] : memref<9216x128xf32, #tpu.memory_space<hbm>> -> memref<128x128xf32, #tpu.memory_space<hbm>>
      tpu.enqueue_dma source(%dma_start3A_264 : memref<128x128xf32, #tpu.memory_space<hbm>>) target(%dma_start3A_262 : memref<128x128xf32, #tpu.memory_space<vmem>>) target_semaphore(%run_scoped3A_252 : memref<!tpu.dma_semaphore, #tpu.memory_space<semaphore_mem>>)
      %dma_wait3A_265 = arith.constant 0 : i32
      %dma_wait3A_266 = arith.constant 0 : i32
      %dma_wait3A_267 = tpu.memref_slice %arg6[%run_scoped3A_107, %dma_wait3A_265, %dma_wait3A_266] : memref<2x128x128xf32, #tpu.memory_space<vmem>> -> memref<1x128x128xf32, #tpu.memory_space<vmem>>
      %dma_wait3A_268 = tpu.memref_squeeze %dma_wait3A_267 : memref<1x128x128xf32, #tpu.memory_space<vmem>> -> memref<128x128xf32, #tpu.memory_space<vmem>>
      %dma_wait3A_269 = arith.constant 0 : i32
      %dma_wait3A_270 = tpu.memref_slice %arg2[%add3A_106, %dma_wait3A_269] : memref<9216x128xf32, #tpu.memory_space<hbm>> -> memref<128x128xf32, #tpu.memory_space<hbm>>
      %dma_wait3A_271 = arith.constant 0 : i32
      %dma_wait3A_272 = arith.constant 0 : i32
      %dma_wait3A_273 = tpu.memref_slice %arg6[%run_scoped3A_107, %dma_wait3A_271, %dma_wait3A_272] : memref<2x128x128xf32, #tpu.memory_space<vmem>> -> memref<1x128x128xf32, #tpu.memory_space<vmem>>
      %dma_wait3A_274 = tpu.memref_squeeze %dma_wait3A_273 : memref<1x128x128xf32, #tpu.memory_space<vmem>> -> memref<128x128xf32, #tpu.memory_space<vmem>>
      %dma_wait3A_275 = arith.constant 0 : i32
      %dma_wait3A_276 = tpu.memref_slice %arg2[%add3A_106, %dma_wait3A_275] : memref<9216x128xf32, #tpu.memory_space<hbm>> -> memref<128x128xf32, #tpu.memory_space<hbm>>
      tpu.wait_dma2 semaphore(%run_scoped3A_252 : memref<!tpu.dma_semaphore, #tpu.memory_space<semaphore_mem>>) src(%dma_wait3A_276 : memref<128x128xf32, #tpu.memory_space<hbm>>) dst(%dma_wait3A_274 : memref<128x128xf32, #tpu.memory_space<vmem>>)
      tpu.yield
    }) : () -> ()
    %dma_start3A_108 = arith.constant 0 : i32
    %dma_start3A_109 = arith.constant 4 : i32
    %dma_start3A_110 = arith.constant 0 : i32
    %dma_start3A_111 = arith.constant 0 : i32
    %dma_start3A_112 = tpu.memref_slice %arg6[%dma_start3A_108, %dma_start3A_110, %dma_start3A_111] : memref<2x128x128xf32, #tpu.memory_space<vmem>> -> memref<1x128x128xf32, #tpu.memory_space<vmem>>
    %dma_start3A_113 = tpu.memref_squeeze %dma_start3A_112 : memref<1x128x128xf32, #tpu.memory_space<vmem>> -> memref<128x128xf32, #tpu.memory_space<vmem>>
    %dma_start3A_114 = arith.constant 0 : i32
    %dma_start3A_115 = tpu.memref_slice %arg5[%dma_start3A_109, %dma_start3A_114] : memref<9x128xi32, #tpu.memory_space<vmem>> -> memref<1x128xi32, #tpu.memory_space<vmem>>
    %dma_start3A_116 = tpu.memref_squeeze %dma_start3A_115 : memref<1x128xi32, #tpu.memory_space<vmem>> -> memref<128xi32, #tpu.memory_space<vmem>>
    %dma_start3A_117 = arith.constant 0 : i32
    %dma_start3A_118 = arith.constant 0 : i32
    %dma_start3A_119 = tpu.memref_slice %arg4[%dma_start3A_117, %dma_start3A_118] : memref<36864x128xf32, #tpu.memory_space<hbm>> -> memref<36864x128xf32, #tpu.memory_space<hbm>>
    tpu.enqueue_indirect_dma source(%dma_start3A_113 : memref<128x128xf32, #tpu.memory_space<vmem>>) target(%dma_start3A_119 : memref<36864x128xf32, #tpu.memory_space<hbm>>) offsets(%dma_start3A_116 : memref<128xi32, #tpu.memory_space<vmem>>) semaphore(%arg7 : memref<!tpu.dma_semaphore, #tpu.memory_space<semaphore_mem>>)
    %dma_wait3A_120 = arith.constant 1 : i32
    %dma_wait3A_121 = arith.constant 3 : i32
    %dma_wait3A_122 = arith.constant 0 : i32
    %dma_wait3A_123 = arith.constant 0 : i32
    %dma_wait3A_124 = tpu.memref_slice %arg6[%dma_wait3A_120, %dma_wait3A_122, %dma_wait3A_123] : memref<2x128x128xf32, #tpu.memory_space<vmem>> -> memref<1x128x128xf32, #tpu.memory_space<vmem>>
    %dma_wait3A_125 = tpu.memref_squeeze %dma_wait3A_124 : memref<1x128x128xf32, #tpu.memory_space<vmem>> -> memref<128x128xf32, #tpu.memory_space<vmem>>
    %dma_wait3A_126 = arith.constant 0 : i32
    %dma_wait3A_127 = tpu.memref_slice %arg5[%dma_wait3A_121, %dma_wait3A_126] : memref<9x128xi32, #tpu.memory_space<vmem>> -> memref<1x128xi32, #tpu.memory_space<vmem>>
    %dma_wait3A_128 = tpu.memref_squeeze %dma_wait3A_127 : memref<1x128xi32, #tpu.memory_space<vmem>> -> memref<128xi32, #tpu.memory_space<vmem>>
    %dma_wait3A_129 = arith.constant 0 : i32
    %dma_wait3A_130 = arith.constant 0 : i32
    %dma_wait3A_131 = tpu.memref_slice %arg4[%dma_wait3A_129, %dma_wait3A_130] : memref<36864x128xf32, #tpu.memory_space<hbm>> -> memref<36864x128xf32, #tpu.memory_space<hbm>>
    tpu.wait_indirect_dma semaphore(%arg7 : memref<!tpu.dma_semaphore, #tpu.memory_space<semaphore_mem>>) src(%dma_wait3A_125 : memref<128x128xf32, #tpu.memory_space<vmem>>) dst(%dma_wait3A_131 : memref<36864x128xf32, #tpu.memory_space<hbm>>)
    %add3A_132 = arith.constant 640 : i32
    %add3A_133 = arith.addi %mul3A_11, %add3A_132 : i32
    %run_scoped3A_134 = arith.constant 1 : i32
    "tpu.region"() ({
      %run_scoped3A_252 = tpu.sem_alloc : memref<!tpu.dma_semaphore, #tpu.memory_space<semaphore_mem>>
      %dma_start3A_253 = arith.constant 0 : i32
      %dma_start3A_254 = arith.constant 0 : i32
      %dma_start3A_255 = tpu.memref_slice %arg6[%run_scoped3A_134, %dma_start3A_253, %dma_start3A_254] : memref<2x128x128xf32, #tpu.memory_space<vmem>> -> memref<1x128x128xf32, #tpu.memory_space<vmem>>
      %dma_start3A_256 = tpu.memref_squeeze %dma_start3A_255 : memref<1x128x128xf32, #tpu.memory_space<vmem>> -> memref<128x128xf32, #tpu.memory_space<vmem>>
      %dma_start3A_257 = arith.constant 0 : i32
      %dma_start3A_258 = tpu.memref_slice %arg2[%add3A_133, %dma_start3A_257] : memref<9216x128xf32, #tpu.memory_space<hbm>> -> memref<128x128xf32, #tpu.memory_space<hbm>>
      %dma_start3A_259 = arith.constant 0 : i32
      %dma_start3A_260 = arith.constant 0 : i32
      %dma_start3A_261 = tpu.memref_slice %arg6[%run_scoped3A_134, %dma_start3A_259, %dma_start3A_260] : memref<2x128x128xf32, #tpu.memory_space<vmem>> -> memref<1x128x128xf32, #tpu.memory_space<vmem>>
      %dma_start3A_262 = tpu.memref_squeeze %dma_start3A_261 : memref<1x128x128xf32, #tpu.memory_space<vmem>> -> memref<128x128xf32, #tpu.memory_space<vmem>>
      %dma_start3A_263 = arith.constant 0 : i32
      %dma_start3A_264 = tpu.memref_slice %arg2[%add3A_133, %dma_start3A_263] : memref<9216x128xf32, #tpu.memory_space<hbm>> -> memref<128x128xf32, #tpu.memory_space<hbm>>
      tpu.enqueue_dma source(%dma_start3A_264 : memref<128x128xf32, #tpu.memory_space<hbm>>) target(%dma_start3A_262 : memref<128x128xf32, #tpu.memory_space<vmem>>) target_semaphore(%run_scoped3A_252 : memref<!tpu.dma_semaphore, #tpu.memory_space<semaphore_mem>>)
      %dma_wait3A_265 = arith.constant 0 : i32
      %dma_wait3A_266 = arith.constant 0 : i32
      %dma_wait3A_267 = tpu.memref_slice %arg6[%run_scoped3A_134, %dma_wait3A_265, %dma_wait3A_266] : memref<2x128x128xf32, #tpu.memory_space<vmem>> -> memref<1x128x128xf32, #tpu.memory_space<vmem>>
      %dma_wait3A_268 = tpu.memref_squeeze %dma_wait3A_267 : memref<1x128x128xf32, #tpu.memory_space<vmem>> -> memref<128x128xf32, #tpu.memory_space<vmem>>
      %dma_wait3A_269 = arith.constant 0 : i32
      %dma_wait3A_270 = tpu.memref_slice %arg2[%add3A_133, %dma_wait3A_269] : memref<9216x128xf32, #tpu.memory_space<hbm>> -> memref<128x128xf32, #tpu.memory_space<hbm>>
      %dma_wait3A_271 = arith.constant 0 : i32
      %dma_wait3A_272 = arith.constant 0 : i32
      %dma_wait3A_273 = tpu.memref_slice %arg6[%run_scoped3A_134, %dma_wait3A_271, %dma_wait3A_272] : memref<2x128x128xf32, #tpu.memory_space<vmem>> -> memref<1x128x128xf32, #tpu.memory_space<vmem>>
      %dma_wait3A_274 = tpu.memref_squeeze %dma_wait3A_273 : memref<1x128x128xf32, #tpu.memory_space<vmem>> -> memref<128x128xf32, #tpu.memory_space<vmem>>
      %dma_wait3A_275 = arith.constant 0 : i32
      %dma_wait3A_276 = tpu.memref_slice %arg2[%add3A_133, %dma_wait3A_275] : memref<9216x128xf32, #tpu.memory_space<hbm>> -> memref<128x128xf32, #tpu.memory_space<hbm>>
      tpu.wait_dma2 semaphore(%run_scoped3A_252 : memref<!tpu.dma_semaphore, #tpu.memory_space<semaphore_mem>>) src(%dma_wait3A_276 : memref<128x128xf32, #tpu.memory_space<hbm>>) dst(%dma_wait3A_274 : memref<128x128xf32, #tpu.memory_space<vmem>>)
      tpu.yield
    }) : () -> ()
    %dma_start3A_135 = arith.constant 1 : i32
    %dma_start3A_136 = arith.constant 5 : i32
    %dma_start3A_137 = arith.constant 0 : i32
    %dma_start3A_138 = arith.constant 0 : i32
    %dma_start3A_139 = tpu.memref_slice %arg6[%dma_start3A_135, %dma_start3A_137, %dma_start3A_138] : memref<2x128x128xf32, #tpu.memory_space<vmem>> -> memref<1x128x128xf32, #tpu.memory_space<vmem>>
    %dma_start3A_140 = tpu.memref_squeeze %dma_start3A_139 : memref<1x128x128xf32, #tpu.memory_space<vmem>> -> memref<128x128xf32, #tpu.memory_space<vmem>>
    %dma_start3A_141 = arith.constant 0 : i32
    %dma_start3A_142 = tpu.memref_slice %arg5[%dma_start3A_136, %dma_start3A_141] : memref<9x128xi32, #tpu.memory_space<vmem>> -> memref<1x128xi32, #tpu.memory_space<vmem>>
    %dma_start3A_143 = tpu.memref_squeeze %dma_start3A_142 : memref<1x128xi32, #tpu.memory_space<vmem>> -> memref<128xi32, #tpu.memory_space<vmem>>
    %dma_start3A_144 = arith.constant 0 : i32
    %dma_start3A_145 = arith.constant 0 : i32
    %dma_start3A_146 = tpu.memref_slice %arg4[%dma_start3A_144, %dma_start3A_145] : memref<36864x128xf32, #tpu.memory_space<hbm>> -> memref<36864x128xf32, #tpu.memory_space<hbm>>
    tpu.enqueue_indirect_dma source(%dma_start3A_140 : memref<128x128xf32, #tpu.memory_space<vmem>>) target(%dma_start3A_146 : memref<36864x128xf32, #tpu.memory_space<hbm>>) offsets(%dma_start3A_143 : memref<128xi32, #tpu.memory_space<vmem>>) semaphore(%arg7 : memref<!tpu.dma_semaphore, #tpu.memory_space<semaphore_mem>>)
    %dma_wait3A_147 = arith.constant 0 : i32
    %dma_wait3A_148 = arith.constant 4 : i32
    %dma_wait3A_149 = arith.constant 0 : i32
    %dma_wait3A_150 = arith.constant 0 : i32
    %dma_wait3A_151 = tpu.memref_slice %arg6[%dma_wait3A_147, %dma_wait3A_149, %dma_wait3A_150] : memref<2x128x128xf32, #tpu.memory_space<vmem>> -> memref<1x128x128xf32, #tpu.memory_space<vmem>>
    %dma_wait3A_152 = tpu.memref_squeeze %dma_wait3A_151 : memref<1x128x128xf32, #tpu.memory_space<vmem>> -> memref<128x128xf32, #tpu.memory_space<vmem>>
    %dma_wait3A_153 = arith.constant 0 : i32
    %dma_wait3A_154 = tpu.memref_slice %arg5[%dma_wait3A_148, %dma_wait3A_153] : memref<9x128xi32, #tpu.memory_space<vmem>> -> memref<1x128xi32, #tpu.memory_space<vmem>>
    %dma_wait3A_155 = tpu.memref_squeeze %dma_wait3A_154 : memref<1x128xi32, #tpu.memory_space<vmem>> -> memref<128xi32, #tpu.memory_space<vmem>>
    %dma_wait3A_156 = arith.constant 0 : i32
    %dma_wait3A_157 = arith.constant 0 : i32
    %dma_wait3A_158 = tpu.memref_slice %arg4[%dma_wait3A_156, %dma_wait3A_157] : memref<36864x128xf32, #tpu.memory_space<hbm>> -> memref<36864x128xf32, #tpu.memory_space<hbm>>
    tpu.wait_indirect_dma semaphore(%arg7 : memref<!tpu.dma_semaphore, #tpu.memory_space<semaphore_mem>>) src(%dma_wait3A_152 : memref<128x128xf32, #tpu.memory_space<vmem>>) dst(%dma_wait3A_158 : memref<36864x128xf32, #tpu.memory_space<hbm>>)
    %add3A_159 = arith.constant 768 : i32
    %add3A_160 = arith.addi %mul3A_11, %add3A_159 : i32
    %run_scoped3A_161 = arith.constant 0 : i32
    "tpu.region"() ({
      %run_scoped3A_252 = tpu.sem_alloc : memref<!tpu.dma_semaphore, #tpu.memory_space<semaphore_mem>>
      %dma_start3A_253 = arith.constant 0 : i32
      %dma_start3A_254 = arith.constant 0 : i32
      %dma_start3A_255 = tpu.memref_slice %arg6[%run_scoped3A_161, %dma_start3A_253, %dma_start3A_254] : memref<2x128x128xf32, #tpu.memory_space<vmem>> -> memref<1x128x128xf32, #tpu.memory_space<vmem>>
      %dma_start3A_256 = tpu.memref_squeeze %dma_start3A_255 : memref<1x128x128xf32, #tpu.memory_space<vmem>> -> memref<128x128xf32, #tpu.memory_space<vmem>>
      %dma_start3A_257 = arith.constant 0 : i32
      %dma_start3A_258 = tpu.memref_slice %arg2[%add3A_160, %dma_start3A_257] : memref<9216x128xf32, #tpu.memory_space<hbm>> -> memref<128x128xf32, #tpu.memory_space<hbm>>
      %dma_start3A_259 = arith.constant 0 : i32
      %dma_start3A_260 = arith.constant 0 : i32
      %dma_start3A_261 = tpu.memref_slice %arg6[%run_scoped3A_161, %dma_start3A_259, %dma_start3A_260] : memref<2x128x128xf32, #tpu.memory_space<vmem>> -> memref<1x128x128xf32, #tpu.memory_space<vmem>>
      %dma_start3A_262 = tpu.memref_squeeze %dma_start3A_261 : memref<1x128x128xf32, #tpu.memory_space<vmem>> -> memref<128x128xf32, #tpu.memory_space<vmem>>
      %dma_start3A_263 = arith.constant 0 : i32
      %dma_start3A_264 = tpu.memref_slice %arg2[%add3A_160, %dma_start3A_263] : memref<9216x128xf32, #tpu.memory_space<hbm>> -> memref<128x128xf32, #tpu.memory_space<hbm>>
      tpu.enqueue_dma source(%dma_start3A_264 : memref<128x128xf32, #tpu.memory_space<hbm>>) target(%dma_start3A_262 : memref<128x128xf32, #tpu.memory_space<vmem>>) target_semaphore(%run_scoped3A_252 : memref<!tpu.dma_semaphore, #tpu.memory_space<semaphore_mem>>)
      %dma_wait3A_265 = arith.constant 0 : i32
      %dma_wait3A_266 = arith.constant 0 : i32
      %dma_wait3A_267 = tpu.memref_slice %arg6[%run_scoped3A_161, %dma_wait3A_265, %dma_wait3A_266] : memref<2x128x128xf32, #tpu.memory_space<vmem>> -> memref<1x128x128xf32, #tpu.memory_space<vmem>>
      %dma_wait3A_268 = tpu.memref_squeeze %dma_wait3A_267 : memref<1x128x128xf32, #tpu.memory_space<vmem>> -> memref<128x128xf32, #tpu.memory_space<vmem>>
      %dma_wait3A_269 = arith.constant 0 : i32
      %dma_wait3A_270 = tpu.memref_slice %arg2[%add3A_160, %dma_wait3A_269] : memref<9216x128xf32, #tpu.memory_space<hbm>> -> memref<128x128xf32, #tpu.memory_space<hbm>>
      %dma_wait3A_271 = arith.constant 0 : i32
      %dma_wait3A_272 = arith.constant 0 : i32
      %dma_wait3A_273 = tpu.memref_slice %arg6[%run_scoped3A_161, %dma_wait3A_271, %dma_wait3A_272] : memref<2x128x128xf32, #tpu.memory_space<vmem>> -> memref<1x128x128xf32, #tpu.memory_space<vmem>>
      %dma_wait3A_274 = tpu.memref_squeeze %dma_wait3A_273 : memref<1x128x128xf32, #tpu.memory_space<vmem>> -> memref<128x128xf32, #tpu.memory_space<vmem>>
      %dma_wait3A_275 = arith.constant 0 : i32
      %dma_wait3A_276 = tpu.memref_slice %arg2[%add3A_160, %dma_wait3A_275] : memref<9216x128xf32, #tpu.memory_space<hbm>> -> memref<128x128xf32, #tpu.memory_space<hbm>>
      tpu.wait_dma2 semaphore(%run_scoped3A_252 : memref<!tpu.dma_semaphore, #tpu.memory_space<semaphore_mem>>) src(%dma_wait3A_276 : memref<128x128xf32, #tpu.memory_space<hbm>>) dst(%dma_wait3A_274 : memref<128x128xf32, #tpu.memory_space<vmem>>)
      tpu.yield
    }) : () -> ()
    %dma_start3A_162 = arith.constant 0 : i32
    %dma_start3A_163 = arith.constant 6 : i32
    %dma_start3A_164 = arith.constant 0 : i32
    %dma_start3A_165 = arith.constant 0 : i32
    %dma_start3A_166 = tpu.memref_slice %arg6[%dma_start3A_162, %dma_start3A_164, %dma_start3A_165] : memref<2x128x128xf32, #tpu.memory_space<vmem>> -> memref<1x128x128xf32, #tpu.memory_space<vmem>>
    %dma_start3A_167 = tpu.memref_squeeze %dma_start3A_166 : memref<1x128x128xf32, #tpu.memory_space<vmem>> -> memref<128x128xf32, #tpu.memory_space<vmem>>
    %dma_start3A_168 = arith.constant 0 : i32
    %dma_start3A_169 = tpu.memref_slice %arg5[%dma_start3A_163, %dma_start3A_168] : memref<9x128xi32, #tpu.memory_space<vmem>> -> memref<1x128xi32, #tpu.memory_space<vmem>>
    %dma_start3A_170 = tpu.memref_squeeze %dma_start3A_169 : memref<1x128xi32, #tpu.memory_space<vmem>> -> memref<128xi32, #tpu.memory_space<vmem>>
    %dma_start3A_171 = arith.constant 0 : i32
    %dma_start3A_172 = arith.constant 0 : i32
    %dma_start3A_173 = tpu.memref_slice %arg4[%dma_start3A_171, %dma_start3A_172] : memref<36864x128xf32, #tpu.memory_space<hbm>> -> memref<36864x128xf32, #tpu.memory_space<hbm>>
    tpu.enqueue_indirect_dma source(%dma_start3A_167 : memref<128x128xf32, #tpu.memory_space<vmem>>) target(%dma_start3A_173 : memref<36864x128xf32, #tpu.memory_space<hbm>>) offsets(%dma_start3A_170 : memref<128xi32, #tpu.memory_space<vmem>>) semaphore(%arg7 : memref<!tpu.dma_semaphore, #tpu.memory_space<semaphore_mem>>)
    %dma_wait3A_174 = arith.constant 1 : i32
    %dma_wait3A_175 = arith.constant 5 : i32
    %dma_wait3A_176 = arith.constant 0 : i32
    %dma_wait3A_177 = arith.constant 0 : i32
    %dma_wait3A_178 = tpu.memref_slice %arg6[%dma_wait3A_174, %dma_wait3A_176, %dma_wait3A_177] : memref<2x128x128xf32, #tpu.memory_space<vmem>> -> memref<1x128x128xf32, #tpu.memory_space<vmem>>
    %dma_wait3A_179 = tpu.memref_squeeze %dma_wait3A_178 : memref<1x128x128xf32, #tpu.memory_space<vmem>> -> memref<128x128xf32, #tpu.memory_space<vmem>>
    %dma_wait3A_180 = arith.constant 0 : i32
    %dma_wait3A_181 = tpu.memref_slice %arg5[%dma_wait3A_175, %dma_wait3A_180] : memref<9x128xi32, #tpu.memory_space<vmem>> -> memref<1x128xi32, #tpu.memory_space<vmem>>
    %dma_wait3A_182 = tpu.memref_squeeze %dma_wait3A_181 : memref<1x128xi32, #tpu.memory_space<vmem>> -> memref<128xi32, #tpu.memory_space<vmem>>
    %dma_wait3A_183 = arith.constant 0 : i32
    %dma_wait3A_184 = arith.constant 0 : i32
    %dma_wait3A_185 = tpu.memref_slice %arg4[%dma_wait3A_183, %dma_wait3A_184] : memref<36864x128xf32, #tpu.memory_space<hbm>> -> memref<36864x128xf32, #tpu.memory_space<hbm>>
    tpu.wait_indirect_dma semaphore(%arg7 : memref<!tpu.dma_semaphore, #tpu.memory_space<semaphore_mem>>) src(%dma_wait3A_179 : memref<128x128xf32, #tpu.memory_space<vmem>>) dst(%dma_wait3A_185 : memref<36864x128xf32, #tpu.memory_space<hbm>>)
    %add3A_186 = arith.constant 896 : i32
    %add3A_187 = arith.addi %mul3A_11, %add3A_186 : i32
    %run_scoped3A_188 = arith.constant 1 : i32
    "tpu.region"() ({
      %run_scoped3A_252 = tpu.sem_alloc : memref<!tpu.dma_semaphore, #tpu.memory_space<semaphore_mem>>
      %dma_start3A_253 = arith.constant 0 : i32
      %dma_start3A_254 = arith.constant 0 : i32
      %dma_start3A_255 = tpu.memref_slice %arg6[%run_scoped3A_188, %dma_start3A_253, %dma_start3A_254] : memref<2x128x128xf32, #tpu.memory_space<vmem>> -> memref<1x128x128xf32, #tpu.memory_space<vmem>>
      %dma_start3A_256 = tpu.memref_squeeze %dma_start3A_255 : memref<1x128x128xf32, #tpu.memory_space<vmem>> -> memref<128x128xf32, #tpu.memory_space<vmem>>
      %dma_start3A_257 = arith.constant 0 : i32
      %dma_start3A_258 = tpu.memref_slice %arg2[%add3A_187, %dma_start3A_257] : memref<9216x128xf32, #tpu.memory_space<hbm>> -> memref<128x128xf32, #tpu.memory_space<hbm>>
      %dma_start3A_259 = arith.constant 0 : i32
      %dma_start3A_260 = arith.constant 0 : i32
      %dma_start3A_261 = tpu.memref_slice %arg6[%run_scoped3A_188, %dma_start3A_259, %dma_start3A_260] : memref<2x128x128xf32, #tpu.memory_space<vmem>> -> memref<1x128x128xf32, #tpu.memory_space<vmem>>
      %dma_start3A_262 = tpu.memref_squeeze %dma_start3A_261 : memref<1x128x128xf32, #tpu.memory_space<vmem>> -> memref<128x128xf32, #tpu.memory_space<vmem>>
      %dma_start3A_263 = arith.constant 0 : i32
      %dma_start3A_264 = tpu.memref_slice %arg2[%add3A_187, %dma_start3A_263] : memref<9216x128xf32, #tpu.memory_space<hbm>> -> memref<128x128xf32, #tpu.memory_space<hbm>>
      tpu.enqueue_dma source(%dma_start3A_264 : memref<128x128xf32, #tpu.memory_space<hbm>>) target(%dma_start3A_262 : memref<128x128xf32, #tpu.memory_space<vmem>>) target_semaphore(%run_scoped3A_252 : memref<!tpu.dma_semaphore, #tpu.memory_space<semaphore_mem>>)
      %dma_wait3A_265 = arith.constant 0 : i32
      %dma_wait3A_266 = arith.constant 0 : i32
      %dma_wait3A_267 = tpu.memref_slice %arg6[%run_scoped3A_188, %dma_wait3A_265, %dma_wait3A_266] : memref<2x128x128xf32, #tpu.memory_space<vmem>> -> memref<1x128x128xf32, #tpu.memory_space<vmem>>
      %dma_wait3A_268 = tpu.memref_squeeze %dma_wait3A_267 : memref<1x128x128xf32, #tpu.memory_space<vmem>> -> memref<128x128xf32, #tpu.memory_space<vmem>>
      %dma_wait3A_269 = arith.constant 0 : i32
      %dma_wait3A_270 = tpu.memref_slice %arg2[%add3A_187, %dma_wait3A_269] : memref<9216x128xf32, #tpu.memory_space<hbm>> -> memref<128x128xf32, #tpu.memory_space<hbm>>
      %dma_wait3A_271 = arith.constant 0 : i32
      %dma_wait3A_272 = arith.constant 0 : i32
      %dma_wait3A_273 = tpu.memref_slice %arg6[%run_scoped3A_188, %dma_wait3A_271, %dma_wait3A_272] : memref<2x128x128xf32, #tpu.memory_space<vmem>> -> memref<1x128x128xf32, #tpu.memory_space<vmem>>
      %dma_wait3A_274 = tpu.memref_squeeze %dma_wait3A_273 : memref<1x128x128xf32, #tpu.memory_space<vmem>> -> memref<128x128xf32, #tpu.memory_space<vmem>>
      %dma_wait3A_275 = arith.constant 0 : i32
      %dma_wait3A_276 = tpu.memref_slice %arg2[%add3A_187, %dma_wait3A_275] : memref<9216x128xf32, #tpu.memory_space<hbm>> -> memref<128x128xf32, #tpu.memory_space<hbm>>
      tpu.wait_dma2 semaphore(%run_scoped3A_252 : memref<!tpu.dma_semaphore, #tpu.memory_space<semaphore_mem>>) src(%dma_wait3A_276 : memref<128x128xf32, #tpu.memory_space<hbm>>) dst(%dma_wait3A_274 : memref<128x128xf32, #tpu.memory_space<vmem>>)
      tpu.yield
    }) : () -> ()
    %dma_start3A_189 = arith.constant 1 : i32
    %dma_start3A_190 = arith.constant 7 : i32
    %dma_start3A_191 = arith.constant 0 : i32
    %dma_start3A_192 = arith.constant 0 : i32
    %dma_start3A_193 = tpu.memref_slice %arg6[%dma_start3A_189, %dma_start3A_191, %dma_start3A_192] : memref<2x128x128xf32, #tpu.memory_space<vmem>> -> memref<1x128x128xf32, #tpu.memory_space<vmem>>
    %dma_start3A_194 = tpu.memref_squeeze %dma_start3A_193 : memref<1x128x128xf32, #tpu.memory_space<vmem>> -> memref<128x128xf32, #tpu.memory_space<vmem>>
    %dma_start3A_195 = arith.constant 0 : i32
    %dma_start3A_196 = tpu.memref_slice %arg5[%dma_start3A_190, %dma_start3A_195] : memref<9x128xi32, #tpu.memory_space<vmem>> -> memref<1x128xi32, #tpu.memory_space<vmem>>
    %dma_start3A_197 = tpu.memref_squeeze %dma_start3A_196 : memref<1x128xi32, #tpu.memory_space<vmem>> -> memref<128xi32, #tpu.memory_space<vmem>>
    %dma_start3A_198 = arith.constant 0 : i32
    %dma_start3A_199 = arith.constant 0 : i32
    %dma_start3A_200 = tpu.memref_slice %arg4[%dma_start3A_198, %dma_start3A_199] : memref<36864x128xf32, #tpu.memory_space<hbm>> -> memref<36864x128xf32, #tpu.memory_space<hbm>>
    tpu.enqueue_indirect_dma source(%dma_start3A_194 : memref<128x128xf32, #tpu.memory_space<vmem>>) target(%dma_start3A_200 : memref<36864x128xf32, #tpu.memory_space<hbm>>) offsets(%dma_start3A_197 : memref<128xi32, #tpu.memory_space<vmem>>) semaphore(%arg7 : memref<!tpu.dma_semaphore, #tpu.memory_space<semaphore_mem>>)
    %dma_wait3A_201 = arith.constant 0 : i32
    %dma_wait3A_202 = arith.constant 6 : i32
    %dma_wait3A_203 = arith.constant 0 : i32
    %dma_wait3A_204 = arith.constant 0 : i32
    %dma_wait3A_205 = tpu.memref_slice %arg6[%dma_wait3A_201, %dma_wait3A_203, %dma_wait3A_204] : memref<2x128x128xf32, #tpu.memory_space<vmem>> -> memref<1x128x128xf32, #tpu.memory_space<vmem>>
    %dma_wait3A_206 = tpu.memref_squeeze %dma_wait3A_205 : memref<1x128x128xf32, #tpu.memory_space<vmem>> -> memref<128x128xf32, #tpu.memory_space<vmem>>
    %dma_wait3A_207 = arith.constant 0 : i32
    %dma_wait3A_208 = tpu.memref_slice %arg5[%dma_wait3A_202, %dma_wait3A_207] : memref<9x128xi32, #tpu.memory_space<vmem>> -> memref<1x128xi32, #tpu.memory_space<vmem>>
    %dma_wait3A_209 = tpu.memref_squeeze %dma_wait3A_208 : memref<1x128xi32, #tpu.memory_space<vmem>> -> memref<128xi32, #tpu.memory_space<vmem>>
    %dma_wait3A_210 = arith.constant 0 : i32
    %dma_wait3A_211 = arith.constant 0 : i32
    %dma_wait3A_212 = tpu.memref_slice %arg4[%dma_wait3A_210, %dma_wait3A_211] : memref<36864x128xf32, #tpu.memory_space<hbm>> -> memref<36864x128xf32, #tpu.memory_space<hbm>>
    tpu.wait_indirect_dma semaphore(%arg7 : memref<!tpu.dma_semaphore, #tpu.memory_space<semaphore_mem>>) src(%dma_wait3A_206 : memref<128x128xf32, #tpu.memory_space<vmem>>) dst(%dma_wait3A_212 : memref<36864x128xf32, #tpu.memory_space<hbm>>)
    %add3A_213 = arith.constant 1024 : i32
    %add3A_214 = arith.addi %mul3A_11, %add3A_213 : i32
    %run_scoped3A_215 = arith.constant 0 : i32
    "tpu.region"() ({
      %run_scoped3A_252 = tpu.sem_alloc : memref<!tpu.dma_semaphore, #tpu.memory_space<semaphore_mem>>
      %dma_start3A_253 = arith.constant 0 : i32
      %dma_start3A_254 = arith.constant 0 : i32
      %dma_start3A_255 = tpu.memref_slice %arg6[%run_scoped3A_215, %dma_start3A_253, %dma_start3A_254] : memref<2x128x128xf32, #tpu.memory_space<vmem>> -> memref<1x128x128xf32, #tpu.memory_space<vmem>>
      %dma_start3A_256 = tpu.memref_squeeze %dma_start3A_255 : memref<1x128x128xf32, #tpu.memory_space<vmem>> -> memref<128x128xf32, #tpu.memory_space<vmem>>
      %dma_start3A_257 = arith.constant 0 : i32
      %dma_start3A_258 = tpu.memref_slice %arg2[%add3A_214, %dma_start3A_257] : memref<9216x128xf32, #tpu.memory_space<hbm>> -> memref<128x128xf32, #tpu.memory_space<hbm>>
      %dma_start3A_259 = arith.constant 0 : i32
      %dma_start3A_260 = arith.constant 0 : i32
      %dma_start3A_261 = tpu.memref_slice %arg6[%run_scoped3A_215, %dma_start3A_259, %dma_start3A_260] : memref<2x128x128xf32, #tpu.memory_space<vmem>> -> memref<1x128x128xf32, #tpu.memory_space<vmem>>
      %dma_start3A_262 = tpu.memref_squeeze %dma_start3A_261 : memref<1x128x128xf32, #tpu.memory_space<vmem>> -> memref<128x128xf32, #tpu.memory_space<vmem>>
      %dma_start3A_263 = arith.constant 0 : i32
      %dma_start3A_264 = tpu.memref_slice %arg2[%add3A_214, %dma_start3A_263] : memref<9216x128xf32, #tpu.memory_space<hbm>> -> memref<128x128xf32, #tpu.memory_space<hbm>>
      tpu.enqueue_dma source(%dma_start3A_264 : memref<128x128xf32, #tpu.memory_space<hbm>>) target(%dma_start3A_262 : memref<128x128xf32, #tpu.memory_space<vmem>>) target_semaphore(%run_scoped3A_252 : memref<!tpu.dma_semaphore, #tpu.memory_space<semaphore_mem>>)
      %dma_wait3A_265 = arith.constant 0 : i32
      %dma_wait3A_266 = arith.constant 0 : i32
      %dma_wait3A_267 = tpu.memref_slice %arg6[%run_scoped3A_215, %dma_wait3A_265, %dma_wait3A_266] : memref<2x128x128xf32, #tpu.memory_space<vmem>> -> memref<1x128x128xf32, #tpu.memory_space<vmem>>
      %dma_wait3A_268 = tpu.memref_squeeze %dma_wait3A_267 : memref<1x128x128xf32, #tpu.memory_space<vmem>> -> memref<128x128xf32, #tpu.memory_space<vmem>>
      %dma_wait3A_269 = arith.constant 0 : i32
      %dma_wait3A_270 = tpu.memref_slice %arg2[%add3A_214, %dma_wait3A_269] : memref<9216x128xf32, #tpu.memory_space<hbm>> -> memref<128x128xf32, #tpu.memory_space<hbm>>
      %dma_wait3A_271 = arith.constant 0 : i32
      %dma_wait3A_272 = arith.constant 0 : i32
      %dma_wait3A_273 = tpu.memref_slice %arg6[%run_scoped3A_215, %dma_wait3A_271, %dma_wait3A_272] : memref<2x128x128xf32, #tpu.memory_space<vmem>> -> memref<1x128x128xf32, #tpu.memory_space<vmem>>
      %dma_wait3A_274 = tpu.memref_squeeze %dma_wait3A_273 : memref<1x128x128xf32, #tpu.memory_space<vmem>> -> memref<128x128xf32, #tpu.memory_space<vmem>>
      %dma_wait3A_275 = arith.constant 0 : i32
      %dma_wait3A_276 = tpu.memref_slice %arg2[%add3A_214, %dma_wait3A_275] : memref<9216x128xf32, #tpu.memory_space<hbm>> -> memref<128x128xf32, #tpu.memory_space<hbm>>
      tpu.wait_dma2 semaphore(%run_scoped3A_252 : memref<!tpu.dma_semaphore, #tpu.memory_space<semaphore_mem>>) src(%dma_wait3A_276 : memref<128x128xf32, #tpu.memory_space<hbm>>) dst(%dma_wait3A_274 : memref<128x128xf32, #tpu.memory_space<vmem>>)
      tpu.yield
    }) : () -> ()
    %dma_start3A_216 = arith.constant 0 : i32
    %dma_start3A_217 = arith.constant 8 : i32
    %dma_start3A_218 = arith.constant 0 : i32
    %dma_start3A_219 = arith.constant 0 : i32
    %dma_start3A_220 = tpu.memref_slice %arg6[%dma_start3A_216, %dma_start3A_218, %dma_start3A_219] : memref<2x128x128xf32, #tpu.memory_space<vmem>> -> memref<1x128x128xf32, #tpu.memory_space<vmem>>
    %dma_start3A_221 = tpu.memref_squeeze %dma_start3A_220 : memref<1x128x128xf32, #tpu.memory_space<vmem>> -> memref<128x128xf32, #tpu.memory_space<vmem>>
    %dma_start3A_222 = arith.constant 0 : i32
    %dma_start3A_223 = tpu.memref_slice %arg5[%dma_start3A_217, %dma_start3A_222] : memref<9x128xi32, #tpu.memory_space<vmem>> -> memref<1x128xi32, #tpu.memory_space<vmem>>
    %dma_start3A_224 = tpu.memref_squeeze %dma_start3A_223 : memref<1x128xi32, #tpu.memory_space<vmem>> -> memref<128xi32, #tpu.memory_space<vmem>>
    %dma_start3A_225 = arith.constant 0 : i32
    %dma_start3A_226 = arith.constant 0 : i32
    %dma_start3A_227 = tpu.memref_slice %arg4[%dma_start3A_225, %dma_start3A_226] : memref<36864x128xf32, #tpu.memory_space<hbm>> -> memref<36864x128xf32, #tpu.memory_space<hbm>>
    tpu.enqueue_indirect_dma source(%dma_start3A_221 : memref<128x128xf32, #tpu.memory_space<vmem>>) target(%dma_start3A_227 : memref<36864x128xf32, #tpu.memory_space<hbm>>) offsets(%dma_start3A_224 : memref<128xi32, #tpu.memory_space<vmem>>) semaphore(%arg7 : memref<!tpu.dma_semaphore, #tpu.memory_space<semaphore_mem>>)
    %dma_wait3A_228 = arith.constant 1 : i32
    %dma_wait3A_229 = arith.constant 7 : i32
    %dma_wait3A_230 = arith.constant 0 : i32
    %dma_wait3A_231 = arith.constant 0 : i32
    %dma_wait3A_232 = tpu.memref_slice %arg6[%dma_wait3A_228, %dma_wait3A_230, %dma_wait3A_231] : memref<2x128x128xf32, #tpu.memory_space<vmem>> -> memref<1x128x128xf32, #tpu.memory_space<vmem>>
    %dma_wait3A_233 = tpu.memref_squeeze %dma_wait3A_232 : memref<1x128x128xf32, #tpu.memory_space<vmem>> -> memref<128x128xf32, #tpu.memory_space<vmem>>
    %dma_wait3A_234 = arith.constant 0 : i32
    %dma_wait3A_235 = tpu.memref_slice %arg5[%dma_wait3A_229, %dma_wait3A_234] : memref<9x128xi32, #tpu.memory_space<vmem>> -> memref<1x128xi32, #tpu.memory_space<vmem>>
    %dma_wait3A_236 = tpu.memref_squeeze %dma_wait3A_235 : memref<1x128xi32, #tpu.memory_space<vmem>> -> memref<128xi32, #tpu.memory_space<vmem>>
    %dma_wait3A_237 = arith.constant 0 : i32
    %dma_wait3A_238 = arith.constant 0 : i32
    %dma_wait3A_239 = tpu.memref_slice %arg4[%dma_wait3A_237, %dma_wait3A_238] : memref<36864x128xf32, #tpu.memory_space<hbm>> -> memref<36864x128xf32, #tpu.memory_space<hbm>>
    tpu.wait_indirect_dma semaphore(%arg7 : memref<!tpu.dma_semaphore, #tpu.memory_space<semaphore_mem>>) src(%dma_wait3A_233 : memref<128x128xf32, #tpu.memory_space<vmem>>) dst(%dma_wait3A_239 : memref<36864x128xf32, #tpu.memory_space<hbm>>)
    %dma_wait3A_240 = arith.constant 0 : i32
    %dma_wait3A_241 = arith.constant 8 : i32
    %dma_wait3A_242 = arith.constant 0 : i32
    %dma_wait3A_243 = arith.constant 0 : i32
    %dma_wait3A_244 = tpu.memref_slice %arg6[%dma_wait3A_240, %dma_wait3A_242, %dma_wait3A_243] : memref<2x128x128xf32, #tpu.memory_space<vmem>> -> memref<1x128x128xf32, #tpu.memory_space<vmem>>
    %dma_wait3A_245 = tpu.memref_squeeze %dma_wait3A_244 : memref<1x128x128xf32, #tpu.memory_space<vmem>> -> memref<128x128xf32, #tpu.memory_space<vmem>>
    %dma_wait3A_246 = arith.constant 0 : i32
    %dma_wait3A_247 = tpu.memref_slice %arg5[%dma_wait3A_241, %dma_wait3A_246] : memref<9x128xi32, #tpu.memory_space<vmem>> -> memref<1x128xi32, #tpu.memory_space<vmem>>
    %dma_wait3A_248 = tpu.memref_squeeze %dma_wait3A_247 : memref<1x128xi32, #tpu.memory_space<vmem>> -> memref<128xi32, #tpu.memory_space<vmem>>
    %dma_wait3A_249 = arith.constant 0 : i32
    %dma_wait3A_250 = arith.constant 0 : i32
    %dma_wait3A_251 = tpu.memref_slice %arg4[%dma_wait3A_249, %dma_wait3A_250] : memref<36864x128xf32, #tpu.memory_space<hbm>> -> memref<36864x128xf32, #tpu.memory_space<hbm>>
    tpu.wait_indirect_dma semaphore(%arg7 : memref<!tpu.dma_semaphore, #tpu.memory_space<semaphore_mem>>) src(%dma_wait3A_245 : memref<128x128xf32, #tpu.memory_space<vmem>>) dst(%dma_wait3A_251 : memref<36864x128xf32, #tpu.memory_space<hbm>>)
    return
  }
}

module attributes {stable_mosaic.version = 14 : i64} {
  func.func @_embed_body(%arg0: i32, %arg1: memref<13936x96xf32, #tpu.memory_space<vmem>>, %arg2: memref<27x96x24xf32, #tpu.memory_space<vmem>>, %arg3: memref<96x96xf32, #tpu.memory_space<vmem>>, %arg4: memref<24x128xf32, #tpu.memory_space<vmem>>, %arg5: memref<1x24xf32, #tpu.memory_space<vmem>>, %arg6: memref<1x96xf32, #tpu.memory_space<vmem>>, %arg7: memref<1152x128xf32, #tpu.memory_space<vmem>>, %arg8: memref<1152x8xi32, #tpu.memory_space<vmem>>) attributes {dimension_semantics = [#tpu.dimension_semantics<arbitrary>], iteration_bounds = array<i64: 8>, scalar_prefetch = 0 : i64, scratch_operands = 0 : i64, tpu.core_type = #tpu.core_type<tc>, window_params = [{pipeline_mode = #tpu.pipeline_mode<synchronous>, transform_indices = @transform_0, window_bounds = array<i64: 13936, 96>}, {pipeline_mode = #tpu.pipeline_mode<synchronous>, transform_indices = @transform_1, window_bounds = array<i64: 27, 96, 24>}, {pipeline_mode = #tpu.pipeline_mode<synchronous>, transform_indices = @transform_2, window_bounds = array<i64: 96, 96>}, {pipeline_mode = #tpu.pipeline_mode<synchronous>, transform_indices = @transform_3, window_bounds = array<i64: 24, 128>}, {pipeline_mode = #tpu.pipeline_mode<synchronous>, transform_indices = @transform_4, window_bounds = array<i64: 1, 24>}, {pipeline_mode = #tpu.pipeline_mode<synchronous>, transform_indices = @transform_5, window_bounds = array<i64: 1, 96>}, {transform_indices = @transform_6, window_bounds = array<i64: 1152, 128>}, {transform_indices = @transform_7, window_bounds = array<i64: 1152, 8>}]} {
    %mul3A = arith.constant 1152 : i32
    %mul3A_0 = arith.muli %arg0, %mul3A : i32
    %iota3A = tpu.iota {dimensions = array<i32: 0>} : vector<1152x1xi32>
    %add3A = vector.broadcast %mul3A_0 : i32 to vector<1152x1xi32>
    %add3A_1 = arith.addi %add3A, %iota3A : vector<1152x1xi32>
    %jit3A = arith.constant 48 : i32
    %eq3A = arith.constant 0 : i32
    %eq3A_2 = arith.cmpi eq, %jit3A, %eq3A : i32
    %jit3A_3 = arith.constant 1 : i32
    %select_n3A = arith.select %eq3A_2, %jit3A_3, %jit3A : i32
    %rem3A = vector.broadcast %select_n3A : i32 to vector<1152x1xi32>
    %rem3A_4 = arith.remsi %add3A_1, %rem3A : vector<1152x1xi32>
    %ne3A = arith.constant 0 : i32
    %ne3A_5 = vector.broadcast %ne3A : i32 to vector<1152x1xi32>
    %ne3A_6 = arith.cmpi ne, %rem3A_4, %ne3A_5 : vector<1152x1xi32>
    %lt3A = arith.constant 0 : i32
    %lt3A_7 = vector.broadcast %lt3A : i32 to vector<1152x1xi32>
    %lt3A_8 = arith.cmpi slt, %rem3A_4, %lt3A_7 : vector<1152x1xi32>
    %lt3A_9 = arith.constant 0 : i32
    %lt3A_10 = arith.cmpi slt, %select_n3A, %lt3A_9 : i32
    %ne3A_11 = vector.broadcast %lt3A_10 : i1 to vector<1152x1xi1>
    %ne3A_12 = vector.broadcast %ne3A_11 : vector<1152x1xi1> to vector<1152x1xi1>
    %ne3A_13 = arith.xori %lt3A_8, %ne3A_12 : vector<1152x1xi1>
    %and3A = arith.andi %ne3A_13, %ne3A_6 : vector<1152x1xi1>
    %add3A_14 = vector.broadcast %select_n3A : i32 to vector<1152x1xi32>
    %add3A_15 = arith.addi %rem3A_4, %add3A_14 : vector<1152x1xi32>
    %select_n3A_16 = arith.select %and3A, %add3A_15, %rem3A_4 : vector<1152x1xi1>, vector<1152x1xi32>
    %jit3A_17 = arith.constant 48 : i32
    %div3A = vector.broadcast %jit3A_17 : i32 to vector<1152x1xi32>
    %div3A_18 = arith.divsi %add3A_1, %div3A : vector<1152x1xi32>
    %sign3A = arith.constant 0 : i32
    %sign3A_19 = vector.broadcast %sign3A : i32 to vector<1152x1xi32>
    %sign3A_20 = arith.cmpi sgt, %add3A_1, %sign3A_19 : vector<1152x1xi32>
    %sign3A_21 = arith.extui %sign3A_20 : vector<1152x1xi1> to vector<1152x1xi32>
    %sign3A_22 = arith.constant 0 : i32
    %sign3A_23 = vector.broadcast %sign3A_22 : i32 to vector<1152x1xi32>
    %sign3A_24 = arith.cmpi slt, %add3A_1, %sign3A_23 : vector<1152x1xi32>
    %sign3A_25 = arith.extui %sign3A_24 : vector<1152x1xi1> to vector<1152x1xi32>
    %sign3A_26 = arith.subi %sign3A_21, %sign3A_25 : vector<1152x1xi32>
    %sign3A_27 = arith.constant 0 : i32
    %sign3A_28 = arith.cmpi sgt, %jit3A_17, %sign3A_27 : i32
    %sign3A_29 = arith.extui %sign3A_28 : i1 to i32
    %sign3A_30 = arith.constant 0 : i32
    %sign3A_31 = arith.cmpi slt, %jit3A_17, %sign3A_30 : i32
    %sign3A_32 = arith.extui %sign3A_31 : i1 to i32
    %sign3A_33 = arith.subi %sign3A_29, %sign3A_32 : i32
    %ne3A_34 = vector.broadcast %sign3A_33 : i32 to vector<1152x1xi32>
    %ne3A_35 = arith.cmpi ne, %sign3A_26, %ne3A_34 : vector<1152x1xi32>
    %rem3A_36 = vector.broadcast %jit3A_17 : i32 to vector<1152x1xi32>
    %rem3A_37 = arith.remsi %add3A_1, %rem3A_36 : vector<1152x1xi32>
    %ne3A_38 = arith.constant 0 : i32
    %ne3A_39 = vector.broadcast %ne3A_38 : i32 to vector<1152x1xi32>
    %ne3A_40 = arith.cmpi ne, %rem3A_37, %ne3A_39 : vector<1152x1xi32>
    %and3A_41 = arith.andi %ne3A_35, %ne3A_40 : vector<1152x1xi1>
    %sub3A = arith.constant 1 : i32
    %sub3A_42 = vector.broadcast %sub3A : i32 to vector<1152x1xi32>
    %sub3A_43 = arith.subi %div3A_18, %sub3A_42 : vector<1152x1xi32>
    %select_n3A_44 = arith.select %and3A_41, %sub3A_43, %div3A_18 : vector<1152x1xi1>, vector<1152x1xi32>
    %jit3A_45 = arith.constant 48 : i32
    %eq3A_46 = arith.constant 0 : i32
    %eq3A_47 = arith.cmpi eq, %jit3A_45, %eq3A_46 : i32
    %jit3A_48 = arith.constant 1 : i32
    %select_n3A_49 = arith.select %eq3A_47, %jit3A_48, %jit3A_45 : i32
    %rem3A_50 = vector.broadcast %select_n3A_49 : i32 to vector<1152x1xi32>
    %rem3A_51 = arith.remsi %select_n3A_44, %rem3A_50 : vector<1152x1xi32>
    %ne3A_52 = arith.constant 0 : i32
    %ne3A_53 = vector.broadcast %ne3A_52 : i32 to vector<1152x1xi32>
    %ne3A_54 = arith.cmpi ne, %rem3A_51, %ne3A_53 : vector<1152x1xi32>
    %lt3A_55 = arith.constant 0 : i32
    %lt3A_56 = vector.broadcast %lt3A_55 : i32 to vector<1152x1xi32>
    %lt3A_57 = arith.cmpi slt, %rem3A_51, %lt3A_56 : vector<1152x1xi32>
    %lt3A_58 = arith.constant 0 : i32
    %lt3A_59 = arith.cmpi slt, %select_n3A_49, %lt3A_58 : i32
    %ne3A_60 = vector.broadcast %lt3A_59 : i1 to vector<1152x1xi1>
    %ne3A_61 = vector.broadcast %ne3A_60 : vector<1152x1xi1> to vector<1152x1xi1>
    %ne3A_62 = arith.xori %lt3A_57, %ne3A_61 : vector<1152x1xi1>
    %and3A_63 = arith.andi %ne3A_62, %ne3A_54 : vector<1152x1xi1>
    %add3A_64 = vector.broadcast %select_n3A_49 : i32 to vector<1152x1xi32>
    %add3A_65 = arith.addi %rem3A_51, %add3A_64 : vector<1152x1xi32>
    %select_n3A_66 = arith.select %and3A_63, %add3A_65, %rem3A_51 : vector<1152x1xi1>, vector<1152x1xi32>
    %broadcast_in_dim3A = arith.constant 0.000000e+00 : f32
    %broadcast_in_dim3A_67 = vector.broadcast %broadcast_in_dim3A : f32 to vector<1152x24xf32>
    %add3A_68 = arith.constant 7 : i32
    %add3A_69 = arith.addi %add3A_68, %mul3A_0 : i32
    %get3A = arith.index_cast %add3A_69 : i32 to index
    %get3A_70 = arith.constant 0 : index
    %get3A_71 = vector.load %arg1[%get3A, %get3A_70] : memref<13936x96xf32, #tpu.memory_space<vmem>>, vector<1152x96xf32>
    %add3A_72 = arith.constant -1 : i32
    %add3A_73 = vector.broadcast %add3A_72 : i32 to vector<1152x1xi32>
    %add3A_74 = arith.addi %select_n3A_16, %add3A_73 : vector<1152x1xi32>
    %add3A_75 = arith.constant -1 : i32
    %add3A_76 = vector.broadcast %add3A_75 : i32 to vector<1152x1xi32>
    %add3A_77 = arith.addi %select_n3A_66, %add3A_76 : vector<1152x1xi32>
    %ge3A = arith.constant 0 : i32
    %ge3A_78 = vector.broadcast %ge3A : i32 to vector<1152x1xi32>
    %ge3A_79 = arith.cmpi sge, %add3A_74, %ge3A_78 : vector<1152x1xi32>
    %lt3A_80 = arith.constant 48 : i32
    %lt3A_81 = vector.broadcast %lt3A_80 : i32 to vector<1152x1xi32>
    %lt3A_82 = arith.cmpi slt, %add3A_74, %lt3A_81 : vector<1152x1xi32>
    %and3A_83 = arith.andi %ge3A_79, %lt3A_82 : vector<1152x1xi1>
    %ge3A_84 = arith.constant 0 : i32
    %ge3A_85 = vector.broadcast %ge3A_84 : i32 to vector<1152x1xi32>
    %ge3A_86 = arith.cmpi sge, %add3A_77, %ge3A_85 : vector<1152x1xi32>
    %and3A_87 = arith.andi %and3A_83, %ge3A_86 : vector<1152x1xi1>
    %lt3A_88 = arith.constant 48 : i32
    %lt3A_89 = vector.broadcast %lt3A_88 : i32 to vector<1152x1xi32>
    %lt3A_90 = arith.cmpi slt, %add3A_77, %lt3A_89 : vector<1152x1xi32>
    %and3A_91 = arith.andi %and3A_87, %lt3A_90 : vector<1152x1xi1>
    %jit3A_92 = arith.constant 0.000000e+00 : f32
    %broadcast_in_dim3A_93 = vector.shape_cast %and3A_91 : vector<1152x1xi1> to vector<1152x1xi1>
    %broadcast_in_dim3A_94 = vector.broadcast %broadcast_in_dim3A_93 : vector<1152x1xi1> to vector<1152x96xi1>
    %broadcast_in_dim3A_95 = vector.broadcast %jit3A_92 : f32 to vector<1152x96xf32>
    %select_n3A_96 = arith.select %broadcast_in_dim3A_94, %get3A_71, %broadcast_in_dim3A_95 : vector<1152x96xi1>, vector<1152x96xf32>
    %get3A_97 = arith.constant 0 : index
    %get3A_98 = arith.constant 0 : index
    %get3A_99 = arith.constant 0 : index
    %get3A_100 = vector.load %arg2[%get3A_97, %get3A_98, %get3A_99] : memref<27x96x24xf32, #tpu.memory_space<vmem>>, vector<1x96x24xf32>
    %get3A_101 = vector.shape_cast %get3A_100 : vector<1x96x24xf32> to vector<96x24xf32>
    %dot_general3A = arith.constant dense<0.000000e+00> : vector<1152x24xf32>
    %dot_general3A_102 = tpu.matmul %select_n3A_96, %get3A_101, %dot_general3A {dimension_numbers = #tpu.dot_dimension_numbers<[1], [0], [0], [1], [0, 0, 1, 1], [], []>, transpose_lhs_hint = false} : vector<1152x96xf32>, vector<96x24xf32>, vector<1152x24xf32> -> vector<1152x24xf32>
    %add3A_103 = arith.addf %broadcast_in_dim3A_67, %dot_general3A_102 : vector<1152x24xf32>
    %add3A_104 = arith.constant 8 : i32
    %add3A_105 = arith.addi %add3A_104, %mul3A_0 : i32
    %get3A_106 = arith.index_cast %add3A_105 : i32 to index
    %get3A_107 = arith.constant 0 : index
    %get3A_108 = vector.load %arg1[%get3A_106, %get3A_107] : memref<13936x96xf32, #tpu.memory_space<vmem>>, vector<1152x96xf32>
    %add3A_109 = arith.constant 0 : i32
    %add3A_110 = vector.broadcast %add3A_109 : i32 to vector<1152x1xi32>
    %add3A_111 = arith.addi %select_n3A_16, %add3A_110 : vector<1152x1xi32>
    %add3A_112 = arith.constant -1 : i32
    %add3A_113 = vector.broadcast %add3A_112 : i32 to vector<1152x1xi32>
    %add3A_114 = arith.addi %select_n3A_66, %add3A_113 : vector<1152x1xi32>
    %ge3A_115 = arith.constant 0 : i32
    %ge3A_116 = vector.broadcast %ge3A_115 : i32 to vector<1152x1xi32>
    %ge3A_117 = arith.cmpi sge, %add3A_111, %ge3A_116 : vector<1152x1xi32>
    %lt3A_118 = arith.constant 48 : i32
    %lt3A_119 = vector.broadcast %lt3A_118 : i32 to vector<1152x1xi32>
    %lt3A_120 = arith.cmpi slt, %add3A_111, %lt3A_119 : vector<1152x1xi32>
    %and3A_121 = arith.andi %ge3A_117, %lt3A_120 : vector<1152x1xi1>
    %ge3A_122 = arith.constant 0 : i32
    %ge3A_123 = vector.broadcast %ge3A_122 : i32 to vector<1152x1xi32>
    %ge3A_124 = arith.cmpi sge, %add3A_114, %ge3A_123 : vector<1152x1xi32>
    %and3A_125 = arith.andi %and3A_121, %ge3A_124 : vector<1152x1xi1>
    %lt3A_126 = arith.constant 48 : i32
    %lt3A_127 = vector.broadcast %lt3A_126 : i32 to vector<1152x1xi32>
    %lt3A_128 = arith.cmpi slt, %add3A_114, %lt3A_127 : vector<1152x1xi32>
    %and3A_129 = arith.andi %and3A_125, %lt3A_128 : vector<1152x1xi1>
    %jit3A_130 = arith.constant 0.000000e+00 : f32
    %broadcast_in_dim3A_131 = vector.shape_cast %and3A_129 : vector<1152x1xi1> to vector<1152x1xi1>
    %broadcast_in_dim3A_132 = vector.broadcast %broadcast_in_dim3A_131 : vector<1152x1xi1> to vector<1152x96xi1>
    %broadcast_in_dim3A_133 = vector.broadcast %jit3A_130 : f32 to vector<1152x96xf32>
    %select_n3A_134 = arith.select %broadcast_in_dim3A_132, %get3A_108, %broadcast_in_dim3A_133 : vector<1152x96xi1>, vector<1152x96xf32>
    %get3A_135 = arith.constant 1 : index
    %get3A_136 = arith.constant 0 : index
    %get3A_137 = arith.constant 0 : index
    %get3A_138 = vector.load %arg2[%get3A_135, %get3A_136, %get3A_137] : memref<27x96x24xf32, #tpu.memory_space<vmem>>, vector<1x96x24xf32>
    %get3A_139 = vector.shape_cast %get3A_138 : vector<1x96x24xf32> to vector<96x24xf32>
    %dot_general3A_140 = arith.constant dense<0.000000e+00> : vector<1152x24xf32>
    %dot_general3A_141 = tpu.matmul %select_n3A_134, %get3A_139, %dot_general3A_140 {dimension_numbers = #tpu.dot_dimension_numbers<[1], [0], [0], [1], [0, 0, 1, 1], [], []>, transpose_lhs_hint = false} : vector<1152x96xf32>, vector<96x24xf32>, vector<1152x24xf32> -> vector<1152x24xf32>
    %add3A_142 = arith.addf %add3A_103, %dot_general3A_141 : vector<1152x24xf32>
    %add3A_143 = arith.constant 9 : i32
    %add3A_144 = arith.addi %add3A_143, %mul3A_0 : i32
    %get3A_145 = arith.index_cast %add3A_144 : i32 to index
    %get3A_146 = arith.constant 0 : index
    %get3A_147 = vector.load %arg1[%get3A_145, %get3A_146] : memref<13936x96xf32, #tpu.memory_space<vmem>>, vector<1152x96xf32>
    %add3A_148 = arith.constant 1 : i32
    %add3A_149 = vector.broadcast %add3A_148 : i32 to vector<1152x1xi32>
    %add3A_150 = arith.addi %select_n3A_16, %add3A_149 : vector<1152x1xi32>
    %add3A_151 = arith.constant -1 : i32
    %add3A_152 = vector.broadcast %add3A_151 : i32 to vector<1152x1xi32>
    %add3A_153 = arith.addi %select_n3A_66, %add3A_152 : vector<1152x1xi32>
    %ge3A_154 = arith.constant 0 : i32
    %ge3A_155 = vector.broadcast %ge3A_154 : i32 to vector<1152x1xi32>
    %ge3A_156 = arith.cmpi sge, %add3A_150, %ge3A_155 : vector<1152x1xi32>
    %lt3A_157 = arith.constant 48 : i32
    %lt3A_158 = vector.broadcast %lt3A_157 : i32 to vector<1152x1xi32>
    %lt3A_159 = arith.cmpi slt, %add3A_150, %lt3A_158 : vector<1152x1xi32>
    %and3A_160 = arith.andi %ge3A_156, %lt3A_159 : vector<1152x1xi1>
    %ge3A_161 = arith.constant 0 : i32
    %ge3A_162 = vector.broadcast %ge3A_161 : i32 to vector<1152x1xi32>
    %ge3A_163 = arith.cmpi sge, %add3A_153, %ge3A_162 : vector<1152x1xi32>
    %and3A_164 = arith.andi %and3A_160, %ge3A_163 : vector<1152x1xi1>
    %lt3A_165 = arith.constant 48 : i32
    %lt3A_166 = vector.broadcast %lt3A_165 : i32 to vector<1152x1xi32>
    %lt3A_167 = arith.cmpi slt, %add3A_153, %lt3A_166 : vector<1152x1xi32>
    %and3A_168 = arith.andi %and3A_164, %lt3A_167 : vector<1152x1xi1>
    %jit3A_169 = arith.constant 0.000000e+00 : f32
    %broadcast_in_dim3A_170 = vector.shape_cast %and3A_168 : vector<1152x1xi1> to vector<1152x1xi1>
    %broadcast_in_dim3A_171 = vector.broadcast %broadcast_in_dim3A_170 : vector<1152x1xi1> to vector<1152x96xi1>
    %broadcast_in_dim3A_172 = vector.broadcast %jit3A_169 : f32 to vector<1152x96xf32>
    %select_n3A_173 = arith.select %broadcast_in_dim3A_171, %get3A_147, %broadcast_in_dim3A_172 : vector<1152x96xi1>, vector<1152x96xf32>
    %get3A_174 = arith.constant 2 : index
    %get3A_175 = arith.constant 0 : index
    %get3A_176 = arith.constant 0 : index
    %get3A_177 = vector.load %arg2[%get3A_174, %get3A_175, %get3A_176] : memref<27x96x24xf32, #tpu.memory_space<vmem>>, vector<1x96x24xf32>
    %get3A_178 = vector.shape_cast %get3A_177 : vector<1x96x24xf32> to vector<96x24xf32>
    %dot_general3A_179 = arith.constant dense<0.000000e+00> : vector<1152x24xf32>
    %dot_general3A_180 = tpu.matmul %select_n3A_173, %get3A_178, %dot_general3A_179 {dimension_numbers = #tpu.dot_dimension_numbers<[1], [0], [0], [1], [0, 0, 1, 1], [], []>, transpose_lhs_hint = false} : vector<1152x96xf32>, vector<96x24xf32>, vector<1152x24xf32> -> vector<1152x24xf32>
    %add3A_181 = arith.addf %add3A_142, %dot_general3A_180 : vector<1152x24xf32>
    %add3A_182 = arith.constant 55 : i32
    %add3A_183 = arith.addi %add3A_182, %mul3A_0 : i32
    %get3A_184 = arith.index_cast %add3A_183 : i32 to index
    %get3A_185 = arith.constant 0 : index
    %get3A_186 = vector.load %arg1[%get3A_184, %get3A_185] : memref<13936x96xf32, #tpu.memory_space<vmem>>, vector<1152x96xf32>
    %add3A_187 = arith.constant -1 : i32
    %add3A_188 = vector.broadcast %add3A_187 : i32 to vector<1152x1xi32>
    %add3A_189 = arith.addi %select_n3A_16, %add3A_188 : vector<1152x1xi32>
    %add3A_190 = arith.constant 0 : i32
    %add3A_191 = vector.broadcast %add3A_190 : i32 to vector<1152x1xi32>
    %add3A_192 = arith.addi %select_n3A_66, %add3A_191 : vector<1152x1xi32>
    %ge3A_193 = arith.constant 0 : i32
    %ge3A_194 = vector.broadcast %ge3A_193 : i32 to vector<1152x1xi32>
    %ge3A_195 = arith.cmpi sge, %add3A_189, %ge3A_194 : vector<1152x1xi32>
    %lt3A_196 = arith.constant 48 : i32
    %lt3A_197 = vector.broadcast %lt3A_196 : i32 to vector<1152x1xi32>
    %lt3A_198 = arith.cmpi slt, %add3A_189, %lt3A_197 : vector<1152x1xi32>
    %and3A_199 = arith.andi %ge3A_195, %lt3A_198 : vector<1152x1xi1>
    %ge3A_200 = arith.constant 0 : i32
    %ge3A_201 = vector.broadcast %ge3A_200 : i32 to vector<1152x1xi32>
    %ge3A_202 = arith.cmpi sge, %add3A_192, %ge3A_201 : vector<1152x1xi32>
    %and3A_203 = arith.andi %and3A_199, %ge3A_202 : vector<1152x1xi1>
    %lt3A_204 = arith.constant 48 : i32
    %lt3A_205 = vector.broadcast %lt3A_204 : i32 to vector<1152x1xi32>
    %lt3A_206 = arith.cmpi slt, %add3A_192, %lt3A_205 : vector<1152x1xi32>
    %and3A_207 = arith.andi %and3A_203, %lt3A_206 : vector<1152x1xi1>
    %jit3A_208 = arith.constant 0.000000e+00 : f32
    %broadcast_in_dim3A_209 = vector.shape_cast %and3A_207 : vector<1152x1xi1> to vector<1152x1xi1>
    %broadcast_in_dim3A_210 = vector.broadcast %broadcast_in_dim3A_209 : vector<1152x1xi1> to vector<1152x96xi1>
    %broadcast_in_dim3A_211 = vector.broadcast %jit3A_208 : f32 to vector<1152x96xf32>
    %select_n3A_212 = arith.select %broadcast_in_dim3A_210, %get3A_186, %broadcast_in_dim3A_211 : vector<1152x96xi1>, vector<1152x96xf32>
    %get3A_213 = arith.constant 3 : index
    %get3A_214 = arith.constant 0 : index
    %get3A_215 = arith.constant 0 : index
    %get3A_216 = vector.load %arg2[%get3A_213, %get3A_214, %get3A_215] : memref<27x96x24xf32, #tpu.memory_space<vmem>>, vector<1x96x24xf32>
    %get3A_217 = vector.shape_cast %get3A_216 : vector<1x96x24xf32> to vector<96x24xf32>
    %dot_general3A_218 = arith.constant dense<0.000000e+00> : vector<1152x24xf32>
    %dot_general3A_219 = tpu.matmul %select_n3A_212, %get3A_217, %dot_general3A_218 {dimension_numbers = #tpu.dot_dimension_numbers<[1], [0], [0], [1], [0, 0, 1, 1], [], []>, transpose_lhs_hint = false} : vector<1152x96xf32>, vector<96x24xf32>, vector<1152x24xf32> -> vector<1152x24xf32>
    %add3A_220 = arith.addf %add3A_181, %dot_general3A_219 : vector<1152x24xf32>
    %add3A_221 = arith.constant 56 : i32
    %add3A_222 = arith.addi %add3A_221, %mul3A_0 : i32
    %get3A_223 = arith.index_cast %add3A_222 : i32 to index
    %get3A_224 = arith.constant 0 : index
    %get3A_225 = vector.load %arg1[%get3A_223, %get3A_224] : memref<13936x96xf32, #tpu.memory_space<vmem>>, vector<1152x96xf32>
    %add3A_226 = arith.constant 0 : i32
    %add3A_227 = vector.broadcast %add3A_226 : i32 to vector<1152x1xi32>
    %add3A_228 = arith.addi %select_n3A_16, %add3A_227 : vector<1152x1xi32>
    %add3A_229 = arith.constant 0 : i32
    %add3A_230 = vector.broadcast %add3A_229 : i32 to vector<1152x1xi32>
    %add3A_231 = arith.addi %select_n3A_66, %add3A_230 : vector<1152x1xi32>
    %ge3A_232 = arith.constant 0 : i32
    %ge3A_233 = vector.broadcast %ge3A_232 : i32 to vector<1152x1xi32>
    %ge3A_234 = arith.cmpi sge, %add3A_228, %ge3A_233 : vector<1152x1xi32>
    %lt3A_235 = arith.constant 48 : i32
    %lt3A_236 = vector.broadcast %lt3A_235 : i32 to vector<1152x1xi32>
    %lt3A_237 = arith.cmpi slt, %add3A_228, %lt3A_236 : vector<1152x1xi32>
    %and3A_238 = arith.andi %ge3A_234, %lt3A_237 : vector<1152x1xi1>
    %ge3A_239 = arith.constant 0 : i32
    %ge3A_240 = vector.broadcast %ge3A_239 : i32 to vector<1152x1xi32>
    %ge3A_241 = arith.cmpi sge, %add3A_231, %ge3A_240 : vector<1152x1xi32>
    %and3A_242 = arith.andi %and3A_238, %ge3A_241 : vector<1152x1xi1>
    %lt3A_243 = arith.constant 48 : i32
    %lt3A_244 = vector.broadcast %lt3A_243 : i32 to vector<1152x1xi32>
    %lt3A_245 = arith.cmpi slt, %add3A_231, %lt3A_244 : vector<1152x1xi32>
    %and3A_246 = arith.andi %and3A_242, %lt3A_245 : vector<1152x1xi1>
    %jit3A_247 = arith.constant 0.000000e+00 : f32
    %broadcast_in_dim3A_248 = vector.shape_cast %and3A_246 : vector<1152x1xi1> to vector<1152x1xi1>
    %broadcast_in_dim3A_249 = vector.broadcast %broadcast_in_dim3A_248 : vector<1152x1xi1> to vector<1152x96xi1>
    %broadcast_in_dim3A_250 = vector.broadcast %jit3A_247 : f32 to vector<1152x96xf32>
    %select_n3A_251 = arith.select %broadcast_in_dim3A_249, %get3A_225, %broadcast_in_dim3A_250 : vector<1152x96xi1>, vector<1152x96xf32>
    %get3A_252 = arith.constant 4 : index
    %get3A_253 = arith.constant 0 : index
    %get3A_254 = arith.constant 0 : index
    %get3A_255 = vector.load %arg2[%get3A_252, %get3A_253, %get3A_254] : memref<27x96x24xf32, #tpu.memory_space<vmem>>, vector<1x96x24xf32>
    %get3A_256 = vector.shape_cast %get3A_255 : vector<1x96x24xf32> to vector<96x24xf32>
    %dot_general3A_257 = arith.constant dense<0.000000e+00> : vector<1152x24xf32>
    %dot_general3A_258 = tpu.matmul %select_n3A_251, %get3A_256, %dot_general3A_257 {dimension_numbers = #tpu.dot_dimension_numbers<[1], [0], [0], [1], [0, 0, 1, 1], [], []>, transpose_lhs_hint = false} : vector<1152x96xf32>, vector<96x24xf32>, vector<1152x24xf32> -> vector<1152x24xf32>
    %add3A_259 = arith.addf %add3A_220, %dot_general3A_258 : vector<1152x24xf32>
    %add3A_260 = arith.constant 57 : i32
    %add3A_261 = arith.addi %add3A_260, %mul3A_0 : i32
    %get3A_262 = arith.index_cast %add3A_261 : i32 to index
    %get3A_263 = arith.constant 0 : index
    %get3A_264 = vector.load %arg1[%get3A_262, %get3A_263] : memref<13936x96xf32, #tpu.memory_space<vmem>>, vector<1152x96xf32>
    %add3A_265 = arith.constant 1 : i32
    %add3A_266 = vector.broadcast %add3A_265 : i32 to vector<1152x1xi32>
    %add3A_267 = arith.addi %select_n3A_16, %add3A_266 : vector<1152x1xi32>
    %add3A_268 = arith.constant 0 : i32
    %add3A_269 = vector.broadcast %add3A_268 : i32 to vector<1152x1xi32>
    %add3A_270 = arith.addi %select_n3A_66, %add3A_269 : vector<1152x1xi32>
    %ge3A_271 = arith.constant 0 : i32
    %ge3A_272 = vector.broadcast %ge3A_271 : i32 to vector<1152x1xi32>
    %ge3A_273 = arith.cmpi sge, %add3A_267, %ge3A_272 : vector<1152x1xi32>
    %lt3A_274 = arith.constant 48 : i32
    %lt3A_275 = vector.broadcast %lt3A_274 : i32 to vector<1152x1xi32>
    %lt3A_276 = arith.cmpi slt, %add3A_267, %lt3A_275 : vector<1152x1xi32>
    %and3A_277 = arith.andi %ge3A_273, %lt3A_276 : vector<1152x1xi1>
    %ge3A_278 = arith.constant 0 : i32
    %ge3A_279 = vector.broadcast %ge3A_278 : i32 to vector<1152x1xi32>
    %ge3A_280 = arith.cmpi sge, %add3A_270, %ge3A_279 : vector<1152x1xi32>
    %and3A_281 = arith.andi %and3A_277, %ge3A_280 : vector<1152x1xi1>
    %lt3A_282 = arith.constant 48 : i32
    %lt3A_283 = vector.broadcast %lt3A_282 : i32 to vector<1152x1xi32>
    %lt3A_284 = arith.cmpi slt, %add3A_270, %lt3A_283 : vector<1152x1xi32>
    %and3A_285 = arith.andi %and3A_281, %lt3A_284 : vector<1152x1xi1>
    %jit3A_286 = arith.constant 0.000000e+00 : f32
    %broadcast_in_dim3A_287 = vector.shape_cast %and3A_285 : vector<1152x1xi1> to vector<1152x1xi1>
    %broadcast_in_dim3A_288 = vector.broadcast %broadcast_in_dim3A_287 : vector<1152x1xi1> to vector<1152x96xi1>
    %broadcast_in_dim3A_289 = vector.broadcast %jit3A_286 : f32 to vector<1152x96xf32>
    %select_n3A_290 = arith.select %broadcast_in_dim3A_288, %get3A_264, %broadcast_in_dim3A_289 : vector<1152x96xi1>, vector<1152x96xf32>
    %get3A_291 = arith.constant 5 : index
    %get3A_292 = arith.constant 0 : index
    %get3A_293 = arith.constant 0 : index
    %get3A_294 = vector.load %arg2[%get3A_291, %get3A_292, %get3A_293] : memref<27x96x24xf32, #tpu.memory_space<vmem>>, vector<1x96x24xf32>
    %get3A_295 = vector.shape_cast %get3A_294 : vector<1x96x24xf32> to vector<96x24xf32>
    %dot_general3A_296 = arith.constant dense<0.000000e+00> : vector<1152x24xf32>
    %dot_general3A_297 = tpu.matmul %select_n3A_290, %get3A_295, %dot_general3A_296 {dimension_numbers = #tpu.dot_dimension_numbers<[1], [0], [0], [1], [0, 0, 1, 1], [], []>, transpose_lhs_hint = false} : vector<1152x96xf32>, vector<96x24xf32>, vector<1152x24xf32> -> vector<1152x24xf32>
    %add3A_298 = arith.addf %add3A_259, %dot_general3A_297 : vector<1152x24xf32>
    %add3A_299 = arith.constant 103 : i32
    %add3A_300 = arith.addi %add3A_299, %mul3A_0 : i32
    %get3A_301 = arith.index_cast %add3A_300 : i32 to index
    %get3A_302 = arith.constant 0 : index
    %get3A_303 = vector.load %arg1[%get3A_301, %get3A_302] : memref<13936x96xf32, #tpu.memory_space<vmem>>, vector<1152x96xf32>
    %add3A_304 = arith.constant -1 : i32
    %add3A_305 = vector.broadcast %add3A_304 : i32 to vector<1152x1xi32>
    %add3A_306 = arith.addi %select_n3A_16, %add3A_305 : vector<1152x1xi32>
    %add3A_307 = arith.constant 1 : i32
    %add3A_308 = vector.broadcast %add3A_307 : i32 to vector<1152x1xi32>
    %add3A_309 = arith.addi %select_n3A_66, %add3A_308 : vector<1152x1xi32>
    %ge3A_310 = arith.constant 0 : i32
    %ge3A_311 = vector.broadcast %ge3A_310 : i32 to vector<1152x1xi32>
    %ge3A_312 = arith.cmpi sge, %add3A_306, %ge3A_311 : vector<1152x1xi32>
    %lt3A_313 = arith.constant 48 : i32
    %lt3A_314 = vector.broadcast %lt3A_313 : i32 to vector<1152x1xi32>
    %lt3A_315 = arith.cmpi slt, %add3A_306, %lt3A_314 : vector<1152x1xi32>
    %and3A_316 = arith.andi %ge3A_312, %lt3A_315 : vector<1152x1xi1>
    %ge3A_317 = arith.constant 0 : i32
    %ge3A_318 = vector.broadcast %ge3A_317 : i32 to vector<1152x1xi32>
    %ge3A_319 = arith.cmpi sge, %add3A_309, %ge3A_318 : vector<1152x1xi32>
    %and3A_320 = arith.andi %and3A_316, %ge3A_319 : vector<1152x1xi1>
    %lt3A_321 = arith.constant 48 : i32
    %lt3A_322 = vector.broadcast %lt3A_321 : i32 to vector<1152x1xi32>
    %lt3A_323 = arith.cmpi slt, %add3A_309, %lt3A_322 : vector<1152x1xi32>
    %and3A_324 = arith.andi %and3A_320, %lt3A_323 : vector<1152x1xi1>
    %jit3A_325 = arith.constant 0.000000e+00 : f32
    %broadcast_in_dim3A_326 = vector.shape_cast %and3A_324 : vector<1152x1xi1> to vector<1152x1xi1>
    %broadcast_in_dim3A_327 = vector.broadcast %broadcast_in_dim3A_326 : vector<1152x1xi1> to vector<1152x96xi1>
    %broadcast_in_dim3A_328 = vector.broadcast %jit3A_325 : f32 to vector<1152x96xf32>
    %select_n3A_329 = arith.select %broadcast_in_dim3A_327, %get3A_303, %broadcast_in_dim3A_328 : vector<1152x96xi1>, vector<1152x96xf32>
    %get3A_330 = arith.constant 6 : index
    %get3A_331 = arith.constant 0 : index
    %get3A_332 = arith.constant 0 : index
    %get3A_333 = vector.load %arg2[%get3A_330, %get3A_331, %get3A_332] : memref<27x96x24xf32, #tpu.memory_space<vmem>>, vector<1x96x24xf32>
    %get3A_334 = vector.shape_cast %get3A_333 : vector<1x96x24xf32> to vector<96x24xf32>
    %dot_general3A_335 = arith.constant dense<0.000000e+00> : vector<1152x24xf32>
    %dot_general3A_336 = tpu.matmul %select_n3A_329, %get3A_334, %dot_general3A_335 {dimension_numbers = #tpu.dot_dimension_numbers<[1], [0], [0], [1], [0, 0, 1, 1], [], []>, transpose_lhs_hint = false} : vector<1152x96xf32>, vector<96x24xf32>, vector<1152x24xf32> -> vector<1152x24xf32>
    %add3A_337 = arith.addf %add3A_298, %dot_general3A_336 : vector<1152x24xf32>
    %add3A_338 = arith.constant 104 : i32
    %add3A_339 = arith.addi %add3A_338, %mul3A_0 : i32
    %get3A_340 = arith.index_cast %add3A_339 : i32 to index
    %get3A_341 = arith.constant 0 : index
    %get3A_342 = vector.load %arg1[%get3A_340, %get3A_341] : memref<13936x96xf32, #tpu.memory_space<vmem>>, vector<1152x96xf32>
    %add3A_343 = arith.constant 0 : i32
    %add3A_344 = vector.broadcast %add3A_343 : i32 to vector<1152x1xi32>
    %add3A_345 = arith.addi %select_n3A_16, %add3A_344 : vector<1152x1xi32>
    %add3A_346 = arith.constant 1 : i32
    %add3A_347 = vector.broadcast %add3A_346 : i32 to vector<1152x1xi32>
    %add3A_348 = arith.addi %select_n3A_66, %add3A_347 : vector<1152x1xi32>
    %ge3A_349 = arith.constant 0 : i32
    %ge3A_350 = vector.broadcast %ge3A_349 : i32 to vector<1152x1xi32>
    %ge3A_351 = arith.cmpi sge, %add3A_345, %ge3A_350 : vector<1152x1xi32>
    %lt3A_352 = arith.constant 48 : i32
    %lt3A_353 = vector.broadcast %lt3A_352 : i32 to vector<1152x1xi32>
    %lt3A_354 = arith.cmpi slt, %add3A_345, %lt3A_353 : vector<1152x1xi32>
    %and3A_355 = arith.andi %ge3A_351, %lt3A_354 : vector<1152x1xi1>
    %ge3A_356 = arith.constant 0 : i32
    %ge3A_357 = vector.broadcast %ge3A_356 : i32 to vector<1152x1xi32>
    %ge3A_358 = arith.cmpi sge, %add3A_348, %ge3A_357 : vector<1152x1xi32>
    %and3A_359 = arith.andi %and3A_355, %ge3A_358 : vector<1152x1xi1>
    %lt3A_360 = arith.constant 48 : i32
    %lt3A_361 = vector.broadcast %lt3A_360 : i32 to vector<1152x1xi32>
    %lt3A_362 = arith.cmpi slt, %add3A_348, %lt3A_361 : vector<1152x1xi32>
    %and3A_363 = arith.andi %and3A_359, %lt3A_362 : vector<1152x1xi1>
    %jit3A_364 = arith.constant 0.000000e+00 : f32
    %broadcast_in_dim3A_365 = vector.shape_cast %and3A_363 : vector<1152x1xi1> to vector<1152x1xi1>
    %broadcast_in_dim3A_366 = vector.broadcast %broadcast_in_dim3A_365 : vector<1152x1xi1> to vector<1152x96xi1>
    %broadcast_in_dim3A_367 = vector.broadcast %jit3A_364 : f32 to vector<1152x96xf32>
    %select_n3A_368 = arith.select %broadcast_in_dim3A_366, %get3A_342, %broadcast_in_dim3A_367 : vector<1152x96xi1>, vector<1152x96xf32>
    %get3A_369 = arith.constant 7 : index
    %get3A_370 = arith.constant 0 : index
    %get3A_371 = arith.constant 0 : index
    %get3A_372 = vector.load %arg2[%get3A_369, %get3A_370, %get3A_371] : memref<27x96x24xf32, #tpu.memory_space<vmem>>, vector<1x96x24xf32>
    %get3A_373 = vector.shape_cast %get3A_372 : vector<1x96x24xf32> to vector<96x24xf32>
    %dot_general3A_374 = arith.constant dense<0.000000e+00> : vector<1152x24xf32>
    %dot_general3A_375 = tpu.matmul %select_n3A_368, %get3A_373, %dot_general3A_374 {dimension_numbers = #tpu.dot_dimension_numbers<[1], [0], [0], [1], [0, 0, 1, 1], [], []>, transpose_lhs_hint = false} : vector<1152x96xf32>, vector<96x24xf32>, vector<1152x24xf32> -> vector<1152x24xf32>
    %add3A_376 = arith.addf %add3A_337, %dot_general3A_375 : vector<1152x24xf32>
    %add3A_377 = arith.constant 105 : i32
    %add3A_378 = arith.addi %add3A_377, %mul3A_0 : i32
    %get3A_379 = arith.index_cast %add3A_378 : i32 to index
    %get3A_380 = arith.constant 0 : index
    %get3A_381 = vector.load %arg1[%get3A_379, %get3A_380] : memref<13936x96xf32, #tpu.memory_space<vmem>>, vector<1152x96xf32>
    %add3A_382 = arith.constant 1 : i32
    %add3A_383 = vector.broadcast %add3A_382 : i32 to vector<1152x1xi32>
    %add3A_384 = arith.addi %select_n3A_16, %add3A_383 : vector<1152x1xi32>
    %add3A_385 = arith.constant 1 : i32
    %add3A_386 = vector.broadcast %add3A_385 : i32 to vector<1152x1xi32>
    %add3A_387 = arith.addi %select_n3A_66, %add3A_386 : vector<1152x1xi32>
    %ge3A_388 = arith.constant 0 : i32
    %ge3A_389 = vector.broadcast %ge3A_388 : i32 to vector<1152x1xi32>
    %ge3A_390 = arith.cmpi sge, %add3A_384, %ge3A_389 : vector<1152x1xi32>
    %lt3A_391 = arith.constant 48 : i32
    %lt3A_392 = vector.broadcast %lt3A_391 : i32 to vector<1152x1xi32>
    %lt3A_393 = arith.cmpi slt, %add3A_384, %lt3A_392 : vector<1152x1xi32>
    %and3A_394 = arith.andi %ge3A_390, %lt3A_393 : vector<1152x1xi1>
    %ge3A_395 = arith.constant 0 : i32
    %ge3A_396 = vector.broadcast %ge3A_395 : i32 to vector<1152x1xi32>
    %ge3A_397 = arith.cmpi sge, %add3A_387, %ge3A_396 : vector<1152x1xi32>
    %and3A_398 = arith.andi %and3A_394, %ge3A_397 : vector<1152x1xi1>
    %lt3A_399 = arith.constant 48 : i32
    %lt3A_400 = vector.broadcast %lt3A_399 : i32 to vector<1152x1xi32>
    %lt3A_401 = arith.cmpi slt, %add3A_387, %lt3A_400 : vector<1152x1xi32>
    %and3A_402 = arith.andi %and3A_398, %lt3A_401 : vector<1152x1xi1>
    %jit3A_403 = arith.constant 0.000000e+00 : f32
    %broadcast_in_dim3A_404 = vector.shape_cast %and3A_402 : vector<1152x1xi1> to vector<1152x1xi1>
    %broadcast_in_dim3A_405 = vector.broadcast %broadcast_in_dim3A_404 : vector<1152x1xi1> to vector<1152x96xi1>
    %broadcast_in_dim3A_406 = vector.broadcast %jit3A_403 : f32 to vector<1152x96xf32>
    %select_n3A_407 = arith.select %broadcast_in_dim3A_405, %get3A_381, %broadcast_in_dim3A_406 : vector<1152x96xi1>, vector<1152x96xf32>
    %get3A_408 = arith.constant 8 : index
    %get3A_409 = arith.constant 0 : index
    %get3A_410 = arith.constant 0 : index
    %get3A_411 = vector.load %arg2[%get3A_408, %get3A_409, %get3A_410] : memref<27x96x24xf32, #tpu.memory_space<vmem>>, vector<1x96x24xf32>
    %get3A_412 = vector.shape_cast %get3A_411 : vector<1x96x24xf32> to vector<96x24xf32>
    %dot_general3A_413 = arith.constant dense<0.000000e+00> : vector<1152x24xf32>
    %dot_general3A_414 = tpu.matmul %select_n3A_407, %get3A_412, %dot_general3A_413 {dimension_numbers = #tpu.dot_dimension_numbers<[1], [0], [0], [1], [0, 0, 1, 1], [], []>, transpose_lhs_hint = false} : vector<1152x96xf32>, vector<96x24xf32>, vector<1152x24xf32> -> vector<1152x24xf32>
    %add3A_415 = arith.addf %add3A_376, %dot_general3A_414 : vector<1152x24xf32>
    %add3A_416 = arith.constant 2311 : i32
    %add3A_417 = arith.addi %add3A_416, %mul3A_0 : i32
    %get3A_418 = arith.index_cast %add3A_417 : i32 to index
    %get3A_419 = arith.constant 0 : index
    %get3A_420 = vector.load %arg1[%get3A_418, %get3A_419] : memref<13936x96xf32, #tpu.memory_space<vmem>>, vector<1152x96xf32>
    %add3A_421 = arith.constant -1 : i32
    %add3A_422 = vector.broadcast %add3A_421 : i32 to vector<1152x1xi32>
    %add3A_423 = arith.addi %select_n3A_16, %add3A_422 : vector<1152x1xi32>
    %add3A_424 = arith.constant -1 : i32
    %add3A_425 = vector.broadcast %add3A_424 : i32 to vector<1152x1xi32>
    %add3A_426 = arith.addi %select_n3A_66, %add3A_425 : vector<1152x1xi32>
    %ge3A_427 = arith.constant 0 : i32
    %ge3A_428 = vector.broadcast %ge3A_427 : i32 to vector<1152x1xi32>
    %ge3A_429 = arith.cmpi sge, %add3A_423, %ge3A_428 : vector<1152x1xi32>
    %lt3A_430 = arith.constant 48 : i32
    %lt3A_431 = vector.broadcast %lt3A_430 : i32 to vector<1152x1xi32>
    %lt3A_432 = arith.cmpi slt, %add3A_423, %lt3A_431 : vector<1152x1xi32>
    %and3A_433 = arith.andi %ge3A_429, %lt3A_432 : vector<1152x1xi1>
    %ge3A_434 = arith.constant 0 : i32
    %ge3A_435 = vector.broadcast %ge3A_434 : i32 to vector<1152x1xi32>
    %ge3A_436 = arith.cmpi sge, %add3A_426, %ge3A_435 : vector<1152x1xi32>
    %and3A_437 = arith.andi %and3A_433, %ge3A_436 : vector<1152x1xi1>
    %lt3A_438 = arith.constant 48 : i32
    %lt3A_439 = vector.broadcast %lt3A_438 : i32 to vector<1152x1xi32>
    %lt3A_440 = arith.cmpi slt, %add3A_426, %lt3A_439 : vector<1152x1xi32>
    %and3A_441 = arith.andi %and3A_437, %lt3A_440 : vector<1152x1xi1>
    %jit3A_442 = arith.constant 0.000000e+00 : f32
    %broadcast_in_dim3A_443 = vector.shape_cast %and3A_441 : vector<1152x1xi1> to vector<1152x1xi1>
    %broadcast_in_dim3A_444 = vector.broadcast %broadcast_in_dim3A_443 : vector<1152x1xi1> to vector<1152x96xi1>
    %broadcast_in_dim3A_445 = vector.broadcast %jit3A_442 : f32 to vector<1152x96xf32>
    %select_n3A_446 = arith.select %broadcast_in_dim3A_444, %get3A_420, %broadcast_in_dim3A_445 : vector<1152x96xi1>, vector<1152x96xf32>
    %get3A_447 = arith.constant 9 : index
    %get3A_448 = arith.constant 0 : index
    %get3A_449 = arith.constant 0 : index
    %get3A_450 = vector.load %arg2[%get3A_447, %get3A_448, %get3A_449] : memref<27x96x24xf32, #tpu.memory_space<vmem>>, vector<1x96x24xf32>
    %get3A_451 = vector.shape_cast %get3A_450 : vector<1x96x24xf32> to vector<96x24xf32>
    %dot_general3A_452 = arith.constant dense<0.000000e+00> : vector<1152x24xf32>
    %dot_general3A_453 = tpu.matmul %select_n3A_446, %get3A_451, %dot_general3A_452 {dimension_numbers = #tpu.dot_dimension_numbers<[1], [0], [0], [1], [0, 0, 1, 1], [], []>, transpose_lhs_hint = false} : vector<1152x96xf32>, vector<96x24xf32>, vector<1152x24xf32> -> vector<1152x24xf32>
    %add3A_454 = arith.addf %add3A_415, %dot_general3A_453 : vector<1152x24xf32>
    %add3A_455 = arith.constant 2312 : i32
    %add3A_456 = arith.addi %add3A_455, %mul3A_0 : i32
    %get3A_457 = arith.index_cast %add3A_456 : i32 to index
    %get3A_458 = arith.constant 0 : index
    %get3A_459 = vector.load %arg1[%get3A_457, %get3A_458] : memref<13936x96xf32, #tpu.memory_space<vmem>>, vector<1152x96xf32>
    %add3A_460 = arith.constant 0 : i32
    %add3A_461 = vector.broadcast %add3A_460 : i32 to vector<1152x1xi32>
    %add3A_462 = arith.addi %select_n3A_16, %add3A_461 : vector<1152x1xi32>
    %add3A_463 = arith.constant -1 : i32
    %add3A_464 = vector.broadcast %add3A_463 : i32 to vector<1152x1xi32>
    %add3A_465 = arith.addi %select_n3A_66, %add3A_464 : vector<1152x1xi32>
    %ge3A_466 = arith.constant 0 : i32
    %ge3A_467 = vector.broadcast %ge3A_466 : i32 to vector<1152x1xi32>
    %ge3A_468 = arith.cmpi sge, %add3A_462, %ge3A_467 : vector<1152x1xi32>
    %lt3A_469 = arith.constant 48 : i32
    %lt3A_470 = vector.broadcast %lt3A_469 : i32 to vector<1152x1xi32>
    %lt3A_471 = arith.cmpi slt, %add3A_462, %lt3A_470 : vector<1152x1xi32>
    %and3A_472 = arith.andi %ge3A_468, %lt3A_471 : vector<1152x1xi1>
    %ge3A_473 = arith.constant 0 : i32
    %ge3A_474 = vector.broadcast %ge3A_473 : i32 to vector<1152x1xi32>
    %ge3A_475 = arith.cmpi sge, %add3A_465, %ge3A_474 : vector<1152x1xi32>
    %and3A_476 = arith.andi %and3A_472, %ge3A_475 : vector<1152x1xi1>
    %lt3A_477 = arith.constant 48 : i32
    %lt3A_478 = vector.broadcast %lt3A_477 : i32 to vector<1152x1xi32>
    %lt3A_479 = arith.cmpi slt, %add3A_465, %lt3A_478 : vector<1152x1xi32>
    %and3A_480 = arith.andi %and3A_476, %lt3A_479 : vector<1152x1xi1>
    %jit3A_481 = arith.constant 0.000000e+00 : f32
    %broadcast_in_dim3A_482 = vector.shape_cast %and3A_480 : vector<1152x1xi1> to vector<1152x1xi1>
    %broadcast_in_dim3A_483 = vector.broadcast %broadcast_in_dim3A_482 : vector<1152x1xi1> to vector<1152x96xi1>
    %broadcast_in_dim3A_484 = vector.broadcast %jit3A_481 : f32 to vector<1152x96xf32>
    %select_n3A_485 = arith.select %broadcast_in_dim3A_483, %get3A_459, %broadcast_in_dim3A_484 : vector<1152x96xi1>, vector<1152x96xf32>
    %get3A_486 = arith.constant 10 : index
    %get3A_487 = arith.constant 0 : index
    %get3A_488 = arith.constant 0 : index
    %get3A_489 = vector.load %arg2[%get3A_486, %get3A_487, %get3A_488] : memref<27x96x24xf32, #tpu.memory_space<vmem>>, vector<1x96x24xf32>
    %get3A_490 = vector.shape_cast %get3A_489 : vector<1x96x24xf32> to vector<96x24xf32>
    %dot_general3A_491 = arith.constant dense<0.000000e+00> : vector<1152x24xf32>
    %dot_general3A_492 = tpu.matmul %select_n3A_485, %get3A_490, %dot_general3A_491 {dimension_numbers = #tpu.dot_dimension_numbers<[1], [0], [0], [1], [0, 0, 1, 1], [], []>, transpose_lhs_hint = false} : vector<1152x96xf32>, vector<96x24xf32>, vector<1152x24xf32> -> vector<1152x24xf32>
    %add3A_493 = arith.addf %add3A_454, %dot_general3A_492 : vector<1152x24xf32>
    %add3A_494 = arith.constant 2313 : i32
    %add3A_495 = arith.addi %add3A_494, %mul3A_0 : i32
    %get3A_496 = arith.index_cast %add3A_495 : i32 to index
    %get3A_497 = arith.constant 0 : index
    %get3A_498 = vector.load %arg1[%get3A_496, %get3A_497] : memref<13936x96xf32, #tpu.memory_space<vmem>>, vector<1152x96xf32>
    %add3A_499 = arith.constant 1 : i32
    %add3A_500 = vector.broadcast %add3A_499 : i32 to vector<1152x1xi32>
    %add3A_501 = arith.addi %select_n3A_16, %add3A_500 : vector<1152x1xi32>
    %add3A_502 = arith.constant -1 : i32
    %add3A_503 = vector.broadcast %add3A_502 : i32 to vector<1152x1xi32>
    %add3A_504 = arith.addi %select_n3A_66, %add3A_503 : vector<1152x1xi32>
    %ge3A_505 = arith.constant 0 : i32
    %ge3A_506 = vector.broadcast %ge3A_505 : i32 to vector<1152x1xi32>
    %ge3A_507 = arith.cmpi sge, %add3A_501, %ge3A_506 : vector<1152x1xi32>
    %lt3A_508 = arith.constant 48 : i32
    %lt3A_509 = vector.broadcast %lt3A_508 : i32 to vector<1152x1xi32>
    %lt3A_510 = arith.cmpi slt, %add3A_501, %lt3A_509 : vector<1152x1xi32>
    %and3A_511 = arith.andi %ge3A_507, %lt3A_510 : vector<1152x1xi1>
    %ge3A_512 = arith.constant 0 : i32
    %ge3A_513 = vector.broadcast %ge3A_512 : i32 to vector<1152x1xi32>
    %ge3A_514 = arith.cmpi sge, %add3A_504, %ge3A_513 : vector<1152x1xi32>
    %and3A_515 = arith.andi %and3A_511, %ge3A_514 : vector<1152x1xi1>
    %lt3A_516 = arith.constant 48 : i32
    %lt3A_517 = vector.broadcast %lt3A_516 : i32 to vector<1152x1xi32>
    %lt3A_518 = arith.cmpi slt, %add3A_504, %lt3A_517 : vector<1152x1xi32>
    %and3A_519 = arith.andi %and3A_515, %lt3A_518 : vector<1152x1xi1>
    %jit3A_520 = arith.constant 0.000000e+00 : f32
    %broadcast_in_dim3A_521 = vector.shape_cast %and3A_519 : vector<1152x1xi1> to vector<1152x1xi1>
    %broadcast_in_dim3A_522 = vector.broadcast %broadcast_in_dim3A_521 : vector<1152x1xi1> to vector<1152x96xi1>
    %broadcast_in_dim3A_523 = vector.broadcast %jit3A_520 : f32 to vector<1152x96xf32>
    %select_n3A_524 = arith.select %broadcast_in_dim3A_522, %get3A_498, %broadcast_in_dim3A_523 : vector<1152x96xi1>, vector<1152x96xf32>
    %get3A_525 = arith.constant 11 : index
    %get3A_526 = arith.constant 0 : index
    %get3A_527 = arith.constant 0 : index
    %get3A_528 = vector.load %arg2[%get3A_525, %get3A_526, %get3A_527] : memref<27x96x24xf32, #tpu.memory_space<vmem>>, vector<1x96x24xf32>
    %get3A_529 = vector.shape_cast %get3A_528 : vector<1x96x24xf32> to vector<96x24xf32>
    %dot_general3A_530 = arith.constant dense<0.000000e+00> : vector<1152x24xf32>
    %dot_general3A_531 = tpu.matmul %select_n3A_524, %get3A_529, %dot_general3A_530 {dimension_numbers = #tpu.dot_dimension_numbers<[1], [0], [0], [1], [0, 0, 1, 1], [], []>, transpose_lhs_hint = false} : vector<1152x96xf32>, vector<96x24xf32>, vector<1152x24xf32> -> vector<1152x24xf32>
    %add3A_532 = arith.addf %add3A_493, %dot_general3A_531 : vector<1152x24xf32>
    %add3A_533 = arith.constant 2359 : i32
    %add3A_534 = arith.addi %add3A_533, %mul3A_0 : i32
    %get3A_535 = arith.index_cast %add3A_534 : i32 to index
    %get3A_536 = arith.constant 0 : index
    %get3A_537 = vector.load %arg1[%get3A_535, %get3A_536] : memref<13936x96xf32, #tpu.memory_space<vmem>>, vector<1152x96xf32>
    %add3A_538 = arith.constant -1 : i32
    %add3A_539 = vector.broadcast %add3A_538 : i32 to vector<1152x1xi32>
    %add3A_540 = arith.addi %select_n3A_16, %add3A_539 : vector<1152x1xi32>
    %add3A_541 = arith.constant 0 : i32
    %add3A_542 = vector.broadcast %add3A_541 : i32 to vector<1152x1xi32>
    %add3A_543 = arith.addi %select_n3A_66, %add3A_542 : vector<1152x1xi32>
    %ge3A_544 = arith.constant 0 : i32
    %ge3A_545 = vector.broadcast %ge3A_544 : i32 to vector<1152x1xi32>
    %ge3A_546 = arith.cmpi sge, %add3A_540, %ge3A_545 : vector<1152x1xi32>
    %lt3A_547 = arith.constant 48 : i32
    %lt3A_548 = vector.broadcast %lt3A_547 : i32 to vector<1152x1xi32>
    %lt3A_549 = arith.cmpi slt, %add3A_540, %lt3A_548 : vector<1152x1xi32>
    %and3A_550 = arith.andi %ge3A_546, %lt3A_549 : vector<1152x1xi1>
    %ge3A_551 = arith.constant 0 : i32
    %ge3A_552 = vector.broadcast %ge3A_551 : i32 to vector<1152x1xi32>
    %ge3A_553 = arith.cmpi sge, %add3A_543, %ge3A_552 : vector<1152x1xi32>
    %and3A_554 = arith.andi %and3A_550, %ge3A_553 : vector<1152x1xi1>
    %lt3A_555 = arith.constant 48 : i32
    %lt3A_556 = vector.broadcast %lt3A_555 : i32 to vector<1152x1xi32>
    %lt3A_557 = arith.cmpi slt, %add3A_543, %lt3A_556 : vector<1152x1xi32>
    %and3A_558 = arith.andi %and3A_554, %lt3A_557 : vector<1152x1xi1>
    %jit3A_559 = arith.constant 0.000000e+00 : f32
    %broadcast_in_dim3A_560 = vector.shape_cast %and3A_558 : vector<1152x1xi1> to vector<1152x1xi1>
    %broadcast_in_dim3A_561 = vector.broadcast %broadcast_in_dim3A_560 : vector<1152x1xi1> to vector<1152x96xi1>
    %broadcast_in_dim3A_562 = vector.broadcast %jit3A_559 : f32 to vector<1152x96xf32>
    %select_n3A_563 = arith.select %broadcast_in_dim3A_561, %get3A_537, %broadcast_in_dim3A_562 : vector<1152x96xi1>, vector<1152x96xf32>
    %get3A_564 = arith.constant 12 : index
    %get3A_565 = arith.constant 0 : index
    %get3A_566 = arith.constant 0 : index
    %get3A_567 = vector.load %arg2[%get3A_564, %get3A_565, %get3A_566] : memref<27x96x24xf32, #tpu.memory_space<vmem>>, vector<1x96x24xf32>
    %get3A_568 = vector.shape_cast %get3A_567 : vector<1x96x24xf32> to vector<96x24xf32>
    %dot_general3A_569 = arith.constant dense<0.000000e+00> : vector<1152x24xf32>
    %dot_general3A_570 = tpu.matmul %select_n3A_563, %get3A_568, %dot_general3A_569 {dimension_numbers = #tpu.dot_dimension_numbers<[1], [0], [0], [1], [0, 0, 1, 1], [], []>, transpose_lhs_hint = false} : vector<1152x96xf32>, vector<96x24xf32>, vector<1152x24xf32> -> vector<1152x24xf32>
    %add3A_571 = arith.addf %add3A_532, %dot_general3A_570 : vector<1152x24xf32>
    %add3A_572 = arith.constant 2360 : i32
    %add3A_573 = arith.addi %add3A_572, %mul3A_0 : i32
    %get3A_574 = arith.index_cast %add3A_573 : i32 to index
    %get3A_575 = arith.constant 0 : index
    %get3A_576 = vector.load %arg1[%get3A_574, %get3A_575] : memref<13936x96xf32, #tpu.memory_space<vmem>>, vector<1152x96xf32>
    %add3A_577 = arith.constant 0 : i32
    %add3A_578 = vector.broadcast %add3A_577 : i32 to vector<1152x1xi32>
    %add3A_579 = arith.addi %select_n3A_16, %add3A_578 : vector<1152x1xi32>
    %add3A_580 = arith.constant 0 : i32
    %add3A_581 = vector.broadcast %add3A_580 : i32 to vector<1152x1xi32>
    %add3A_582 = arith.addi %select_n3A_66, %add3A_581 : vector<1152x1xi32>
    %ge3A_583 = arith.constant 0 : i32
    %ge3A_584 = vector.broadcast %ge3A_583 : i32 to vector<1152x1xi32>
    %ge3A_585 = arith.cmpi sge, %add3A_579, %ge3A_584 : vector<1152x1xi32>
    %lt3A_586 = arith.constant 48 : i32
    %lt3A_587 = vector.broadcast %lt3A_586 : i32 to vector<1152x1xi32>
    %lt3A_588 = arith.cmpi slt, %add3A_579, %lt3A_587 : vector<1152x1xi32>
    %and3A_589 = arith.andi %ge3A_585, %lt3A_588 : vector<1152x1xi1>
    %ge3A_590 = arith.constant 0 : i32
    %ge3A_591 = vector.broadcast %ge3A_590 : i32 to vector<1152x1xi32>
    %ge3A_592 = arith.cmpi sge, %add3A_582, %ge3A_591 : vector<1152x1xi32>
    %and3A_593 = arith.andi %and3A_589, %ge3A_592 : vector<1152x1xi1>
    %lt3A_594 = arith.constant 48 : i32
    %lt3A_595 = vector.broadcast %lt3A_594 : i32 to vector<1152x1xi32>
    %lt3A_596 = arith.cmpi slt, %add3A_582, %lt3A_595 : vector<1152x1xi32>
    %and3A_597 = arith.andi %and3A_593, %lt3A_596 : vector<1152x1xi1>
    %jit3A_598 = arith.constant 0.000000e+00 : f32
    %broadcast_in_dim3A_599 = vector.shape_cast %and3A_597 : vector<1152x1xi1> to vector<1152x1xi1>
    %broadcast_in_dim3A_600 = vector.broadcast %broadcast_in_dim3A_599 : vector<1152x1xi1> to vector<1152x96xi1>
    %broadcast_in_dim3A_601 = vector.broadcast %jit3A_598 : f32 to vector<1152x96xf32>
    %select_n3A_602 = arith.select %broadcast_in_dim3A_600, %get3A_576, %broadcast_in_dim3A_601 : vector<1152x96xi1>, vector<1152x96xf32>
    %get3A_603 = arith.constant 13 : index
    %get3A_604 = arith.constant 0 : index
    %get3A_605 = arith.constant 0 : index
    %get3A_606 = vector.load %arg2[%get3A_603, %get3A_604, %get3A_605] : memref<27x96x24xf32, #tpu.memory_space<vmem>>, vector<1x96x24xf32>
    %get3A_607 = vector.shape_cast %get3A_606 : vector<1x96x24xf32> to vector<96x24xf32>
    %dot_general3A_608 = arith.constant dense<0.000000e+00> : vector<1152x24xf32>
    %dot_general3A_609 = tpu.matmul %select_n3A_602, %get3A_607, %dot_general3A_608 {dimension_numbers = #tpu.dot_dimension_numbers<[1], [0], [0], [1], [0, 0, 1, 1], [], []>, transpose_lhs_hint = false} : vector<1152x96xf32>, vector<96x24xf32>, vector<1152x24xf32> -> vector<1152x24xf32>
    %add3A_610 = arith.addf %add3A_571, %dot_general3A_609 : vector<1152x24xf32>
    %add3A_611 = arith.constant 2361 : i32
    %add3A_612 = arith.addi %add3A_611, %mul3A_0 : i32
    %get3A_613 = arith.index_cast %add3A_612 : i32 to index
    %get3A_614 = arith.constant 0 : index
    %get3A_615 = vector.load %arg1[%get3A_613, %get3A_614] : memref<13936x96xf32, #tpu.memory_space<vmem>>, vector<1152x96xf32>
    %add3A_616 = arith.constant 1 : i32
    %add3A_617 = vector.broadcast %add3A_616 : i32 to vector<1152x1xi32>
    %add3A_618 = arith.addi %select_n3A_16, %add3A_617 : vector<1152x1xi32>
    %add3A_619 = arith.constant 0 : i32
    %add3A_620 = vector.broadcast %add3A_619 : i32 to vector<1152x1xi32>
    %add3A_621 = arith.addi %select_n3A_66, %add3A_620 : vector<1152x1xi32>
    %ge3A_622 = arith.constant 0 : i32
    %ge3A_623 = vector.broadcast %ge3A_622 : i32 to vector<1152x1xi32>
    %ge3A_624 = arith.cmpi sge, %add3A_618, %ge3A_623 : vector<1152x1xi32>
    %lt3A_625 = arith.constant 48 : i32
    %lt3A_626 = vector.broadcast %lt3A_625 : i32 to vector<1152x1xi32>
    %lt3A_627 = arith.cmpi slt, %add3A_618, %lt3A_626 : vector<1152x1xi32>
    %and3A_628 = arith.andi %ge3A_624, %lt3A_627 : vector<1152x1xi1>
    %ge3A_629 = arith.constant 0 : i32
    %ge3A_630 = vector.broadcast %ge3A_629 : i32 to vector<1152x1xi32>
    %ge3A_631 = arith.cmpi sge, %add3A_621, %ge3A_630 : vector<1152x1xi32>
    %and3A_632 = arith.andi %and3A_628, %ge3A_631 : vector<1152x1xi1>
    %lt3A_633 = arith.constant 48 : i32
    %lt3A_634 = vector.broadcast %lt3A_633 : i32 to vector<1152x1xi32>
    %lt3A_635 = arith.cmpi slt, %add3A_621, %lt3A_634 : vector<1152x1xi32>
    %and3A_636 = arith.andi %and3A_632, %lt3A_635 : vector<1152x1xi1>
    %jit3A_637 = arith.constant 0.000000e+00 : f32
    %broadcast_in_dim3A_638 = vector.shape_cast %and3A_636 : vector<1152x1xi1> to vector<1152x1xi1>
    %broadcast_in_dim3A_639 = vector.broadcast %broadcast_in_dim3A_638 : vector<1152x1xi1> to vector<1152x96xi1>
    %broadcast_in_dim3A_640 = vector.broadcast %jit3A_637 : f32 to vector<1152x96xf32>
    %select_n3A_641 = arith.select %broadcast_in_dim3A_639, %get3A_615, %broadcast_in_dim3A_640 : vector<1152x96xi1>, vector<1152x96xf32>
    %get3A_642 = arith.constant 14 : index
    %get3A_643 = arith.constant 0 : index
    %get3A_644 = arith.constant 0 : index
    %get3A_645 = vector.load %arg2[%get3A_642, %get3A_643, %get3A_644] : memref<27x96x24xf32, #tpu.memory_space<vmem>>, vector<1x96x24xf32>
    %get3A_646 = vector.shape_cast %get3A_645 : vector<1x96x24xf32> to vector<96x24xf32>
    %dot_general3A_647 = arith.constant dense<0.000000e+00> : vector<1152x24xf32>
    %dot_general3A_648 = tpu.matmul %select_n3A_641, %get3A_646, %dot_general3A_647 {dimension_numbers = #tpu.dot_dimension_numbers<[1], [0], [0], [1], [0, 0, 1, 1], [], []>, transpose_lhs_hint = false} : vector<1152x96xf32>, vector<96x24xf32>, vector<1152x24xf32> -> vector<1152x24xf32>
    %add3A_649 = arith.addf %add3A_610, %dot_general3A_648 : vector<1152x24xf32>
    %add3A_650 = arith.constant 2407 : i32
    %add3A_651 = arith.addi %add3A_650, %mul3A_0 : i32
    %get3A_652 = arith.index_cast %add3A_651 : i32 to index
    %get3A_653 = arith.constant 0 : index
    %get3A_654 = vector.load %arg1[%get3A_652, %get3A_653] : memref<13936x96xf32, #tpu.memory_space<vmem>>, vector<1152x96xf32>
    %add3A_655 = arith.constant -1 : i32
    %add3A_656 = vector.broadcast %add3A_655 : i32 to vector<1152x1xi32>
    %add3A_657 = arith.addi %select_n3A_16, %add3A_656 : vector<1152x1xi32>
    %add3A_658 = arith.constant 1 : i32
    %add3A_659 = vector.broadcast %add3A_658 : i32 to vector<1152x1xi32>
    %add3A_660 = arith.addi %select_n3A_66, %add3A_659 : vector<1152x1xi32>
    %ge3A_661 = arith.constant 0 : i32
    %ge3A_662 = vector.broadcast %ge3A_661 : i32 to vector<1152x1xi32>
    %ge3A_663 = arith.cmpi sge, %add3A_657, %ge3A_662 : vector<1152x1xi32>
    %lt3A_664 = arith.constant 48 : i32
    %lt3A_665 = vector.broadcast %lt3A_664 : i32 to vector<1152x1xi32>
    %lt3A_666 = arith.cmpi slt, %add3A_657, %lt3A_665 : vector<1152x1xi32>
    %and3A_667 = arith.andi %ge3A_663, %lt3A_666 : vector<1152x1xi1>
    %ge3A_668 = arith.constant 0 : i32
    %ge3A_669 = vector.broadcast %ge3A_668 : i32 to vector<1152x1xi32>
    %ge3A_670 = arith.cmpi sge, %add3A_660, %ge3A_669 : vector<1152x1xi32>
    %and3A_671 = arith.andi %and3A_667, %ge3A_670 : vector<1152x1xi1>
    %lt3A_672 = arith.constant 48 : i32
    %lt3A_673 = vector.broadcast %lt3A_672 : i32 to vector<1152x1xi32>
    %lt3A_674 = arith.cmpi slt, %add3A_660, %lt3A_673 : vector<1152x1xi32>
    %and3A_675 = arith.andi %and3A_671, %lt3A_674 : vector<1152x1xi1>
    %jit3A_676 = arith.constant 0.000000e+00 : f32
    %broadcast_in_dim3A_677 = vector.shape_cast %and3A_675 : vector<1152x1xi1> to vector<1152x1xi1>
    %broadcast_in_dim3A_678 = vector.broadcast %broadcast_in_dim3A_677 : vector<1152x1xi1> to vector<1152x96xi1>
    %broadcast_in_dim3A_679 = vector.broadcast %jit3A_676 : f32 to vector<1152x96xf32>
    %select_n3A_680 = arith.select %broadcast_in_dim3A_678, %get3A_654, %broadcast_in_dim3A_679 : vector<1152x96xi1>, vector<1152x96xf32>
    %get3A_681 = arith.constant 15 : index
    %get3A_682 = arith.constant 0 : index
    %get3A_683 = arith.constant 0 : index
    %get3A_684 = vector.load %arg2[%get3A_681, %get3A_682, %get3A_683] : memref<27x96x24xf32, #tpu.memory_space<vmem>>, vector<1x96x24xf32>
    %get3A_685 = vector.shape_cast %get3A_684 : vector<1x96x24xf32> to vector<96x24xf32>
    %dot_general3A_686 = arith.constant dense<0.000000e+00> : vector<1152x24xf32>
    %dot_general3A_687 = tpu.matmul %select_n3A_680, %get3A_685, %dot_general3A_686 {dimension_numbers = #tpu.dot_dimension_numbers<[1], [0], [0], [1], [0, 0, 1, 1], [], []>, transpose_lhs_hint = false} : vector<1152x96xf32>, vector<96x24xf32>, vector<1152x24xf32> -> vector<1152x24xf32>
    %add3A_688 = arith.addf %add3A_649, %dot_general3A_687 : vector<1152x24xf32>
    %add3A_689 = arith.constant 2408 : i32
    %add3A_690 = arith.addi %add3A_689, %mul3A_0 : i32
    %get3A_691 = arith.index_cast %add3A_690 : i32 to index
    %get3A_692 = arith.constant 0 : index
    %get3A_693 = vector.load %arg1[%get3A_691, %get3A_692] : memref<13936x96xf32, #tpu.memory_space<vmem>>, vector<1152x96xf32>
    %add3A_694 = arith.constant 0 : i32
    %add3A_695 = vector.broadcast %add3A_694 : i32 to vector<1152x1xi32>
    %add3A_696 = arith.addi %select_n3A_16, %add3A_695 : vector<1152x1xi32>
    %add3A_697 = arith.constant 1 : i32
    %add3A_698 = vector.broadcast %add3A_697 : i32 to vector<1152x1xi32>
    %add3A_699 = arith.addi %select_n3A_66, %add3A_698 : vector<1152x1xi32>
    %ge3A_700 = arith.constant 0 : i32
    %ge3A_701 = vector.broadcast %ge3A_700 : i32 to vector<1152x1xi32>
    %ge3A_702 = arith.cmpi sge, %add3A_696, %ge3A_701 : vector<1152x1xi32>
    %lt3A_703 = arith.constant 48 : i32
    %lt3A_704 = vector.broadcast %lt3A_703 : i32 to vector<1152x1xi32>
    %lt3A_705 = arith.cmpi slt, %add3A_696, %lt3A_704 : vector<1152x1xi32>
    %and3A_706 = arith.andi %ge3A_702, %lt3A_705 : vector<1152x1xi1>
    %ge3A_707 = arith.constant 0 : i32
    %ge3A_708 = vector.broadcast %ge3A_707 : i32 to vector<1152x1xi32>
    %ge3A_709 = arith.cmpi sge, %add3A_699, %ge3A_708 : vector<1152x1xi32>
    %and3A_710 = arith.andi %and3A_706, %ge3A_709 : vector<1152x1xi1>
    %lt3A_711 = arith.constant 48 : i32
    %lt3A_712 = vector.broadcast %lt3A_711 : i32 to vector<1152x1xi32>
    %lt3A_713 = arith.cmpi slt, %add3A_699, %lt3A_712 : vector<1152x1xi32>
    %and3A_714 = arith.andi %and3A_710, %lt3A_713 : vector<1152x1xi1>
    %jit3A_715 = arith.constant 0.000000e+00 : f32
    %broadcast_in_dim3A_716 = vector.shape_cast %and3A_714 : vector<1152x1xi1> to vector<1152x1xi1>
    %broadcast_in_dim3A_717 = vector.broadcast %broadcast_in_dim3A_716 : vector<1152x1xi1> to vector<1152x96xi1>
    %broadcast_in_dim3A_718 = vector.broadcast %jit3A_715 : f32 to vector<1152x96xf32>
    %select_n3A_719 = arith.select %broadcast_in_dim3A_717, %get3A_693, %broadcast_in_dim3A_718 : vector<1152x96xi1>, vector<1152x96xf32>
    %get3A_720 = arith.constant 16 : index
    %get3A_721 = arith.constant 0 : index
    %get3A_722 = arith.constant 0 : index
    %get3A_723 = vector.load %arg2[%get3A_720, %get3A_721, %get3A_722] : memref<27x96x24xf32, #tpu.memory_space<vmem>>, vector<1x96x24xf32>
    %get3A_724 = vector.shape_cast %get3A_723 : vector<1x96x24xf32> to vector<96x24xf32>
    %dot_general3A_725 = arith.constant dense<0.000000e+00> : vector<1152x24xf32>
    %dot_general3A_726 = tpu.matmul %select_n3A_719, %get3A_724, %dot_general3A_725 {dimension_numbers = #tpu.dot_dimension_numbers<[1], [0], [0], [1], [0, 0, 1, 1], [], []>, transpose_lhs_hint = false} : vector<1152x96xf32>, vector<96x24xf32>, vector<1152x24xf32> -> vector<1152x24xf32>
    %add3A_727 = arith.addf %add3A_688, %dot_general3A_726 : vector<1152x24xf32>
    %add3A_728 = arith.constant 2409 : i32
    %add3A_729 = arith.addi %add3A_728, %mul3A_0 : i32
    %get3A_730 = arith.index_cast %add3A_729 : i32 to index
    %get3A_731 = arith.constant 0 : index
    %get3A_732 = vector.load %arg1[%get3A_730, %get3A_731] : memref<13936x96xf32, #tpu.memory_space<vmem>>, vector<1152x96xf32>
    %add3A_733 = arith.constant 1 : i32
    %add3A_734 = vector.broadcast %add3A_733 : i32 to vector<1152x1xi32>
    %add3A_735 = arith.addi %select_n3A_16, %add3A_734 : vector<1152x1xi32>
    %add3A_736 = arith.constant 1 : i32
    %add3A_737 = vector.broadcast %add3A_736 : i32 to vector<1152x1xi32>
    %add3A_738 = arith.addi %select_n3A_66, %add3A_737 : vector<1152x1xi32>
    %ge3A_739 = arith.constant 0 : i32
    %ge3A_740 = vector.broadcast %ge3A_739 : i32 to vector<1152x1xi32>
    %ge3A_741 = arith.cmpi sge, %add3A_735, %ge3A_740 : vector<1152x1xi32>
    %lt3A_742 = arith.constant 48 : i32
    %lt3A_743 = vector.broadcast %lt3A_742 : i32 to vector<1152x1xi32>
    %lt3A_744 = arith.cmpi slt, %add3A_735, %lt3A_743 : vector<1152x1xi32>
    %and3A_745 = arith.andi %ge3A_741, %lt3A_744 : vector<1152x1xi1>
    %ge3A_746 = arith.constant 0 : i32
    %ge3A_747 = vector.broadcast %ge3A_746 : i32 to vector<1152x1xi32>
    %ge3A_748 = arith.cmpi sge, %add3A_738, %ge3A_747 : vector<1152x1xi32>
    %and3A_749 = arith.andi %and3A_745, %ge3A_748 : vector<1152x1xi1>
    %lt3A_750 = arith.constant 48 : i32
    %lt3A_751 = vector.broadcast %lt3A_750 : i32 to vector<1152x1xi32>
    %lt3A_752 = arith.cmpi slt, %add3A_738, %lt3A_751 : vector<1152x1xi32>
    %and3A_753 = arith.andi %and3A_749, %lt3A_752 : vector<1152x1xi1>
    %jit3A_754 = arith.constant 0.000000e+00 : f32
    %broadcast_in_dim3A_755 = vector.shape_cast %and3A_753 : vector<1152x1xi1> to vector<1152x1xi1>
    %broadcast_in_dim3A_756 = vector.broadcast %broadcast_in_dim3A_755 : vector<1152x1xi1> to vector<1152x96xi1>
    %broadcast_in_dim3A_757 = vector.broadcast %jit3A_754 : f32 to vector<1152x96xf32>
    %select_n3A_758 = arith.select %broadcast_in_dim3A_756, %get3A_732, %broadcast_in_dim3A_757 : vector<1152x96xi1>, vector<1152x96xf32>
    %get3A_759 = arith.constant 17 : index
    %get3A_760 = arith.constant 0 : index
    %get3A_761 = arith.constant 0 : index
    %get3A_762 = vector.load %arg2[%get3A_759, %get3A_760, %get3A_761] : memref<27x96x24xf32, #tpu.memory_space<vmem>>, vector<1x96x24xf32>
    %get3A_763 = vector.shape_cast %get3A_762 : vector<1x96x24xf32> to vector<96x24xf32>
    %dot_general3A_764 = arith.constant dense<0.000000e+00> : vector<1152x24xf32>
    %dot_general3A_765 = tpu.matmul %select_n3A_758, %get3A_763, %dot_general3A_764 {dimension_numbers = #tpu.dot_dimension_numbers<[1], [0], [0], [1], [0, 0, 1, 1], [], []>, transpose_lhs_hint = false} : vector<1152x96xf32>, vector<96x24xf32>, vector<1152x24xf32> -> vector<1152x24xf32>
    %add3A_766 = arith.addf %add3A_727, %dot_general3A_765 : vector<1152x24xf32>
    %add3A_767 = arith.constant 4615 : i32
    %add3A_768 = arith.addi %add3A_767, %mul3A_0 : i32
    %get3A_769 = arith.index_cast %add3A_768 : i32 to index
    %get3A_770 = arith.constant 0 : index
    %get3A_771 = vector.load %arg1[%get3A_769, %get3A_770] : memref<13936x96xf32, #tpu.memory_space<vmem>>, vector<1152x96xf32>
    %add3A_772 = arith.constant -1 : i32
    %add3A_773 = vector.broadcast %add3A_772 : i32 to vector<1152x1xi32>
    %add3A_774 = arith.addi %select_n3A_16, %add3A_773 : vector<1152x1xi32>
    %add3A_775 = arith.constant -1 : i32
    %add3A_776 = vector.broadcast %add3A_775 : i32 to vector<1152x1xi32>
    %add3A_777 = arith.addi %select_n3A_66, %add3A_776 : vector<1152x1xi32>
    %ge3A_778 = arith.constant 0 : i32
    %ge3A_779 = vector.broadcast %ge3A_778 : i32 to vector<1152x1xi32>
    %ge3A_780 = arith.cmpi sge, %add3A_774, %ge3A_779 : vector<1152x1xi32>
    %lt3A_781 = arith.constant 48 : i32
    %lt3A_782 = vector.broadcast %lt3A_781 : i32 to vector<1152x1xi32>
    %lt3A_783 = arith.cmpi slt, %add3A_774, %lt3A_782 : vector<1152x1xi32>
    %and3A_784 = arith.andi %ge3A_780, %lt3A_783 : vector<1152x1xi1>
    %ge3A_785 = arith.constant 0 : i32
    %ge3A_786 = vector.broadcast %ge3A_785 : i32 to vector<1152x1xi32>
    %ge3A_787 = arith.cmpi sge, %add3A_777, %ge3A_786 : vector<1152x1xi32>
    %and3A_788 = arith.andi %and3A_784, %ge3A_787 : vector<1152x1xi1>
    %lt3A_789 = arith.constant 48 : i32
    %lt3A_790 = vector.broadcast %lt3A_789 : i32 to vector<1152x1xi32>
    %lt3A_791 = arith.cmpi slt, %add3A_777, %lt3A_790 : vector<1152x1xi32>
    %and3A_792 = arith.andi %and3A_788, %lt3A_791 : vector<1152x1xi1>
    %jit3A_793 = arith.constant 0.000000e+00 : f32
    %broadcast_in_dim3A_794 = vector.shape_cast %and3A_792 : vector<1152x1xi1> to vector<1152x1xi1>
    %broadcast_in_dim3A_795 = vector.broadcast %broadcast_in_dim3A_794 : vector<1152x1xi1> to vector<1152x96xi1>
    %broadcast_in_dim3A_796 = vector.broadcast %jit3A_793 : f32 to vector<1152x96xf32>
    %select_n3A_797 = arith.select %broadcast_in_dim3A_795, %get3A_771, %broadcast_in_dim3A_796 : vector<1152x96xi1>, vector<1152x96xf32>
    %get3A_798 = arith.constant 18 : index
    %get3A_799 = arith.constant 0 : index
    %get3A_800 = arith.constant 0 : index
    %get3A_801 = vector.load %arg2[%get3A_798, %get3A_799, %get3A_800] : memref<27x96x24xf32, #tpu.memory_space<vmem>>, vector<1x96x24xf32>
    %get3A_802 = vector.shape_cast %get3A_801 : vector<1x96x24xf32> to vector<96x24xf32>
    %dot_general3A_803 = arith.constant dense<0.000000e+00> : vector<1152x24xf32>
    %dot_general3A_804 = tpu.matmul %select_n3A_797, %get3A_802, %dot_general3A_803 {dimension_numbers = #tpu.dot_dimension_numbers<[1], [0], [0], [1], [0, 0, 1, 1], [], []>, transpose_lhs_hint = false} : vector<1152x96xf32>, vector<96x24xf32>, vector<1152x24xf32> -> vector<1152x24xf32>
    %add3A_805 = arith.addf %add3A_766, %dot_general3A_804 : vector<1152x24xf32>
    %add3A_806 = arith.constant 4616 : i32
    %add3A_807 = arith.addi %add3A_806, %mul3A_0 : i32
    %get3A_808 = arith.index_cast %add3A_807 : i32 to index
    %get3A_809 = arith.constant 0 : index
    %get3A_810 = vector.load %arg1[%get3A_808, %get3A_809] : memref<13936x96xf32, #tpu.memory_space<vmem>>, vector<1152x96xf32>
    %add3A_811 = arith.constant 0 : i32
    %add3A_812 = vector.broadcast %add3A_811 : i32 to vector<1152x1xi32>
    %add3A_813 = arith.addi %select_n3A_16, %add3A_812 : vector<1152x1xi32>
    %add3A_814 = arith.constant -1 : i32
    %add3A_815 = vector.broadcast %add3A_814 : i32 to vector<1152x1xi32>
    %add3A_816 = arith.addi %select_n3A_66, %add3A_815 : vector<1152x1xi32>
    %ge3A_817 = arith.constant 0 : i32
    %ge3A_818 = vector.broadcast %ge3A_817 : i32 to vector<1152x1xi32>
    %ge3A_819 = arith.cmpi sge, %add3A_813, %ge3A_818 : vector<1152x1xi32>
    %lt3A_820 = arith.constant 48 : i32
    %lt3A_821 = vector.broadcast %lt3A_820 : i32 to vector<1152x1xi32>
    %lt3A_822 = arith.cmpi slt, %add3A_813, %lt3A_821 : vector<1152x1xi32>
    %and3A_823 = arith.andi %ge3A_819, %lt3A_822 : vector<1152x1xi1>
    %ge3A_824 = arith.constant 0 : i32
    %ge3A_825 = vector.broadcast %ge3A_824 : i32 to vector<1152x1xi32>
    %ge3A_826 = arith.cmpi sge, %add3A_816, %ge3A_825 : vector<1152x1xi32>
    %and3A_827 = arith.andi %and3A_823, %ge3A_826 : vector<1152x1xi1>
    %lt3A_828 = arith.constant 48 : i32
    %lt3A_829 = vector.broadcast %lt3A_828 : i32 to vector<1152x1xi32>
    %lt3A_830 = arith.cmpi slt, %add3A_816, %lt3A_829 : vector<1152x1xi32>
    %and3A_831 = arith.andi %and3A_827, %lt3A_830 : vector<1152x1xi1>
    %jit3A_832 = arith.constant 0.000000e+00 : f32
    %broadcast_in_dim3A_833 = vector.shape_cast %and3A_831 : vector<1152x1xi1> to vector<1152x1xi1>
    %broadcast_in_dim3A_834 = vector.broadcast %broadcast_in_dim3A_833 : vector<1152x1xi1> to vector<1152x96xi1>
    %broadcast_in_dim3A_835 = vector.broadcast %jit3A_832 : f32 to vector<1152x96xf32>
    %select_n3A_836 = arith.select %broadcast_in_dim3A_834, %get3A_810, %broadcast_in_dim3A_835 : vector<1152x96xi1>, vector<1152x96xf32>
    %get3A_837 = arith.constant 19 : index
    %get3A_838 = arith.constant 0 : index
    %get3A_839 = arith.constant 0 : index
    %get3A_840 = vector.load %arg2[%get3A_837, %get3A_838, %get3A_839] : memref<27x96x24xf32, #tpu.memory_space<vmem>>, vector<1x96x24xf32>
    %get3A_841 = vector.shape_cast %get3A_840 : vector<1x96x24xf32> to vector<96x24xf32>
    %dot_general3A_842 = arith.constant dense<0.000000e+00> : vector<1152x24xf32>
    %dot_general3A_843 = tpu.matmul %select_n3A_836, %get3A_841, %dot_general3A_842 {dimension_numbers = #tpu.dot_dimension_numbers<[1], [0], [0], [1], [0, 0, 1, 1], [], []>, transpose_lhs_hint = false} : vector<1152x96xf32>, vector<96x24xf32>, vector<1152x24xf32> -> vector<1152x24xf32>
    %add3A_844 = arith.addf %add3A_805, %dot_general3A_843 : vector<1152x24xf32>
    %add3A_845 = arith.constant 4617 : i32
    %add3A_846 = arith.addi %add3A_845, %mul3A_0 : i32
    %get3A_847 = arith.index_cast %add3A_846 : i32 to index
    %get3A_848 = arith.constant 0 : index
    %get3A_849 = vector.load %arg1[%get3A_847, %get3A_848] : memref<13936x96xf32, #tpu.memory_space<vmem>>, vector<1152x96xf32>
    %add3A_850 = arith.constant 1 : i32
    %add3A_851 = vector.broadcast %add3A_850 : i32 to vector<1152x1xi32>
    %add3A_852 = arith.addi %select_n3A_16, %add3A_851 : vector<1152x1xi32>
    %add3A_853 = arith.constant -1 : i32
    %add3A_854 = vector.broadcast %add3A_853 : i32 to vector<1152x1xi32>
    %add3A_855 = arith.addi %select_n3A_66, %add3A_854 : vector<1152x1xi32>
    %ge3A_856 = arith.constant 0 : i32
    %ge3A_857 = vector.broadcast %ge3A_856 : i32 to vector<1152x1xi32>
    %ge3A_858 = arith.cmpi sge, %add3A_852, %ge3A_857 : vector<1152x1xi32>
    %lt3A_859 = arith.constant 48 : i32
    %lt3A_860 = vector.broadcast %lt3A_859 : i32 to vector<1152x1xi32>
    %lt3A_861 = arith.cmpi slt, %add3A_852, %lt3A_860 : vector<1152x1xi32>
    %and3A_862 = arith.andi %ge3A_858, %lt3A_861 : vector<1152x1xi1>
    %ge3A_863 = arith.constant 0 : i32
    %ge3A_864 = vector.broadcast %ge3A_863 : i32 to vector<1152x1xi32>
    %ge3A_865 = arith.cmpi sge, %add3A_855, %ge3A_864 : vector<1152x1xi32>
    %and3A_866 = arith.andi %and3A_862, %ge3A_865 : vector<1152x1xi1>
    %lt3A_867 = arith.constant 48 : i32
    %lt3A_868 = vector.broadcast %lt3A_867 : i32 to vector<1152x1xi32>
    %lt3A_869 = arith.cmpi slt, %add3A_855, %lt3A_868 : vector<1152x1xi32>
    %and3A_870 = arith.andi %and3A_866, %lt3A_869 : vector<1152x1xi1>
    %jit3A_871 = arith.constant 0.000000e+00 : f32
    %broadcast_in_dim3A_872 = vector.shape_cast %and3A_870 : vector<1152x1xi1> to vector<1152x1xi1>
    %broadcast_in_dim3A_873 = vector.broadcast %broadcast_in_dim3A_872 : vector<1152x1xi1> to vector<1152x96xi1>
    %broadcast_in_dim3A_874 = vector.broadcast %jit3A_871 : f32 to vector<1152x96xf32>
    %select_n3A_875 = arith.select %broadcast_in_dim3A_873, %get3A_849, %broadcast_in_dim3A_874 : vector<1152x96xi1>, vector<1152x96xf32>
    %get3A_876 = arith.constant 20 : index
    %get3A_877 = arith.constant 0 : index
    %get3A_878 = arith.constant 0 : index
    %get3A_879 = vector.load %arg2[%get3A_876, %get3A_877, %get3A_878] : memref<27x96x24xf32, #tpu.memory_space<vmem>>, vector<1x96x24xf32>
    %get3A_880 = vector.shape_cast %get3A_879 : vector<1x96x24xf32> to vector<96x24xf32>
    %dot_general3A_881 = arith.constant dense<0.000000e+00> : vector<1152x24xf32>
    %dot_general3A_882 = tpu.matmul %select_n3A_875, %get3A_880, %dot_general3A_881 {dimension_numbers = #tpu.dot_dimension_numbers<[1], [0], [0], [1], [0, 0, 1, 1], [], []>, transpose_lhs_hint = false} : vector<1152x96xf32>, vector<96x24xf32>, vector<1152x24xf32> -> vector<1152x24xf32>
    %add3A_883 = arith.addf %add3A_844, %dot_general3A_882 : vector<1152x24xf32>
    %add3A_884 = arith.constant 4663 : i32
    %add3A_885 = arith.addi %add3A_884, %mul3A_0 : i32
    %get3A_886 = arith.index_cast %add3A_885 : i32 to index
    %get3A_887 = arith.constant 0 : index
    %get3A_888 = vector.load %arg1[%get3A_886, %get3A_887] : memref<13936x96xf32, #tpu.memory_space<vmem>>, vector<1152x96xf32>
    %add3A_889 = arith.constant -1 : i32
    %add3A_890 = vector.broadcast %add3A_889 : i32 to vector<1152x1xi32>
    %add3A_891 = arith.addi %select_n3A_16, %add3A_890 : vector<1152x1xi32>
    %add3A_892 = arith.constant 0 : i32
    %add3A_893 = vector.broadcast %add3A_892 : i32 to vector<1152x1xi32>
    %add3A_894 = arith.addi %select_n3A_66, %add3A_893 : vector<1152x1xi32>
    %ge3A_895 = arith.constant 0 : i32
    %ge3A_896 = vector.broadcast %ge3A_895 : i32 to vector<1152x1xi32>
    %ge3A_897 = arith.cmpi sge, %add3A_891, %ge3A_896 : vector<1152x1xi32>
    %lt3A_898 = arith.constant 48 : i32
    %lt3A_899 = vector.broadcast %lt3A_898 : i32 to vector<1152x1xi32>
    %lt3A_900 = arith.cmpi slt, %add3A_891, %lt3A_899 : vector<1152x1xi32>
    %and3A_901 = arith.andi %ge3A_897, %lt3A_900 : vector<1152x1xi1>
    %ge3A_902 = arith.constant 0 : i32
    %ge3A_903 = vector.broadcast %ge3A_902 : i32 to vector<1152x1xi32>
    %ge3A_904 = arith.cmpi sge, %add3A_894, %ge3A_903 : vector<1152x1xi32>
    %and3A_905 = arith.andi %and3A_901, %ge3A_904 : vector<1152x1xi1>
    %lt3A_906 = arith.constant 48 : i32
    %lt3A_907 = vector.broadcast %lt3A_906 : i32 to vector<1152x1xi32>
    %lt3A_908 = arith.cmpi slt, %add3A_894, %lt3A_907 : vector<1152x1xi32>
    %and3A_909 = arith.andi %and3A_905, %lt3A_908 : vector<1152x1xi1>
    %jit3A_910 = arith.constant 0.000000e+00 : f32
    %broadcast_in_dim3A_911 = vector.shape_cast %and3A_909 : vector<1152x1xi1> to vector<1152x1xi1>
    %broadcast_in_dim3A_912 = vector.broadcast %broadcast_in_dim3A_911 : vector<1152x1xi1> to vector<1152x96xi1>
    %broadcast_in_dim3A_913 = vector.broadcast %jit3A_910 : f32 to vector<1152x96xf32>
    %select_n3A_914 = arith.select %broadcast_in_dim3A_912, %get3A_888, %broadcast_in_dim3A_913 : vector<1152x96xi1>, vector<1152x96xf32>
    %get3A_915 = arith.constant 21 : index
    %get3A_916 = arith.constant 0 : index
    %get3A_917 = arith.constant 0 : index
    %get3A_918 = vector.load %arg2[%get3A_915, %get3A_916, %get3A_917] : memref<27x96x24xf32, #tpu.memory_space<vmem>>, vector<1x96x24xf32>
    %get3A_919 = vector.shape_cast %get3A_918 : vector<1x96x24xf32> to vector<96x24xf32>
    %dot_general3A_920 = arith.constant dense<0.000000e+00> : vector<1152x24xf32>
    %dot_general3A_921 = tpu.matmul %select_n3A_914, %get3A_919, %dot_general3A_920 {dimension_numbers = #tpu.dot_dimension_numbers<[1], [0], [0], [1], [0, 0, 1, 1], [], []>, transpose_lhs_hint = false} : vector<1152x96xf32>, vector<96x24xf32>, vector<1152x24xf32> -> vector<1152x24xf32>
    %add3A_922 = arith.addf %add3A_883, %dot_general3A_921 : vector<1152x24xf32>
    %add3A_923 = arith.constant 4664 : i32
    %add3A_924 = arith.addi %add3A_923, %mul3A_0 : i32
    %get3A_925 = arith.index_cast %add3A_924 : i32 to index
    %get3A_926 = arith.constant 0 : index
    %get3A_927 = vector.load %arg1[%get3A_925, %get3A_926] : memref<13936x96xf32, #tpu.memory_space<vmem>>, vector<1152x96xf32>
    %add3A_928 = arith.constant 0 : i32
    %add3A_929 = vector.broadcast %add3A_928 : i32 to vector<1152x1xi32>
    %add3A_930 = arith.addi %select_n3A_16, %add3A_929 : vector<1152x1xi32>
    %add3A_931 = arith.constant 0 : i32
    %add3A_932 = vector.broadcast %add3A_931 : i32 to vector<1152x1xi32>
    %add3A_933 = arith.addi %select_n3A_66, %add3A_932 : vector<1152x1xi32>
    %ge3A_934 = arith.constant 0 : i32
    %ge3A_935 = vector.broadcast %ge3A_934 : i32 to vector<1152x1xi32>
    %ge3A_936 = arith.cmpi sge, %add3A_930, %ge3A_935 : vector<1152x1xi32>
    %lt3A_937 = arith.constant 48 : i32
    %lt3A_938 = vector.broadcast %lt3A_937 : i32 to vector<1152x1xi32>
    %lt3A_939 = arith.cmpi slt, %add3A_930, %lt3A_938 : vector<1152x1xi32>
    %and3A_940 = arith.andi %ge3A_936, %lt3A_939 : vector<1152x1xi1>
    %ge3A_941 = arith.constant 0 : i32
    %ge3A_942 = vector.broadcast %ge3A_941 : i32 to vector<1152x1xi32>
    %ge3A_943 = arith.cmpi sge, %add3A_933, %ge3A_942 : vector<1152x1xi32>
    %and3A_944 = arith.andi %and3A_940, %ge3A_943 : vector<1152x1xi1>
    %lt3A_945 = arith.constant 48 : i32
    %lt3A_946 = vector.broadcast %lt3A_945 : i32 to vector<1152x1xi32>
    %lt3A_947 = arith.cmpi slt, %add3A_933, %lt3A_946 : vector<1152x1xi32>
    %and3A_948 = arith.andi %and3A_944, %lt3A_947 : vector<1152x1xi1>
    %jit3A_949 = arith.constant 0.000000e+00 : f32
    %broadcast_in_dim3A_950 = vector.shape_cast %and3A_948 : vector<1152x1xi1> to vector<1152x1xi1>
    %broadcast_in_dim3A_951 = vector.broadcast %broadcast_in_dim3A_950 : vector<1152x1xi1> to vector<1152x96xi1>
    %broadcast_in_dim3A_952 = vector.broadcast %jit3A_949 : f32 to vector<1152x96xf32>
    %select_n3A_953 = arith.select %broadcast_in_dim3A_951, %get3A_927, %broadcast_in_dim3A_952 : vector<1152x96xi1>, vector<1152x96xf32>
    %get3A_954 = arith.constant 22 : index
    %get3A_955 = arith.constant 0 : index
    %get3A_956 = arith.constant 0 : index
    %get3A_957 = vector.load %arg2[%get3A_954, %get3A_955, %get3A_956] : memref<27x96x24xf32, #tpu.memory_space<vmem>>, vector<1x96x24xf32>
    %get3A_958 = vector.shape_cast %get3A_957 : vector<1x96x24xf32> to vector<96x24xf32>
    %dot_general3A_959 = arith.constant dense<0.000000e+00> : vector<1152x24xf32>
    %dot_general3A_960 = tpu.matmul %select_n3A_953, %get3A_958, %dot_general3A_959 {dimension_numbers = #tpu.dot_dimension_numbers<[1], [0], [0], [1], [0, 0, 1, 1], [], []>, transpose_lhs_hint = false} : vector<1152x96xf32>, vector<96x24xf32>, vector<1152x24xf32> -> vector<1152x24xf32>
    %add3A_961 = arith.addf %add3A_922, %dot_general3A_960 : vector<1152x24xf32>
    %add3A_962 = arith.constant 4665 : i32
    %add3A_963 = arith.addi %add3A_962, %mul3A_0 : i32
    %get3A_964 = arith.index_cast %add3A_963 : i32 to index
    %get3A_965 = arith.constant 0 : index
    %get3A_966 = vector.load %arg1[%get3A_964, %get3A_965] : memref<13936x96xf32, #tpu.memory_space<vmem>>, vector<1152x96xf32>
    %add3A_967 = arith.constant 1 : i32
    %add3A_968 = vector.broadcast %add3A_967 : i32 to vector<1152x1xi32>
    %add3A_969 = arith.addi %select_n3A_16, %add3A_968 : vector<1152x1xi32>
    %add3A_970 = arith.constant 0 : i32
    %add3A_971 = vector.broadcast %add3A_970 : i32 to vector<1152x1xi32>
    %add3A_972 = arith.addi %select_n3A_66, %add3A_971 : vector<1152x1xi32>
    %ge3A_973 = arith.constant 0 : i32
    %ge3A_974 = vector.broadcast %ge3A_973 : i32 to vector<1152x1xi32>
    %ge3A_975 = arith.cmpi sge, %add3A_969, %ge3A_974 : vector<1152x1xi32>
    %lt3A_976 = arith.constant 48 : i32
    %lt3A_977 = vector.broadcast %lt3A_976 : i32 to vector<1152x1xi32>
    %lt3A_978 = arith.cmpi slt, %add3A_969, %lt3A_977 : vector<1152x1xi32>
    %and3A_979 = arith.andi %ge3A_975, %lt3A_978 : vector<1152x1xi1>
    %ge3A_980 = arith.constant 0 : i32
    %ge3A_981 = vector.broadcast %ge3A_980 : i32 to vector<1152x1xi32>
    %ge3A_982 = arith.cmpi sge, %add3A_972, %ge3A_981 : vector<1152x1xi32>
    %and3A_983 = arith.andi %and3A_979, %ge3A_982 : vector<1152x1xi1>
    %lt3A_984 = arith.constant 48 : i32
    %lt3A_985 = vector.broadcast %lt3A_984 : i32 to vector<1152x1xi32>
    %lt3A_986 = arith.cmpi slt, %add3A_972, %lt3A_985 : vector<1152x1xi32>
    %and3A_987 = arith.andi %and3A_983, %lt3A_986 : vector<1152x1xi1>
    %jit3A_988 = arith.constant 0.000000e+00 : f32
    %broadcast_in_dim3A_989 = vector.shape_cast %and3A_987 : vector<1152x1xi1> to vector<1152x1xi1>
    %broadcast_in_dim3A_990 = vector.broadcast %broadcast_in_dim3A_989 : vector<1152x1xi1> to vector<1152x96xi1>
    %broadcast_in_dim3A_991 = vector.broadcast %jit3A_988 : f32 to vector<1152x96xf32>
    %select_n3A_992 = arith.select %broadcast_in_dim3A_990, %get3A_966, %broadcast_in_dim3A_991 : vector<1152x96xi1>, vector<1152x96xf32>
    %get3A_993 = arith.constant 23 : index
    %get3A_994 = arith.constant 0 : index
    %get3A_995 = arith.constant 0 : index
    %get3A_996 = vector.load %arg2[%get3A_993, %get3A_994, %get3A_995] : memref<27x96x24xf32, #tpu.memory_space<vmem>>, vector<1x96x24xf32>
    %get3A_997 = vector.shape_cast %get3A_996 : vector<1x96x24xf32> to vector<96x24xf32>
    %dot_general3A_998 = arith.constant dense<0.000000e+00> : vector<1152x24xf32>
    %dot_general3A_999 = tpu.matmul %select_n3A_992, %get3A_997, %dot_general3A_998 {dimension_numbers = #tpu.dot_dimension_numbers<[1], [0], [0], [1], [0, 0, 1, 1], [], []>, transpose_lhs_hint = false} : vector<1152x96xf32>, vector<96x24xf32>, vector<1152x24xf32> -> vector<1152x24xf32>
    %add3A_1000 = arith.addf %add3A_961, %dot_general3A_999 : vector<1152x24xf32>
    %add3A_1001 = arith.constant 4711 : i32
    %add3A_1002 = arith.addi %add3A_1001, %mul3A_0 : i32
    %get3A_1003 = arith.index_cast %add3A_1002 : i32 to index
    %get3A_1004 = arith.constant 0 : index
    %get3A_1005 = vector.load %arg1[%get3A_1003, %get3A_1004] : memref<13936x96xf32, #tpu.memory_space<vmem>>, vector<1152x96xf32>
    %add3A_1006 = arith.constant -1 : i32
    %add3A_1007 = vector.broadcast %add3A_1006 : i32 to vector<1152x1xi32>
    %add3A_1008 = arith.addi %select_n3A_16, %add3A_1007 : vector<1152x1xi32>
    %add3A_1009 = arith.constant 1 : i32
    %add3A_1010 = vector.broadcast %add3A_1009 : i32 to vector<1152x1xi32>
    %add3A_1011 = arith.addi %select_n3A_66, %add3A_1010 : vector<1152x1xi32>
    %ge3A_1012 = arith.constant 0 : i32
    %ge3A_1013 = vector.broadcast %ge3A_1012 : i32 to vector<1152x1xi32>
    %ge3A_1014 = arith.cmpi sge, %add3A_1008, %ge3A_1013 : vector<1152x1xi32>
    %lt3A_1015 = arith.constant 48 : i32
    %lt3A_1016 = vector.broadcast %lt3A_1015 : i32 to vector<1152x1xi32>
    %lt3A_1017 = arith.cmpi slt, %add3A_1008, %lt3A_1016 : vector<1152x1xi32>
    %and3A_1018 = arith.andi %ge3A_1014, %lt3A_1017 : vector<1152x1xi1>
    %ge3A_1019 = arith.constant 0 : i32
    %ge3A_1020 = vector.broadcast %ge3A_1019 : i32 to vector<1152x1xi32>
    %ge3A_1021 = arith.cmpi sge, %add3A_1011, %ge3A_1020 : vector<1152x1xi32>
    %and3A_1022 = arith.andi %and3A_1018, %ge3A_1021 : vector<1152x1xi1>
    %lt3A_1023 = arith.constant 48 : i32
    %lt3A_1024 = vector.broadcast %lt3A_1023 : i32 to vector<1152x1xi32>
    %lt3A_1025 = arith.cmpi slt, %add3A_1011, %lt3A_1024 : vector<1152x1xi32>
    %and3A_1026 = arith.andi %and3A_1022, %lt3A_1025 : vector<1152x1xi1>
    %jit3A_1027 = arith.constant 0.000000e+00 : f32
    %broadcast_in_dim3A_1028 = vector.shape_cast %and3A_1026 : vector<1152x1xi1> to vector<1152x1xi1>
    %broadcast_in_dim3A_1029 = vector.broadcast %broadcast_in_dim3A_1028 : vector<1152x1xi1> to vector<1152x96xi1>
    %broadcast_in_dim3A_1030 = vector.broadcast %jit3A_1027 : f32 to vector<1152x96xf32>
    %select_n3A_1031 = arith.select %broadcast_in_dim3A_1029, %get3A_1005, %broadcast_in_dim3A_1030 : vector<1152x96xi1>, vector<1152x96xf32>
    %get3A_1032 = arith.constant 24 : index
    %get3A_1033 = arith.constant 0 : index
    %get3A_1034 = arith.constant 0 : index
    %get3A_1035 = vector.load %arg2[%get3A_1032, %get3A_1033, %get3A_1034] : memref<27x96x24xf32, #tpu.memory_space<vmem>>, vector<1x96x24xf32>
    %get3A_1036 = vector.shape_cast %get3A_1035 : vector<1x96x24xf32> to vector<96x24xf32>
    %dot_general3A_1037 = arith.constant dense<0.000000e+00> : vector<1152x24xf32>
    %dot_general3A_1038 = tpu.matmul %select_n3A_1031, %get3A_1036, %dot_general3A_1037 {dimension_numbers = #tpu.dot_dimension_numbers<[1], [0], [0], [1], [0, 0, 1, 1], [], []>, transpose_lhs_hint = false} : vector<1152x96xf32>, vector<96x24xf32>, vector<1152x24xf32> -> vector<1152x24xf32>
    %add3A_1039 = arith.addf %add3A_1000, %dot_general3A_1038 : vector<1152x24xf32>
    %add3A_1040 = arith.constant 4712 : i32
    %add3A_1041 = arith.addi %add3A_1040, %mul3A_0 : i32
    %get3A_1042 = arith.index_cast %add3A_1041 : i32 to index
    %get3A_1043 = arith.constant 0 : index
    %get3A_1044 = vector.load %arg1[%get3A_1042, %get3A_1043] : memref<13936x96xf32, #tpu.memory_space<vmem>>, vector<1152x96xf32>
    %add3A_1045 = arith.constant 0 : i32
    %add3A_1046 = vector.broadcast %add3A_1045 : i32 to vector<1152x1xi32>
    %add3A_1047 = arith.addi %select_n3A_16, %add3A_1046 : vector<1152x1xi32>
    %add3A_1048 = arith.constant 1 : i32
    %add3A_1049 = vector.broadcast %add3A_1048 : i32 to vector<1152x1xi32>
    %add3A_1050 = arith.addi %select_n3A_66, %add3A_1049 : vector<1152x1xi32>
    %ge3A_1051 = arith.constant 0 : i32
    %ge3A_1052 = vector.broadcast %ge3A_1051 : i32 to vector<1152x1xi32>
    %ge3A_1053 = arith.cmpi sge, %add3A_1047, %ge3A_1052 : vector<1152x1xi32>
    %lt3A_1054 = arith.constant 48 : i32
    %lt3A_1055 = vector.broadcast %lt3A_1054 : i32 to vector<1152x1xi32>
    %lt3A_1056 = arith.cmpi slt, %add3A_1047, %lt3A_1055 : vector<1152x1xi32>
    %and3A_1057 = arith.andi %ge3A_1053, %lt3A_1056 : vector<1152x1xi1>
    %ge3A_1058 = arith.constant 0 : i32
    %ge3A_1059 = vector.broadcast %ge3A_1058 : i32 to vector<1152x1xi32>
    %ge3A_1060 = arith.cmpi sge, %add3A_1050, %ge3A_1059 : vector<1152x1xi32>
    %and3A_1061 = arith.andi %and3A_1057, %ge3A_1060 : vector<1152x1xi1>
    %lt3A_1062 = arith.constant 48 : i32
    %lt3A_1063 = vector.broadcast %lt3A_1062 : i32 to vector<1152x1xi32>
    %lt3A_1064 = arith.cmpi slt, %add3A_1050, %lt3A_1063 : vector<1152x1xi32>
    %and3A_1065 = arith.andi %and3A_1061, %lt3A_1064 : vector<1152x1xi1>
    %jit3A_1066 = arith.constant 0.000000e+00 : f32
    %broadcast_in_dim3A_1067 = vector.shape_cast %and3A_1065 : vector<1152x1xi1> to vector<1152x1xi1>
    %broadcast_in_dim3A_1068 = vector.broadcast %broadcast_in_dim3A_1067 : vector<1152x1xi1> to vector<1152x96xi1>
    %broadcast_in_dim3A_1069 = vector.broadcast %jit3A_1066 : f32 to vector<1152x96xf32>
    %select_n3A_1070 = arith.select %broadcast_in_dim3A_1068, %get3A_1044, %broadcast_in_dim3A_1069 : vector<1152x96xi1>, vector<1152x96xf32>
    %get3A_1071 = arith.constant 25 : index
    %get3A_1072 = arith.constant 0 : index
    %get3A_1073 = arith.constant 0 : index
    %get3A_1074 = vector.load %arg2[%get3A_1071, %get3A_1072, %get3A_1073] : memref<27x96x24xf32, #tpu.memory_space<vmem>>, vector<1x96x24xf32>
    %get3A_1075 = vector.shape_cast %get3A_1074 : vector<1x96x24xf32> to vector<96x24xf32>
    %dot_general3A_1076 = arith.constant dense<0.000000e+00> : vector<1152x24xf32>
    %dot_general3A_1077 = tpu.matmul %select_n3A_1070, %get3A_1075, %dot_general3A_1076 {dimension_numbers = #tpu.dot_dimension_numbers<[1], [0], [0], [1], [0, 0, 1, 1], [], []>, transpose_lhs_hint = false} : vector<1152x96xf32>, vector<96x24xf32>, vector<1152x24xf32> -> vector<1152x24xf32>
    %add3A_1078 = arith.addf %add3A_1039, %dot_general3A_1077 : vector<1152x24xf32>
    %add3A_1079 = arith.constant 4713 : i32
    %add3A_1080 = arith.addi %add3A_1079, %mul3A_0 : i32
    %get3A_1081 = arith.index_cast %add3A_1080 : i32 to index
    %get3A_1082 = arith.constant 0 : index
    %get3A_1083 = vector.load %arg1[%get3A_1081, %get3A_1082] : memref<13936x96xf32, #tpu.memory_space<vmem>>, vector<1152x96xf32>
    %add3A_1084 = arith.constant 1 : i32
    %add3A_1085 = vector.broadcast %add3A_1084 : i32 to vector<1152x1xi32>
    %add3A_1086 = arith.addi %select_n3A_16, %add3A_1085 : vector<1152x1xi32>
    %add3A_1087 = arith.constant 1 : i32
    %add3A_1088 = vector.broadcast %add3A_1087 : i32 to vector<1152x1xi32>
    %add3A_1089 = arith.addi %select_n3A_66, %add3A_1088 : vector<1152x1xi32>
    %ge3A_1090 = arith.constant 0 : i32
    %ge3A_1091 = vector.broadcast %ge3A_1090 : i32 to vector<1152x1xi32>
    %ge3A_1092 = arith.cmpi sge, %add3A_1086, %ge3A_1091 : vector<1152x1xi32>
    %lt3A_1093 = arith.constant 48 : i32
    %lt3A_1094 = vector.broadcast %lt3A_1093 : i32 to vector<1152x1xi32>
    %lt3A_1095 = arith.cmpi slt, %add3A_1086, %lt3A_1094 : vector<1152x1xi32>
    %and3A_1096 = arith.andi %ge3A_1092, %lt3A_1095 : vector<1152x1xi1>
    %ge3A_1097 = arith.constant 0 : i32
    %ge3A_1098 = vector.broadcast %ge3A_1097 : i32 to vector<1152x1xi32>
    %ge3A_1099 = arith.cmpi sge, %add3A_1089, %ge3A_1098 : vector<1152x1xi32>
    %and3A_1100 = arith.andi %and3A_1096, %ge3A_1099 : vector<1152x1xi1>
    %lt3A_1101 = arith.constant 48 : i32
    %lt3A_1102 = vector.broadcast %lt3A_1101 : i32 to vector<1152x1xi32>
    %lt3A_1103 = arith.cmpi slt, %add3A_1089, %lt3A_1102 : vector<1152x1xi32>
    %and3A_1104 = arith.andi %and3A_1100, %lt3A_1103 : vector<1152x1xi1>
    %jit3A_1105 = arith.constant 0.000000e+00 : f32
    %broadcast_in_dim3A_1106 = vector.shape_cast %and3A_1104 : vector<1152x1xi1> to vector<1152x1xi1>
    %broadcast_in_dim3A_1107 = vector.broadcast %broadcast_in_dim3A_1106 : vector<1152x1xi1> to vector<1152x96xi1>
    %broadcast_in_dim3A_1108 = vector.broadcast %jit3A_1105 : f32 to vector<1152x96xf32>
    %select_n3A_1109 = arith.select %broadcast_in_dim3A_1107, %get3A_1083, %broadcast_in_dim3A_1108 : vector<1152x96xi1>, vector<1152x96xf32>
    %get3A_1110 = arith.constant 26 : index
    %get3A_1111 = arith.constant 0 : index
    %get3A_1112 = arith.constant 0 : index
    %get3A_1113 = vector.load %arg2[%get3A_1110, %get3A_1111, %get3A_1112] : memref<27x96x24xf32, #tpu.memory_space<vmem>>, vector<1x96x24xf32>
    %get3A_1114 = vector.shape_cast %get3A_1113 : vector<1x96x24xf32> to vector<96x24xf32>
    %dot_general3A_1115 = arith.constant dense<0.000000e+00> : vector<1152x24xf32>
    %dot_general3A_1116 = tpu.matmul %select_n3A_1109, %get3A_1114, %dot_general3A_1115 {dimension_numbers = #tpu.dot_dimension_numbers<[1], [0], [0], [1], [0, 0, 1, 1], [], []>, transpose_lhs_hint = false} : vector<1152x96xf32>, vector<96x24xf32>, vector<1152x24xf32> -> vector<1152x24xf32>
    %add3A_1117 = arith.addf %add3A_1078, %dot_general3A_1116 : vector<1152x24xf32>
    %get3A_1118 = arith.constant 0 : index
    %get3A_1119 = arith.constant 0 : index
    %get3A_1120 = vector.load %arg5[%get3A_1118, %get3A_1119] : memref<1x24xf32, #tpu.memory_space<vmem>>, vector<1x24xf32>
    %add3A_1121 = vector.broadcast %get3A_1120 : vector<1x24xf32> to vector<1152x24xf32>
    %add3A_1122 = arith.addf %add3A_1117, %add3A_1121 : vector<1152x24xf32>
    %add3A_1123 = arith.constant 2360 : i32
    %add3A_1124 = arith.addi %add3A_1123, %mul3A_0 : i32
    %get3A_1125 = arith.index_cast %add3A_1124 : i32 to index
    %get3A_1126 = arith.constant 0 : index
    %get3A_1127 = vector.load %arg1[%get3A_1125, %get3A_1126] : memref<13936x96xf32, #tpu.memory_space<vmem>>, vector<1152x96xf32>
    %get3A_1128 = arith.constant 0 : index
    %get3A_1129 = arith.constant 0 : index
    %get3A_1130 = vector.load %arg3[%get3A_1128, %get3A_1129] : memref<96x96xf32, #tpu.memory_space<vmem>>, vector<96x96xf32>
    %dot_general3A_1131 = arith.constant dense<0.000000e+00> : vector<1152x96xf32>
    %dot_general3A_1132 = tpu.matmul %get3A_1127, %get3A_1130, %dot_general3A_1131 {dimension_numbers = #tpu.dot_dimension_numbers<[1], [0], [0], [1], [0, 0, 1, 1], [], []>, transpose_lhs_hint = false} : vector<1152x96xf32>, vector<96x96xf32>, vector<1152x96xf32> -> vector<1152x96xf32>
    %get3A_1133 = arith.constant 0 : index
    %get3A_1134 = arith.constant 0 : index
    %get3A_1135 = vector.load %arg6[%get3A_1133, %get3A_1134] : memref<1x96xf32, #tpu.memory_space<vmem>>, vector<1x96xf32>
    %add3A_1136 = vector.broadcast %get3A_1135 : vector<1x96xf32> to vector<1152x96xf32>
    %add3A_1137 = arith.addf %dot_general3A_1132, %add3A_1136 : vector<1152x96xf32>
    %broadcast_in_dim3A_1138 = arith.constant 0.000000e+00 : f32
    %broadcast_in_dim3A_1139 = vector.broadcast %broadcast_in_dim3A_1138 : f32 to vector<1152x8xf32>
    %concatenate3A = tpu.concatenate %add3A_1122, %add3A_1137, %broadcast_in_dim3A_1139 in 1 : vector<1152x24xf32>, vector<1152x96xf32>, vector<1152x8xf32> -> vector<1152x128xf32>
    %swap3A = arith.constant 0 : index
    %swap3A_1140 = arith.constant 0 : index
    %swap3A_1141 = vector.load %arg7[%swap3A, %swap3A_1140] : memref<1152x128xf32, #tpu.memory_space<vmem>>, vector<1152x128xf32>
    tpu.vector_store %arg7[%swap3A, %swap3A_1140], %concatenate3A {strides = array<i32>} : memref<1152x128xf32, #tpu.memory_space<vmem>>, vector<1152x128xf32>,
    %get3A_1142 = arith.constant 0 : index
    %get3A_1143 = arith.constant 0 : index
    %get3A_1144 = vector.load %arg4[%get3A_1142, %get3A_1143] : memref<24x128xf32, #tpu.memory_space<vmem>>, vector<24x128xf32>
    %dot_general3A_1145 = arith.constant dense<0.000000e+00> : vector<1152x128xf32>
    %dot_general3A_1146 = tpu.matmul %add3A_1122, %get3A_1144, %dot_general3A_1145 {dimension_numbers = #tpu.dot_dimension_numbers<[1], [0], [0], [1], [0, 0, 1, 1], [], []>, transpose_lhs_hint = false} : vector<1152x24xf32>, vector<24x128xf32>, vector<1152x128xf32> -> vector<1152x128xf32>
    %iota3A_1147 = tpu.iota {dimensions = array<i32: 1>} : vector<1152x64xi32>
    %slice3A = vector.extract_strided_slice %dot_general3A_1146 {offsets = [0, 0], sizes = [1152, 32], strides = [1, 1]} : vector<1152x128xf32> to vector<1152x32xf32>
    %neg3A = arith.constant 0.000000e+00 : f32
    %neg3A_1148 = vector.broadcast %neg3A : f32 to vector<1152x32xf32>
    %neg3A_1149 = arith.subf %neg3A_1148, %slice3A : vector<1152x32xf32>
    %concatenate3A_1150 = tpu.concatenate %slice3A, %neg3A_1149 in 1 : vector<1152x32xf32>, vector<1152x32xf32> -> vector<1152x64xf32>
    %reduce_max3A = arith.constant dense<0xFF800000> : vector<1152xf32>
    %reduce_max3A_1151 = vector.multi_reduction <maximumf>, %concatenate3A_1150, %reduce_max3A [1] : vector<1152x64xf32> to vector<1152xf32>
    %broadcast_in_dim3A_1152 = vector.shape_cast %reduce_max3A_1151 : vector<1152xf32> to vector<1152x1xf32>
    %ge3A_1153 = vector.broadcast %broadcast_in_dim3A_1152 : vector<1152x1xf32> to vector<1152x64xf32>
    %ge3A_1154 = arith.cmpf oge, %concatenate3A_1150, %ge3A_1153 : vector<1152x64xf32>
    %jit3A_1155 = arith.constant 64 : i32
    %broadcast_in_dim3A_1156 = vector.broadcast %jit3A_1155 : i32 to vector<1152x64xi32>
    %select_n3A_1157 = arith.select %ge3A_1154, %iota3A_1147, %broadcast_in_dim3A_1156 : vector<1152x64xi1>, vector<1152x64xi32>
    %reduce_min3A = arith.constant dense<2147483647> : vector<1152xi32>
    %reduce_min3A_1158 = vector.multi_reduction <minsi>, %select_n3A_1157, %reduce_min3A [1] : vector<1152x64xi32> to vector<1152xi32>
    %broadcast_in_dim3A_1159 = vector.shape_cast %reduce_min3A_1158 : vector<1152xi32> to vector<1152x1xi32>
    %slice3A_1160 = vector.extract_strided_slice %dot_general3A_1146 {offsets = [0, 32], sizes = [1152, 32], strides = [1, 1]} : vector<1152x128xf32> to vector<1152x32xf32>
    %neg3A_1161 = arith.constant 0.000000e+00 : f32
    %neg3A_1162 = vector.broadcast %neg3A_1161 : f32 to vector<1152x32xf32>
    %neg3A_1163 = arith.subf %neg3A_1162, %slice3A_1160 : vector<1152x32xf32>
    %concatenate3A_1164 = tpu.concatenate %slice3A_1160, %neg3A_1163 in 1 : vector<1152x32xf32>, vector<1152x32xf32> -> vector<1152x64xf32>
    %reduce_max3A_1165 = arith.constant dense<0xFF800000> : vector<1152xf32>
    %reduce_max3A_1166 = vector.multi_reduction <maximumf>, %concatenate3A_1164, %reduce_max3A_1165 [1] : vector<1152x64xf32> to vector<1152xf32>
    %broadcast_in_dim3A_1167 = vector.shape_cast %reduce_max3A_1166 : vector<1152xf32> to vector<1152x1xf32>
    %ge3A_1168 = vector.broadcast %broadcast_in_dim3A_1167 : vector<1152x1xf32> to vector<1152x64xf32>
    %ge3A_1169 = arith.cmpf oge, %concatenate3A_1164, %ge3A_1168 : vector<1152x64xf32>
    %jit3A_1170 = arith.constant 64 : i32
    %broadcast_in_dim3A_1171 = vector.broadcast %jit3A_1170 : i32 to vector<1152x64xi32>
    %select_n3A_1172 = arith.select %ge3A_1169, %iota3A_1147, %broadcast_in_dim3A_1171 : vector<1152x64xi1>, vector<1152x64xi32>
    %reduce_min3A_1173 = arith.constant dense<2147483647> : vector<1152xi32>
    %reduce_min3A_1174 = vector.multi_reduction <minsi>, %select_n3A_1172, %reduce_min3A_1173 [1] : vector<1152x64xi32> to vector<1152xi32>
    %broadcast_in_dim3A_1175 = vector.shape_cast %reduce_min3A_1174 : vector<1152xi32> to vector<1152x1xi32>
    %slice3A_1176 = vector.extract_strided_slice %dot_general3A_1146 {offsets = [0, 64], sizes = [1152, 32], strides = [1, 1]} : vector<1152x128xf32> to vector<1152x32xf32>
    %neg3A_1177 = arith.constant 0.000000e+00 : f32
    %neg3A_1178 = vector.broadcast %neg3A_1177 : f32 to vector<1152x32xf32>
    %neg3A_1179 = arith.subf %neg3A_1178, %slice3A_1176 : vector<1152x32xf32>
    %concatenate3A_1180 = tpu.concatenate %slice3A_1176, %neg3A_1179 in 1 : vector<1152x32xf32>, vector<1152x32xf32> -> vector<1152x64xf32>
    %reduce_max3A_1181 = arith.constant dense<0xFF800000> : vector<1152xf32>
    %reduce_max3A_1182 = vector.multi_reduction <maximumf>, %concatenate3A_1180, %reduce_max3A_1181 [1] : vector<1152x64xf32> to vector<1152xf32>
    %broadcast_in_dim3A_1183 = vector.shape_cast %reduce_max3A_1182 : vector<1152xf32> to vector<1152x1xf32>
    %ge3A_1184 = vector.broadcast %broadcast_in_dim3A_1183 : vector<1152x1xf32> to vector<1152x64xf32>
    %ge3A_1185 = arith.cmpf oge, %concatenate3A_1180, %ge3A_1184 : vector<1152x64xf32>
    %jit3A_1186 = arith.constant 64 : i32
    %broadcast_in_dim3A_1187 = vector.broadcast %jit3A_1186 : i32 to vector<1152x64xi32>
    %select_n3A_1188 = arith.select %ge3A_1185, %iota3A_1147, %broadcast_in_dim3A_1187 : vector<1152x64xi1>, vector<1152x64xi32>
    %reduce_min3A_1189 = arith.constant dense<2147483647> : vector<1152xi32>
    %reduce_min3A_1190 = vector.multi_reduction <minsi>, %select_n3A_1188, %reduce_min3A_1189 [1] : vector<1152x64xi32> to vector<1152xi32>
    %broadcast_in_dim3A_1191 = vector.shape_cast %reduce_min3A_1190 : vector<1152xi32> to vector<1152x1xi32>
    %slice3A_1192 = vector.extract_strided_slice %dot_general3A_1146 {offsets = [0, 96], sizes = [1152, 32], strides = [1, 1]} : vector<1152x128xf32> to vector<1152x32xf32>
    %neg3A_1193 = arith.constant 0.000000e+00 : f32
    %neg3A_1194 = vector.broadcast %neg3A_1193 : f32 to vector<1152x32xf32>
    %neg3A_1195 = arith.subf %neg3A_1194, %slice3A_1192 : vector<1152x32xf32>
    %concatenate3A_1196 = tpu.concatenate %slice3A_1192, %neg3A_1195 in 1 : vector<1152x32xf32>, vector<1152x32xf32> -> vector<1152x64xf32>
    %reduce_max3A_1197 = arith.constant dense<0xFF800000> : vector<1152xf32>
    %reduce_max3A_1198 = vector.multi_reduction <maximumf>, %concatenate3A_1196, %reduce_max3A_1197 [1] : vector<1152x64xf32> to vector<1152xf32>
    %broadcast_in_dim3A_1199 = vector.shape_cast %reduce_max3A_1198 : vector<1152xf32> to vector<1152x1xf32>
    %ge3A_1200 = vector.broadcast %broadcast_in_dim3A_1199 : vector<1152x1xf32> to vector<1152x64xf32>
    %ge3A_1201 = arith.cmpf oge, %concatenate3A_1196, %ge3A_1200 : vector<1152x64xf32>
    %jit3A_1202 = arith.constant 64 : i32
    %broadcast_in_dim3A_1203 = vector.broadcast %jit3A_1202 : i32 to vector<1152x64xi32>
    %select_n3A_1204 = arith.select %ge3A_1201, %iota3A_1147, %broadcast_in_dim3A_1203 : vector<1152x64xi1>, vector<1152x64xi32>
    %reduce_min3A_1205 = arith.constant dense<2147483647> : vector<1152xi32>
    %reduce_min3A_1206 = vector.multi_reduction <minsi>, %select_n3A_1204, %reduce_min3A_1205 [1] : vector<1152x64xi32> to vector<1152xi32>
    %broadcast_in_dim3A_1207 = vector.shape_cast %reduce_min3A_1206 : vector<1152xi32> to vector<1152x1xi32>
    %broadcast_in_dim3A_1208 = arith.constant 0 : i32
    %broadcast_in_dim3A_1209 = vector.broadcast %broadcast_in_dim3A_1208 : i32 to vector<1152x4xi32>
    %concatenate3A_1210 = tpu.concatenate %broadcast_in_dim3A_1159, %broadcast_in_dim3A_1175, %broadcast_in_dim3A_1191, %broadcast_in_dim3A_1207, %broadcast_in_dim3A_1209 in 1 : vector<1152x1xi32>, vector<1152x1xi32>, vector<1152x1xi32>, vector<1152x1xi32>, vector<1152x4xi32> -> vector<1152x8xi32>
    %swap3A_1211 = arith.constant 0 : index
    %swap3A_1212 = arith.constant 0 : index
    %swap3A_1213 = vector.load %arg8[%swap3A_1211, %swap3A_1212] : memref<1152x8xi32, #tpu.memory_space<vmem>>, vector<1152x8xi32>
    tpu.vector_store %arg8[%swap3A_1211, %swap3A_1212], %concatenate3A_1210 {strides = array<i32>} : memref<1152x8xi32, #tpu.memory_space<vmem>>, vector<1152x8xi32>,
    return
  }
  func.func @transform_0(%arg0: i32) -> (i32, i32) {
    %c0_i32 = arith.constant 0 : i32
    %c0_i32_0 = arith.constant 0 : i32
    %c0_i32_1 = arith.constant 0 : i32
    return %c0_i32, %c0_i32_0 : i32, i32
  }
  func.func @transform_1(%arg0: i32) -> (i32, i32, i32) {
    %c0_i32 = arith.constant 0 : i32
    %c0_i32_0 = arith.constant 0 : i32
    %c0_i32_1 = arith.constant 0 : i32
    %c0_i32_2 = arith.constant 0 : i32
    return %c0_i32, %c0_i32_0, %c0_i32_1 : i32, i32, i32
  }
  func.func @transform_2(%arg0: i32) -> (i32, i32) {
    %c0_i32 = arith.constant 0 : i32
    %c0_i32_0 = arith.constant 0 : i32
    %c0_i32_1 = arith.constant 0 : i32
    return %c0_i32, %c0_i32_0 : i32, i32
  }
  func.func @transform_3(%arg0: i32) -> (i32, i32) {
    %c0_i32 = arith.constant 0 : i32
    %c0_i32_0 = arith.constant 0 : i32
    %c0_i32_1 = arith.constant 0 : i32
    return %c0_i32, %c0_i32_0 : i32, i32
  }
  func.func @transform_4(%arg0: i32) -> (i32, i32) {
    %c0_i32 = arith.constant 0 : i32
    %c0_i32_0 = arith.constant 0 : i32
    %c0_i32_1 = arith.constant 0 : i32
    return %c0_i32, %c0_i32_0 : i32, i32
  }
  func.func @transform_5(%arg0: i32) -> (i32, i32) {
    %c0_i32 = arith.constant 0 : i32
    %c0_i32_0 = arith.constant 0 : i32
    %c0_i32_1 = arith.constant 0 : i32
    return %c0_i32, %c0_i32_0 : i32, i32
  }
  func.func @transform_6(%arg0: i32) -> (i32, i32) {
    %c0_i32 = arith.constant 0 : i32
    %c0_i32_0 = arith.constant 0 : i32
    return %arg0, %c0_i32 : i32, i32
  }
  func.func @transform_7(%arg0: i32) -> (i32, i32) {
    %c0_i32 = arith.constant 0 : i32
    %c0_i32_0 = arith.constant 0 : i32
    return %arg0, %c0_i32 : i32, i32
  }
}

module attributes {stable_mosaic.version = 14 : i64} {
  func.func @_rank1_body(%arg0: i32, %arg1: i32, %arg2: memref<1x1x1152x1xi32, #tpu.memory_space<vmem>>, %arg3: memref<1152x1152xf32, #tpu.memory_space<vmem>>, %arg4: memref<1x1x1152x1xf32, #tpu.memory_space<vmem>>, %arg5: memref<1x1x64xf32, #tpu.memory_space<vmem>>, %arg6: memref<1x64xf32, #tpu.memory_space<vmem>>) attributes {dimension_semantics = [#tpu.dimension_semantics<arbitrary>, #tpu.dimension_semantics<arbitrary>], iteration_bounds = array<i64: 4, 8>, scalar_prefetch = 0 : i64, scratch_operands = 1 : i64, tpu.core_type = #tpu.core_type<tc>, window_params = [{transform_indices = @transform_0, window_bounds = array<i64: 1, 1, 1152, 1>}, {pipeline_mode = #tpu.pipeline_mode<synchronous>, transform_indices = @transform_1, window_bounds = array<i64: 1152, 1152>}, {transform_indices = @transform_2, window_bounds = array<i64: 1, 1, 1152, 1>}, {transform_indices = @transform_3, window_bounds = array<i64: 1, 1, 64>}]} {
    %eq3A = arith.constant 0 : i32
    %eq3A_0 = arith.cmpi eq, %arg1, %eq3A : i32
    %convert_element_type3A = arith.extui %eq3A_0 : i1 to i32
    %cond3A = arith.constant 0 : i32
    %cond3A_1 = arith.cmpi ne, %convert_element_type3A, %cond3A : i32
    scf.if %cond3A_1 {
      %broadcast_in_dim3A_45 = arith.constant 0.000000e+00 : f32
      %broadcast_in_dim3A_46 = vector.broadcast %broadcast_in_dim3A_45 : f32 to vector<1x64xf32>
      %swap3A_47 = arith.constant 0 : index
      %swap3A_48 = arith.constant 0 : index
      %swap3A_49 = vector.load %arg6[%swap3A_47, %swap3A_48] : memref<1x64xf32, #tpu.memory_space<vmem>>, vector<1x64xf32>
      tpu.vector_store %arg6[%swap3A_47, %swap3A_48], %broadcast_in_dim3A_46 {strides = array<i32>} : memref<1x64xf32, #tpu.memory_space<vmem>>, vector<1x64xf32>,
    } else {
    }
    %get3A = arith.constant 0 : index
    %get3A_2 = arith.constant 0 : index
    %get3A_3 = arith.constant 0 : index
    %get3A_4 = arith.constant 0 : index
    %get3A_5 = vector.load %arg2[%get3A, %get3A_2, %get3A_3, %get3A_4] : memref<1x1x1152x1xi32, #tpu.memory_space<vmem>>, vector<1x1x1152x1xi32>
    %get3A_6 = vector.shape_cast %get3A_5 : vector<1x1x1152x1xi32> to vector<1152x1xi32>
    %iota3A = tpu.iota {dimensions = array<i32: 1>} : vector<1152x64xi32>
    %eq3A_7 = vector.broadcast %get3A_6 : vector<1152x1xi32> to vector<1152x64xi32>
    %eq3A_8 = arith.cmpi eq, %eq3A_7, %iota3A : vector<1152x64xi32>
    %convert_element_type3A_9 = arith.extui %eq3A_8 : vector<1152x64xi1> to vector<1152x64xi32>
    %convert_element_type3A_10 = arith.sitofp %convert_element_type3A_9 : vector<1152x64xi32> to vector<1152x64xf32>
    %get3A_11 = arith.constant 0 : index
    %get3A_12 = arith.constant 0 : index
    %get3A_13 = vector.load %arg3[%get3A_11, %get3A_12] : memref<1152x1152xf32, #tpu.memory_space<vmem>>, vector<1152x1152xf32>
    %dot_general3A = arith.constant dense<0.000000e+00> : vector<1152x64xf32>
    %dot_general3A_14 = tpu.matmul %get3A_13, %convert_element_type3A_10, %dot_general3A {dimension_numbers = #tpu.dot_dimension_numbers<[1], [0], [0], [1], [0, 0, 1, 1], [], []>, transpose_lhs_hint = false} : vector<1152x1152xf32>, vector<1152x64xf32>, vector<1152x64xf32> -> vector<1152x64xf32>
    %get3A_15 = arith.constant 0 : index
    %get3A_16 = arith.constant 0 : index
    %get3A_17 = vector.load %arg6[%get3A_15, %get3A_16] : memref<1x64xf32, #tpu.memory_space<vmem>>, vector<1x64xf32>
    %add3A = vector.broadcast %get3A_17 : vector<1x64xf32> to vector<1152x64xf32>
    %add3A_18 = arith.addf %dot_general3A_14, %add3A : vector<1152x64xf32>
    %mul3A = arith.mulf %add3A_18, %convert_element_type3A_10 : vector<1152x64xf32>
    %reduce_sum3A = arith.constant dense<0.000000e+00> : vector<1152xf32>
    %reduce_sum3A_19 = vector.multi_reduction <add>, %mul3A, %reduce_sum3A [1] : vector<1152x64xf32> to vector<1152xf32>
    %broadcast_in_dim3A = vector.shape_cast %reduce_sum3A_19 : vector<1152xf32> to vector<1152x1xf32>
    %swap3A = arith.constant 0 : index
    %swap3A_20 = arith.constant 0 : index
    %swap3A_21 = arith.constant 0 : index
    %swap3A_22 = arith.constant 0 : index
    %swap3A_23 = vector.load %arg4[%swap3A, %swap3A_20, %swap3A_21, %swap3A_22] : memref<1x1x1152x1xf32, #tpu.memory_space<vmem>>, vector<1x1x1152x1xf32>
    %swap3A_24 = vector.shape_cast %swap3A_23 : vector<1x1x1152x1xf32> to vector<1152x1xf32>
    %swap3A_25 = vector.shape_cast %broadcast_in_dim3A : vector<1152x1xf32> to vector<1x1x1152x1xf32>
    tpu.vector_store %arg4[%swap3A, %swap3A_20, %swap3A_21, %swap3A_22], %swap3A_25 {strides = array<i32>} : memref<1x1x1152x1xf32, #tpu.memory_space<vmem>>, vector<1x1x1152x1xf32>,
    %get3A_26 = arith.constant 0 : index
    %get3A_27 = arith.constant 0 : index
    %get3A_28 = vector.load %arg6[%get3A_26, %get3A_27] : memref<1x64xf32, #tpu.memory_space<vmem>>, vector<1x64xf32>
    %reduce_sum3A_29 = arith.constant dense<0.000000e+00> : vector<64xf32>
    %reduce_sum3A_30 = vector.multi_reduction <add>, %convert_element_type3A_10, %reduce_sum3A_29 [0] : vector<1152x64xf32> to vector<64xf32>
    %broadcast_in_dim3A_31 = vector.shape_cast %reduce_sum3A_30 : vector<64xf32> to vector<1x64xf32>
    %add3A_32 = arith.addf %get3A_28, %broadcast_in_dim3A_31 : vector<1x64xf32>
    %swap3A_33 = arith.constant 0 : index
    %swap3A_34 = arith.constant 0 : index
    %swap3A_35 = vector.load %arg6[%swap3A_33, %swap3A_34] : memref<1x64xf32, #tpu.memory_space<vmem>>, vector<1x64xf32>
    tpu.vector_store %arg6[%swap3A_33, %swap3A_34], %add3A_32 {strides = array<i32>} : memref<1x64xf32, #tpu.memory_space<vmem>>, vector<1x64xf32>,
    %get3A_36 = arith.constant 0 : index
    %get3A_37 = arith.constant 0 : index
    %get3A_38 = vector.load %arg6[%get3A_36, %get3A_37] : memref<1x64xf32, #tpu.memory_space<vmem>>, vector<1x64xf32>
    %swap3A_39 = arith.constant 0 : index
    %swap3A_40 = arith.constant 0 : index
    %swap3A_41 = arith.constant 0 : index
    %swap3A_42 = vector.load %arg5[%swap3A_39, %swap3A_40, %swap3A_41] : memref<1x1x64xf32, #tpu.memory_space<vmem>>, vector<1x1x64xf32>
    %swap3A_43 = vector.shape_cast %swap3A_42 : vector<1x1x64xf32> to vector<1x64xf32>
    %swap3A_44 = vector.shape_cast %get3A_38 : vector<1x64xf32> to vector<1x1x64xf32>
    tpu.vector_store %arg5[%swap3A_39, %swap3A_40, %swap3A_41], %swap3A_44 {strides = array<i32>} : memref<1x1x64xf32, #tpu.memory_space<vmem>>, vector<1x1x64xf32>,
    return
  }
  func.func @transform_0(%arg0: i32, %arg1: i32) -> (i32, i32, i32, i32) {
    %c0_i32 = arith.constant 0 : i32
    %c0_i32_0 = arith.constant 0 : i32
    %c0_i32_1 = arith.constant 0 : i32
    return %arg0, %arg1, %c0_i32, %c0_i32_0 : i32, i32, i32, i32
  }
  func.func @transform_1(%arg0: i32, %arg1: i32) -> (i32, i32) {
    %c0_i32 = arith.constant 0 : i32
    %c0_i32_0 = arith.constant 0 : i32
    %c0_i32_1 = arith.constant 0 : i32
    return %c0_i32, %c0_i32_0 : i32, i32
  }
  func.func @transform_2(%arg0: i32, %arg1: i32) -> (i32, i32, i32, i32) {
    %c0_i32 = arith.constant 0 : i32
    %c0_i32_0 = arith.constant 0 : i32
    %c0_i32_1 = arith.constant 0 : i32
    return %arg0, %arg1, %c0_i32, %c0_i32_0 : i32, i32, i32, i32
  }
  func.func @transform_3(%arg0: i32, %arg1: i32) -> (i32, i32, i32) {
    %c0_i32 = arith.constant 0 : i32
    %c0_i32_0 = arith.constant 0 : i32
    %c0_i32_1 = arith.constant 0 : i32
    return %arg0, %c0_i32, %c0_i32_0 : i32, i32, i32
  }
}

module attributes {stable_mosaic.version = 14 : i64} {
  func.func @_rank2_body(%arg0: i32, %arg1: i32, %arg2: memref<1x1x1152x1xi32, #tpu.memory_space<vmem>>, %arg3: memref<1x1x1152x1xf32, #tpu.memory_space<vmem>>, %arg4: memref<1x1x64xf32, #tpu.memory_space<vmem>>, %arg5: memref<1x1x1152x1xi32, #tpu.memory_space<vmem>>) attributes {dimension_semantics = [#tpu.dimension_semantics<arbitrary>, #tpu.dimension_semantics<arbitrary>], iteration_bounds = array<i64: 4, 8>, scalar_prefetch = 0 : i64, scratch_operands = 0 : i64, tpu.core_type = #tpu.core_type<tc>, window_params = [{transform_indices = @transform_0, window_bounds = array<i64: 1, 1, 1152, 1>}, {transform_indices = @transform_1, window_bounds = array<i64: 1, 1, 1152, 1>}, {transform_indices = @transform_2, window_bounds = array<i64: 1, 1, 64>}, {transform_indices = @transform_3, window_bounds = array<i64: 1, 1, 1152, 1>}]} {
    %get3A = arith.constant 0 : index
    %get3A_0 = arith.constant 0 : index
    %get3A_1 = arith.constant 0 : index
    %get3A_2 = arith.constant 0 : index
    %get3A_3 = vector.load %arg2[%get3A, %get3A_0, %get3A_1, %get3A_2] : memref<1x1x1152x1xi32, #tpu.memory_space<vmem>>, vector<1x1x1152x1xi32>
    %get3A_4 = vector.shape_cast %get3A_3 : vector<1x1x1152x1xi32> to vector<1152x1xi32>
    %iota3A = tpu.iota {dimensions = array<i32: 1>} : vector<1152x64xi32>
    %eq3A = vector.broadcast %get3A_4 : vector<1152x1xi32> to vector<1152x64xi32>
    %eq3A_5 = arith.cmpi eq, %eq3A, %iota3A : vector<1152x64xi32>
    %convert_element_type3A = arith.extui %eq3A_5 : vector<1152x64xi1> to vector<1152x64xi32>
    %convert_element_type3A_6 = arith.sitofp %convert_element_type3A : vector<1152x64xi32> to vector<1152x64xf32>
    %iota3A_7 = tpu.iota {dimensions = array<i32: 0>} : vector<64x64xi32>
    %iota3A_8 = tpu.iota {dimensions = array<i32: 1>} : vector<64x64xi32>
    %lt3A = arith.cmpi slt, %iota3A_7, %iota3A_8 : vector<64x64xi32>
    %convert_element_type3A_9 = arith.extui %lt3A : vector<64x64xi1> to vector<64x64xi32>
    %convert_element_type3A_10 = arith.sitofp %convert_element_type3A_9 : vector<64x64xi32> to vector<64x64xf32>
    %get3A_11 = arith.constant 0 : index
    %get3A_12 = arith.constant 0 : index
    %get3A_13 = arith.constant 0 : index
    %get3A_14 = vector.load %arg4[%get3A_11, %get3A_12, %get3A_13] : memref<1x1x64xf32, #tpu.memory_space<vmem>>, vector<1x1x64xf32>
    %get3A_15 = vector.shape_cast %get3A_14 : vector<1x1x64xf32> to vector<1x64xf32>
    %dot_general3A = arith.constant dense<0.000000e+00> : vector<1x64xf32>
    %dot_general3A_16 = tpu.matmul %get3A_15, %convert_element_type3A_10, %dot_general3A {dimension_numbers = #tpu.dot_dimension_numbers<[1], [0], [0], [1], [0, 0, 1, 1], [], []>, transpose_lhs_hint = false} : vector<1x64xf32>, vector<64x64xf32>, vector<1x64xf32> -> vector<1x64xf32>
    %mul3A = vector.broadcast %dot_general3A_16 : vector<1x64xf32> to vector<1152x64xf32>
    %mul3A_17 = arith.mulf %convert_element_type3A_6, %mul3A : vector<1152x64xf32>
    %reduce_sum3A = arith.constant dense<0.000000e+00> : vector<1152xf32>
    %reduce_sum3A_18 = vector.multi_reduction <add>, %mul3A_17, %reduce_sum3A [1] : vector<1152x64xf32> to vector<1152xf32>
    %broadcast_in_dim3A = vector.shape_cast %reduce_sum3A_18 : vector<1152xf32> to vector<1152x1xf32>
    %get3A_19 = arith.constant 0 : index
    %get3A_20 = arith.constant 0 : index
    %get3A_21 = arith.constant 0 : index
    %get3A_22 = arith.constant 0 : index
    %get3A_23 = vector.load %arg3[%get3A_19, %get3A_20, %get3A_21, %get3A_22] : memref<1x1x1152x1xf32, #tpu.memory_space<vmem>>, vector<1x1x1152x1xf32>
    %get3A_24 = vector.shape_cast %get3A_23 : vector<1x1x1152x1xf32> to vector<1152x1xf32>
    %add3A = arith.addf %get3A_24, %broadcast_in_dim3A : vector<1152x1xf32>
    %convert_element_type3A_25 = arith.fptosi %add3A : vector<1152x1xf32> to vector<1152x1xi32>
    %mul3A_26 = arith.constant 9216 : i32
    %mul3A_27 = arith.muli %arg0, %mul3A_26 : i32
    %add3A_28 = vector.broadcast %mul3A_27 : i32 to vector<1152x1xi32>
    %add3A_29 = arith.addi %convert_element_type3A_25, %add3A_28 : vector<1152x1xi32>
    %swap3A = arith.constant 0 : index
    %swap3A_30 = arith.constant 0 : index
    %swap3A_31 = arith.constant 0 : index
    %swap3A_32 = arith.constant 0 : index
    %swap3A_33 = vector.load %arg5[%swap3A, %swap3A_30, %swap3A_31, %swap3A_32] : memref<1x1x1152x1xi32, #tpu.memory_space<vmem>>, vector<1x1x1152x1xi32>
    %swap3A_34 = vector.shape_cast %swap3A_33 : vector<1x1x1152x1xi32> to vector<1152x1xi32>
    %swap3A_35 = vector.shape_cast %add3A_29 : vector<1152x1xi32> to vector<1x1x1152x1xi32>
    tpu.vector_store %arg5[%swap3A, %swap3A_30, %swap3A_31, %swap3A_32], %swap3A_35 {strides = array<i32>} : memref<1x1x1152x1xi32, #tpu.memory_space<vmem>>, vector<1x1x1152x1xi32>,
    return
  }
  func.func @transform_0(%arg0: i32, %arg1: i32) -> (i32, i32, i32, i32) {
    %c0_i32 = arith.constant 0 : i32
    %c0_i32_0 = arith.constant 0 : i32
    %c0_i32_1 = arith.constant 0 : i32
    return %arg0, %arg1, %c0_i32, %c0_i32_0 : i32, i32, i32, i32
  }
  func.func @transform_1(%arg0: i32, %arg1: i32) -> (i32, i32, i32, i32) {
    %c0_i32 = arith.constant 0 : i32
    %c0_i32_0 = arith.constant 0 : i32
    %c0_i32_1 = arith.constant 0 : i32
    return %arg0, %arg1, %c0_i32, %c0_i32_0 : i32, i32, i32, i32
  }
  func.func @transform_2(%arg0: i32, %arg1: i32) -> (i32, i32, i32) {
    %c0_i32 = arith.constant 0 : i32
    %c0_i32_0 = arith.constant 0 : i32
    %c0_i32_1 = arith.constant 0 : i32
    return %arg0, %c0_i32, %c0_i32_0 : i32, i32, i32
  }
  func.func @transform_3(%arg0: i32, %arg1: i32) -> (i32, i32, i32, i32) {
    %c0_i32 = arith.constant 0 : i32
    %c0_i32_0 = arith.constant 0 : i32
    %c0_i32_1 = arith.constant 0 : i32
    return %arg0, %arg1, %c0_i32, %c0_i32_0 : i32, i32, i32, i32
  }
}

module attributes {stable_mosaic.version = 14 : i64} {
  func.func @_attn_body(%arg0: i32, %arg1: i32, %arg2: memref<1x8x144x128xf32, #tpu.memory_space<vmem>>, %arg3: memref<1x1x144x128xf32, #tpu.memory_space<vmem>>, %arg4: memref<1x1x144x128xf32, #tpu.memory_space<vmem>>, %arg5: memref<1x8x144x128xf32, #tpu.memory_space<vmem>>) attributes {dimension_semantics = [#tpu.dimension_semantics<arbitrary>, #tpu.dimension_semantics<arbitrary>], iteration_bounds = array<i64: 4, 8>, scalar_prefetch = 0 : i64, scratch_operands = 0 : i64, tpu.core_type = #tpu.core_type<tc>, window_params = [{transform_indices = @transform_0, window_bounds = array<i64: 1, 8, 144, 128>}, {transform_indices = @transform_1, window_bounds = array<i64: 1, 1, 144, 128>}, {transform_indices = @transform_2, window_bounds = array<i64: 1, 1, 144, 128>}, {transform_indices = @transform_3, window_bounds = array<i64: 1, 8, 144, 128>}]} {
    %get3A = arith.constant 0 : index
    %get3A_0 = arith.constant 0 : index
    %get3A_1 = arith.constant 0 : index
    %get3A_2 = arith.constant 0 : index
    %get3A_3 = vector.load %arg3[%get3A, %get3A_0, %get3A_1, %get3A_2] : memref<1x1x144x128xf32, #tpu.memory_space<vmem>>, vector<1x1x144x128xf32>
    %get3A_4 = vector.shape_cast %get3A_3 : vector<1x1x144x128xf32> to vector<144x128xf32>
    %get3A_5 = arith.constant 0 : index
    %get3A_6 = arith.constant 0 : index
    %get3A_7 = arith.constant 0 : index
    %get3A_8 = arith.constant 0 : index
    %get3A_9 = vector.load %arg4[%get3A_5, %get3A_6, %get3A_7, %get3A_8] : memref<1x1x144x128xf32, #tpu.memory_space<vmem>>, vector<1x1x144x128xf32>
    %get3A_10 = vector.shape_cast %get3A_9 : vector<1x1x144x128xf32> to vector<144x128xf32>
    %get3A_11 = arith.constant 0 : index
    %get3A_12 = arith.constant 0 : index
    %get3A_13 = arith.constant 0 : index
    %get3A_14 = arith.constant 0 : index
    %get3A_15 = vector.load %arg2[%get3A_11, %get3A_12, %get3A_13, %get3A_14] : memref<1x8x144x128xf32, #tpu.memory_space<vmem>>, vector<1x1x144x128xf32>
    %get3A_16 = vector.shape_cast %get3A_15 : vector<1x1x144x128xf32> to vector<144x128xf32>
    %get3A_17 = arith.constant 0 : index
    %get3A_18 = arith.constant 1 : index
    %get3A_19 = arith.constant 0 : index
    %get3A_20 = arith.constant 0 : index
    %get3A_21 = vector.load %arg2[%get3A_17, %get3A_18, %get3A_19, %get3A_20] : memref<1x8x144x128xf32, #tpu.memory_space<vmem>>, vector<1x1x144x128xf32>
    %get3A_22 = vector.shape_cast %get3A_21 : vector<1x1x144x128xf32> to vector<144x128xf32>
    %slice3A = vector.extract_strided_slice %get3A_16 {offsets = [0, 0], sizes = [144, 24], strides = [1, 1]} : vector<144x128xf32> to vector<144x24xf32>
    %concatenate3A = tpu.concatenate %get3A_16, %get3A_4, %get3A_22 in 0 : vector<144x128xf32>, vector<144x128xf32>, vector<144x128xf32> -> vector<432x128xf32>
    %slice3A_23 = vector.extract_strided_slice %concatenate3A {offsets = [0, 0], sizes = [432, 24], strides = [1, 1]} : vector<432x128xf32> to vector<432x24xf32>
    %slice3A_24 = vector.extract_strided_slice %concatenate3A {offsets = [0, 24], sizes = [432, 96], strides = [1, 1]} : vector<432x128xf32> to vector<432x96xf32>
    %mul3A = arith.mulf %slice3A_23, %slice3A_23 : vector<432x24xf32>
    %reduce_sum3A = arith.constant dense<0.000000e+00> : vector<432xf32>
    %reduce_sum3A_25 = vector.multi_reduction <add>, %mul3A, %reduce_sum3A [1] : vector<432x24xf32> to vector<432xf32>
    %broadcast_in_dim3A = vector.shape_cast %reduce_sum3A_25 : vector<432xf32> to vector<432x1xf32>
    %sqrt3A = math.sqrt %broadcast_in_dim3A : vector<432x1xf32>
    %max3A = arith.constant 5.000000e-05 : f32
    %max3A_26 = vector.broadcast %max3A : f32 to vector<432x1xf32>
    %max3A_27 = arith.maximumf %sqrt3A, %max3A_26 : vector<432x1xf32>
    %div3A = vector.broadcast %max3A_27 : vector<432x1xf32> to vector<432x24xf32>
    %div3A_28 = arith.divf %slice3A_23, %div3A : vector<432x24xf32>
    %dot_general3A = arith.constant dense<0.000000e+00> : vector<144x432xf32>
    %dot_general3A_29 = tpu.matmul %slice3A, %div3A_28, %dot_general3A {dimension_numbers = #tpu.dot_dimension_numbers<[1], [1], [0], [0], [0, 0, 1, 0], [], []>, transpose_lhs_hint = false} : vector<144x24xf32>, vector<432x24xf32>, vector<144x432xf32> -> vector<144x432xf32>
    %reduce_max3A = arith.constant dense<0xFF800000> : vector<144xf32>
    %reduce_max3A_30 = vector.multi_reduction <maximumf>, %dot_general3A_29, %reduce_max3A [1] : vector<144x432xf32> to vector<144xf32>
    %broadcast_in_dim3A_31 = vector.shape_cast %reduce_max3A_30 : vector<144xf32> to vector<144x1xf32>
    %sub3A = vector.broadcast %broadcast_in_dim3A_31 : vector<144x1xf32> to vector<144x432xf32>
    %sub3A_32 = arith.subf %dot_general3A_29, %sub3A : vector<144x432xf32>
    %exp3A = math.exp %sub3A_32 : vector<144x432xf32>
    %reduce_sum3A_33 = arith.constant dense<0.000000e+00> : vector<144xf32>
    %reduce_sum3A_34 = vector.multi_reduction <add>, %exp3A, %reduce_sum3A_33 [1] : vector<144x432xf32> to vector<144xf32>
    %broadcast_in_dim3A_35 = vector.shape_cast %reduce_sum3A_34 : vector<144xf32> to vector<144x1xf32>
    %div3A_36 = vector.broadcast %broadcast_in_dim3A_35 : vector<144x1xf32> to vector<144x432xf32>
    %div3A_37 = arith.divf %exp3A, %div3A_36 : vector<144x432xf32>
    %dot_general3A_38 = arith.constant dense<0.000000e+00> : vector<144x96xf32>
    %dot_general3A_39 = tpu.matmul %div3A_37, %slice3A_24, %dot_general3A_38 {dimension_numbers = #tpu.dot_dimension_numbers<[1], [0], [0], [1], [0, 0, 1, 1], [], []>, transpose_lhs_hint = false} : vector<144x432xf32>, vector<432x96xf32>, vector<144x96xf32> -> vector<144x96xf32>
    %log3A = math.log %broadcast_in_dim3A_35 : vector<144x1xf32>
    %add3A = arith.addf %broadcast_in_dim3A_31, %log3A : vector<144x1xf32>
    %broadcast_in_dim3A_40 = vector.shape_cast %add3A : vector<144x1xf32> to vector<144x1xf32>
    %broadcast_in_dim3A_41 = vector.broadcast %broadcast_in_dim3A_40 : vector<144x1xf32> to vector<144x32xf32>
    %concatenate3A_42 = tpu.concatenate %dot_general3A_39, %broadcast_in_dim3A_41 in 1 : vector<144x96xf32>, vector<144x32xf32> -> vector<144x128xf32>
    %swap3A = arith.constant 0 : index
    %swap3A_43 = arith.constant 0 : index
    %swap3A_44 = arith.constant 0 : index
    %swap3A_45 = arith.constant 0 : index
    %swap3A_46 = vector.load %arg5[%swap3A, %swap3A_43, %swap3A_44, %swap3A_45] : memref<1x8x144x128xf32, #tpu.memory_space<vmem>>, vector<1x1x144x128xf32>
    %swap3A_47 = vector.shape_cast %swap3A_46 : vector<1x1x144x128xf32> to vector<144x128xf32>
    %swap3A_48 = vector.shape_cast %concatenate3A_42 : vector<144x128xf32> to vector<1x1x144x128xf32>
    tpu.vector_store %arg5[%swap3A, %swap3A_43, %swap3A_44, %swap3A_45], %swap3A_48 {strides = array<i32>} : memref<1x8x144x128xf32, #tpu.memory_space<vmem>>, vector<1x1x144x128xf32>,
    %get3A_49 = arith.constant 0 : index
    %get3A_50 = arith.constant 1 : index
    %get3A_51 = arith.constant 0 : index
    %get3A_52 = arith.constant 0 : index
    %get3A_53 = vector.load %arg2[%get3A_49, %get3A_50, %get3A_51, %get3A_52] : memref<1x8x144x128xf32, #tpu.memory_space<vmem>>, vector<1x1x144x128xf32>
    %get3A_54 = vector.shape_cast %get3A_53 : vector<1x1x144x128xf32> to vector<144x128xf32>
    %get3A_55 = arith.constant 0 : index
    %get3A_56 = arith.constant 0 : index
    %get3A_57 = arith.constant 0 : index
    %get3A_58 = arith.constant 0 : index
    %get3A_59 = vector.load %arg2[%get3A_55, %get3A_56, %get3A_57, %get3A_58] : memref<1x8x144x128xf32, #tpu.memory_space<vmem>>, vector<1x1x144x128xf32>
    %get3A_60 = vector.shape_cast %get3A_59 : vector<1x1x144x128xf32> to vector<144x128xf32>
    %get3A_61 = arith.constant 0 : index
    %get3A_62 = arith.constant 2 : index
    %get3A_63 = arith.constant 0 : index
    %get3A_64 = arith.constant 0 : index
    %get3A_65 = vector.load %arg2[%get3A_61, %get3A_62, %get3A_63, %get3A_64] : memref<1x8x144x128xf32, #tpu.memory_space<vmem>>, vector<1x1x144x128xf32>
    %get3A_66 = vector.shape_cast %get3A_65 : vector<1x1x144x128xf32> to vector<144x128xf32>
    %slice3A_67 = vector.extract_strided_slice %get3A_54 {offsets = [0, 0], sizes = [144, 24], strides = [1, 1]} : vector<144x128xf32> to vector<144x24xf32>
    %concatenate3A_68 = tpu.concatenate %get3A_54, %get3A_60, %get3A_66 in 0 : vector<144x128xf32>, vector<144x128xf32>, vector<144x128xf32> -> vector<432x128xf32>
    %slice3A_69 = vector.extract_strided_slice %concatenate3A_68 {offsets = [0, 0], sizes = [432, 24], strides = [1, 1]} : vector<432x128xf32> to vector<432x24xf32>
    %slice3A_70 = vector.extract_strided_slice %concatenate3A_68 {offsets = [0, 24], sizes = [432, 96], strides = [1, 1]} : vector<432x128xf32> to vector<432x96xf32>
    %mul3A_71 = arith.mulf %slice3A_69, %slice3A_69 : vector<432x24xf32>
    %reduce_sum3A_72 = arith.constant dense<0.000000e+00> : vector<432xf32>
    %reduce_sum3A_73 = vector.multi_reduction <add>, %mul3A_71, %reduce_sum3A_72 [1] : vector<432x24xf32> to vector<432xf32>
    %broadcast_in_dim3A_74 = vector.shape_cast %reduce_sum3A_73 : vector<432xf32> to vector<432x1xf32>
    %sqrt3A_75 = math.sqrt %broadcast_in_dim3A_74 : vector<432x1xf32>
    %max3A_76 = arith.constant 5.000000e-05 : f32
    %max3A_77 = vector.broadcast %max3A_76 : f32 to vector<432x1xf32>
    %max3A_78 = arith.maximumf %sqrt3A_75, %max3A_77 : vector<432x1xf32>
    %div3A_79 = vector.broadcast %max3A_78 : vector<432x1xf32> to vector<432x24xf32>
    %div3A_80 = arith.divf %slice3A_69, %div3A_79 : vector<432x24xf32>
    %dot_general3A_81 = arith.constant dense<0.000000e+00> : vector<144x432xf32>
    %dot_general3A_82 = tpu.matmul %slice3A_67, %div3A_80, %dot_general3A_81 {dimension_numbers = #tpu.dot_dimension_numbers<[1], [1], [0], [0], [0, 0, 1, 0], [], []>, transpose_lhs_hint = false} : vector<144x24xf32>, vector<432x24xf32>, vector<144x432xf32> -> vector<144x432xf32>
    %reduce_max3A_83 = arith.constant dense<0xFF800000> : vector<144xf32>
    %reduce_max3A_84 = vector.multi_reduction <maximumf>, %dot_general3A_82, %reduce_max3A_83 [1] : vector<144x432xf32> to vector<144xf32>
    %broadcast_in_dim3A_85 = vector.shape_cast %reduce_max3A_84 : vector<144xf32> to vector<144x1xf32>
    %sub3A_86 = vector.broadcast %broadcast_in_dim3A_85 : vector<144x1xf32> to vector<144x432xf32>
    %sub3A_87 = arith.subf %dot_general3A_82, %sub3A_86 : vector<144x432xf32>
    %exp3A_88 = math.exp %sub3A_87 : vector<144x432xf32>
    %reduce_sum3A_89 = arith.constant dense<0.000000e+00> : vector<144xf32>
    %reduce_sum3A_90 = vector.multi_reduction <add>, %exp3A_88, %reduce_sum3A_89 [1] : vector<144x432xf32> to vector<144xf32>
    %broadcast_in_dim3A_91 = vector.shape_cast %reduce_sum3A_90 : vector<144xf32> to vector<144x1xf32>
    %div3A_92 = vector.broadcast %broadcast_in_dim3A_91 : vector<144x1xf32> to vector<144x432xf32>
    %div3A_93 = arith.divf %exp3A_88, %div3A_92 : vector<144x432xf32>
    %dot_general3A_94 = arith.constant dense<0.000000e+00> : vector<144x96xf32>
    %dot_general3A_95 = tpu.matmul %div3A_93, %slice3A_70, %dot_general3A_94 {dimension_numbers = #tpu.dot_dimension_numbers<[1], [0], [0], [1], [0, 0, 1, 1], [], []>, transpose_lhs_hint = false} : vector<144x432xf32>, vector<432x96xf32>, vector<144x96xf32> -> vector<144x96xf32>
    %log3A_96 = math.log %broadcast_in_dim3A_91 : vector<144x1xf32>
    %add3A_97 = arith.addf %broadcast_in_dim3A_85, %log3A_96 : vector<144x1xf32>
    %broadcast_in_dim3A_98 = vector.shape_cast %add3A_97 : vector<144x1xf32> to vector<144x1xf32>
    %broadcast_in_dim3A_99 = vector.broadcast %broadcast_in_dim3A_98 : vector<144x1xf32> to vector<144x32xf32>
    %concatenate3A_100 = tpu.concatenate %dot_general3A_95, %broadcast_in_dim3A_99 in 1 : vector<144x96xf32>, vector<144x32xf32> -> vector<144x128xf32>
    %swap3A_101 = arith.constant 0 : index
    %swap3A_102 = arith.constant 1 : index
    %swap3A_103 = arith.constant 0 : index
    %swap3A_104 = arith.constant 0 : index
    %swap3A_105 = vector.load %arg5[%swap3A_101, %swap3A_102, %swap3A_103, %swap3A_104] : memref<1x8x144x128xf32, #tpu.memory_space<vmem>>, vector<1x1x144x128xf32>
    %swap3A_106 = vector.shape_cast %swap3A_105 : vector<1x1x144x128xf32> to vector<144x128xf32>
    %swap3A_107 = vector.shape_cast %concatenate3A_100 : vector<144x128xf32> to vector<1x1x144x128xf32>
    tpu.vector_store %arg5[%swap3A_101, %swap3A_102, %swap3A_103, %swap3A_104], %swap3A_107 {strides = array<i32>} : memref<1x8x144x128xf32, #tpu.memory_space<vmem>>, vector<1x1x144x128xf32>,
    %get3A_108 = arith.constant 0 : index
    %get3A_109 = arith.constant 2 : index
    %get3A_110 = arith.constant 0 : index
    %get3A_111 = arith.constant 0 : index
    %get3A_112 = vector.load %arg2[%get3A_108, %get3A_109, %get3A_110, %get3A_111] : memref<1x8x144x128xf32, #tpu.memory_space<vmem>>, vector<1x1x144x128xf32>
    %get3A_113 = vector.shape_cast %get3A_112 : vector<1x1x144x128xf32> to vector<144x128xf32>
    %get3A_114 = arith.constant 0 : index
    %get3A_115 = arith.constant 1 : index
    %get3A_116 = arith.constant 0 : index
    %get3A_117 = arith.constant 0 : index
    %get3A_118 = vector.load %arg2[%get3A_114, %get3A_115, %get3A_116, %get3A_117] : memref<1x8x144x128xf32, #tpu.memory_space<vmem>>, vector<1x1x144x128xf32>
    %get3A_119 = vector.shape_cast %get3A_118 : vector<1x1x144x128xf32> to vector<144x128xf32>
    %get3A_120 = arith.constant 0 : index
    %get3A_121 = arith.constant 3 : index
    %get3A_122 = arith.constant 0 : index
    %get3A_123 = arith.constant 0 : index
    %get3A_124 = vector.load %arg2[%get3A_120, %get3A_121, %get3A_122, %get3A_123] : memref<1x8x144x128xf32, #tpu.memory_space<vmem>>, vector<1x1x144x128xf32>
    %get3A_125 = vector.shape_cast %get3A_124 : vector<1x1x144x128xf32> to vector<144x128xf32>
    %slice3A_126 = vector.extract_strided_slice %get3A_113 {offsets = [0, 0], sizes = [144, 24], strides = [1, 1]} : vector<144x128xf32> to vector<144x24xf32>
    %concatenate3A_127 = tpu.concatenate %get3A_113, %get3A_119, %get3A_125 in 0 : vector<144x128xf32>, vector<144x128xf32>, vector<144x128xf32> -> vector<432x128xf32>
    %slice3A_128 = vector.extract_strided_slice %concatenate3A_127 {offsets = [0, 0], sizes = [432, 24], strides = [1, 1]} : vector<432x128xf32> to vector<432x24xf32>
    %slice3A_129 = vector.extract_strided_slice %concatenate3A_127 {offsets = [0, 24], sizes = [432, 96], strides = [1, 1]} : vector<432x128xf32> to vector<432x96xf32>
    %mul3A_130 = arith.mulf %slice3A_128, %slice3A_128 : vector<432x24xf32>
    %reduce_sum3A_131 = arith.constant dense<0.000000e+00> : vector<432xf32>
    %reduce_sum3A_132 = vector.multi_reduction <add>, %mul3A_130, %reduce_sum3A_131 [1] : vector<432x24xf32> to vector<432xf32>
    %broadcast_in_dim3A_133 = vector.shape_cast %reduce_sum3A_132 : vector<432xf32> to vector<432x1xf32>
    %sqrt3A_134 = math.sqrt %broadcast_in_dim3A_133 : vector<432x1xf32>
    %max3A_135 = arith.constant 5.000000e-05 : f32
    %max3A_136 = vector.broadcast %max3A_135 : f32 to vector<432x1xf32>
    %max3A_137 = arith.maximumf %sqrt3A_134, %max3A_136 : vector<432x1xf32>
    %div3A_138 = vector.broadcast %max3A_137 : vector<432x1xf32> to vector<432x24xf32>
    %div3A_139 = arith.divf %slice3A_128, %div3A_138 : vector<432x24xf32>
    %dot_general3A_140 = arith.constant dense<0.000000e+00> : vector<144x432xf32>
    %dot_general3A_141 = tpu.matmul %slice3A_126, %div3A_139, %dot_general3A_140 {dimension_numbers = #tpu.dot_dimension_numbers<[1], [1], [0], [0], [0, 0, 1, 0], [], []>, transpose_lhs_hint = false} : vector<144x24xf32>, vector<432x24xf32>, vector<144x432xf32> -> vector<144x432xf32>
    %reduce_max3A_142 = arith.constant dense<0xFF800000> : vector<144xf32>
    %reduce_max3A_143 = vector.multi_reduction <maximumf>, %dot_general3A_141, %reduce_max3A_142 [1] : vector<144x432xf32> to vector<144xf32>
    %broadcast_in_dim3A_144 = vector.shape_cast %reduce_max3A_143 : vector<144xf32> to vector<144x1xf32>
    %sub3A_145 = vector.broadcast %broadcast_in_dim3A_144 : vector<144x1xf32> to vector<144x432xf32>
    %sub3A_146 = arith.subf %dot_general3A_141, %sub3A_145 : vector<144x432xf32>
    %exp3A_147 = math.exp %sub3A_146 : vector<144x432xf32>
    %reduce_sum3A_148 = arith.constant dense<0.000000e+00> : vector<144xf32>
    %reduce_sum3A_149 = vector.multi_reduction <add>, %exp3A_147, %reduce_sum3A_148 [1] : vector<144x432xf32> to vector<144xf32>
    %broadcast_in_dim3A_150 = vector.shape_cast %reduce_sum3A_149 : vector<144xf32> to vector<144x1xf32>
    %div3A_151 = vector.broadcast %broadcast_in_dim3A_150 : vector<144x1xf32> to vector<144x432xf32>
    %div3A_152 = arith.divf %exp3A_147, %div3A_151 : vector<144x432xf32>
    %dot_general3A_153 = arith.constant dense<0.000000e+00> : vector<144x96xf32>
    %dot_general3A_154 = tpu.matmul %div3A_152, %slice3A_129, %dot_general3A_153 {dimension_numbers = #tpu.dot_dimension_numbers<[1], [0], [0], [1], [0, 0, 1, 1], [], []>, transpose_lhs_hint = false} : vector<144x432xf32>, vector<432x96xf32>, vector<144x96xf32> -> vector<144x96xf32>
    %log3A_155 = math.log %broadcast_in_dim3A_150 : vector<144x1xf32>
    %add3A_156 = arith.addf %broadcast_in_dim3A_144, %log3A_155 : vector<144x1xf32>
    %broadcast_in_dim3A_157 = vector.shape_cast %add3A_156 : vector<144x1xf32> to vector<144x1xf32>
    %broadcast_in_dim3A_158 = vector.broadcast %broadcast_in_dim3A_157 : vector<144x1xf32> to vector<144x32xf32>
    %concatenate3A_159 = tpu.concatenate %dot_general3A_154, %broadcast_in_dim3A_158 in 1 : vector<144x96xf32>, vector<144x32xf32> -> vector<144x128xf32>
    %swap3A_160 = arith.constant 0 : index
    %swap3A_161 = arith.constant 2 : index
    %swap3A_162 = arith.constant 0 : index
    %swap3A_163 = arith.constant 0 : index
    %swap3A_164 = vector.load %arg5[%swap3A_160, %swap3A_161, %swap3A_162, %swap3A_163] : memref<1x8x144x128xf32, #tpu.memory_space<vmem>>, vector<1x1x144x128xf32>
    %swap3A_165 = vector.shape_cast %swap3A_164 : vector<1x1x144x128xf32> to vector<144x128xf32>
    %swap3A_166 = vector.shape_cast %concatenate3A_159 : vector<144x128xf32> to vector<1x1x144x128xf32>
    tpu.vector_store %arg5[%swap3A_160, %swap3A_161, %swap3A_162, %swap3A_163], %swap3A_166 {strides = array<i32>} : memref<1x8x144x128xf32, #tpu.memory_space<vmem>>, vector<1x1x144x128xf32>,
    %get3A_167 = arith.constant 0 : index
    %get3A_168 = arith.constant 3 : index
    %get3A_169 = arith.constant 0 : index
    %get3A_170 = arith.constant 0 : index
    %get3A_171 = vector.load %arg2[%get3A_167, %get3A_168, %get3A_169, %get3A_170] : memref<1x8x144x128xf32, #tpu.memory_space<vmem>>, vector<1x1x144x128xf32>
    %get3A_172 = vector.shape_cast %get3A_171 : vector<1x1x144x128xf32> to vector<144x128xf32>
    %get3A_173 = arith.constant 0 : index
    %get3A_174 = arith.constant 2 : index
    %get3A_175 = arith.constant 0 : index
    %get3A_176 = arith.constant 0 : index
    %get3A_177 = vector.load %arg2[%get3A_173, %get3A_174, %get3A_175, %get3A_176] : memref<1x8x144x128xf32, #tpu.memory_space<vmem>>, vector<1x1x144x128xf32>
    %get3A_178 = vector.shape_cast %get3A_177 : vector<1x1x144x128xf32> to vector<144x128xf32>
    %get3A_179 = arith.constant 0 : index
    %get3A_180 = arith.constant 4 : index
    %get3A_181 = arith.constant 0 : index
    %get3A_182 = arith.constant 0 : index
    %get3A_183 = vector.load %arg2[%get3A_179, %get3A_180, %get3A_181, %get3A_182] : memref<1x8x144x128xf32, #tpu.memory_space<vmem>>, vector<1x1x144x128xf32>
    %get3A_184 = vector.shape_cast %get3A_183 : vector<1x1x144x128xf32> to vector<144x128xf32>
    %slice3A_185 = vector.extract_strided_slice %get3A_172 {offsets = [0, 0], sizes = [144, 24], strides = [1, 1]} : vector<144x128xf32> to vector<144x24xf32>
    %concatenate3A_186 = tpu.concatenate %get3A_172, %get3A_178, %get3A_184 in 0 : vector<144x128xf32>, vector<144x128xf32>, vector<144x128xf32> -> vector<432x128xf32>
    %slice3A_187 = vector.extract_strided_slice %concatenate3A_186 {offsets = [0, 0], sizes = [432, 24], strides = [1, 1]} : vector<432x128xf32> to vector<432x24xf32>
    %slice3A_188 = vector.extract_strided_slice %concatenate3A_186 {offsets = [0, 24], sizes = [432, 96], strides = [1, 1]} : vector<432x128xf32> to vector<432x96xf32>
    %mul3A_189 = arith.mulf %slice3A_187, %slice3A_187 : vector<432x24xf32>
    %reduce_sum3A_190 = arith.constant dense<0.000000e+00> : vector<432xf32>
    %reduce_sum3A_191 = vector.multi_reduction <add>, %mul3A_189, %reduce_sum3A_190 [1] : vector<432x24xf32> to vector<432xf32>
    %broadcast_in_dim3A_192 = vector.shape_cast %reduce_sum3A_191 : vector<432xf32> to vector<432x1xf32>
    %sqrt3A_193 = math.sqrt %broadcast_in_dim3A_192 : vector<432x1xf32>
    %max3A_194 = arith.constant 5.000000e-05 : f32
    %max3A_195 = vector.broadcast %max3A_194 : f32 to vector<432x1xf32>
    %max3A_196 = arith.maximumf %sqrt3A_193, %max3A_195 : vector<432x1xf32>
    %div3A_197 = vector.broadcast %max3A_196 : vector<432x1xf32> to vector<432x24xf32>
    %div3A_198 = arith.divf %slice3A_187, %div3A_197 : vector<432x24xf32>
    %dot_general3A_199 = arith.constant dense<0.000000e+00> : vector<144x432xf32>
    %dot_general3A_200 = tpu.matmul %slice3A_185, %div3A_198, %dot_general3A_199 {dimension_numbers = #tpu.dot_dimension_numbers<[1], [1], [0], [0], [0, 0, 1, 0], [], []>, transpose_lhs_hint = false} : vector<144x24xf32>, vector<432x24xf32>, vector<144x432xf32> -> vector<144x432xf32>
    %reduce_max3A_201 = arith.constant dense<0xFF800000> : vector<144xf32>
    %reduce_max3A_202 = vector.multi_reduction <maximumf>, %dot_general3A_200, %reduce_max3A_201 [1] : vector<144x432xf32> to vector<144xf32>
    %broadcast_in_dim3A_203 = vector.shape_cast %reduce_max3A_202 : vector<144xf32> to vector<144x1xf32>
    %sub3A_204 = vector.broadcast %broadcast_in_dim3A_203 : vector<144x1xf32> to vector<144x432xf32>
    %sub3A_205 = arith.subf %dot_general3A_200, %sub3A_204 : vector<144x432xf32>
    %exp3A_206 = math.exp %sub3A_205 : vector<144x432xf32>
    %reduce_sum3A_207 = arith.constant dense<0.000000e+00> : vector<144xf32>
    %reduce_sum3A_208 = vector.multi_reduction <add>, %exp3A_206, %reduce_sum3A_207 [1] : vector<144x432xf32> to vector<144xf32>
    %broadcast_in_dim3A_209 = vector.shape_cast %reduce_sum3A_208 : vector<144xf32> to vector<144x1xf32>
    %div3A_210 = vector.broadcast %broadcast_in_dim3A_209 : vector<144x1xf32> to vector<144x432xf32>
    %div3A_211 = arith.divf %exp3A_206, %div3A_210 : vector<144x432xf32>
    %dot_general3A_212 = arith.constant dense<0.000000e+00> : vector<144x96xf32>
    %dot_general3A_213 = tpu.matmul %div3A_211, %slice3A_188, %dot_general3A_212 {dimension_numbers = #tpu.dot_dimension_numbers<[1], [0], [0], [1], [0, 0, 1, 1], [], []>, transpose_lhs_hint = false} : vector<144x432xf32>, vector<432x96xf32>, vector<144x96xf32> -> vector<144x96xf32>
    %log3A_214 = math.log %broadcast_in_dim3A_209 : vector<144x1xf32>
    %add3A_215 = arith.addf %broadcast_in_dim3A_203, %log3A_214 : vector<144x1xf32>
    %broadcast_in_dim3A_216 = vector.shape_cast %add3A_215 : vector<144x1xf32> to vector<144x1xf32>
    %broadcast_in_dim3A_217 = vector.broadcast %broadcast_in_dim3A_216 : vector<144x1xf32> to vector<144x32xf32>
    %concatenate3A_218 = tpu.concatenate %dot_general3A_213, %broadcast_in_dim3A_217 in 1 : vector<144x96xf32>, vector<144x32xf32> -> vector<144x128xf32>
    %swap3A_219 = arith.constant 0 : index
    %swap3A_220 = arith.constant 3 : index
    %swap3A_221 = arith.constant 0 : index
    %swap3A_222 = arith.constant 0 : index
    %swap3A_223 = vector.load %arg5[%swap3A_219, %swap3A_220, %swap3A_221, %swap3A_222] : memref<1x8x144x128xf32, #tpu.memory_space<vmem>>, vector<1x1x144x128xf32>
    %swap3A_224 = vector.shape_cast %swap3A_223 : vector<1x1x144x128xf32> to vector<144x128xf32>
    %swap3A_225 = vector.shape_cast %concatenate3A_218 : vector<144x128xf32> to vector<1x1x144x128xf32>
    tpu.vector_store %arg5[%swap3A_219, %swap3A_220, %swap3A_221, %swap3A_222], %swap3A_225 {strides = array<i32>} : memref<1x8x144x128xf32, #tpu.memory_space<vmem>>, vector<1x1x144x128xf32>,
    %get3A_226 = arith.constant 0 : index
    %get3A_227 = arith.constant 4 : index
    %get3A_228 = arith.constant 0 : index
    %get3A_229 = arith.constant 0 : index
    %get3A_230 = vector.load %arg2[%get3A_226, %get3A_227, %get3A_228, %get3A_229] : memref<1x8x144x128xf32, #tpu.memory_space<vmem>>, vector<1x1x144x128xf32>
    %get3A_231 = vector.shape_cast %get3A_230 : vector<1x1x144x128xf32> to vector<144x128xf32>
    %get3A_232 = arith.constant 0 : index
    %get3A_233 = arith.constant 3 : index
    %get3A_234 = arith.constant 0 : index
    %get3A_235 = arith.constant 0 : index
    %get3A_236 = vector.load %arg2[%get3A_232, %get3A_233, %get3A_234, %get3A_235] : memref<1x8x144x128xf32, #tpu.memory_space<vmem>>, vector<1x1x144x128xf32>
    %get3A_237 = vector.shape_cast %get3A_236 : vector<1x1x144x128xf32> to vector<144x128xf32>
    %get3A_238 = arith.constant 0 : index
    %get3A_239 = arith.constant 5 : index
    %get3A_240 = arith.constant 0 : index
    %get3A_241 = arith.constant 0 : index
    %get3A_242 = vector.load %arg2[%get3A_238, %get3A_239, %get3A_240, %get3A_241] : memref<1x8x144x128xf32, #tpu.memory_space<vmem>>, vector<1x1x144x128xf32>
    %get3A_243 = vector.shape_cast %get3A_242 : vector<1x1x144x128xf32> to vector<144x128xf32>
    %slice3A_244 = vector.extract_strided_slice %get3A_231 {offsets = [0, 0], sizes = [144, 24], strides = [1, 1]} : vector<144x128xf32> to vector<144x24xf32>
    %concatenate3A_245 = tpu.concatenate %get3A_231, %get3A_237, %get3A_243 in 0 : vector<144x128xf32>, vector<144x128xf32>, vector<144x128xf32> -> vector<432x128xf32>
    %slice3A_246 = vector.extract_strided_slice %concatenate3A_245 {offsets = [0, 0], sizes = [432, 24], strides = [1, 1]} : vector<432x128xf32> to vector<432x24xf32>
    %slice3A_247 = vector.extract_strided_slice %concatenate3A_245 {offsets = [0, 24], sizes = [432, 96], strides = [1, 1]} : vector<432x128xf32> to vector<432x96xf32>
    %mul3A_248 = arith.mulf %slice3A_246, %slice3A_246 : vector<432x24xf32>
    %reduce_sum3A_249 = arith.constant dense<0.000000e+00> : vector<432xf32>
    %reduce_sum3A_250 = vector.multi_reduction <add>, %mul3A_248, %reduce_sum3A_249 [1] : vector<432x24xf32> to vector<432xf32>
    %broadcast_in_dim3A_251 = vector.shape_cast %reduce_sum3A_250 : vector<432xf32> to vector<432x1xf32>
    %sqrt3A_252 = math.sqrt %broadcast_in_dim3A_251 : vector<432x1xf32>
    %max3A_253 = arith.constant 5.000000e-05 : f32
    %max3A_254 = vector.broadcast %max3A_253 : f32 to vector<432x1xf32>
    %max3A_255 = arith.maximumf %sqrt3A_252, %max3A_254 : vector<432x1xf32>
    %div3A_256 = vector.broadcast %max3A_255 : vector<432x1xf32> to vector<432x24xf32>
    %div3A_257 = arith.divf %slice3A_246, %div3A_256 : vector<432x24xf32>
    %dot_general3A_258 = arith.constant dense<0.000000e+00> : vector<144x432xf32>
    %dot_general3A_259 = tpu.matmul %slice3A_244, %div3A_257, %dot_general3A_258 {dimension_numbers = #tpu.dot_dimension_numbers<[1], [1], [0], [0], [0, 0, 1, 0], [], []>, transpose_lhs_hint = false} : vector<144x24xf32>, vector<432x24xf32>, vector<144x432xf32> -> vector<144x432xf32>
    %reduce_max3A_260 = arith.constant dense<0xFF800000> : vector<144xf32>
    %reduce_max3A_261 = vector.multi_reduction <maximumf>, %dot_general3A_259, %reduce_max3A_260 [1] : vector<144x432xf32> to vector<144xf32>
    %broadcast_in_dim3A_262 = vector.shape_cast %reduce_max3A_261 : vector<144xf32> to vector<144x1xf32>
    %sub3A_263 = vector.broadcast %broadcast_in_dim3A_262 : vector<144x1xf32> to vector<144x432xf32>
    %sub3A_264 = arith.subf %dot_general3A_259, %sub3A_263 : vector<144x432xf32>
    %exp3A_265 = math.exp %sub3A_264 : vector<144x432xf32>
    %reduce_sum3A_266 = arith.constant dense<0.000000e+00> : vector<144xf32>
    %reduce_sum3A_267 = vector.multi_reduction <add>, %exp3A_265, %reduce_sum3A_266 [1] : vector<144x432xf32> to vector<144xf32>
    %broadcast_in_dim3A_268 = vector.shape_cast %reduce_sum3A_267 : vector<144xf32> to vector<144x1xf32>
    %div3A_269 = vector.broadcast %broadcast_in_dim3A_268 : vector<144x1xf32> to vector<144x432xf32>
    %div3A_270 = arith.divf %exp3A_265, %div3A_269 : vector<144x432xf32>
    %dot_general3A_271 = arith.constant dense<0.000000e+00> : vector<144x96xf32>
    %dot_general3A_272 = tpu.matmul %div3A_270, %slice3A_247, %dot_general3A_271 {dimension_numbers = #tpu.dot_dimension_numbers<[1], [0], [0], [1], [0, 0, 1, 1], [], []>, transpose_lhs_hint = false} : vector<144x432xf32>, vector<432x96xf32>, vector<144x96xf32> -> vector<144x96xf32>
    %log3A_273 = math.log %broadcast_in_dim3A_268 : vector<144x1xf32>
    %add3A_274 = arith.addf %broadcast_in_dim3A_262, %log3A_273 : vector<144x1xf32>
    %broadcast_in_dim3A_275 = vector.shape_cast %add3A_274 : vector<144x1xf32> to vector<144x1xf32>
    %broadcast_in_dim3A_276 = vector.broadcast %broadcast_in_dim3A_275 : vector<144x1xf32> to vector<144x32xf32>
    %concatenate3A_277 = tpu.concatenate %dot_general3A_272, %broadcast_in_dim3A_276 in 1 : vector<144x96xf32>, vector<144x32xf32> -> vector<144x128xf32>
    %swap3A_278 = arith.constant 0 : index
    %swap3A_279 = arith.constant 4 : index
    %swap3A_280 = arith.constant 0 : index
    %swap3A_281 = arith.constant 0 : index
    %swap3A_282 = vector.load %arg5[%swap3A_278, %swap3A_279, %swap3A_280, %swap3A_281] : memref<1x8x144x128xf32, #tpu.memory_space<vmem>>, vector<1x1x144x128xf32>
    %swap3A_283 = vector.shape_cast %swap3A_282 : vector<1x1x144x128xf32> to vector<144x128xf32>
    %swap3A_284 = vector.shape_cast %concatenate3A_277 : vector<144x128xf32> to vector<1x1x144x128xf32>
    tpu.vector_store %arg5[%swap3A_278, %swap3A_279, %swap3A_280, %swap3A_281], %swap3A_284 {strides = array<i32>} : memref<1x8x144x128xf32, #tpu.memory_space<vmem>>, vector<1x1x144x128xf32>,
    %get3A_285 = arith.constant 0 : index
    %get3A_286 = arith.constant 5 : index
    %get3A_287 = arith.constant 0 : index
    %get3A_288 = arith.constant 0 : index
    %get3A_289 = vector.load %arg2[%get3A_285, %get3A_286, %get3A_287, %get3A_288] : memref<1x8x144x128xf32, #tpu.memory_space<vmem>>, vector<1x1x144x128xf32>
    %get3A_290 = vector.shape_cast %get3A_289 : vector<1x1x144x128xf32> to vector<144x128xf32>
    %get3A_291 = arith.constant 0 : index
    %get3A_292 = arith.constant 4 : index
    %get3A_293 = arith.constant 0 : index
    %get3A_294 = arith.constant 0 : index
    %get3A_295 = vector.load %arg2[%get3A_291, %get3A_292, %get3A_293, %get3A_294] : memref<1x8x144x128xf32, #tpu.memory_space<vmem>>, vector<1x1x144x128xf32>
    %get3A_296 = vector.shape_cast %get3A_295 : vector<1x1x144x128xf32> to vector<144x128xf32>
    %get3A_297 = arith.constant 0 : index
    %get3A_298 = arith.constant 6 : index
    %get3A_299 = arith.constant 0 : index
    %get3A_300 = arith.constant 0 : index
    %get3A_301 = vector.load %arg2[%get3A_297, %get3A_298, %get3A_299, %get3A_300] : memref<1x8x144x128xf32, #tpu.memory_space<vmem>>, vector<1x1x144x128xf32>
    %get3A_302 = vector.shape_cast %get3A_301 : vector<1x1x144x128xf32> to vector<144x128xf32>
    %slice3A_303 = vector.extract_strided_slice %get3A_290 {offsets = [0, 0], sizes = [144, 24], strides = [1, 1]} : vector<144x128xf32> to vector<144x24xf32>
    %concatenate3A_304 = tpu.concatenate %get3A_290, %get3A_296, %get3A_302 in 0 : vector<144x128xf32>, vector<144x128xf32>, vector<144x128xf32> -> vector<432x128xf32>
    %slice3A_305 = vector.extract_strided_slice %concatenate3A_304 {offsets = [0, 0], sizes = [432, 24], strides = [1, 1]} : vector<432x128xf32> to vector<432x24xf32>
    %slice3A_306 = vector.extract_strided_slice %concatenate3A_304 {offsets = [0, 24], sizes = [432, 96], strides = [1, 1]} : vector<432x128xf32> to vector<432x96xf32>
    %mul3A_307 = arith.mulf %slice3A_305, %slice3A_305 : vector<432x24xf32>
    %reduce_sum3A_308 = arith.constant dense<0.000000e+00> : vector<432xf32>
    %reduce_sum3A_309 = vector.multi_reduction <add>, %mul3A_307, %reduce_sum3A_308 [1] : vector<432x24xf32> to vector<432xf32>
    %broadcast_in_dim3A_310 = vector.shape_cast %reduce_sum3A_309 : vector<432xf32> to vector<432x1xf32>
    %sqrt3A_311 = math.sqrt %broadcast_in_dim3A_310 : vector<432x1xf32>
    %max3A_312 = arith.constant 5.000000e-05 : f32
    %max3A_313 = vector.broadcast %max3A_312 : f32 to vector<432x1xf32>
    %max3A_314 = arith.maximumf %sqrt3A_311, %max3A_313 : vector<432x1xf32>
    %div3A_315 = vector.broadcast %max3A_314 : vector<432x1xf32> to vector<432x24xf32>
    %div3A_316 = arith.divf %slice3A_305, %div3A_315 : vector<432x24xf32>
    %dot_general3A_317 = arith.constant dense<0.000000e+00> : vector<144x432xf32>
    %dot_general3A_318 = tpu.matmul %slice3A_303, %div3A_316, %dot_general3A_317 {dimension_numbers = #tpu.dot_dimension_numbers<[1], [1], [0], [0], [0, 0, 1, 0], [], []>, transpose_lhs_hint = false} : vector<144x24xf32>, vector<432x24xf32>, vector<144x432xf32> -> vector<144x432xf32>
    %reduce_max3A_319 = arith.constant dense<0xFF800000> : vector<144xf32>
    %reduce_max3A_320 = vector.multi_reduction <maximumf>, %dot_general3A_318, %reduce_max3A_319 [1] : vector<144x432xf32> to vector<144xf32>
    %broadcast_in_dim3A_321 = vector.shape_cast %reduce_max3A_320 : vector<144xf32> to vector<144x1xf32>
    %sub3A_322 = vector.broadcast %broadcast_in_dim3A_321 : vector<144x1xf32> to vector<144x432xf32>
    %sub3A_323 = arith.subf %dot_general3A_318, %sub3A_322 : vector<144x432xf32>
    %exp3A_324 = math.exp %sub3A_323 : vector<144x432xf32>
    %reduce_sum3A_325 = arith.constant dense<0.000000e+00> : vector<144xf32>
    %reduce_sum3A_326 = vector.multi_reduction <add>, %exp3A_324, %reduce_sum3A_325 [1] : vector<144x432xf32> to vector<144xf32>
    %broadcast_in_dim3A_327 = vector.shape_cast %reduce_sum3A_326 : vector<144xf32> to vector<144x1xf32>
    %div3A_328 = vector.broadcast %broadcast_in_dim3A_327 : vector<144x1xf32> to vector<144x432xf32>
    %div3A_329 = arith.divf %exp3A_324, %div3A_328 : vector<144x432xf32>
    %dot_general3A_330 = arith.constant dense<0.000000e+00> : vector<144x96xf32>
    %dot_general3A_331 = tpu.matmul %div3A_329, %slice3A_306, %dot_general3A_330 {dimension_numbers = #tpu.dot_dimension_numbers<[1], [0], [0], [1], [0, 0, 1, 1], [], []>, transpose_lhs_hint = false} : vector<144x432xf32>, vector<432x96xf32>, vector<144x96xf32> -> vector<144x96xf32>
    %log3A_332 = math.log %broadcast_in_dim3A_327 : vector<144x1xf32>
    %add3A_333 = arith.addf %broadcast_in_dim3A_321, %log3A_332 : vector<144x1xf32>
    %broadcast_in_dim3A_334 = vector.shape_cast %add3A_333 : vector<144x1xf32> to vector<144x1xf32>
    %broadcast_in_dim3A_335 = vector.broadcast %broadcast_in_dim3A_334 : vector<144x1xf32> to vector<144x32xf32>
    %concatenate3A_336 = tpu.concatenate %dot_general3A_331, %broadcast_in_dim3A_335 in 1 : vector<144x96xf32>, vector<144x32xf32> -> vector<144x128xf32>
    %swap3A_337 = arith.constant 0 : index
    %swap3A_338 = arith.constant 5 : index
    %swap3A_339 = arith.constant 0 : index
    %swap3A_340 = arith.constant 0 : index
    %swap3A_341 = vector.load %arg5[%swap3A_337, %swap3A_338, %swap3A_339, %swap3A_340] : memref<1x8x144x128xf32, #tpu.memory_space<vmem>>, vector<1x1x144x128xf32>
    %swap3A_342 = vector.shape_cast %swap3A_341 : vector<1x1x144x128xf32> to vector<144x128xf32>
    %swap3A_343 = vector.shape_cast %concatenate3A_336 : vector<144x128xf32> to vector<1x1x144x128xf32>
    tpu.vector_store %arg5[%swap3A_337, %swap3A_338, %swap3A_339, %swap3A_340], %swap3A_343 {strides = array<i32>} : memref<1x8x144x128xf32, #tpu.memory_space<vmem>>, vector<1x1x144x128xf32>,
    %get3A_344 = arith.constant 0 : index
    %get3A_345 = arith.constant 6 : index
    %get3A_346 = arith.constant 0 : index
    %get3A_347 = arith.constant 0 : index
    %get3A_348 = vector.load %arg2[%get3A_344, %get3A_345, %get3A_346, %get3A_347] : memref<1x8x144x128xf32, #tpu.memory_space<vmem>>, vector<1x1x144x128xf32>
    %get3A_349 = vector.shape_cast %get3A_348 : vector<1x1x144x128xf32> to vector<144x128xf32>
    %get3A_350 = arith.constant 0 : index
    %get3A_351 = arith.constant 5 : index
    %get3A_352 = arith.constant 0 : index
    %get3A_353 = arith.constant 0 : index
    %get3A_354 = vector.load %arg2[%get3A_350, %get3A_351, %get3A_352, %get3A_353] : memref<1x8x144x128xf32, #tpu.memory_space<vmem>>, vector<1x1x144x128xf32>
    %get3A_355 = vector.shape_cast %get3A_354 : vector<1x1x144x128xf32> to vector<144x128xf32>
    %get3A_356 = arith.constant 0 : index
    %get3A_357 = arith.constant 7 : index
    %get3A_358 = arith.constant 0 : index
    %get3A_359 = arith.constant 0 : index
    %get3A_360 = vector.load %arg2[%get3A_356, %get3A_357, %get3A_358, %get3A_359] : memref<1x8x144x128xf32, #tpu.memory_space<vmem>>, vector<1x1x144x128xf32>
    %get3A_361 = vector.shape_cast %get3A_360 : vector<1x1x144x128xf32> to vector<144x128xf32>
    %slice3A_362 = vector.extract_strided_slice %get3A_349 {offsets = [0, 0], sizes = [144, 24], strides = [1, 1]} : vector<144x128xf32> to vector<144x24xf32>
    %concatenate3A_363 = tpu.concatenate %get3A_349, %get3A_355, %get3A_361 in 0 : vector<144x128xf32>, vector<144x128xf32>, vector<144x128xf32> -> vector<432x128xf32>
    %slice3A_364 = vector.extract_strided_slice %concatenate3A_363 {offsets = [0, 0], sizes = [432, 24], strides = [1, 1]} : vector<432x128xf32> to vector<432x24xf32>
    %slice3A_365 = vector.extract_strided_slice %concatenate3A_363 {offsets = [0, 24], sizes = [432, 96], strides = [1, 1]} : vector<432x128xf32> to vector<432x96xf32>
    %mul3A_366 = arith.mulf %slice3A_364, %slice3A_364 : vector<432x24xf32>
    %reduce_sum3A_367 = arith.constant dense<0.000000e+00> : vector<432xf32>
    %reduce_sum3A_368 = vector.multi_reduction <add>, %mul3A_366, %reduce_sum3A_367 [1] : vector<432x24xf32> to vector<432xf32>
    %broadcast_in_dim3A_369 = vector.shape_cast %reduce_sum3A_368 : vector<432xf32> to vector<432x1xf32>
    %sqrt3A_370 = math.sqrt %broadcast_in_dim3A_369 : vector<432x1xf32>
    %max3A_371 = arith.constant 5.000000e-05 : f32
    %max3A_372 = vector.broadcast %max3A_371 : f32 to vector<432x1xf32>
    %max3A_373 = arith.maximumf %sqrt3A_370, %max3A_372 : vector<432x1xf32>
    %div3A_374 = vector.broadcast %max3A_373 : vector<432x1xf32> to vector<432x24xf32>
    %div3A_375 = arith.divf %slice3A_364, %div3A_374 : vector<432x24xf32>
    %dot_general3A_376 = arith.constant dense<0.000000e+00> : vector<144x432xf32>
    %dot_general3A_377 = tpu.matmul %slice3A_362, %div3A_375, %dot_general3A_376 {dimension_numbers = #tpu.dot_dimension_numbers<[1], [1], [0], [0], [0, 0, 1, 0], [], []>, transpose_lhs_hint = false} : vector<144x24xf32>, vector<432x24xf32>, vector<144x432xf32> -> vector<144x432xf32>
    %reduce_max3A_378 = arith.constant dense<0xFF800000> : vector<144xf32>
    %reduce_max3A_379 = vector.multi_reduction <maximumf>, %dot_general3A_377, %reduce_max3A_378 [1] : vector<144x432xf32> to vector<144xf32>
    %broadcast_in_dim3A_380 = vector.shape_cast %reduce_max3A_379 : vector<144xf32> to vector<144x1xf32>
    %sub3A_381 = vector.broadcast %broadcast_in_dim3A_380 : vector<144x1xf32> to vector<144x432xf32>
    %sub3A_382 = arith.subf %dot_general3A_377, %sub3A_381 : vector<144x432xf32>
    %exp3A_383 = math.exp %sub3A_382 : vector<144x432xf32>
    %reduce_sum3A_384 = arith.constant dense<0.000000e+00> : vector<144xf32>
    %reduce_sum3A_385 = vector.multi_reduction <add>, %exp3A_383, %reduce_sum3A_384 [1] : vector<144x432xf32> to vector<144xf32>
    %broadcast_in_dim3A_386 = vector.shape_cast %reduce_sum3A_385 : vector<144xf32> to vector<144x1xf32>
    %div3A_387 = vector.broadcast %broadcast_in_dim3A_386 : vector<144x1xf32> to vector<144x432xf32>
    %div3A_388 = arith.divf %exp3A_383, %div3A_387 : vector<144x432xf32>
    %dot_general3A_389 = arith.constant dense<0.000000e+00> : vector<144x96xf32>
    %dot_general3A_390 = tpu.matmul %div3A_388, %slice3A_365, %dot_general3A_389 {dimension_numbers = #tpu.dot_dimension_numbers<[1], [0], [0], [1], [0, 0, 1, 1], [], []>, transpose_lhs_hint = false} : vector<144x432xf32>, vector<432x96xf32>, vector<144x96xf32> -> vector<144x96xf32>
    %log3A_391 = math.log %broadcast_in_dim3A_386 : vector<144x1xf32>
    %add3A_392 = arith.addf %broadcast_in_dim3A_380, %log3A_391 : vector<144x1xf32>
    %broadcast_in_dim3A_393 = vector.shape_cast %add3A_392 : vector<144x1xf32> to vector<144x1xf32>
    %broadcast_in_dim3A_394 = vector.broadcast %broadcast_in_dim3A_393 : vector<144x1xf32> to vector<144x32xf32>
    %concatenate3A_395 = tpu.concatenate %dot_general3A_390, %broadcast_in_dim3A_394 in 1 : vector<144x96xf32>, vector<144x32xf32> -> vector<144x128xf32>
    %swap3A_396 = arith.constant 0 : index
    %swap3A_397 = arith.constant 6 : index
    %swap3A_398 = arith.constant 0 : index
    %swap3A_399 = arith.constant 0 : index
    %swap3A_400 = vector.load %arg5[%swap3A_396, %swap3A_397, %swap3A_398, %swap3A_399] : memref<1x8x144x128xf32, #tpu.memory_space<vmem>>, vector<1x1x144x128xf32>
    %swap3A_401 = vector.shape_cast %swap3A_400 : vector<1x1x144x128xf32> to vector<144x128xf32>
    %swap3A_402 = vector.shape_cast %concatenate3A_395 : vector<144x128xf32> to vector<1x1x144x128xf32>
    tpu.vector_store %arg5[%swap3A_396, %swap3A_397, %swap3A_398, %swap3A_399], %swap3A_402 {strides = array<i32>} : memref<1x8x144x128xf32, #tpu.memory_space<vmem>>, vector<1x1x144x128xf32>,
    %get3A_403 = arith.constant 0 : index
    %get3A_404 = arith.constant 7 : index
    %get3A_405 = arith.constant 0 : index
    %get3A_406 = arith.constant 0 : index
    %get3A_407 = vector.load %arg2[%get3A_403, %get3A_404, %get3A_405, %get3A_406] : memref<1x8x144x128xf32, #tpu.memory_space<vmem>>, vector<1x1x144x128xf32>
    %get3A_408 = vector.shape_cast %get3A_407 : vector<1x1x144x128xf32> to vector<144x128xf32>
    %get3A_409 = arith.constant 0 : index
    %get3A_410 = arith.constant 6 : index
    %get3A_411 = arith.constant 0 : index
    %get3A_412 = arith.constant 0 : index
    %get3A_413 = vector.load %arg2[%get3A_409, %get3A_410, %get3A_411, %get3A_412] : memref<1x8x144x128xf32, #tpu.memory_space<vmem>>, vector<1x1x144x128xf32>
    %get3A_414 = vector.shape_cast %get3A_413 : vector<1x1x144x128xf32> to vector<144x128xf32>
    %slice3A_415 = vector.extract_strided_slice %get3A_408 {offsets = [0, 0], sizes = [144, 24], strides = [1, 1]} : vector<144x128xf32> to vector<144x24xf32>
    %concatenate3A_416 = tpu.concatenate %get3A_408, %get3A_414, %get3A_10 in 0 : vector<144x128xf32>, vector<144x128xf32>, vector<144x128xf32> -> vector<432x128xf32>
    %slice3A_417 = vector.extract_strided_slice %concatenate3A_416 {offsets = [0, 0], sizes = [432, 24], strides = [1, 1]} : vector<432x128xf32> to vector<432x24xf32>
    %slice3A_418 = vector.extract_strided_slice %concatenate3A_416 {offsets = [0, 24], sizes = [432, 96], strides = [1, 1]} : vector<432x128xf32> to vector<432x96xf32>
    %mul3A_419 = arith.mulf %slice3A_417, %slice3A_417 : vector<432x24xf32>
    %reduce_sum3A_420 = arith.constant dense<0.000000e+00> : vector<432xf32>
    %reduce_sum3A_421 = vector.multi_reduction <add>, %mul3A_419, %reduce_sum3A_420 [1] : vector<432x24xf32> to vector<432xf32>
    %broadcast_in_dim3A_422 = vector.shape_cast %reduce_sum3A_421 : vector<432xf32> to vector<432x1xf32>
    %sqrt3A_423 = math.sqrt %broadcast_in_dim3A_422 : vector<432x1xf32>
    %max3A_424 = arith.constant 5.000000e-05 : f32
    %max3A_425 = vector.broadcast %max3A_424 : f32 to vector<432x1xf32>
    %max3A_426 = arith.maximumf %sqrt3A_423, %max3A_425 : vector<432x1xf32>
    %div3A_427 = vector.broadcast %max3A_426 : vector<432x1xf32> to vector<432x24xf32>
    %div3A_428 = arith.divf %slice3A_417, %div3A_427 : vector<432x24xf32>
    %dot_general3A_429 = arith.constant dense<0.000000e+00> : vector<144x432xf32>
    %dot_general3A_430 = tpu.matmul %slice3A_415, %div3A_428, %dot_general3A_429 {dimension_numbers = #tpu.dot_dimension_numbers<[1], [1], [0], [0], [0, 0, 1, 0], [], []>, transpose_lhs_hint = false} : vector<144x24xf32>, vector<432x24xf32>, vector<144x432xf32> -> vector<144x432xf32>
    %reduce_max3A_431 = arith.constant dense<0xFF800000> : vector<144xf32>
    %reduce_max3A_432 = vector.multi_reduction <maximumf>, %dot_general3A_430, %reduce_max3A_431 [1] : vector<144x432xf32> to vector<144xf32>
    %broadcast_in_dim3A_433 = vector.shape_cast %reduce_max3A_432 : vector<144xf32> to vector<144x1xf32>
    %sub3A_434 = vector.broadcast %broadcast_in_dim3A_433 : vector<144x1xf32> to vector<144x432xf32>
    %sub3A_435 = arith.subf %dot_general3A_430, %sub3A_434 : vector<144x432xf32>
    %exp3A_436 = math.exp %sub3A_435 : vector<144x432xf32>
    %reduce_sum3A_437 = arith.constant dense<0.000000e+00> : vector<144xf32>
    %reduce_sum3A_438 = vector.multi_reduction <add>, %exp3A_436, %reduce_sum3A_437 [1] : vector<144x432xf32> to vector<144xf32>
    %broadcast_in_dim3A_439 = vector.shape_cast %reduce_sum3A_438 : vector<144xf32> to vector<144x1xf32>
    %div3A_440 = vector.broadcast %broadcast_in_dim3A_439 : vector<144x1xf32> to vector<144x432xf32>
    %div3A_441 = arith.divf %exp3A_436, %div3A_440 : vector<144x432xf32>
    %dot_general3A_442 = arith.constant dense<0.000000e+00> : vector<144x96xf32>
    %dot_general3A_443 = tpu.matmul %div3A_441, %slice3A_418, %dot_general3A_442 {dimension_numbers = #tpu.dot_dimension_numbers<[1], [0], [0], [1], [0, 0, 1, 1], [], []>, transpose_lhs_hint = false} : vector<144x432xf32>, vector<432x96xf32>, vector<144x96xf32> -> vector<144x96xf32>
    %log3A_444 = math.log %broadcast_in_dim3A_439 : vector<144x1xf32>
    %add3A_445 = arith.addf %broadcast_in_dim3A_433, %log3A_444 : vector<144x1xf32>
    %broadcast_in_dim3A_446 = vector.shape_cast %add3A_445 : vector<144x1xf32> to vector<144x1xf32>
    %broadcast_in_dim3A_447 = vector.broadcast %broadcast_in_dim3A_446 : vector<144x1xf32> to vector<144x32xf32>
    %concatenate3A_448 = tpu.concatenate %dot_general3A_443, %broadcast_in_dim3A_447 in 1 : vector<144x96xf32>, vector<144x32xf32> -> vector<144x128xf32>
    %swap3A_449 = arith.constant 0 : index
    %swap3A_450 = arith.constant 7 : index
    %swap3A_451 = arith.constant 0 : index
    %swap3A_452 = arith.constant 0 : index
    %swap3A_453 = vector.load %arg5[%swap3A_449, %swap3A_450, %swap3A_451, %swap3A_452] : memref<1x8x144x128xf32, #tpu.memory_space<vmem>>, vector<1x1x144x128xf32>
    %swap3A_454 = vector.shape_cast %swap3A_453 : vector<1x1x144x128xf32> to vector<144x128xf32>
    %swap3A_455 = vector.shape_cast %concatenate3A_448 : vector<144x128xf32> to vector<1x1x144x128xf32>
    tpu.vector_store %arg5[%swap3A_449, %swap3A_450, %swap3A_451, %swap3A_452], %swap3A_455 {strides = array<i32>} : memref<1x8x144x128xf32, #tpu.memory_space<vmem>>, vector<1x1x144x128xf32>,
    return
  }
  func.func @transform_0(%arg0: i32, %arg1: i32) -> (i32, i32, i32, i32) {
    %c0_i32 = arith.constant 0 : i32
    %c0_i32_0 = arith.constant 0 : i32
    %c0_i32_1 = arith.constant 0 : i32
    return %arg0, %arg1, %c0_i32, %c0_i32_0 : i32, i32, i32, i32
  }
  func.func @transform_1(%arg0: i32, %arg1: i32) -> (i32, i32, i32, i32) {
    %mul3A = arith.constant 8 : i32
    %mul3A_0 = arith.muli %arg1, %mul3A : i32
    %sub3A = arith.constant 1 : i32
    %sub3A_1 = arith.subi %mul3A_0, %sub3A : i32
    %jit3A = arith.constant 64 : i32
    %eq3A = arith.constant 0 : i32
    %eq3A_2 = arith.cmpi eq, %jit3A, %eq3A : i32
    %jit3A_3 = arith.constant 1 : i32
    %select_n3A = arith.select %eq3A_2, %jit3A_3, %jit3A : i32
    %rem3A = arith.remsi %sub3A_1, %select_n3A : i32
    %ne3A = arith.constant 0 : i32
    %ne3A_4 = arith.cmpi ne, %rem3A, %ne3A : i32
    %lt3A = arith.constant 0 : i32
    %lt3A_5 = arith.cmpi slt, %rem3A, %lt3A : i32
    %lt3A_6 = arith.constant 0 : i32
    %lt3A_7 = arith.cmpi slt, %select_n3A, %lt3A_6 : i32
    %ne3A_8 = arith.xori %lt3A_5, %lt3A_7 : i1
    %and3A = arith.andi %ne3A_8, %ne3A_4 : i1
    %add3A = arith.addi %rem3A, %select_n3A : i32
    %select_n3A_9 = arith.select %and3A, %add3A, %rem3A : i32
    %c0_i32 = arith.constant 0 : i32
    %c0_i32_10 = arith.constant 0 : i32
    %c0_i32_11 = arith.constant 0 : i32
    return %arg0, %select_n3A_9, %c0_i32, %c0_i32_10 : i32, i32, i32, i32
  }
  func.func @transform_2(%arg0: i32, %arg1: i32) -> (i32, i32, i32, i32) {
    %add3A = arith.constant 1 : i32
    %add3A_0 = arith.addi %arg1, %add3A : i32
    %mul3A = arith.constant 8 : i32
    %mul3A_1 = arith.muli %add3A_0, %mul3A : i32
    %jit3A = arith.constant 64 : i32
    %eq3A = arith.constant 0 : i32
    %eq3A_2 = arith.cmpi eq, %jit3A, %eq3A : i32
    %jit3A_3 = arith.constant 1 : i32
    %select_n3A = arith.select %eq3A_2, %jit3A_3, %jit3A : i32
    %rem3A = arith.remsi %mul3A_1, %select_n3A : i32
    %ne3A = arith.constant 0 : i32
    %ne3A_4 = arith.cmpi ne, %rem3A, %ne3A : i32
    %lt3A = arith.constant 0 : i32
    %lt3A_5 = arith.cmpi slt, %rem3A, %lt3A : i32
    %lt3A_6 = arith.constant 0 : i32
    %lt3A_7 = arith.cmpi slt, %select_n3A, %lt3A_6 : i32
    %ne3A_8 = arith.xori %lt3A_5, %lt3A_7 : i1
    %and3A = arith.andi %ne3A_8, %ne3A_4 : i1
    %add3A_9 = arith.addi %rem3A, %select_n3A : i32
    %select_n3A_10 = arith.select %and3A, %add3A_9, %rem3A : i32
    %c0_i32 = arith.constant 0 : i32
    %c0_i32_11 = arith.constant 0 : i32
    %c0_i32_12 = arith.constant 0 : i32
    return %arg0, %select_n3A_10, %c0_i32, %c0_i32_11 : i32, i32, i32, i32
  }
  func.func @transform_3(%arg0: i32, %arg1: i32) -> (i32, i32, i32, i32) {
    %c0_i32 = arith.constant 0 : i32
    %c0_i32_0 = arith.constant 0 : i32
    %c0_i32_1 = arith.constant 0 : i32
    return %arg0, %arg1, %c0_i32, %c0_i32_0 : i32, i32, i32, i32
  }
}

module attributes {stable_mosaic.version = 14 : i64} {
  func.func @_combine_body(%arg0: i32, %arg1: memref<4x1152x128xf32, #tpu.memory_space<vmem>>, %arg2: memref<1152x96xf32, #tpu.memory_space<vmem>>, %arg3: memref<1152x96xf32, #tpu.memory_space<vmem>>) attributes {dimension_semantics = [#tpu.dimension_semantics<arbitrary>], iteration_bounds = array<i64: 14>, scalar_prefetch = 0 : i64, scratch_operands = 0 : i64, tpu.core_type = #tpu.core_type<tc>, window_params = [{transform_indices = @transform_0, window_bounds = array<i64: 4, 1152, 128>}, {transform_indices = @transform_1, window_bounds = array<i64: 1152, 96>}, {transform_indices = @transform_2, window_bounds = array<i64: 1152, 96>}]} {
    %broadcast_in_dim3A = arith.constant 0.000000e+00 : f32
    %broadcast_in_dim3A_0 = vector.broadcast %broadcast_in_dim3A : f32 to vector<1152x96xf32>
    %swap3A = arith.constant 0 : index
    %swap3A_1 = arith.constant 0 : index
    %swap3A_2 = vector.load %arg3[%swap3A, %swap3A_1] : memref<1152x96xf32, #tpu.memory_space<vmem>>, vector<1152x96xf32>
    tpu.vector_store %arg3[%swap3A, %swap3A_1], %broadcast_in_dim3A_0 {strides = array<i32>} : memref<1152x96xf32, #tpu.memory_space<vmem>>, vector<1152x96xf32>,
    %ge3A = arith.constant 3 : i32
    %ge3A_3 = arith.cmpi sge, %arg0, %ge3A : i32
    %lt3A = arith.constant 11 : i32
    %lt3A_4 = arith.cmpi slt, %arg0, %lt3A : i32
    %and3A = arith.andi %ge3A_3, %lt3A_4 : i1
    %convert_element_type3A = arith.extui %and3A : i1 to i32
    %cond3A = arith.constant 0 : i32
    %cond3A_5 = arith.cmpi ne, %convert_element_type3A, %cond3A : i32
    scf.if %cond3A_5 {
      %get3A = arith.constant 0 : index
      %get3A_6 = arith.constant 0 : index
      %get3A_7 = arith.constant 96 : index
      %get3A_8 = vector.load %arg1[%get3A, %get3A_6, %get3A_7] : memref<4x1152x128xf32, #tpu.memory_space<vmem>>, vector<1x1152x1xf32>
      %get3A_9 = vector.shape_cast %get3A_8 : vector<1x1152x1xf32> to vector<1152x1xf32>
      %get3A_10 = arith.constant 1 : index
      %get3A_11 = arith.constant 0 : index
      %get3A_12 = arith.constant 96 : index
      %get3A_13 = vector.load %arg1[%get3A_10, %get3A_11, %get3A_12] : memref<4x1152x128xf32, #tpu.memory_space<vmem>>, vector<1x1152x1xf32>
      %get3A_14 = vector.shape_cast %get3A_13 : vector<1x1152x1xf32> to vector<1152x1xf32>
      %get3A_15 = arith.constant 2 : index
      %get3A_16 = arith.constant 0 : index
      %get3A_17 = arith.constant 96 : index
      %get3A_18 = vector.load %arg1[%get3A_15, %get3A_16, %get3A_17] : memref<4x1152x128xf32, #tpu.memory_space<vmem>>, vector<1x1152x1xf32>
      %get3A_19 = vector.shape_cast %get3A_18 : vector<1x1152x1xf32> to vector<1152x1xf32>
      %get3A_20 = arith.constant 3 : index
      %get3A_21 = arith.constant 0 : index
      %get3A_22 = arith.constant 96 : index
      %get3A_23 = vector.load %arg1[%get3A_20, %get3A_21, %get3A_22] : memref<4x1152x128xf32, #tpu.memory_space<vmem>>, vector<1x1152x1xf32>
      %get3A_24 = vector.shape_cast %get3A_23 : vector<1x1152x1xf32> to vector<1152x1xf32>
      %max3A = arith.maximumf %get3A_9, %get3A_14 : vector<1152x1xf32>
      %max3A_25 = arith.maximumf %max3A, %get3A_19 : vector<1152x1xf32>
      %max3A_26 = arith.maximumf %max3A_25, %get3A_24 : vector<1152x1xf32>
      %sub3A = arith.subf %get3A_9, %max3A_26 : vector<1152x1xf32>
      %exp3A = math.exp %sub3A : vector<1152x1xf32>
      %sub3A_27 = arith.subf %get3A_14, %max3A_26 : vector<1152x1xf32>
      %exp3A_28 = math.exp %sub3A_27 : vector<1152x1xf32>
      %sub3A_29 = arith.subf %get3A_19, %max3A_26 : vector<1152x1xf32>
      %exp3A_30 = math.exp %sub3A_29 : vector<1152x1xf32>
      %sub3A_31 = arith.subf %get3A_24, %max3A_26 : vector<1152x1xf32>
      %exp3A_32 = math.exp %sub3A_31 : vector<1152x1xf32>
      %add3A = arith.addf %exp3A, %exp3A_28 : vector<1152x1xf32>
      %add3A_33 = arith.addf %add3A, %exp3A_30 : vector<1152x1xf32>
      %add3A_34 = arith.addf %add3A_33, %exp3A_32 : vector<1152x1xf32>
      %broadcast_in_dim3A_35 = arith.constant 0.000000e+00 : f32
      %broadcast_in_dim3A_36 = vector.broadcast %broadcast_in_dim3A_35 : f32 to vector<1152x96xf32>
      %get3A_37 = arith.constant 0 : index
      %get3A_38 = arith.constant 0 : index
      %get3A_39 = arith.constant 0 : index
      %get3A_40 = vector.load %arg1[%get3A_37, %get3A_38, %get3A_39] : memref<4x1152x128xf32, #tpu.memory_space<vmem>>, vector<1x1152x96xf32>
      %get3A_41 = vector.shape_cast %get3A_40 : vector<1x1152x96xf32> to vector<1152x96xf32>
      %div3A = arith.divf %exp3A, %add3A_34 : vector<1152x1xf32>
      %mul3A = vector.broadcast %div3A : vector<1152x1xf32> to vector<1152x96xf32>
      %mul3A_42 = arith.mulf %get3A_41, %mul3A : vector<1152x96xf32>
      %add3A_43 = arith.addf %broadcast_in_dim3A_36, %mul3A_42 : vector<1152x96xf32>
      %get3A_44 = arith.constant 1 : index
      %get3A_45 = arith.constant 0 : index
      %get3A_46 = arith.constant 0 : index
      %get3A_47 = vector.load %arg1[%get3A_44, %get3A_45, %get3A_46] : memref<4x1152x128xf32, #tpu.memory_space<vmem>>, vector<1x1152x96xf32>
      %get3A_48 = vector.shape_cast %get3A_47 : vector<1x1152x96xf32> to vector<1152x96xf32>
      %div3A_49 = arith.divf %exp3A_28, %add3A_34 : vector<1152x1xf32>
      %mul3A_50 = vector.broadcast %div3A_49 : vector<1152x1xf32> to vector<1152x96xf32>
      %mul3A_51 = arith.mulf %get3A_48, %mul3A_50 : vector<1152x96xf32>
      %add3A_52 = arith.addf %add3A_43, %mul3A_51 : vector<1152x96xf32>
      %get3A_53 = arith.constant 2 : index
      %get3A_54 = arith.constant 0 : index
      %get3A_55 = arith.constant 0 : index
      %get3A_56 = vector.load %arg1[%get3A_53, %get3A_54, %get3A_55] : memref<4x1152x128xf32, #tpu.memory_space<vmem>>, vector<1x1152x96xf32>
      %get3A_57 = vector.shape_cast %get3A_56 : vector<1x1152x96xf32> to vector<1152x96xf32>
      %div3A_58 = arith.divf %exp3A_30, %add3A_34 : vector<1152x1xf32>
      %mul3A_59 = vector.broadcast %div3A_58 : vector<1152x1xf32> to vector<1152x96xf32>
      %mul3A_60 = arith.mulf %get3A_57, %mul3A_59 : vector<1152x96xf32>
      %add3A_61 = arith.addf %add3A_52, %mul3A_60 : vector<1152x96xf32>
      %get3A_62 = arith.constant 3 : index
      %get3A_63 = arith.constant 0 : index
      %get3A_64 = arith.constant 0 : index
      %get3A_65 = vector.load %arg1[%get3A_62, %get3A_63, %get3A_64] : memref<4x1152x128xf32, #tpu.memory_space<vmem>>, vector<1x1152x96xf32>
      %get3A_66 = vector.shape_cast %get3A_65 : vector<1x1152x96xf32> to vector<1152x96xf32>
      %div3A_67 = arith.divf %exp3A_32, %add3A_34 : vector<1152x1xf32>
      %mul3A_68 = vector.broadcast %div3A_67 : vector<1152x1xf32> to vector<1152x96xf32>
      %mul3A_69 = arith.mulf %get3A_66, %mul3A_68 : vector<1152x96xf32>
      %add3A_70 = arith.addf %add3A_61, %mul3A_69 : vector<1152x96xf32>
      %get3A_71 = arith.constant 0 : index
      %get3A_72 = arith.constant 0 : index
      %get3A_73 = vector.load %arg2[%get3A_71, %get3A_72] : memref<1152x96xf32, #tpu.memory_space<vmem>>, vector<1152x96xf32>
      %add3A_74 = arith.addf %add3A_70, %get3A_73 : vector<1152x96xf32>
      %swap3A_75 = arith.constant 0 : index
      %swap3A_76 = arith.constant 0 : index
      %swap3A_77 = vector.load %arg3[%swap3A_75, %swap3A_76] : memref<1152x96xf32, #tpu.memory_space<vmem>>, vector<1152x96xf32>
      tpu.vector_store %arg3[%swap3A_75, %swap3A_76], %add3A_74 {strides = array<i32>} : memref<1152x96xf32, #tpu.memory_space<vmem>>, vector<1152x96xf32>,
    } else {
    }
    return
  }
  func.func @transform_0(%arg0: i32) -> (i32, i32, i32) {
    %sub3A = arith.constant 3 : i32
    %sub3A_0 = arith.subi %arg0, %sub3A : i32
    %jit3A = arith.constant 8 : i32
    %eq3A = arith.constant 0 : i32
    %eq3A_1 = arith.cmpi eq, %jit3A, %eq3A : i32
    %jit3A_2 = arith.constant 1 : i32
    %select_n3A = arith.select %eq3A_1, %jit3A_2, %jit3A : i32
    %rem3A = arith.remsi %sub3A_0, %select_n3A : i32
    %ne3A = arith.constant 0 : i32
    %ne3A_3 = arith.cmpi ne, %rem3A, %ne3A : i32
    %lt3A = arith.constant 0 : i32
    %lt3A_4 = arith.cmpi slt, %rem3A, %lt3A : i32
    %lt3A_5 = arith.constant 0 : i32
    %lt3A_6 = arith.cmpi slt, %select_n3A, %lt3A_5 : i32
    %ne3A_7 = arith.xori %lt3A_4, %lt3A_6 : i1
    %and3A = arith.andi %ne3A_7, %ne3A_3 : i1
    %add3A = arith.addi %rem3A, %select_n3A : i32
    %select_n3A_8 = arith.select %and3A, %add3A, %rem3A : i32
    %c0_i32 = arith.constant 0 : i32
    %c0_i32_9 = arith.constant 0 : i32
    %c0_i32_10 = arith.constant 0 : i32
    return %c0_i32, %select_n3A_8, %c0_i32_9 : i32, i32, i32
  }
  func.func @transform_1(%arg0: i32) -> (i32, i32) {
    %sub3A = arith.constant 3 : i32
    %sub3A_0 = arith.subi %arg0, %sub3A : i32
    %jit3A = arith.constant 8 : i32
    %eq3A = arith.constant 0 : i32
    %eq3A_1 = arith.cmpi eq, %jit3A, %eq3A : i32
    %jit3A_2 = arith.constant 1 : i32
    %select_n3A = arith.select %eq3A_1, %jit3A_2, %jit3A : i32
    %rem3A = arith.remsi %sub3A_0, %select_n3A : i32
    %ne3A = arith.constant 0 : i32
    %ne3A_3 = arith.cmpi ne, %rem3A, %ne3A : i32
    %lt3A = arith.constant 0 : i32
    %lt3A_4 = arith.cmpi slt, %rem3A, %lt3A : i32
    %lt3A_5 = arith.constant 0 : i32
    %lt3A_6 = arith.cmpi slt, %select_n3A, %lt3A_5 : i32
    %ne3A_7 = arith.xori %lt3A_4, %lt3A_6 : i1
    %and3A = arith.andi %ne3A_7, %ne3A_3 : i1
    %add3A = arith.addi %rem3A, %select_n3A : i32
    %select_n3A_8 = arith.select %and3A, %add3A, %rem3A : i32
    %c0_i32 = arith.constant 0 : i32
    %c0_i32_9 = arith.constant 0 : i32
    return %select_n3A_8, %c0_i32 : i32, i32
  }
  func.func @transform_2(%arg0: i32) -> (i32, i32) {
    %c0_i32 = arith.constant 0 : i32
    %c0_i32_0 = arith.constant 0 : i32
    return %arg0, %c0_i32 : i32, i32
  }
}

module attributes {stable_mosaic.version = 14 : i64} {
  func.func @_final_body(%arg0: i32, %arg1: memref<16128x96xf32, #tpu.memory_space<vmem>>, %arg2: memref<27x96x96xf32, #tpu.memory_space<vmem>>, %arg3: memref<1x96xf32, #tpu.memory_space<vmem>>, %arg4: memref<1152x96xf32, #tpu.memory_space<vmem>>) attributes {dimension_semantics = [#tpu.dimension_semantics<arbitrary>], iteration_bounds = array<i64: 8>, scalar_prefetch = 0 : i64, scratch_operands = 0 : i64, tpu.core_type = #tpu.core_type<tc>, window_params = [{pipeline_mode = #tpu.pipeline_mode<synchronous>, transform_indices = @transform_0, window_bounds = array<i64: 16128, 96>}, {pipeline_mode = #tpu.pipeline_mode<synchronous>, transform_indices = @transform_1, window_bounds = array<i64: 27, 96, 96>}, {pipeline_mode = #tpu.pipeline_mode<synchronous>, transform_indices = @transform_2, window_bounds = array<i64: 1, 96>}, {transform_indices = @transform_3, window_bounds = array<i64: 1152, 96>}]} {
    %mul3A = arith.constant 1152 : i32
    %mul3A_0 = arith.muli %arg0, %mul3A : i32
    %iota3A = tpu.iota {dimensions = array<i32: 0>} : vector<1152x1xi32>
    %add3A = vector.broadcast %mul3A_0 : i32 to vector<1152x1xi32>
    %add3A_1 = arith.addi %add3A, %iota3A : vector<1152x1xi32>
    %jit3A = arith.constant 48 : i32
    %eq3A = arith.constant 0 : i32
    %eq3A_2 = arith.cmpi eq, %jit3A, %eq3A : i32
    %jit3A_3 = arith.constant 1 : i32
    %select_n3A = arith.select %eq3A_2, %jit3A_3, %jit3A : i32
    %rem3A = vector.broadcast %select_n3A : i32 to vector<1152x1xi32>
    %rem3A_4 = arith.remsi %add3A_1, %rem3A : vector<1152x1xi32>
    %ne3A = arith.constant 0 : i32
    %ne3A_5 = vector.broadcast %ne3A : i32 to vector<1152x1xi32>
    %ne3A_6 = arith.cmpi ne, %rem3A_4, %ne3A_5 : vector<1152x1xi32>
    %lt3A = arith.constant 0 : i32
    %lt3A_7 = vector.broadcast %lt3A : i32 to vector<1152x1xi32>
    %lt3A_8 = arith.cmpi slt, %rem3A_4, %lt3A_7 : vector<1152x1xi32>
    %lt3A_9 = arith.constant 0 : i32
    %lt3A_10 = arith.cmpi slt, %select_n3A, %lt3A_9 : i32
    %ne3A_11 = vector.broadcast %lt3A_10 : i1 to vector<1152x1xi1>
    %ne3A_12 = vector.broadcast %ne3A_11 : vector<1152x1xi1> to vector<1152x1xi1>
    %ne3A_13 = arith.xori %lt3A_8, %ne3A_12 : vector<1152x1xi1>
    %and3A = arith.andi %ne3A_13, %ne3A_6 : vector<1152x1xi1>
    %add3A_14 = vector.broadcast %select_n3A : i32 to vector<1152x1xi32>
    %add3A_15 = arith.addi %rem3A_4, %add3A_14 : vector<1152x1xi32>
    %select_n3A_16 = arith.select %and3A, %add3A_15, %rem3A_4 : vector<1152x1xi1>, vector<1152x1xi32>
    %jit3A_17 = arith.constant 48 : i32
    %div3A = vector.broadcast %jit3A_17 : i32 to vector<1152x1xi32>
    %div3A_18 = arith.divsi %add3A_1, %div3A : vector<1152x1xi32>
    %sign3A = arith.constant 0 : i32
    %sign3A_19 = vector.broadcast %sign3A : i32 to vector<1152x1xi32>
    %sign3A_20 = arith.cmpi sgt, %add3A_1, %sign3A_19 : vector<1152x1xi32>
    %sign3A_21 = arith.extui %sign3A_20 : vector<1152x1xi1> to vector<1152x1xi32>
    %sign3A_22 = arith.constant 0 : i32
    %sign3A_23 = vector.broadcast %sign3A_22 : i32 to vector<1152x1xi32>
    %sign3A_24 = arith.cmpi slt, %add3A_1, %sign3A_23 : vector<1152x1xi32>
    %sign3A_25 = arith.extui %sign3A_24 : vector<1152x1xi1> to vector<1152x1xi32>
    %sign3A_26 = arith.subi %sign3A_21, %sign3A_25 : vector<1152x1xi32>
    %sign3A_27 = arith.constant 0 : i32
    %sign3A_28 = arith.cmpi sgt, %jit3A_17, %sign3A_27 : i32
    %sign3A_29 = arith.extui %sign3A_28 : i1 to i32
    %sign3A_30 = arith.constant 0 : i32
    %sign3A_31 = arith.cmpi slt, %jit3A_17, %sign3A_30 : i32
    %sign3A_32 = arith.extui %sign3A_31 : i1 to i32
    %sign3A_33 = arith.subi %sign3A_29, %sign3A_32 : i32
    %ne3A_34 = vector.broadcast %sign3A_33 : i32 to vector<1152x1xi32>
    %ne3A_35 = arith.cmpi ne, %sign3A_26, %ne3A_34 : vector<1152x1xi32>
    %rem3A_36 = vector.broadcast %jit3A_17 : i32 to vector<1152x1xi32>
    %rem3A_37 = arith.remsi %add3A_1, %rem3A_36 : vector<1152x1xi32>
    %ne3A_38 = arith.constant 0 : i32
    %ne3A_39 = vector.broadcast %ne3A_38 : i32 to vector<1152x1xi32>
    %ne3A_40 = arith.cmpi ne, %rem3A_37, %ne3A_39 : vector<1152x1xi32>
    %and3A_41 = arith.andi %ne3A_35, %ne3A_40 : vector<1152x1xi1>
    %sub3A = arith.constant 1 : i32
    %sub3A_42 = vector.broadcast %sub3A : i32 to vector<1152x1xi32>
    %sub3A_43 = arith.subi %div3A_18, %sub3A_42 : vector<1152x1xi32>
    %select_n3A_44 = arith.select %and3A_41, %sub3A_43, %div3A_18 : vector<1152x1xi1>, vector<1152x1xi32>
    %jit3A_45 = arith.constant 48 : i32
    %eq3A_46 = arith.constant 0 : i32
    %eq3A_47 = arith.cmpi eq, %jit3A_45, %eq3A_46 : i32
    %jit3A_48 = arith.constant 1 : i32
    %select_n3A_49 = arith.select %eq3A_47, %jit3A_48, %jit3A_45 : i32
    %rem3A_50 = vector.broadcast %select_n3A_49 : i32 to vector<1152x1xi32>
    %rem3A_51 = arith.remsi %select_n3A_44, %rem3A_50 : vector<1152x1xi32>
    %ne3A_52 = arith.constant 0 : i32
    %ne3A_53 = vector.broadcast %ne3A_52 : i32 to vector<1152x1xi32>
    %ne3A_54 = arith.cmpi ne, %rem3A_51, %ne3A_53 : vector<1152x1xi32>
    %lt3A_55 = arith.constant 0 : i32
    %lt3A_56 = vector.broadcast %lt3A_55 : i32 to vector<1152x1xi32>
    %lt3A_57 = arith.cmpi slt, %rem3A_51, %lt3A_56 : vector<1152x1xi32>
    %lt3A_58 = arith.constant 0 : i32
    %lt3A_59 = arith.cmpi slt, %select_n3A_49, %lt3A_58 : i32
    %ne3A_60 = vector.broadcast %lt3A_59 : i1 to vector<1152x1xi1>
    %ne3A_61 = vector.broadcast %ne3A_60 : vector<1152x1xi1> to vector<1152x1xi1>
    %ne3A_62 = arith.xori %lt3A_57, %ne3A_61 : vector<1152x1xi1>
    %and3A_63 = arith.andi %ne3A_62, %ne3A_54 : vector<1152x1xi1>
    %add3A_64 = vector.broadcast %select_n3A_49 : i32 to vector<1152x1xi32>
    %add3A_65 = arith.addi %rem3A_51, %add3A_64 : vector<1152x1xi32>
    %select_n3A_66 = arith.select %and3A_63, %add3A_65, %rem3A_51 : vector<1152x1xi1>, vector<1152x1xi32>
    %broadcast_in_dim3A = arith.constant 0.000000e+00 : f32
    %broadcast_in_dim3A_67 = vector.broadcast %broadcast_in_dim3A : f32 to vector<1152x96xf32>
    %add3A_68 = arith.constant 1103 : i32
    %add3A_69 = arith.addi %add3A_68, %mul3A_0 : i32
    %get3A = arith.index_cast %add3A_69 : i32 to index
    %get3A_70 = arith.constant 0 : index
    %get3A_71 = vector.load %arg1[%get3A, %get3A_70] : memref<16128x96xf32, #tpu.memory_space<vmem>>, vector<1152x96xf32>
    %max3A = arith.constant 0.000000e+00 : f32
    %max3A_72 = vector.broadcast %max3A : f32 to vector<1152x96xf32>
    %max3A_73 = arith.maximumf %get3A_71, %max3A_72 : vector<1152x96xf32>
    %add3A_74 = arith.constant -1 : i32
    %add3A_75 = vector.broadcast %add3A_74 : i32 to vector<1152x1xi32>
    %add3A_76 = arith.addi %select_n3A_16, %add3A_75 : vector<1152x1xi32>
    %add3A_77 = arith.constant -1 : i32
    %add3A_78 = vector.broadcast %add3A_77 : i32 to vector<1152x1xi32>
    %add3A_79 = arith.addi %select_n3A_66, %add3A_78 : vector<1152x1xi32>
    %ge3A = arith.constant 0 : i32
    %ge3A_80 = vector.broadcast %ge3A : i32 to vector<1152x1xi32>
    %ge3A_81 = arith.cmpi sge, %add3A_76, %ge3A_80 : vector<1152x1xi32>
    %lt3A_82 = arith.constant 48 : i32
    %lt3A_83 = vector.broadcast %lt3A_82 : i32 to vector<1152x1xi32>
    %lt3A_84 = arith.cmpi slt, %add3A_76, %lt3A_83 : vector<1152x1xi32>
    %and3A_85 = arith.andi %ge3A_81, %lt3A_84 : vector<1152x1xi1>
    %ge3A_86 = arith.constant 0 : i32
    %ge3A_87 = vector.broadcast %ge3A_86 : i32 to vector<1152x1xi32>
    %ge3A_88 = arith.cmpi sge, %add3A_79, %ge3A_87 : vector<1152x1xi32>
    %and3A_89 = arith.andi %and3A_85, %ge3A_88 : vector<1152x1xi1>
    %lt3A_90 = arith.constant 48 : i32
    %lt3A_91 = vector.broadcast %lt3A_90 : i32 to vector<1152x1xi32>
    %lt3A_92 = arith.cmpi slt, %add3A_79, %lt3A_91 : vector<1152x1xi32>
    %and3A_93 = arith.andi %and3A_89, %lt3A_92 : vector<1152x1xi1>
    %jit3A_94 = arith.constant 0.000000e+00 : f32
    %broadcast_in_dim3A_95 = vector.shape_cast %and3A_93 : vector<1152x1xi1> to vector<1152x1xi1>
    %broadcast_in_dim3A_96 = vector.broadcast %broadcast_in_dim3A_95 : vector<1152x1xi1> to vector<1152x96xi1>
    %broadcast_in_dim3A_97 = vector.broadcast %jit3A_94 : f32 to vector<1152x96xf32>
    %select_n3A_98 = arith.select %broadcast_in_dim3A_96, %max3A_73, %broadcast_in_dim3A_97 : vector<1152x96xi1>, vector<1152x96xf32>
    %get3A_99 = arith.constant 0 : index
    %get3A_100 = arith.constant 0 : index
    %get3A_101 = arith.constant 0 : index
    %get3A_102 = vector.load %arg2[%get3A_99, %get3A_100, %get3A_101] : memref<27x96x96xf32, #tpu.memory_space<vmem>>, vector<1x96x96xf32>
    %get3A_103 = vector.shape_cast %get3A_102 : vector<1x96x96xf32> to vector<96x96xf32>
    %dot_general3A = arith.constant dense<0.000000e+00> : vector<1152x96xf32>
    %dot_general3A_104 = tpu.matmul %select_n3A_98, %get3A_103, %dot_general3A {dimension_numbers = #tpu.dot_dimension_numbers<[1], [0], [0], [1], [0, 0, 1, 1], [], []>, transpose_lhs_hint = false} : vector<1152x96xf32>, vector<96x96xf32>, vector<1152x96xf32> -> vector<1152x96xf32>
    %add3A_105 = arith.addf %broadcast_in_dim3A_67, %dot_general3A_104 : vector<1152x96xf32>
    %add3A_106 = arith.constant 1104 : i32
    %add3A_107 = arith.addi %add3A_106, %mul3A_0 : i32
    %get3A_108 = arith.index_cast %add3A_107 : i32 to index
    %get3A_109 = arith.constant 0 : index
    %get3A_110 = vector.load %arg1[%get3A_108, %get3A_109] : memref<16128x96xf32, #tpu.memory_space<vmem>>, vector<1152x96xf32>
    %max3A_111 = arith.constant 0.000000e+00 : f32
    %max3A_112 = vector.broadcast %max3A_111 : f32 to vector<1152x96xf32>
    %max3A_113 = arith.maximumf %get3A_110, %max3A_112 : vector<1152x96xf32>
    %add3A_114 = arith.constant 0 : i32
    %add3A_115 = vector.broadcast %add3A_114 : i32 to vector<1152x1xi32>
    %add3A_116 = arith.addi %select_n3A_16, %add3A_115 : vector<1152x1xi32>
    %add3A_117 = arith.constant -1 : i32
    %add3A_118 = vector.broadcast %add3A_117 : i32 to vector<1152x1xi32>
    %add3A_119 = arith.addi %select_n3A_66, %add3A_118 : vector<1152x1xi32>
    %ge3A_120 = arith.constant 0 : i32
    %ge3A_121 = vector.broadcast %ge3A_120 : i32 to vector<1152x1xi32>
    %ge3A_122 = arith.cmpi sge, %add3A_116, %ge3A_121 : vector<1152x1xi32>
    %lt3A_123 = arith.constant 48 : i32
    %lt3A_124 = vector.broadcast %lt3A_123 : i32 to vector<1152x1xi32>
    %lt3A_125 = arith.cmpi slt, %add3A_116, %lt3A_124 : vector<1152x1xi32>
    %and3A_126 = arith.andi %ge3A_122, %lt3A_125 : vector<1152x1xi1>
    %ge3A_127 = arith.constant 0 : i32
    %ge3A_128 = vector.broadcast %ge3A_127 : i32 to vector<1152x1xi32>
    %ge3A_129 = arith.cmpi sge, %add3A_119, %ge3A_128 : vector<1152x1xi32>
    %and3A_130 = arith.andi %and3A_126, %ge3A_129 : vector<1152x1xi1>
    %lt3A_131 = arith.constant 48 : i32
    %lt3A_132 = vector.broadcast %lt3A_131 : i32 to vector<1152x1xi32>
    %lt3A_133 = arith.cmpi slt, %add3A_119, %lt3A_132 : vector<1152x1xi32>
    %and3A_134 = arith.andi %and3A_130, %lt3A_133 : vector<1152x1xi1>
    %jit3A_135 = arith.constant 0.000000e+00 : f32
    %broadcast_in_dim3A_136 = vector.shape_cast %and3A_134 : vector<1152x1xi1> to vector<1152x1xi1>
    %broadcast_in_dim3A_137 = vector.broadcast %broadcast_in_dim3A_136 : vector<1152x1xi1> to vector<1152x96xi1>
    %broadcast_in_dim3A_138 = vector.broadcast %jit3A_135 : f32 to vector<1152x96xf32>
    %select_n3A_139 = arith.select %broadcast_in_dim3A_137, %max3A_113, %broadcast_in_dim3A_138 : vector<1152x96xi1>, vector<1152x96xf32>
    %get3A_140 = arith.constant 1 : index
    %get3A_141 = arith.constant 0 : index
    %get3A_142 = arith.constant 0 : index
    %get3A_143 = vector.load %arg2[%get3A_140, %get3A_141, %get3A_142] : memref<27x96x96xf32, #tpu.memory_space<vmem>>, vector<1x96x96xf32>
    %get3A_144 = vector.shape_cast %get3A_143 : vector<1x96x96xf32> to vector<96x96xf32>
    %dot_general3A_145 = arith.constant dense<0.000000e+00> : vector<1152x96xf32>
    %dot_general3A_146 = tpu.matmul %select_n3A_139, %get3A_144, %dot_general3A_145 {dimension_numbers = #tpu.dot_dimension_numbers<[1], [0], [0], [1], [0, 0, 1, 1], [], []>, transpose_lhs_hint = false} : vector<1152x96xf32>, vector<96x96xf32>, vector<1152x96xf32> -> vector<1152x96xf32>
    %add3A_147 = arith.addf %add3A_105, %dot_general3A_146 : vector<1152x96xf32>
    %add3A_148 = arith.constant 1105 : i32
    %add3A_149 = arith.addi %add3A_148, %mul3A_0 : i32
    %get3A_150 = arith.index_cast %add3A_149 : i32 to index
    %get3A_151 = arith.constant 0 : index
    %get3A_152 = vector.load %arg1[%get3A_150, %get3A_151] : memref<16128x96xf32, #tpu.memory_space<vmem>>, vector<1152x96xf32>
    %max3A_153 = arith.constant 0.000000e+00 : f32
    %max3A_154 = vector.broadcast %max3A_153 : f32 to vector<1152x96xf32>
    %max3A_155 = arith.maximumf %get3A_152, %max3A_154 : vector<1152x96xf32>
    %add3A_156 = arith.constant 1 : i32
    %add3A_157 = vector.broadcast %add3A_156 : i32 to vector<1152x1xi32>
    %add3A_158 = arith.addi %select_n3A_16, %add3A_157 : vector<1152x1xi32>
    %add3A_159 = arith.constant -1 : i32
    %add3A_160 = vector.broadcast %add3A_159 : i32 to vector<1152x1xi32>
    %add3A_161 = arith.addi %select_n3A_66, %add3A_160 : vector<1152x1xi32>
    %ge3A_162 = arith.constant 0 : i32
    %ge3A_163 = vector.broadcast %ge3A_162 : i32 to vector<1152x1xi32>
    %ge3A_164 = arith.cmpi sge, %add3A_158, %ge3A_163 : vector<1152x1xi32>
    %lt3A_165 = arith.constant 48 : i32
    %lt3A_166 = vector.broadcast %lt3A_165 : i32 to vector<1152x1xi32>
    %lt3A_167 = arith.cmpi slt, %add3A_158, %lt3A_166 : vector<1152x1xi32>
    %and3A_168 = arith.andi %ge3A_164, %lt3A_167 : vector<1152x1xi1>
    %ge3A_169 = arith.constant 0 : i32
    %ge3A_170 = vector.broadcast %ge3A_169 : i32 to vector<1152x1xi32>
    %ge3A_171 = arith.cmpi sge, %add3A_161, %ge3A_170 : vector<1152x1xi32>
    %and3A_172 = arith.andi %and3A_168, %ge3A_171 : vector<1152x1xi1>
    %lt3A_173 = arith.constant 48 : i32
    %lt3A_174 = vector.broadcast %lt3A_173 : i32 to vector<1152x1xi32>
    %lt3A_175 = arith.cmpi slt, %add3A_161, %lt3A_174 : vector<1152x1xi32>
    %and3A_176 = arith.andi %and3A_172, %lt3A_175 : vector<1152x1xi1>
    %jit3A_177 = arith.constant 0.000000e+00 : f32
    %broadcast_in_dim3A_178 = vector.shape_cast %and3A_176 : vector<1152x1xi1> to vector<1152x1xi1>
    %broadcast_in_dim3A_179 = vector.broadcast %broadcast_in_dim3A_178 : vector<1152x1xi1> to vector<1152x96xi1>
    %broadcast_in_dim3A_180 = vector.broadcast %jit3A_177 : f32 to vector<1152x96xf32>
    %select_n3A_181 = arith.select %broadcast_in_dim3A_179, %max3A_155, %broadcast_in_dim3A_180 : vector<1152x96xi1>, vector<1152x96xf32>
    %get3A_182 = arith.constant 2 : index
    %get3A_183 = arith.constant 0 : index
    %get3A_184 = arith.constant 0 : index
    %get3A_185 = vector.load %arg2[%get3A_182, %get3A_183, %get3A_184] : memref<27x96x96xf32, #tpu.memory_space<vmem>>, vector<1x96x96xf32>
    %get3A_186 = vector.shape_cast %get3A_185 : vector<1x96x96xf32> to vector<96x96xf32>
    %dot_general3A_187 = arith.constant dense<0.000000e+00> : vector<1152x96xf32>
    %dot_general3A_188 = tpu.matmul %select_n3A_181, %get3A_186, %dot_general3A_187 {dimension_numbers = #tpu.dot_dimension_numbers<[1], [0], [0], [1], [0, 0, 1, 1], [], []>, transpose_lhs_hint = false} : vector<1152x96xf32>, vector<96x96xf32>, vector<1152x96xf32> -> vector<1152x96xf32>
    %add3A_189 = arith.addf %add3A_147, %dot_general3A_188 : vector<1152x96xf32>
    %add3A_190 = arith.constant 1151 : i32
    %add3A_191 = arith.addi %add3A_190, %mul3A_0 : i32
    %get3A_192 = arith.index_cast %add3A_191 : i32 to index
    %get3A_193 = arith.constant 0 : index
    %get3A_194 = vector.load %arg1[%get3A_192, %get3A_193] : memref<16128x96xf32, #tpu.memory_space<vmem>>, vector<1152x96xf32>
    %max3A_195 = arith.constant 0.000000e+00 : f32
    %max3A_196 = vector.broadcast %max3A_195 : f32 to vector<1152x96xf32>
    %max3A_197 = arith.maximumf %get3A_194, %max3A_196 : vector<1152x96xf32>
    %add3A_198 = arith.constant -1 : i32
    %add3A_199 = vector.broadcast %add3A_198 : i32 to vector<1152x1xi32>
    %add3A_200 = arith.addi %select_n3A_16, %add3A_199 : vector<1152x1xi32>
    %add3A_201 = arith.constant 0 : i32
    %add3A_202 = vector.broadcast %add3A_201 : i32 to vector<1152x1xi32>
    %add3A_203 = arith.addi %select_n3A_66, %add3A_202 : vector<1152x1xi32>
    %ge3A_204 = arith.constant 0 : i32
    %ge3A_205 = vector.broadcast %ge3A_204 : i32 to vector<1152x1xi32>
    %ge3A_206 = arith.cmpi sge, %add3A_200, %ge3A_205 : vector<1152x1xi32>
    %lt3A_207 = arith.constant 48 : i32
    %lt3A_208 = vector.broadcast %lt3A_207 : i32 to vector<1152x1xi32>
    %lt3A_209 = arith.cmpi slt, %add3A_200, %lt3A_208 : vector<1152x1xi32>
    %and3A_210 = arith.andi %ge3A_206, %lt3A_209 : vector<1152x1xi1>
    %ge3A_211 = arith.constant 0 : i32
    %ge3A_212 = vector.broadcast %ge3A_211 : i32 to vector<1152x1xi32>
    %ge3A_213 = arith.cmpi sge, %add3A_203, %ge3A_212 : vector<1152x1xi32>
    %and3A_214 = arith.andi %and3A_210, %ge3A_213 : vector<1152x1xi1>
    %lt3A_215 = arith.constant 48 : i32
    %lt3A_216 = vector.broadcast %lt3A_215 : i32 to vector<1152x1xi32>
    %lt3A_217 = arith.cmpi slt, %add3A_203, %lt3A_216 : vector<1152x1xi32>
    %and3A_218 = arith.andi %and3A_214, %lt3A_217 : vector<1152x1xi1>
    %jit3A_219 = arith.constant 0.000000e+00 : f32
    %broadcast_in_dim3A_220 = vector.shape_cast %and3A_218 : vector<1152x1xi1> to vector<1152x1xi1>
    %broadcast_in_dim3A_221 = vector.broadcast %broadcast_in_dim3A_220 : vector<1152x1xi1> to vector<1152x96xi1>
    %broadcast_in_dim3A_222 = vector.broadcast %jit3A_219 : f32 to vector<1152x96xf32>
    %select_n3A_223 = arith.select %broadcast_in_dim3A_221, %max3A_197, %broadcast_in_dim3A_222 : vector<1152x96xi1>, vector<1152x96xf32>
    %get3A_224 = arith.constant 3 : index
    %get3A_225 = arith.constant 0 : index
    %get3A_226 = arith.constant 0 : index
    %get3A_227 = vector.load %arg2[%get3A_224, %get3A_225, %get3A_226] : memref<27x96x96xf32, #tpu.memory_space<vmem>>, vector<1x96x96xf32>
    %get3A_228 = vector.shape_cast %get3A_227 : vector<1x96x96xf32> to vector<96x96xf32>
    %dot_general3A_229 = arith.constant dense<0.000000e+00> : vector<1152x96xf32>
    %dot_general3A_230 = tpu.matmul %select_n3A_223, %get3A_228, %dot_general3A_229 {dimension_numbers = #tpu.dot_dimension_numbers<[1], [0], [0], [1], [0, 0, 1, 1], [], []>, transpose_lhs_hint = false} : vector<1152x96xf32>, vector<96x96xf32>, vector<1152x96xf32> -> vector<1152x96xf32>
    %add3A_231 = arith.addf %add3A_189, %dot_general3A_230 : vector<1152x96xf32>
    %add3A_232 = arith.constant 1152 : i32
    %add3A_233 = arith.addi %add3A_232, %mul3A_0 : i32
    %get3A_234 = arith.index_cast %add3A_233 : i32 to index
    %get3A_235 = arith.constant 0 : index
    %get3A_236 = vector.load %arg1[%get3A_234, %get3A_235] : memref<16128x96xf32, #tpu.memory_space<vmem>>, vector<1152x96xf32>
    %max3A_237 = arith.constant 0.000000e+00 : f32
    %max3A_238 = vector.broadcast %max3A_237 : f32 to vector<1152x96xf32>
    %max3A_239 = arith.maximumf %get3A_236, %max3A_238 : vector<1152x96xf32>
    %add3A_240 = arith.constant 0 : i32
    %add3A_241 = vector.broadcast %add3A_240 : i32 to vector<1152x1xi32>
    %add3A_242 = arith.addi %select_n3A_16, %add3A_241 : vector<1152x1xi32>
    %add3A_243 = arith.constant 0 : i32
    %add3A_244 = vector.broadcast %add3A_243 : i32 to vector<1152x1xi32>
    %add3A_245 = arith.addi %select_n3A_66, %add3A_244 : vector<1152x1xi32>
    %ge3A_246 = arith.constant 0 : i32
    %ge3A_247 = vector.broadcast %ge3A_246 : i32 to vector<1152x1xi32>
    %ge3A_248 = arith.cmpi sge, %add3A_242, %ge3A_247 : vector<1152x1xi32>
    %lt3A_249 = arith.constant 48 : i32
    %lt3A_250 = vector.broadcast %lt3A_249 : i32 to vector<1152x1xi32>
    %lt3A_251 = arith.cmpi slt, %add3A_242, %lt3A_250 : vector<1152x1xi32>
    %and3A_252 = arith.andi %ge3A_248, %lt3A_251 : vector<1152x1xi1>
    %ge3A_253 = arith.constant 0 : i32
    %ge3A_254 = vector.broadcast %ge3A_253 : i32 to vector<1152x1xi32>
    %ge3A_255 = arith.cmpi sge, %add3A_245, %ge3A_254 : vector<1152x1xi32>
    %and3A_256 = arith.andi %and3A_252, %ge3A_255 : vector<1152x1xi1>
    %lt3A_257 = arith.constant 48 : i32
    %lt3A_258 = vector.broadcast %lt3A_257 : i32 to vector<1152x1xi32>
    %lt3A_259 = arith.cmpi slt, %add3A_245, %lt3A_258 : vector<1152x1xi32>
    %and3A_260 = arith.andi %and3A_256, %lt3A_259 : vector<1152x1xi1>
    %jit3A_261 = arith.constant 0.000000e+00 : f32
    %broadcast_in_dim3A_262 = vector.shape_cast %and3A_260 : vector<1152x1xi1> to vector<1152x1xi1>
    %broadcast_in_dim3A_263 = vector.broadcast %broadcast_in_dim3A_262 : vector<1152x1xi1> to vector<1152x96xi1>
    %broadcast_in_dim3A_264 = vector.broadcast %jit3A_261 : f32 to vector<1152x96xf32>
    %select_n3A_265 = arith.select %broadcast_in_dim3A_263, %max3A_239, %broadcast_in_dim3A_264 : vector<1152x96xi1>, vector<1152x96xf32>
    %get3A_266 = arith.constant 4 : index
    %get3A_267 = arith.constant 0 : index
    %get3A_268 = arith.constant 0 : index
    %get3A_269 = vector.load %arg2[%get3A_266, %get3A_267, %get3A_268] : memref<27x96x96xf32, #tpu.memory_space<vmem>>, vector<1x96x96xf32>
    %get3A_270 = vector.shape_cast %get3A_269 : vector<1x96x96xf32> to vector<96x96xf32>
    %dot_general3A_271 = arith.constant dense<0.000000e+00> : vector<1152x96xf32>
    %dot_general3A_272 = tpu.matmul %select_n3A_265, %get3A_270, %dot_general3A_271 {dimension_numbers = #tpu.dot_dimension_numbers<[1], [0], [0], [1], [0, 0, 1, 1], [], []>, transpose_lhs_hint = false} : vector<1152x96xf32>, vector<96x96xf32>, vector<1152x96xf32> -> vector<1152x96xf32>
    %add3A_273 = arith.addf %add3A_231, %dot_general3A_272 : vector<1152x96xf32>
    %add3A_274 = arith.constant 1153 : i32
    %add3A_275 = arith.addi %add3A_274, %mul3A_0 : i32
    %get3A_276 = arith.index_cast %add3A_275 : i32 to index
    %get3A_277 = arith.constant 0 : index
    %get3A_278 = vector.load %arg1[%get3A_276, %get3A_277] : memref<16128x96xf32, #tpu.memory_space<vmem>>, vector<1152x96xf32>
    %max3A_279 = arith.constant 0.000000e+00 : f32
    %max3A_280 = vector.broadcast %max3A_279 : f32 to vector<1152x96xf32>
    %max3A_281 = arith.maximumf %get3A_278, %max3A_280 : vector<1152x96xf32>
    %add3A_282 = arith.constant 1 : i32
    %add3A_283 = vector.broadcast %add3A_282 : i32 to vector<1152x1xi32>
    %add3A_284 = arith.addi %select_n3A_16, %add3A_283 : vector<1152x1xi32>
    %add3A_285 = arith.constant 0 : i32
    %add3A_286 = vector.broadcast %add3A_285 : i32 to vector<1152x1xi32>
    %add3A_287 = arith.addi %select_n3A_66, %add3A_286 : vector<1152x1xi32>
    %ge3A_288 = arith.constant 0 : i32
    %ge3A_289 = vector.broadcast %ge3A_288 : i32 to vector<1152x1xi32>
    %ge3A_290 = arith.cmpi sge, %add3A_284, %ge3A_289 : vector<1152x1xi32>
    %lt3A_291 = arith.constant 48 : i32
    %lt3A_292 = vector.broadcast %lt3A_291 : i32 to vector<1152x1xi32>
    %lt3A_293 = arith.cmpi slt, %add3A_284, %lt3A_292 : vector<1152x1xi32>
    %and3A_294 = arith.andi %ge3A_290, %lt3A_293 : vector<1152x1xi1>
    %ge3A_295 = arith.constant 0 : i32
    %ge3A_296 = vector.broadcast %ge3A_295 : i32 to vector<1152x1xi32>
    %ge3A_297 = arith.cmpi sge, %add3A_287, %ge3A_296 : vector<1152x1xi32>
    %and3A_298 = arith.andi %and3A_294, %ge3A_297 : vector<1152x1xi1>
    %lt3A_299 = arith.constant 48 : i32
    %lt3A_300 = vector.broadcast %lt3A_299 : i32 to vector<1152x1xi32>
    %lt3A_301 = arith.cmpi slt, %add3A_287, %lt3A_300 : vector<1152x1xi32>
    %and3A_302 = arith.andi %and3A_298, %lt3A_301 : vector<1152x1xi1>
    %jit3A_303 = arith.constant 0.000000e+00 : f32
    %broadcast_in_dim3A_304 = vector.shape_cast %and3A_302 : vector<1152x1xi1> to vector<1152x1xi1>
    %broadcast_in_dim3A_305 = vector.broadcast %broadcast_in_dim3A_304 : vector<1152x1xi1> to vector<1152x96xi1>
    %broadcast_in_dim3A_306 = vector.broadcast %jit3A_303 : f32 to vector<1152x96xf32>
    %select_n3A_307 = arith.select %broadcast_in_dim3A_305, %max3A_281, %broadcast_in_dim3A_306 : vector<1152x96xi1>, vector<1152x96xf32>
    %get3A_308 = arith.constant 5 : index
    %get3A_309 = arith.constant 0 : index
    %get3A_310 = arith.constant 0 : index
    %get3A_311 = vector.load %arg2[%get3A_308, %get3A_309, %get3A_310] : memref<27x96x96xf32, #tpu.memory_space<vmem>>, vector<1x96x96xf32>
    %get3A_312 = vector.shape_cast %get3A_311 : vector<1x96x96xf32> to vector<96x96xf32>
    %dot_general3A_313 = arith.constant dense<0.000000e+00> : vector<1152x96xf32>
    %dot_general3A_314 = tpu.matmul %select_n3A_307, %get3A_312, %dot_general3A_313 {dimension_numbers = #tpu.dot_dimension_numbers<[1], [0], [0], [1], [0, 0, 1, 1], [], []>, transpose_lhs_hint = false} : vector<1152x96xf32>, vector<96x96xf32>, vector<1152x96xf32> -> vector<1152x96xf32>
    %add3A_315 = arith.addf %add3A_273, %dot_general3A_314 : vector<1152x96xf32>
    %add3A_316 = arith.constant 1199 : i32
    %add3A_317 = arith.addi %add3A_316, %mul3A_0 : i32
    %get3A_318 = arith.index_cast %add3A_317 : i32 to index
    %get3A_319 = arith.constant 0 : index
    %get3A_320 = vector.load %arg1[%get3A_318, %get3A_319] : memref<16128x96xf32, #tpu.memory_space<vmem>>, vector<1152x96xf32>
    %max3A_321 = arith.constant 0.000000e+00 : f32
    %max3A_322 = vector.broadcast %max3A_321 : f32 to vector<1152x96xf32>
    %max3A_323 = arith.maximumf %get3A_320, %max3A_322 : vector<1152x96xf32>
    %add3A_324 = arith.constant -1 : i32
    %add3A_325 = vector.broadcast %add3A_324 : i32 to vector<1152x1xi32>
    %add3A_326 = arith.addi %select_n3A_16, %add3A_325 : vector<1152x1xi32>
    %add3A_327 = arith.constant 1 : i32
    %add3A_328 = vector.broadcast %add3A_327 : i32 to vector<1152x1xi32>
    %add3A_329 = arith.addi %select_n3A_66, %add3A_328 : vector<1152x1xi32>
    %ge3A_330 = arith.constant 0 : i32
    %ge3A_331 = vector.broadcast %ge3A_330 : i32 to vector<1152x1xi32>
    %ge3A_332 = arith.cmpi sge, %add3A_326, %ge3A_331 : vector<1152x1xi32>
    %lt3A_333 = arith.constant 48 : i32
    %lt3A_334 = vector.broadcast %lt3A_333 : i32 to vector<1152x1xi32>
    %lt3A_335 = arith.cmpi slt, %add3A_326, %lt3A_334 : vector<1152x1xi32>
    %and3A_336 = arith.andi %ge3A_332, %lt3A_335 : vector<1152x1xi1>
    %ge3A_337 = arith.constant 0 : i32
    %ge3A_338 = vector.broadcast %ge3A_337 : i32 to vector<1152x1xi32>
    %ge3A_339 = arith.cmpi sge, %add3A_329, %ge3A_338 : vector<1152x1xi32>
    %and3A_340 = arith.andi %and3A_336, %ge3A_339 : vector<1152x1xi1>
    %lt3A_341 = arith.constant 48 : i32
    %lt3A_342 = vector.broadcast %lt3A_341 : i32 to vector<1152x1xi32>
    %lt3A_343 = arith.cmpi slt, %add3A_329, %lt3A_342 : vector<1152x1xi32>
    %and3A_344 = arith.andi %and3A_340, %lt3A_343 : vector<1152x1xi1>
    %jit3A_345 = arith.constant 0.000000e+00 : f32
    %broadcast_in_dim3A_346 = vector.shape_cast %and3A_344 : vector<1152x1xi1> to vector<1152x1xi1>
    %broadcast_in_dim3A_347 = vector.broadcast %broadcast_in_dim3A_346 : vector<1152x1xi1> to vector<1152x96xi1>
    %broadcast_in_dim3A_348 = vector.broadcast %jit3A_345 : f32 to vector<1152x96xf32>
    %select_n3A_349 = arith.select %broadcast_in_dim3A_347, %max3A_323, %broadcast_in_dim3A_348 : vector<1152x96xi1>, vector<1152x96xf32>
    %get3A_350 = arith.constant 6 : index
    %get3A_351 = arith.constant 0 : index
    %get3A_352 = arith.constant 0 : index
    %get3A_353 = vector.load %arg2[%get3A_350, %get3A_351, %get3A_352] : memref<27x96x96xf32, #tpu.memory_space<vmem>>, vector<1x96x96xf32>
    %get3A_354 = vector.shape_cast %get3A_353 : vector<1x96x96xf32> to vector<96x96xf32>
    %dot_general3A_355 = arith.constant dense<0.000000e+00> : vector<1152x96xf32>
    %dot_general3A_356 = tpu.matmul %select_n3A_349, %get3A_354, %dot_general3A_355 {dimension_numbers = #tpu.dot_dimension_numbers<[1], [0], [0], [1], [0, 0, 1, 1], [], []>, transpose_lhs_hint = false} : vector<1152x96xf32>, vector<96x96xf32>, vector<1152x96xf32> -> vector<1152x96xf32>
    %add3A_357 = arith.addf %add3A_315, %dot_general3A_356 : vector<1152x96xf32>
    %add3A_358 = arith.constant 1200 : i32
    %add3A_359 = arith.addi %add3A_358, %mul3A_0 : i32
    %get3A_360 = arith.index_cast %add3A_359 : i32 to index
    %get3A_361 = arith.constant 0 : index
    %get3A_362 = vector.load %arg1[%get3A_360, %get3A_361] : memref<16128x96xf32, #tpu.memory_space<vmem>>, vector<1152x96xf32>
    %max3A_363 = arith.constant 0.000000e+00 : f32
    %max3A_364 = vector.broadcast %max3A_363 : f32 to vector<1152x96xf32>
    %max3A_365 = arith.maximumf %get3A_362, %max3A_364 : vector<1152x96xf32>
    %add3A_366 = arith.constant 0 : i32
    %add3A_367 = vector.broadcast %add3A_366 : i32 to vector<1152x1xi32>
    %add3A_368 = arith.addi %select_n3A_16, %add3A_367 : vector<1152x1xi32>
    %add3A_369 = arith.constant 1 : i32
    %add3A_370 = vector.broadcast %add3A_369 : i32 to vector<1152x1xi32>
    %add3A_371 = arith.addi %select_n3A_66, %add3A_370 : vector<1152x1xi32>
    %ge3A_372 = arith.constant 0 : i32
    %ge3A_373 = vector.broadcast %ge3A_372 : i32 to vector<1152x1xi32>
    %ge3A_374 = arith.cmpi sge, %add3A_368, %ge3A_373 : vector<1152x1xi32>
    %lt3A_375 = arith.constant 48 : i32
    %lt3A_376 = vector.broadcast %lt3A_375 : i32 to vector<1152x1xi32>
    %lt3A_377 = arith.cmpi slt, %add3A_368, %lt3A_376 : vector<1152x1xi32>
    %and3A_378 = arith.andi %ge3A_374, %lt3A_377 : vector<1152x1xi1>
    %ge3A_379 = arith.constant 0 : i32
    %ge3A_380 = vector.broadcast %ge3A_379 : i32 to vector<1152x1xi32>
    %ge3A_381 = arith.cmpi sge, %add3A_371, %ge3A_380 : vector<1152x1xi32>
    %and3A_382 = arith.andi %and3A_378, %ge3A_381 : vector<1152x1xi1>
    %lt3A_383 = arith.constant 48 : i32
    %lt3A_384 = vector.broadcast %lt3A_383 : i32 to vector<1152x1xi32>
    %lt3A_385 = arith.cmpi slt, %add3A_371, %lt3A_384 : vector<1152x1xi32>
    %and3A_386 = arith.andi %and3A_382, %lt3A_385 : vector<1152x1xi1>
    %jit3A_387 = arith.constant 0.000000e+00 : f32
    %broadcast_in_dim3A_388 = vector.shape_cast %and3A_386 : vector<1152x1xi1> to vector<1152x1xi1>
    %broadcast_in_dim3A_389 = vector.broadcast %broadcast_in_dim3A_388 : vector<1152x1xi1> to vector<1152x96xi1>
    %broadcast_in_dim3A_390 = vector.broadcast %jit3A_387 : f32 to vector<1152x96xf32>
    %select_n3A_391 = arith.select %broadcast_in_dim3A_389, %max3A_365, %broadcast_in_dim3A_390 : vector<1152x96xi1>, vector<1152x96xf32>
    %get3A_392 = arith.constant 7 : index
    %get3A_393 = arith.constant 0 : index
    %get3A_394 = arith.constant 0 : index
    %get3A_395 = vector.load %arg2[%get3A_392, %get3A_393, %get3A_394] : memref<27x96x96xf32, #tpu.memory_space<vmem>>, vector<1x96x96xf32>
    %get3A_396 = vector.shape_cast %get3A_395 : vector<1x96x96xf32> to vector<96x96xf32>
    %dot_general3A_397 = arith.constant dense<0.000000e+00> : vector<1152x96xf32>
    %dot_general3A_398 = tpu.matmul %select_n3A_391, %get3A_396, %dot_general3A_397 {dimension_numbers = #tpu.dot_dimension_numbers<[1], [0], [0], [1], [0, 0, 1, 1], [], []>, transpose_lhs_hint = false} : vector<1152x96xf32>, vector<96x96xf32>, vector<1152x96xf32> -> vector<1152x96xf32>
    %add3A_399 = arith.addf %add3A_357, %dot_general3A_398 : vector<1152x96xf32>
    %add3A_400 = arith.constant 1201 : i32
    %add3A_401 = arith.addi %add3A_400, %mul3A_0 : i32
    %get3A_402 = arith.index_cast %add3A_401 : i32 to index
    %get3A_403 = arith.constant 0 : index
    %get3A_404 = vector.load %arg1[%get3A_402, %get3A_403] : memref<16128x96xf32, #tpu.memory_space<vmem>>, vector<1152x96xf32>
    %max3A_405 = arith.constant 0.000000e+00 : f32
    %max3A_406 = vector.broadcast %max3A_405 : f32 to vector<1152x96xf32>
    %max3A_407 = arith.maximumf %get3A_404, %max3A_406 : vector<1152x96xf32>
    %add3A_408 = arith.constant 1 : i32
    %add3A_409 = vector.broadcast %add3A_408 : i32 to vector<1152x1xi32>
    %add3A_410 = arith.addi %select_n3A_16, %add3A_409 : vector<1152x1xi32>
    %add3A_411 = arith.constant 1 : i32
    %add3A_412 = vector.broadcast %add3A_411 : i32 to vector<1152x1xi32>
    %add3A_413 = arith.addi %select_n3A_66, %add3A_412 : vector<1152x1xi32>
    %ge3A_414 = arith.constant 0 : i32
    %ge3A_415 = vector.broadcast %ge3A_414 : i32 to vector<1152x1xi32>
    %ge3A_416 = arith.cmpi sge, %add3A_410, %ge3A_415 : vector<1152x1xi32>
    %lt3A_417 = arith.constant 48 : i32
    %lt3A_418 = vector.broadcast %lt3A_417 : i32 to vector<1152x1xi32>
    %lt3A_419 = arith.cmpi slt, %add3A_410, %lt3A_418 : vector<1152x1xi32>
    %and3A_420 = arith.andi %ge3A_416, %lt3A_419 : vector<1152x1xi1>
    %ge3A_421 = arith.constant 0 : i32
    %ge3A_422 = vector.broadcast %ge3A_421 : i32 to vector<1152x1xi32>
    %ge3A_423 = arith.cmpi sge, %add3A_413, %ge3A_422 : vector<1152x1xi32>
    %and3A_424 = arith.andi %and3A_420, %ge3A_423 : vector<1152x1xi1>
    %lt3A_425 = arith.constant 48 : i32
    %lt3A_426 = vector.broadcast %lt3A_425 : i32 to vector<1152x1xi32>
    %lt3A_427 = arith.cmpi slt, %add3A_413, %lt3A_426 : vector<1152x1xi32>
    %and3A_428 = arith.andi %and3A_424, %lt3A_427 : vector<1152x1xi1>
    %jit3A_429 = arith.constant 0.000000e+00 : f32
    %broadcast_in_dim3A_430 = vector.shape_cast %and3A_428 : vector<1152x1xi1> to vector<1152x1xi1>
    %broadcast_in_dim3A_431 = vector.broadcast %broadcast_in_dim3A_430 : vector<1152x1xi1> to vector<1152x96xi1>
    %broadcast_in_dim3A_432 = vector.broadcast %jit3A_429 : f32 to vector<1152x96xf32>
    %select_n3A_433 = arith.select %broadcast_in_dim3A_431, %max3A_407, %broadcast_in_dim3A_432 : vector<1152x96xi1>, vector<1152x96xf32>
    %get3A_434 = arith.constant 8 : index
    %get3A_435 = arith.constant 0 : index
    %get3A_436 = arith.constant 0 : index
    %get3A_437 = vector.load %arg2[%get3A_434, %get3A_435, %get3A_436] : memref<27x96x96xf32, #tpu.memory_space<vmem>>, vector<1x96x96xf32>
    %get3A_438 = vector.shape_cast %get3A_437 : vector<1x96x96xf32> to vector<96x96xf32>
    %dot_general3A_439 = arith.constant dense<0.000000e+00> : vector<1152x96xf32>
    %dot_general3A_440 = tpu.matmul %select_n3A_433, %get3A_438, %dot_general3A_439 {dimension_numbers = #tpu.dot_dimension_numbers<[1], [0], [0], [1], [0, 0, 1, 1], [], []>, transpose_lhs_hint = false} : vector<1152x96xf32>, vector<96x96xf32>, vector<1152x96xf32> -> vector<1152x96xf32>
    %add3A_441 = arith.addf %add3A_399, %dot_general3A_440 : vector<1152x96xf32>
    %add3A_442 = arith.constant 3407 : i32
    %add3A_443 = arith.addi %add3A_442, %mul3A_0 : i32
    %get3A_444 = arith.index_cast %add3A_443 : i32 to index
    %get3A_445 = arith.constant 0 : index
    %get3A_446 = vector.load %arg1[%get3A_444, %get3A_445] : memref<16128x96xf32, #tpu.memory_space<vmem>>, vector<1152x96xf32>
    %max3A_447 = arith.constant 0.000000e+00 : f32
    %max3A_448 = vector.broadcast %max3A_447 : f32 to vector<1152x96xf32>
    %max3A_449 = arith.maximumf %get3A_446, %max3A_448 : vector<1152x96xf32>
    %add3A_450 = arith.constant -1 : i32
    %add3A_451 = vector.broadcast %add3A_450 : i32 to vector<1152x1xi32>
    %add3A_452 = arith.addi %select_n3A_16, %add3A_451 : vector<1152x1xi32>
    %add3A_453 = arith.constant -1 : i32
    %add3A_454 = vector.broadcast %add3A_453 : i32 to vector<1152x1xi32>
    %add3A_455 = arith.addi %select_n3A_66, %add3A_454 : vector<1152x1xi32>
    %ge3A_456 = arith.constant 0 : i32
    %ge3A_457 = vector.broadcast %ge3A_456 : i32 to vector<1152x1xi32>
    %ge3A_458 = arith.cmpi sge, %add3A_452, %ge3A_457 : vector<1152x1xi32>
    %lt3A_459 = arith.constant 48 : i32
    %lt3A_460 = vector.broadcast %lt3A_459 : i32 to vector<1152x1xi32>
    %lt3A_461 = arith.cmpi slt, %add3A_452, %lt3A_460 : vector<1152x1xi32>
    %and3A_462 = arith.andi %ge3A_458, %lt3A_461 : vector<1152x1xi1>
    %ge3A_463 = arith.constant 0 : i32
    %ge3A_464 = vector.broadcast %ge3A_463 : i32 to vector<1152x1xi32>
    %ge3A_465 = arith.cmpi sge, %add3A_455, %ge3A_464 : vector<1152x1xi32>
    %and3A_466 = arith.andi %and3A_462, %ge3A_465 : vector<1152x1xi1>
    %lt3A_467 = arith.constant 48 : i32
    %lt3A_468 = vector.broadcast %lt3A_467 : i32 to vector<1152x1xi32>
    %lt3A_469 = arith.cmpi slt, %add3A_455, %lt3A_468 : vector<1152x1xi32>
    %and3A_470 = arith.andi %and3A_466, %lt3A_469 : vector<1152x1xi1>
    %jit3A_471 = arith.constant 0.000000e+00 : f32
    %broadcast_in_dim3A_472 = vector.shape_cast %and3A_470 : vector<1152x1xi1> to vector<1152x1xi1>
    %broadcast_in_dim3A_473 = vector.broadcast %broadcast_in_dim3A_472 : vector<1152x1xi1> to vector<1152x96xi1>
    %broadcast_in_dim3A_474 = vector.broadcast %jit3A_471 : f32 to vector<1152x96xf32>
    %select_n3A_475 = arith.select %broadcast_in_dim3A_473, %max3A_449, %broadcast_in_dim3A_474 : vector<1152x96xi1>, vector<1152x96xf32>
    %get3A_476 = arith.constant 9 : index
    %get3A_477 = arith.constant 0 : index
    %get3A_478 = arith.constant 0 : index
    %get3A_479 = vector.load %arg2[%get3A_476, %get3A_477, %get3A_478] : memref<27x96x96xf32, #tpu.memory_space<vmem>>, vector<1x96x96xf32>
    %get3A_480 = vector.shape_cast %get3A_479 : vector<1x96x96xf32> to vector<96x96xf32>
    %dot_general3A_481 = arith.constant dense<0.000000e+00> : vector<1152x96xf32>
    %dot_general3A_482 = tpu.matmul %select_n3A_475, %get3A_480, %dot_general3A_481 {dimension_numbers = #tpu.dot_dimension_numbers<[1], [0], [0], [1], [0, 0, 1, 1], [], []>, transpose_lhs_hint = false} : vector<1152x96xf32>, vector<96x96xf32>, vector<1152x96xf32> -> vector<1152x96xf32>
    %add3A_483 = arith.addf %add3A_441, %dot_general3A_482 : vector<1152x96xf32>
    %add3A_484 = arith.constant 3408 : i32
    %add3A_485 = arith.addi %add3A_484, %mul3A_0 : i32
    %get3A_486 = arith.index_cast %add3A_485 : i32 to index
    %get3A_487 = arith.constant 0 : index
    %get3A_488 = vector.load %arg1[%get3A_486, %get3A_487] : memref<16128x96xf32, #tpu.memory_space<vmem>>, vector<1152x96xf32>
    %max3A_489 = arith.constant 0.000000e+00 : f32
    %max3A_490 = vector.broadcast %max3A_489 : f32 to vector<1152x96xf32>
    %max3A_491 = arith.maximumf %get3A_488, %max3A_490 : vector<1152x96xf32>
    %add3A_492 = arith.constant 0 : i32
    %add3A_493 = vector.broadcast %add3A_492 : i32 to vector<1152x1xi32>
    %add3A_494 = arith.addi %select_n3A_16, %add3A_493 : vector<1152x1xi32>
    %add3A_495 = arith.constant -1 : i32
    %add3A_496 = vector.broadcast %add3A_495 : i32 to vector<1152x1xi32>
    %add3A_497 = arith.addi %select_n3A_66, %add3A_496 : vector<1152x1xi32>
    %ge3A_498 = arith.constant 0 : i32
    %ge3A_499 = vector.broadcast %ge3A_498 : i32 to vector<1152x1xi32>
    %ge3A_500 = arith.cmpi sge, %add3A_494, %ge3A_499 : vector<1152x1xi32>
    %lt3A_501 = arith.constant 48 : i32
    %lt3A_502 = vector.broadcast %lt3A_501 : i32 to vector<1152x1xi32>
    %lt3A_503 = arith.cmpi slt, %add3A_494, %lt3A_502 : vector<1152x1xi32>
    %and3A_504 = arith.andi %ge3A_500, %lt3A_503 : vector<1152x1xi1>
    %ge3A_505 = arith.constant 0 : i32
    %ge3A_506 = vector.broadcast %ge3A_505 : i32 to vector<1152x1xi32>
    %ge3A_507 = arith.cmpi sge, %add3A_497, %ge3A_506 : vector<1152x1xi32>
    %and3A_508 = arith.andi %and3A_504, %ge3A_507 : vector<1152x1xi1>
    %lt3A_509 = arith.constant 48 : i32
    %lt3A_510 = vector.broadcast %lt3A_509 : i32 to vector<1152x1xi32>
    %lt3A_511 = arith.cmpi slt, %add3A_497, %lt3A_510 : vector<1152x1xi32>
    %and3A_512 = arith.andi %and3A_508, %lt3A_511 : vector<1152x1xi1>
    %jit3A_513 = arith.constant 0.000000e+00 : f32
    %broadcast_in_dim3A_514 = vector.shape_cast %and3A_512 : vector<1152x1xi1> to vector<1152x1xi1>
    %broadcast_in_dim3A_515 = vector.broadcast %broadcast_in_dim3A_514 : vector<1152x1xi1> to vector<1152x96xi1>
    %broadcast_in_dim3A_516 = vector.broadcast %jit3A_513 : f32 to vector<1152x96xf32>
    %select_n3A_517 = arith.select %broadcast_in_dim3A_515, %max3A_491, %broadcast_in_dim3A_516 : vector<1152x96xi1>, vector<1152x96xf32>
    %get3A_518 = arith.constant 10 : index
    %get3A_519 = arith.constant 0 : index
    %get3A_520 = arith.constant 0 : index
    %get3A_521 = vector.load %arg2[%get3A_518, %get3A_519, %get3A_520] : memref<27x96x96xf32, #tpu.memory_space<vmem>>, vector<1x96x96xf32>
    %get3A_522 = vector.shape_cast %get3A_521 : vector<1x96x96xf32> to vector<96x96xf32>
    %dot_general3A_523 = arith.constant dense<0.000000e+00> : vector<1152x96xf32>
    %dot_general3A_524 = tpu.matmul %select_n3A_517, %get3A_522, %dot_general3A_523 {dimension_numbers = #tpu.dot_dimension_numbers<[1], [0], [0], [1], [0, 0, 1, 1], [], []>, transpose_lhs_hint = false} : vector<1152x96xf32>, vector<96x96xf32>, vector<1152x96xf32> -> vector<1152x96xf32>
    %add3A_525 = arith.addf %add3A_483, %dot_general3A_524 : vector<1152x96xf32>
    %add3A_526 = arith.constant 3409 : i32
    %add3A_527 = arith.addi %add3A_526, %mul3A_0 : i32
    %get3A_528 = arith.index_cast %add3A_527 : i32 to index
    %get3A_529 = arith.constant 0 : index
    %get3A_530 = vector.load %arg1[%get3A_528, %get3A_529] : memref<16128x96xf32, #tpu.memory_space<vmem>>, vector<1152x96xf32>
    %max3A_531 = arith.constant 0.000000e+00 : f32
    %max3A_532 = vector.broadcast %max3A_531 : f32 to vector<1152x96xf32>
    %max3A_533 = arith.maximumf %get3A_530, %max3A_532 : vector<1152x96xf32>
    %add3A_534 = arith.constant 1 : i32
    %add3A_535 = vector.broadcast %add3A_534 : i32 to vector<1152x1xi32>
    %add3A_536 = arith.addi %select_n3A_16, %add3A_535 : vector<1152x1xi32>
    %add3A_537 = arith.constant -1 : i32
    %add3A_538 = vector.broadcast %add3A_537 : i32 to vector<1152x1xi32>
    %add3A_539 = arith.addi %select_n3A_66, %add3A_538 : vector<1152x1xi32>
    %ge3A_540 = arith.constant 0 : i32
    %ge3A_541 = vector.broadcast %ge3A_540 : i32 to vector<1152x1xi32>
    %ge3A_542 = arith.cmpi sge, %add3A_536, %ge3A_541 : vector<1152x1xi32>
    %lt3A_543 = arith.constant 48 : i32
    %lt3A_544 = vector.broadcast %lt3A_543 : i32 to vector<1152x1xi32>
    %lt3A_545 = arith.cmpi slt, %add3A_536, %lt3A_544 : vector<1152x1xi32>
    %and3A_546 = arith.andi %ge3A_542, %lt3A_545 : vector<1152x1xi1>
    %ge3A_547 = arith.constant 0 : i32
    %ge3A_548 = vector.broadcast %ge3A_547 : i32 to vector<1152x1xi32>
    %ge3A_549 = arith.cmpi sge, %add3A_539, %ge3A_548 : vector<1152x1xi32>
    %and3A_550 = arith.andi %and3A_546, %ge3A_549 : vector<1152x1xi1>
    %lt3A_551 = arith.constant 48 : i32
    %lt3A_552 = vector.broadcast %lt3A_551 : i32 to vector<1152x1xi32>
    %lt3A_553 = arith.cmpi slt, %add3A_539, %lt3A_552 : vector<1152x1xi32>
    %and3A_554 = arith.andi %and3A_550, %lt3A_553 : vector<1152x1xi1>
    %jit3A_555 = arith.constant 0.000000e+00 : f32
    %broadcast_in_dim3A_556 = vector.shape_cast %and3A_554 : vector<1152x1xi1> to vector<1152x1xi1>
    %broadcast_in_dim3A_557 = vector.broadcast %broadcast_in_dim3A_556 : vector<1152x1xi1> to vector<1152x96xi1>
    %broadcast_in_dim3A_558 = vector.broadcast %jit3A_555 : f32 to vector<1152x96xf32>
    %select_n3A_559 = arith.select %broadcast_in_dim3A_557, %max3A_533, %broadcast_in_dim3A_558 : vector<1152x96xi1>, vector<1152x96xf32>
    %get3A_560 = arith.constant 11 : index
    %get3A_561 = arith.constant 0 : index
    %get3A_562 = arith.constant 0 : index
    %get3A_563 = vector.load %arg2[%get3A_560, %get3A_561, %get3A_562] : memref<27x96x96xf32, #tpu.memory_space<vmem>>, vector<1x96x96xf32>
    %get3A_564 = vector.shape_cast %get3A_563 : vector<1x96x96xf32> to vector<96x96xf32>
    %dot_general3A_565 = arith.constant dense<0.000000e+00> : vector<1152x96xf32>
    %dot_general3A_566 = tpu.matmul %select_n3A_559, %get3A_564, %dot_general3A_565 {dimension_numbers = #tpu.dot_dimension_numbers<[1], [0], [0], [1], [0, 0, 1, 1], [], []>, transpose_lhs_hint = false} : vector<1152x96xf32>, vector<96x96xf32>, vector<1152x96xf32> -> vector<1152x96xf32>
    %add3A_567 = arith.addf %add3A_525, %dot_general3A_566 : vector<1152x96xf32>
    %add3A_568 = arith.constant 3455 : i32
    %add3A_569 = arith.addi %add3A_568, %mul3A_0 : i32
    %get3A_570 = arith.index_cast %add3A_569 : i32 to index
    %get3A_571 = arith.constant 0 : index
    %get3A_572 = vector.load %arg1[%get3A_570, %get3A_571] : memref<16128x96xf32, #tpu.memory_space<vmem>>, vector<1152x96xf32>
    %max3A_573 = arith.constant 0.000000e+00 : f32
    %max3A_574 = vector.broadcast %max3A_573 : f32 to vector<1152x96xf32>
    %max3A_575 = arith.maximumf %get3A_572, %max3A_574 : vector<1152x96xf32>
    %add3A_576 = arith.constant -1 : i32
    %add3A_577 = vector.broadcast %add3A_576 : i32 to vector<1152x1xi32>
    %add3A_578 = arith.addi %select_n3A_16, %add3A_577 : vector<1152x1xi32>
    %add3A_579 = arith.constant 0 : i32
    %add3A_580 = vector.broadcast %add3A_579 : i32 to vector<1152x1xi32>
    %add3A_581 = arith.addi %select_n3A_66, %add3A_580 : vector<1152x1xi32>
    %ge3A_582 = arith.constant 0 : i32
    %ge3A_583 = vector.broadcast %ge3A_582 : i32 to vector<1152x1xi32>
    %ge3A_584 = arith.cmpi sge, %add3A_578, %ge3A_583 : vector<1152x1xi32>
    %lt3A_585 = arith.constant 48 : i32
    %lt3A_586 = vector.broadcast %lt3A_585 : i32 to vector<1152x1xi32>
    %lt3A_587 = arith.cmpi slt, %add3A_578, %lt3A_586 : vector<1152x1xi32>
    %and3A_588 = arith.andi %ge3A_584, %lt3A_587 : vector<1152x1xi1>
    %ge3A_589 = arith.constant 0 : i32
    %ge3A_590 = vector.broadcast %ge3A_589 : i32 to vector<1152x1xi32>
    %ge3A_591 = arith.cmpi sge, %add3A_581, %ge3A_590 : vector<1152x1xi32>
    %and3A_592 = arith.andi %and3A_588, %ge3A_591 : vector<1152x1xi1>
    %lt3A_593 = arith.constant 48 : i32
    %lt3A_594 = vector.broadcast %lt3A_593 : i32 to vector<1152x1xi32>
    %lt3A_595 = arith.cmpi slt, %add3A_581, %lt3A_594 : vector<1152x1xi32>
    %and3A_596 = arith.andi %and3A_592, %lt3A_595 : vector<1152x1xi1>
    %jit3A_597 = arith.constant 0.000000e+00 : f32
    %broadcast_in_dim3A_598 = vector.shape_cast %and3A_596 : vector<1152x1xi1> to vector<1152x1xi1>
    %broadcast_in_dim3A_599 = vector.broadcast %broadcast_in_dim3A_598 : vector<1152x1xi1> to vector<1152x96xi1>
    %broadcast_in_dim3A_600 = vector.broadcast %jit3A_597 : f32 to vector<1152x96xf32>
    %select_n3A_601 = arith.select %broadcast_in_dim3A_599, %max3A_575, %broadcast_in_dim3A_600 : vector<1152x96xi1>, vector<1152x96xf32>
    %get3A_602 = arith.constant 12 : index
    %get3A_603 = arith.constant 0 : index
    %get3A_604 = arith.constant 0 : index
    %get3A_605 = vector.load %arg2[%get3A_602, %get3A_603, %get3A_604] : memref<27x96x96xf32, #tpu.memory_space<vmem>>, vector<1x96x96xf32>
    %get3A_606 = vector.shape_cast %get3A_605 : vector<1x96x96xf32> to vector<96x96xf32>
    %dot_general3A_607 = arith.constant dense<0.000000e+00> : vector<1152x96xf32>
    %dot_general3A_608 = tpu.matmul %select_n3A_601, %get3A_606, %dot_general3A_607 {dimension_numbers = #tpu.dot_dimension_numbers<[1], [0], [0], [1], [0, 0, 1, 1], [], []>, transpose_lhs_hint = false} : vector<1152x96xf32>, vector<96x96xf32>, vector<1152x96xf32> -> vector<1152x96xf32>
    %add3A_609 = arith.addf %add3A_567, %dot_general3A_608 : vector<1152x96xf32>
    %add3A_610 = arith.constant 3456 : i32
    %add3A_611 = arith.addi %add3A_610, %mul3A_0 : i32
    %get3A_612 = arith.index_cast %add3A_611 : i32 to index
    %get3A_613 = arith.constant 0 : index
    %get3A_614 = vector.load %arg1[%get3A_612, %get3A_613] : memref<16128x96xf32, #tpu.memory_space<vmem>>, vector<1152x96xf32>
    %max3A_615 = arith.constant 0.000000e+00 : f32
    %max3A_616 = vector.broadcast %max3A_615 : f32 to vector<1152x96xf32>
    %max3A_617 = arith.maximumf %get3A_614, %max3A_616 : vector<1152x96xf32>
    %add3A_618 = arith.constant 0 : i32
    %add3A_619 = vector.broadcast %add3A_618 : i32 to vector<1152x1xi32>
    %add3A_620 = arith.addi %select_n3A_16, %add3A_619 : vector<1152x1xi32>
    %add3A_621 = arith.constant 0 : i32
    %add3A_622 = vector.broadcast %add3A_621 : i32 to vector<1152x1xi32>
    %add3A_623 = arith.addi %select_n3A_66, %add3A_622 : vector<1152x1xi32>
    %ge3A_624 = arith.constant 0 : i32
    %ge3A_625 = vector.broadcast %ge3A_624 : i32 to vector<1152x1xi32>
    %ge3A_626 = arith.cmpi sge, %add3A_620, %ge3A_625 : vector<1152x1xi32>
    %lt3A_627 = arith.constant 48 : i32
    %lt3A_628 = vector.broadcast %lt3A_627 : i32 to vector<1152x1xi32>
    %lt3A_629 = arith.cmpi slt, %add3A_620, %lt3A_628 : vector<1152x1xi32>
    %and3A_630 = arith.andi %ge3A_626, %lt3A_629 : vector<1152x1xi1>
    %ge3A_631 = arith.constant 0 : i32
    %ge3A_632 = vector.broadcast %ge3A_631 : i32 to vector<1152x1xi32>
    %ge3A_633 = arith.cmpi sge, %add3A_623, %ge3A_632 : vector<1152x1xi32>
    %and3A_634 = arith.andi %and3A_630, %ge3A_633 : vector<1152x1xi1>
    %lt3A_635 = arith.constant 48 : i32
    %lt3A_636 = vector.broadcast %lt3A_635 : i32 to vector<1152x1xi32>
    %lt3A_637 = arith.cmpi slt, %add3A_623, %lt3A_636 : vector<1152x1xi32>
    %and3A_638 = arith.andi %and3A_634, %lt3A_637 : vector<1152x1xi1>
    %jit3A_639 = arith.constant 0.000000e+00 : f32
    %broadcast_in_dim3A_640 = vector.shape_cast %and3A_638 : vector<1152x1xi1> to vector<1152x1xi1>
    %broadcast_in_dim3A_641 = vector.broadcast %broadcast_in_dim3A_640 : vector<1152x1xi1> to vector<1152x96xi1>
    %broadcast_in_dim3A_642 = vector.broadcast %jit3A_639 : f32 to vector<1152x96xf32>
    %select_n3A_643 = arith.select %broadcast_in_dim3A_641, %max3A_617, %broadcast_in_dim3A_642 : vector<1152x96xi1>, vector<1152x96xf32>
    %get3A_644 = arith.constant 13 : index
    %get3A_645 = arith.constant 0 : index
    %get3A_646 = arith.constant 0 : index
    %get3A_647 = vector.load %arg2[%get3A_644, %get3A_645, %get3A_646] : memref<27x96x96xf32, #tpu.memory_space<vmem>>, vector<1x96x96xf32>
    %get3A_648 = vector.shape_cast %get3A_647 : vector<1x96x96xf32> to vector<96x96xf32>
    %dot_general3A_649 = arith.constant dense<0.000000e+00> : vector<1152x96xf32>
    %dot_general3A_650 = tpu.matmul %select_n3A_643, %get3A_648, %dot_general3A_649 {dimension_numbers = #tpu.dot_dimension_numbers<[1], [0], [0], [1], [0, 0, 1, 1], [], []>, transpose_lhs_hint = false} : vector<1152x96xf32>, vector<96x96xf32>, vector<1152x96xf32> -> vector<1152x96xf32>
    %add3A_651 = arith.addf %add3A_609, %dot_general3A_650 : vector<1152x96xf32>
    %add3A_652 = arith.constant 3457 : i32
    %add3A_653 = arith.addi %add3A_652, %mul3A_0 : i32
    %get3A_654 = arith.index_cast %add3A_653 : i32 to index
    %get3A_655 = arith.constant 0 : index
    %get3A_656 = vector.load %arg1[%get3A_654, %get3A_655] : memref<16128x96xf32, #tpu.memory_space<vmem>>, vector<1152x96xf32>
    %max3A_657 = arith.constant 0.000000e+00 : f32
    %max3A_658 = vector.broadcast %max3A_657 : f32 to vector<1152x96xf32>
    %max3A_659 = arith.maximumf %get3A_656, %max3A_658 : vector<1152x96xf32>
    %add3A_660 = arith.constant 1 : i32
    %add3A_661 = vector.broadcast %add3A_660 : i32 to vector<1152x1xi32>
    %add3A_662 = arith.addi %select_n3A_16, %add3A_661 : vector<1152x1xi32>
    %add3A_663 = arith.constant 0 : i32
    %add3A_664 = vector.broadcast %add3A_663 : i32 to vector<1152x1xi32>
    %add3A_665 = arith.addi %select_n3A_66, %add3A_664 : vector<1152x1xi32>
    %ge3A_666 = arith.constant 0 : i32
    %ge3A_667 = vector.broadcast %ge3A_666 : i32 to vector<1152x1xi32>
    %ge3A_668 = arith.cmpi sge, %add3A_662, %ge3A_667 : vector<1152x1xi32>
    %lt3A_669 = arith.constant 48 : i32
    %lt3A_670 = vector.broadcast %lt3A_669 : i32 to vector<1152x1xi32>
    %lt3A_671 = arith.cmpi slt, %add3A_662, %lt3A_670 : vector<1152x1xi32>
    %and3A_672 = arith.andi %ge3A_668, %lt3A_671 : vector<1152x1xi1>
    %ge3A_673 = arith.constant 0 : i32
    %ge3A_674 = vector.broadcast %ge3A_673 : i32 to vector<1152x1xi32>
    %ge3A_675 = arith.cmpi sge, %add3A_665, %ge3A_674 : vector<1152x1xi32>
    %and3A_676 = arith.andi %and3A_672, %ge3A_675 : vector<1152x1xi1>
    %lt3A_677 = arith.constant 48 : i32
    %lt3A_678 = vector.broadcast %lt3A_677 : i32 to vector<1152x1xi32>
    %lt3A_679 = arith.cmpi slt, %add3A_665, %lt3A_678 : vector<1152x1xi32>
    %and3A_680 = arith.andi %and3A_676, %lt3A_679 : vector<1152x1xi1>
    %jit3A_681 = arith.constant 0.000000e+00 : f32
    %broadcast_in_dim3A_682 = vector.shape_cast %and3A_680 : vector<1152x1xi1> to vector<1152x1xi1>
    %broadcast_in_dim3A_683 = vector.broadcast %broadcast_in_dim3A_682 : vector<1152x1xi1> to vector<1152x96xi1>
    %broadcast_in_dim3A_684 = vector.broadcast %jit3A_681 : f32 to vector<1152x96xf32>
    %select_n3A_685 = arith.select %broadcast_in_dim3A_683, %max3A_659, %broadcast_in_dim3A_684 : vector<1152x96xi1>, vector<1152x96xf32>
    %get3A_686 = arith.constant 14 : index
    %get3A_687 = arith.constant 0 : index
    %get3A_688 = arith.constant 0 : index
    %get3A_689 = vector.load %arg2[%get3A_686, %get3A_687, %get3A_688] : memref<27x96x96xf32, #tpu.memory_space<vmem>>, vector<1x96x96xf32>
    %get3A_690 = vector.shape_cast %get3A_689 : vector<1x96x96xf32> to vector<96x96xf32>
    %dot_general3A_691 = arith.constant dense<0.000000e+00> : vector<1152x96xf32>
    %dot_general3A_692 = tpu.matmul %select_n3A_685, %get3A_690, %dot_general3A_691 {dimension_numbers = #tpu.dot_dimension_numbers<[1], [0], [0], [1], [0, 0, 1, 1], [], []>, transpose_lhs_hint = false} : vector<1152x96xf32>, vector<96x96xf32>, vector<1152x96xf32> -> vector<1152x96xf32>
    %add3A_693 = arith.addf %add3A_651, %dot_general3A_692 : vector<1152x96xf32>
    %add3A_694 = arith.constant 3503 : i32
    %add3A_695 = arith.addi %add3A_694, %mul3A_0 : i32
    %get3A_696 = arith.index_cast %add3A_695 : i32 to index
    %get3A_697 = arith.constant 0 : index
    %get3A_698 = vector.load %arg1[%get3A_696, %get3A_697] : memref<16128x96xf32, #tpu.memory_space<vmem>>, vector<1152x96xf32>
    %max3A_699 = arith.constant 0.000000e+00 : f32
    %max3A_700 = vector.broadcast %max3A_699 : f32 to vector<1152x96xf32>
    %max3A_701 = arith.maximumf %get3A_698, %max3A_700 : vector<1152x96xf32>
    %add3A_702 = arith.constant -1 : i32
    %add3A_703 = vector.broadcast %add3A_702 : i32 to vector<1152x1xi32>
    %add3A_704 = arith.addi %select_n3A_16, %add3A_703 : vector<1152x1xi32>
    %add3A_705 = arith.constant 1 : i32
    %add3A_706 = vector.broadcast %add3A_705 : i32 to vector<1152x1xi32>
    %add3A_707 = arith.addi %select_n3A_66, %add3A_706 : vector<1152x1xi32>
    %ge3A_708 = arith.constant 0 : i32
    %ge3A_709 = vector.broadcast %ge3A_708 : i32 to vector<1152x1xi32>
    %ge3A_710 = arith.cmpi sge, %add3A_704, %ge3A_709 : vector<1152x1xi32>
    %lt3A_711 = arith.constant 48 : i32
    %lt3A_712 = vector.broadcast %lt3A_711 : i32 to vector<1152x1xi32>
    %lt3A_713 = arith.cmpi slt, %add3A_704, %lt3A_712 : vector<1152x1xi32>
    %and3A_714 = arith.andi %ge3A_710, %lt3A_713 : vector<1152x1xi1>
    %ge3A_715 = arith.constant 0 : i32
    %ge3A_716 = vector.broadcast %ge3A_715 : i32 to vector<1152x1xi32>
    %ge3A_717 = arith.cmpi sge, %add3A_707, %ge3A_716 : vector<1152x1xi32>
    %and3A_718 = arith.andi %and3A_714, %ge3A_717 : vector<1152x1xi1>
    %lt3A_719 = arith.constant 48 : i32
    %lt3A_720 = vector.broadcast %lt3A_719 : i32 to vector<1152x1xi32>
    %lt3A_721 = arith.cmpi slt, %add3A_707, %lt3A_720 : vector<1152x1xi32>
    %and3A_722 = arith.andi %and3A_718, %lt3A_721 : vector<1152x1xi1>
    %jit3A_723 = arith.constant 0.000000e+00 : f32
    %broadcast_in_dim3A_724 = vector.shape_cast %and3A_722 : vector<1152x1xi1> to vector<1152x1xi1>
    %broadcast_in_dim3A_725 = vector.broadcast %broadcast_in_dim3A_724 : vector<1152x1xi1> to vector<1152x96xi1>
    %broadcast_in_dim3A_726 = vector.broadcast %jit3A_723 : f32 to vector<1152x96xf32>
    %select_n3A_727 = arith.select %broadcast_in_dim3A_725, %max3A_701, %broadcast_in_dim3A_726 : vector<1152x96xi1>, vector<1152x96xf32>
    %get3A_728 = arith.constant 15 : index
    %get3A_729 = arith.constant 0 : index
    %get3A_730 = arith.constant 0 : index
    %get3A_731 = vector.load %arg2[%get3A_728, %get3A_729, %get3A_730] : memref<27x96x96xf32, #tpu.memory_space<vmem>>, vector<1x96x96xf32>
    %get3A_732 = vector.shape_cast %get3A_731 : vector<1x96x96xf32> to vector<96x96xf32>
    %dot_general3A_733 = arith.constant dense<0.000000e+00> : vector<1152x96xf32>
    %dot_general3A_734 = tpu.matmul %select_n3A_727, %get3A_732, %dot_general3A_733 {dimension_numbers = #tpu.dot_dimension_numbers<[1], [0], [0], [1], [0, 0, 1, 1], [], []>, transpose_lhs_hint = false} : vector<1152x96xf32>, vector<96x96xf32>, vector<1152x96xf32> -> vector<1152x96xf32>
    %add3A_735 = arith.addf %add3A_693, %dot_general3A_734 : vector<1152x96xf32>
    %add3A_736 = arith.constant 3504 : i32
    %add3A_737 = arith.addi %add3A_736, %mul3A_0 : i32
    %get3A_738 = arith.index_cast %add3A_737 : i32 to index
    %get3A_739 = arith.constant 0 : index
    %get3A_740 = vector.load %arg1[%get3A_738, %get3A_739] : memref<16128x96xf32, #tpu.memory_space<vmem>>, vector<1152x96xf32>
    %max3A_741 = arith.constant 0.000000e+00 : f32
    %max3A_742 = vector.broadcast %max3A_741 : f32 to vector<1152x96xf32>
    %max3A_743 = arith.maximumf %get3A_740, %max3A_742 : vector<1152x96xf32>
    %add3A_744 = arith.constant 0 : i32
    %add3A_745 = vector.broadcast %add3A_744 : i32 to vector<1152x1xi32>
    %add3A_746 = arith.addi %select_n3A_16, %add3A_745 : vector<1152x1xi32>
    %add3A_747 = arith.constant 1 : i32
    %add3A_748 = vector.broadcast %add3A_747 : i32 to vector<1152x1xi32>
    %add3A_749 = arith.addi %select_n3A_66, %add3A_748 : vector<1152x1xi32>
    %ge3A_750 = arith.constant 0 : i32
    %ge3A_751 = vector.broadcast %ge3A_750 : i32 to vector<1152x1xi32>
    %ge3A_752 = arith.cmpi sge, %add3A_746, %ge3A_751 : vector<1152x1xi32>
    %lt3A_753 = arith.constant 48 : i32
    %lt3A_754 = vector.broadcast %lt3A_753 : i32 to vector<1152x1xi32>
    %lt3A_755 = arith.cmpi slt, %add3A_746, %lt3A_754 : vector<1152x1xi32>
    %and3A_756 = arith.andi %ge3A_752, %lt3A_755 : vector<1152x1xi1>
    %ge3A_757 = arith.constant 0 : i32
    %ge3A_758 = vector.broadcast %ge3A_757 : i32 to vector<1152x1xi32>
    %ge3A_759 = arith.cmpi sge, %add3A_749, %ge3A_758 : vector<1152x1xi32>
    %and3A_760 = arith.andi %and3A_756, %ge3A_759 : vector<1152x1xi1>
    %lt3A_761 = arith.constant 48 : i32
    %lt3A_762 = vector.broadcast %lt3A_761 : i32 to vector<1152x1xi32>
    %lt3A_763 = arith.cmpi slt, %add3A_749, %lt3A_762 : vector<1152x1xi32>
    %and3A_764 = arith.andi %and3A_760, %lt3A_763 : vector<1152x1xi1>
    %jit3A_765 = arith.constant 0.000000e+00 : f32
    %broadcast_in_dim3A_766 = vector.shape_cast %and3A_764 : vector<1152x1xi1> to vector<1152x1xi1>
    %broadcast_in_dim3A_767 = vector.broadcast %broadcast_in_dim3A_766 : vector<1152x1xi1> to vector<1152x96xi1>
    %broadcast_in_dim3A_768 = vector.broadcast %jit3A_765 : f32 to vector<1152x96xf32>
    %select_n3A_769 = arith.select %broadcast_in_dim3A_767, %max3A_743, %broadcast_in_dim3A_768 : vector<1152x96xi1>, vector<1152x96xf32>
    %get3A_770 = arith.constant 16 : index
    %get3A_771 = arith.constant 0 : index
    %get3A_772 = arith.constant 0 : index
    %get3A_773 = vector.load %arg2[%get3A_770, %get3A_771, %get3A_772] : memref<27x96x96xf32, #tpu.memory_space<vmem>>, vector<1x96x96xf32>
    %get3A_774 = vector.shape_cast %get3A_773 : vector<1x96x96xf32> to vector<96x96xf32>
    %dot_general3A_775 = arith.constant dense<0.000000e+00> : vector<1152x96xf32>
    %dot_general3A_776 = tpu.matmul %select_n3A_769, %get3A_774, %dot_general3A_775 {dimension_numbers = #tpu.dot_dimension_numbers<[1], [0], [0], [1], [0, 0, 1, 1], [], []>, transpose_lhs_hint = false} : vector<1152x96xf32>, vector<96x96xf32>, vector<1152x96xf32> -> vector<1152x96xf32>
    %add3A_777 = arith.addf %add3A_735, %dot_general3A_776 : vector<1152x96xf32>
    %add3A_778 = arith.constant 3505 : i32
    %add3A_779 = arith.addi %add3A_778, %mul3A_0 : i32
    %get3A_780 = arith.index_cast %add3A_779 : i32 to index
    %get3A_781 = arith.constant 0 : index
    %get3A_782 = vector.load %arg1[%get3A_780, %get3A_781] : memref<16128x96xf32, #tpu.memory_space<vmem>>, vector<1152x96xf32>
    %max3A_783 = arith.constant 0.000000e+00 : f32
    %max3A_784 = vector.broadcast %max3A_783 : f32 to vector<1152x96xf32>
    %max3A_785 = arith.maximumf %get3A_782, %max3A_784 : vector<1152x96xf32>
    %add3A_786 = arith.constant 1 : i32
    %add3A_787 = vector.broadcast %add3A_786 : i32 to vector<1152x1xi32>
    %add3A_788 = arith.addi %select_n3A_16, %add3A_787 : vector<1152x1xi32>
    %add3A_789 = arith.constant 1 : i32
    %add3A_790 = vector.broadcast %add3A_789 : i32 to vector<1152x1xi32>
    %add3A_791 = arith.addi %select_n3A_66, %add3A_790 : vector<1152x1xi32>
    %ge3A_792 = arith.constant 0 : i32
    %ge3A_793 = vector.broadcast %ge3A_792 : i32 to vector<1152x1xi32>
    %ge3A_794 = arith.cmpi sge, %add3A_788, %ge3A_793 : vector<1152x1xi32>
    %lt3A_795 = arith.constant 48 : i32
    %lt3A_796 = vector.broadcast %lt3A_795 : i32 to vector<1152x1xi32>
    %lt3A_797 = arith.cmpi slt, %add3A_788, %lt3A_796 : vector<1152x1xi32>
    %and3A_798 = arith.andi %ge3A_794, %lt3A_797 : vector<1152x1xi1>
    %ge3A_799 = arith.constant 0 : i32
    %ge3A_800 = vector.broadcast %ge3A_799 : i32 to vector<1152x1xi32>
    %ge3A_801 = arith.cmpi sge, %add3A_791, %ge3A_800 : vector<1152x1xi32>
    %and3A_802 = arith.andi %and3A_798, %ge3A_801 : vector<1152x1xi1>
    %lt3A_803 = arith.constant 48 : i32
    %lt3A_804 = vector.broadcast %lt3A_803 : i32 to vector<1152x1xi32>
    %lt3A_805 = arith.cmpi slt, %add3A_791, %lt3A_804 : vector<1152x1xi32>
    %and3A_806 = arith.andi %and3A_802, %lt3A_805 : vector<1152x1xi1>
    %jit3A_807 = arith.constant 0.000000e+00 : f32
    %broadcast_in_dim3A_808 = vector.shape_cast %and3A_806 : vector<1152x1xi1> to vector<1152x1xi1>
    %broadcast_in_dim3A_809 = vector.broadcast %broadcast_in_dim3A_808 : vector<1152x1xi1> to vector<1152x96xi1>
    %broadcast_in_dim3A_810 = vector.broadcast %jit3A_807 : f32 to vector<1152x96xf32>
    %select_n3A_811 = arith.select %broadcast_in_dim3A_809, %max3A_785, %broadcast_in_dim3A_810 : vector<1152x96xi1>, vector<1152x96xf32>
    %get3A_812 = arith.constant 17 : index
    %get3A_813 = arith.constant 0 : index
    %get3A_814 = arith.constant 0 : index
    %get3A_815 = vector.load %arg2[%get3A_812, %get3A_813, %get3A_814] : memref<27x96x96xf32, #tpu.memory_space<vmem>>, vector<1x96x96xf32>
    %get3A_816 = vector.shape_cast %get3A_815 : vector<1x96x96xf32> to vector<96x96xf32>
    %dot_general3A_817 = arith.constant dense<0.000000e+00> : vector<1152x96xf32>
    %dot_general3A_818 = tpu.matmul %select_n3A_811, %get3A_816, %dot_general3A_817 {dimension_numbers = #tpu.dot_dimension_numbers<[1], [0], [0], [1], [0, 0, 1, 1], [], []>, transpose_lhs_hint = false} : vector<1152x96xf32>, vector<96x96xf32>, vector<1152x96xf32> -> vector<1152x96xf32>
    %add3A_819 = arith.addf %add3A_777, %dot_general3A_818 : vector<1152x96xf32>
    %add3A_820 = arith.constant 5711 : i32
    %add3A_821 = arith.addi %add3A_820, %mul3A_0 : i32
    %get3A_822 = arith.index_cast %add3A_821 : i32 to index
    %get3A_823 = arith.constant 0 : index
    %get3A_824 = vector.load %arg1[%get3A_822, %get3A_823] : memref<16128x96xf32, #tpu.memory_space<vmem>>, vector<1152x96xf32>
    %max3A_825 = arith.constant 0.000000e+00 : f32
    %max3A_826 = vector.broadcast %max3A_825 : f32 to vector<1152x96xf32>
    %max3A_827 = arith.maximumf %get3A_824, %max3A_826 : vector<1152x96xf32>
    %add3A_828 = arith.constant -1 : i32
    %add3A_829 = vector.broadcast %add3A_828 : i32 to vector<1152x1xi32>
    %add3A_830 = arith.addi %select_n3A_16, %add3A_829 : vector<1152x1xi32>
    %add3A_831 = arith.constant -1 : i32
    %add3A_832 = vector.broadcast %add3A_831 : i32 to vector<1152x1xi32>
    %add3A_833 = arith.addi %select_n3A_66, %add3A_832 : vector<1152x1xi32>
    %ge3A_834 = arith.constant 0 : i32
    %ge3A_835 = vector.broadcast %ge3A_834 : i32 to vector<1152x1xi32>
    %ge3A_836 = arith.cmpi sge, %add3A_830, %ge3A_835 : vector<1152x1xi32>
    %lt3A_837 = arith.constant 48 : i32
    %lt3A_838 = vector.broadcast %lt3A_837 : i32 to vector<1152x1xi32>
    %lt3A_839 = arith.cmpi slt, %add3A_830, %lt3A_838 : vector<1152x1xi32>
    %and3A_840 = arith.andi %ge3A_836, %lt3A_839 : vector<1152x1xi1>
    %ge3A_841 = arith.constant 0 : i32
    %ge3A_842 = vector.broadcast %ge3A_841 : i32 to vector<1152x1xi32>
    %ge3A_843 = arith.cmpi sge, %add3A_833, %ge3A_842 : vector<1152x1xi32>
    %and3A_844 = arith.andi %and3A_840, %ge3A_843 : vector<1152x1xi1>
    %lt3A_845 = arith.constant 48 : i32
    %lt3A_846 = vector.broadcast %lt3A_845 : i32 to vector<1152x1xi32>
    %lt3A_847 = arith.cmpi slt, %add3A_833, %lt3A_846 : vector<1152x1xi32>
    %and3A_848 = arith.andi %and3A_844, %lt3A_847 : vector<1152x1xi1>
    %jit3A_849 = arith.constant 0.000000e+00 : f32
    %broadcast_in_dim3A_850 = vector.shape_cast %and3A_848 : vector<1152x1xi1> to vector<1152x1xi1>
    %broadcast_in_dim3A_851 = vector.broadcast %broadcast_in_dim3A_850 : vector<1152x1xi1> to vector<1152x96xi1>
    %broadcast_in_dim3A_852 = vector.broadcast %jit3A_849 : f32 to vector<1152x96xf32>
    %select_n3A_853 = arith.select %broadcast_in_dim3A_851, %max3A_827, %broadcast_in_dim3A_852 : vector<1152x96xi1>, vector<1152x96xf32>
    %get3A_854 = arith.constant 18 : index
    %get3A_855 = arith.constant 0 : index
    %get3A_856 = arith.constant 0 : index
    %get3A_857 = vector.load %arg2[%get3A_854, %get3A_855, %get3A_856] : memref<27x96x96xf32, #tpu.memory_space<vmem>>, vector<1x96x96xf32>
    %get3A_858 = vector.shape_cast %get3A_857 : vector<1x96x96xf32> to vector<96x96xf32>
    %dot_general3A_859 = arith.constant dense<0.000000e+00> : vector<1152x96xf32>
    %dot_general3A_860 = tpu.matmul %select_n3A_853, %get3A_858, %dot_general3A_859 {dimension_numbers = #tpu.dot_dimension_numbers<[1], [0], [0], [1], [0, 0, 1, 1], [], []>, transpose_lhs_hint = false} : vector<1152x96xf32>, vector<96x96xf32>, vector<1152x96xf32> -> vector<1152x96xf32>
    %add3A_861 = arith.addf %add3A_819, %dot_general3A_860 : vector<1152x96xf32>
    %add3A_862 = arith.constant 5712 : i32
    %add3A_863 = arith.addi %add3A_862, %mul3A_0 : i32
    %get3A_864 = arith.index_cast %add3A_863 : i32 to index
    %get3A_865 = arith.constant 0 : index
    %get3A_866 = vector.load %arg1[%get3A_864, %get3A_865] : memref<16128x96xf32, #tpu.memory_space<vmem>>, vector<1152x96xf32>
    %max3A_867 = arith.constant 0.000000e+00 : f32
    %max3A_868 = vector.broadcast %max3A_867 : f32 to vector<1152x96xf32>
    %max3A_869 = arith.maximumf %get3A_866, %max3A_868 : vector<1152x96xf32>
    %add3A_870 = arith.constant 0 : i32
    %add3A_871 = vector.broadcast %add3A_870 : i32 to vector<1152x1xi32>
    %add3A_872 = arith.addi %select_n3A_16, %add3A_871 : vector<1152x1xi32>
    %add3A_873 = arith.constant -1 : i32
    %add3A_874 = vector.broadcast %add3A_873 : i32 to vector<1152x1xi32>
    %add3A_875 = arith.addi %select_n3A_66, %add3A_874 : vector<1152x1xi32>
    %ge3A_876 = arith.constant 0 : i32
    %ge3A_877 = vector.broadcast %ge3A_876 : i32 to vector<1152x1xi32>
    %ge3A_878 = arith.cmpi sge, %add3A_872, %ge3A_877 : vector<1152x1xi32>
    %lt3A_879 = arith.constant 48 : i32
    %lt3A_880 = vector.broadcast %lt3A_879 : i32 to vector<1152x1xi32>
    %lt3A_881 = arith.cmpi slt, %add3A_872, %lt3A_880 : vector<1152x1xi32>
    %and3A_882 = arith.andi %ge3A_878, %lt3A_881 : vector<1152x1xi1>
    %ge3A_883 = arith.constant 0 : i32
    %ge3A_884 = vector.broadcast %ge3A_883 : i32 to vector<1152x1xi32>
    %ge3A_885 = arith.cmpi sge, %add3A_875, %ge3A_884 : vector<1152x1xi32>
    %and3A_886 = arith.andi %and3A_882, %ge3A_885 : vector<1152x1xi1>
    %lt3A_887 = arith.constant 48 : i32
    %lt3A_888 = vector.broadcast %lt3A_887 : i32 to vector<1152x1xi32>
    %lt3A_889 = arith.cmpi slt, %add3A_875, %lt3A_888 : vector<1152x1xi32>
    %and3A_890 = arith.andi %and3A_886, %lt3A_889 : vector<1152x1xi1>
    %jit3A_891 = arith.constant 0.000000e+00 : f32
    %broadcast_in_dim3A_892 = vector.shape_cast %and3A_890 : vector<1152x1xi1> to vector<1152x1xi1>
    %broadcast_in_dim3A_893 = vector.broadcast %broadcast_in_dim3A_892 : vector<1152x1xi1> to vector<1152x96xi1>
    %broadcast_in_dim3A_894 = vector.broadcast %jit3A_891 : f32 to vector<1152x96xf32>
    %select_n3A_895 = arith.select %broadcast_in_dim3A_893, %max3A_869, %broadcast_in_dim3A_894 : vector<1152x96xi1>, vector<1152x96xf32>
    %get3A_896 = arith.constant 19 : index
    %get3A_897 = arith.constant 0 : index
    %get3A_898 = arith.constant 0 : index
    %get3A_899 = vector.load %arg2[%get3A_896, %get3A_897, %get3A_898] : memref<27x96x96xf32, #tpu.memory_space<vmem>>, vector<1x96x96xf32>
    %get3A_900 = vector.shape_cast %get3A_899 : vector<1x96x96xf32> to vector<96x96xf32>
    %dot_general3A_901 = arith.constant dense<0.000000e+00> : vector<1152x96xf32>
    %dot_general3A_902 = tpu.matmul %select_n3A_895, %get3A_900, %dot_general3A_901 {dimension_numbers = #tpu.dot_dimension_numbers<[1], [0], [0], [1], [0, 0, 1, 1], [], []>, transpose_lhs_hint = false} : vector<1152x96xf32>, vector<96x96xf32>, vector<1152x96xf32> -> vector<1152x96xf32>
    %add3A_903 = arith.addf %add3A_861, %dot_general3A_902 : vector<1152x96xf32>
    %add3A_904 = arith.constant 5713 : i32
    %add3A_905 = arith.addi %add3A_904, %mul3A_0 : i32
    %get3A_906 = arith.index_cast %add3A_905 : i32 to index
    %get3A_907 = arith.constant 0 : index
    %get3A_908 = vector.load %arg1[%get3A_906, %get3A_907] : memref<16128x96xf32, #tpu.memory_space<vmem>>, vector<1152x96xf32>
    %max3A_909 = arith.constant 0.000000e+00 : f32
    %max3A_910 = vector.broadcast %max3A_909 : f32 to vector<1152x96xf32>
    %max3A_911 = arith.maximumf %get3A_908, %max3A_910 : vector<1152x96xf32>
    %add3A_912 = arith.constant 1 : i32
    %add3A_913 = vector.broadcast %add3A_912 : i32 to vector<1152x1xi32>
    %add3A_914 = arith.addi %select_n3A_16, %add3A_913 : vector<1152x1xi32>
    %add3A_915 = arith.constant -1 : i32
    %add3A_916 = vector.broadcast %add3A_915 : i32 to vector<1152x1xi32>
    %add3A_917 = arith.addi %select_n3A_66, %add3A_916 : vector<1152x1xi32>
    %ge3A_918 = arith.constant 0 : i32
    %ge3A_919 = vector.broadcast %ge3A_918 : i32 to vector<1152x1xi32>
    %ge3A_920 = arith.cmpi sge, %add3A_914, %ge3A_919 : vector<1152x1xi32>
    %lt3A_921 = arith.constant 48 : i32
    %lt3A_922 = vector.broadcast %lt3A_921 : i32 to vector<1152x1xi32>
    %lt3A_923 = arith.cmpi slt, %add3A_914, %lt3A_922 : vector<1152x1xi32>
    %and3A_924 = arith.andi %ge3A_920, %lt3A_923 : vector<1152x1xi1>
    %ge3A_925 = arith.constant 0 : i32
    %ge3A_926 = vector.broadcast %ge3A_925 : i32 to vector<1152x1xi32>
    %ge3A_927 = arith.cmpi sge, %add3A_917, %ge3A_926 : vector<1152x1xi32>
    %and3A_928 = arith.andi %and3A_924, %ge3A_927 : vector<1152x1xi1>
    %lt3A_929 = arith.constant 48 : i32
    %lt3A_930 = vector.broadcast %lt3A_929 : i32 to vector<1152x1xi32>
    %lt3A_931 = arith.cmpi slt, %add3A_917, %lt3A_930 : vector<1152x1xi32>
    %and3A_932 = arith.andi %and3A_928, %lt3A_931 : vector<1152x1xi1>
    %jit3A_933 = arith.constant 0.000000e+00 : f32
    %broadcast_in_dim3A_934 = vector.shape_cast %and3A_932 : vector<1152x1xi1> to vector<1152x1xi1>
    %broadcast_in_dim3A_935 = vector.broadcast %broadcast_in_dim3A_934 : vector<1152x1xi1> to vector<1152x96xi1>
    %broadcast_in_dim3A_936 = vector.broadcast %jit3A_933 : f32 to vector<1152x96xf32>
    %select_n3A_937 = arith.select %broadcast_in_dim3A_935, %max3A_911, %broadcast_in_dim3A_936 : vector<1152x96xi1>, vector<1152x96xf32>
    %get3A_938 = arith.constant 20 : index
    %get3A_939 = arith.constant 0 : index
    %get3A_940 = arith.constant 0 : index
    %get3A_941 = vector.load %arg2[%get3A_938, %get3A_939, %get3A_940] : memref<27x96x96xf32, #tpu.memory_space<vmem>>, vector<1x96x96xf32>
    %get3A_942 = vector.shape_cast %get3A_941 : vector<1x96x96xf32> to vector<96x96xf32>
    %dot_general3A_943 = arith.constant dense<0.000000e+00> : vector<1152x96xf32>
    %dot_general3A_944 = tpu.matmul %select_n3A_937, %get3A_942, %dot_general3A_943 {dimension_numbers = #tpu.dot_dimension_numbers<[1], [0], [0], [1], [0, 0, 1, 1], [], []>, transpose_lhs_hint = false} : vector<1152x96xf32>, vector<96x96xf32>, vector<1152x96xf32> -> vector<1152x96xf32>
    %add3A_945 = arith.addf %add3A_903, %dot_general3A_944 : vector<1152x96xf32>
    %add3A_946 = arith.constant 5759 : i32
    %add3A_947 = arith.addi %add3A_946, %mul3A_0 : i32
    %get3A_948 = arith.index_cast %add3A_947 : i32 to index
    %get3A_949 = arith.constant 0 : index
    %get3A_950 = vector.load %arg1[%get3A_948, %get3A_949] : memref<16128x96xf32, #tpu.memory_space<vmem>>, vector<1152x96xf32>
    %max3A_951 = arith.constant 0.000000e+00 : f32
    %max3A_952 = vector.broadcast %max3A_951 : f32 to vector<1152x96xf32>
    %max3A_953 = arith.maximumf %get3A_950, %max3A_952 : vector<1152x96xf32>
    %add3A_954 = arith.constant -1 : i32
    %add3A_955 = vector.broadcast %add3A_954 : i32 to vector<1152x1xi32>
    %add3A_956 = arith.addi %select_n3A_16, %add3A_955 : vector<1152x1xi32>
    %add3A_957 = arith.constant 0 : i32
    %add3A_958 = vector.broadcast %add3A_957 : i32 to vector<1152x1xi32>
    %add3A_959 = arith.addi %select_n3A_66, %add3A_958 : vector<1152x1xi32>
    %ge3A_960 = arith.constant 0 : i32
    %ge3A_961 = vector.broadcast %ge3A_960 : i32 to vector<1152x1xi32>
    %ge3A_962 = arith.cmpi sge, %add3A_956, %ge3A_961 : vector<1152x1xi32>
    %lt3A_963 = arith.constant 48 : i32
    %lt3A_964 = vector.broadcast %lt3A_963 : i32 to vector<1152x1xi32>
    %lt3A_965 = arith.cmpi slt, %add3A_956, %lt3A_964 : vector<1152x1xi32>
    %and3A_966 = arith.andi %ge3A_962, %lt3A_965 : vector<1152x1xi1>
    %ge3A_967 = arith.constant 0 : i32
    %ge3A_968 = vector.broadcast %ge3A_967 : i32 to vector<1152x1xi32>
    %ge3A_969 = arith.cmpi sge, %add3A_959, %ge3A_968 : vector<1152x1xi32>
    %and3A_970 = arith.andi %and3A_966, %ge3A_969 : vector<1152x1xi1>
    %lt3A_971 = arith.constant 48 : i32
    %lt3A_972 = vector.broadcast %lt3A_971 : i32 to vector<1152x1xi32>
    %lt3A_973 = arith.cmpi slt, %add3A_959, %lt3A_972 : vector<1152x1xi32>
    %and3A_974 = arith.andi %and3A_970, %lt3A_973 : vector<1152x1xi1>
    %jit3A_975 = arith.constant 0.000000e+00 : f32
    %broadcast_in_dim3A_976 = vector.shape_cast %and3A_974 : vector<1152x1xi1> to vector<1152x1xi1>
    %broadcast_in_dim3A_977 = vector.broadcast %broadcast_in_dim3A_976 : vector<1152x1xi1> to vector<1152x96xi1>
    %broadcast_in_dim3A_978 = vector.broadcast %jit3A_975 : f32 to vector<1152x96xf32>
    %select_n3A_979 = arith.select %broadcast_in_dim3A_977, %max3A_953, %broadcast_in_dim3A_978 : vector<1152x96xi1>, vector<1152x96xf32>
    %get3A_980 = arith.constant 21 : index
    %get3A_981 = arith.constant 0 : index
    %get3A_982 = arith.constant 0 : index
    %get3A_983 = vector.load %arg2[%get3A_980, %get3A_981, %get3A_982] : memref<27x96x96xf32, #tpu.memory_space<vmem>>, vector<1x96x96xf32>
    %get3A_984 = vector.shape_cast %get3A_983 : vector<1x96x96xf32> to vector<96x96xf32>
    %dot_general3A_985 = arith.constant dense<0.000000e+00> : vector<1152x96xf32>
    %dot_general3A_986 = tpu.matmul %select_n3A_979, %get3A_984, %dot_general3A_985 {dimension_numbers = #tpu.dot_dimension_numbers<[1], [0], [0], [1], [0, 0, 1, 1], [], []>, transpose_lhs_hint = false} : vector<1152x96xf32>, vector<96x96xf32>, vector<1152x96xf32> -> vector<1152x96xf32>
    %add3A_987 = arith.addf %add3A_945, %dot_general3A_986 : vector<1152x96xf32>
    %add3A_988 = arith.constant 5760 : i32
    %add3A_989 = arith.addi %add3A_988, %mul3A_0 : i32
    %get3A_990 = arith.index_cast %add3A_989 : i32 to index
    %get3A_991 = arith.constant 0 : index
    %get3A_992 = vector.load %arg1[%get3A_990, %get3A_991] : memref<16128x96xf32, #tpu.memory_space<vmem>>, vector<1152x96xf32>
    %max3A_993 = arith.constant 0.000000e+00 : f32
    %max3A_994 = vector.broadcast %max3A_993 : f32 to vector<1152x96xf32>
    %max3A_995 = arith.maximumf %get3A_992, %max3A_994 : vector<1152x96xf32>
    %add3A_996 = arith.constant 0 : i32
    %add3A_997 = vector.broadcast %add3A_996 : i32 to vector<1152x1xi32>
    %add3A_998 = arith.addi %select_n3A_16, %add3A_997 : vector<1152x1xi32>
    %add3A_999 = arith.constant 0 : i32
    %add3A_1000 = vector.broadcast %add3A_999 : i32 to vector<1152x1xi32>
    %add3A_1001 = arith.addi %select_n3A_66, %add3A_1000 : vector<1152x1xi32>
    %ge3A_1002 = arith.constant 0 : i32
    %ge3A_1003 = vector.broadcast %ge3A_1002 : i32 to vector<1152x1xi32>
    %ge3A_1004 = arith.cmpi sge, %add3A_998, %ge3A_1003 : vector<1152x1xi32>
    %lt3A_1005 = arith.constant 48 : i32
    %lt3A_1006 = vector.broadcast %lt3A_1005 : i32 to vector<1152x1xi32>
    %lt3A_1007 = arith.cmpi slt, %add3A_998, %lt3A_1006 : vector<1152x1xi32>
    %and3A_1008 = arith.andi %ge3A_1004, %lt3A_1007 : vector<1152x1xi1>
    %ge3A_1009 = arith.constant 0 : i32
    %ge3A_1010 = vector.broadcast %ge3A_1009 : i32 to vector<1152x1xi32>
    %ge3A_1011 = arith.cmpi sge, %add3A_1001, %ge3A_1010 : vector<1152x1xi32>
    %and3A_1012 = arith.andi %and3A_1008, %ge3A_1011 : vector<1152x1xi1>
    %lt3A_1013 = arith.constant 48 : i32
    %lt3A_1014 = vector.broadcast %lt3A_1013 : i32 to vector<1152x1xi32>
    %lt3A_1015 = arith.cmpi slt, %add3A_1001, %lt3A_1014 : vector<1152x1xi32>
    %and3A_1016 = arith.andi %and3A_1012, %lt3A_1015 : vector<1152x1xi1>
    %jit3A_1017 = arith.constant 0.000000e+00 : f32
    %broadcast_in_dim3A_1018 = vector.shape_cast %and3A_1016 : vector<1152x1xi1> to vector<1152x1xi1>
    %broadcast_in_dim3A_1019 = vector.broadcast %broadcast_in_dim3A_1018 : vector<1152x1xi1> to vector<1152x96xi1>
    %broadcast_in_dim3A_1020 = vector.broadcast %jit3A_1017 : f32 to vector<1152x96xf32>
    %select_n3A_1021 = arith.select %broadcast_in_dim3A_1019, %max3A_995, %broadcast_in_dim3A_1020 : vector<1152x96xi1>, vector<1152x96xf32>
    %get3A_1022 = arith.constant 22 : index
    %get3A_1023 = arith.constant 0 : index
    %get3A_1024 = arith.constant 0 : index
    %get3A_1025 = vector.load %arg2[%get3A_1022, %get3A_1023, %get3A_1024] : memref<27x96x96xf32, #tpu.memory_space<vmem>>, vector<1x96x96xf32>
    %get3A_1026 = vector.shape_cast %get3A_1025 : vector<1x96x96xf32> to vector<96x96xf32>
    %dot_general3A_1027 = arith.constant dense<0.000000e+00> : vector<1152x96xf32>
    %dot_general3A_1028 = tpu.matmul %select_n3A_1021, %get3A_1026, %dot_general3A_1027 {dimension_numbers = #tpu.dot_dimension_numbers<[1], [0], [0], [1], [0, 0, 1, 1], [], []>, transpose_lhs_hint = false} : vector<1152x96xf32>, vector<96x96xf32>, vector<1152x96xf32> -> vector<1152x96xf32>
    %add3A_1029 = arith.addf %add3A_987, %dot_general3A_1028 : vector<1152x96xf32>
    %add3A_1030 = arith.constant 5761 : i32
    %add3A_1031 = arith.addi %add3A_1030, %mul3A_0 : i32
    %get3A_1032 = arith.index_cast %add3A_1031 : i32 to index
    %get3A_1033 = arith.constant 0 : index
    %get3A_1034 = vector.load %arg1[%get3A_1032, %get3A_1033] : memref<16128x96xf32, #tpu.memory_space<vmem>>, vector<1152x96xf32>
    %max3A_1035 = arith.constant 0.000000e+00 : f32
    %max3A_1036 = vector.broadcast %max3A_1035 : f32 to vector<1152x96xf32>
    %max3A_1037 = arith.maximumf %get3A_1034, %max3A_1036 : vector<1152x96xf32>
    %add3A_1038 = arith.constant 1 : i32
    %add3A_1039 = vector.broadcast %add3A_1038 : i32 to vector<1152x1xi32>
    %add3A_1040 = arith.addi %select_n3A_16, %add3A_1039 : vector<1152x1xi32>
    %add3A_1041 = arith.constant 0 : i32
    %add3A_1042 = vector.broadcast %add3A_1041 : i32 to vector<1152x1xi32>
    %add3A_1043 = arith.addi %select_n3A_66, %add3A_1042 : vector<1152x1xi32>
    %ge3A_1044 = arith.constant 0 : i32
    %ge3A_1045 = vector.broadcast %ge3A_1044 : i32 to vector<1152x1xi32>
    %ge3A_1046 = arith.cmpi sge, %add3A_1040, %ge3A_1045 : vector<1152x1xi32>
    %lt3A_1047 = arith.constant 48 : i32
    %lt3A_1048 = vector.broadcast %lt3A_1047 : i32 to vector<1152x1xi32>
    %lt3A_1049 = arith.cmpi slt, %add3A_1040, %lt3A_1048 : vector<1152x1xi32>
    %and3A_1050 = arith.andi %ge3A_1046, %lt3A_1049 : vector<1152x1xi1>
    %ge3A_1051 = arith.constant 0 : i32
    %ge3A_1052 = vector.broadcast %ge3A_1051 : i32 to vector<1152x1xi32>
    %ge3A_1053 = arith.cmpi sge, %add3A_1043, %ge3A_1052 : vector<1152x1xi32>
    %and3A_1054 = arith.andi %and3A_1050, %ge3A_1053 : vector<1152x1xi1>
    %lt3A_1055 = arith.constant 48 : i32
    %lt3A_1056 = vector.broadcast %lt3A_1055 : i32 to vector<1152x1xi32>
    %lt3A_1057 = arith.cmpi slt, %add3A_1043, %lt3A_1056 : vector<1152x1xi32>
    %and3A_1058 = arith.andi %and3A_1054, %lt3A_1057 : vector<1152x1xi1>
    %jit3A_1059 = arith.constant 0.000000e+00 : f32
    %broadcast_in_dim3A_1060 = vector.shape_cast %and3A_1058 : vector<1152x1xi1> to vector<1152x1xi1>
    %broadcast_in_dim3A_1061 = vector.broadcast %broadcast_in_dim3A_1060 : vector<1152x1xi1> to vector<1152x96xi1>
    %broadcast_in_dim3A_1062 = vector.broadcast %jit3A_1059 : f32 to vector<1152x96xf32>
    %select_n3A_1063 = arith.select %broadcast_in_dim3A_1061, %max3A_1037, %broadcast_in_dim3A_1062 : vector<1152x96xi1>, vector<1152x96xf32>
    %get3A_1064 = arith.constant 23 : index
    %get3A_1065 = arith.constant 0 : index
    %get3A_1066 = arith.constant 0 : index
    %get3A_1067 = vector.load %arg2[%get3A_1064, %get3A_1065, %get3A_1066] : memref<27x96x96xf32, #tpu.memory_space<vmem>>, vector<1x96x96xf32>
    %get3A_1068 = vector.shape_cast %get3A_1067 : vector<1x96x96xf32> to vector<96x96xf32>
    %dot_general3A_1069 = arith.constant dense<0.000000e+00> : vector<1152x96xf32>
    %dot_general3A_1070 = tpu.matmul %select_n3A_1063, %get3A_1068, %dot_general3A_1069 {dimension_numbers = #tpu.dot_dimension_numbers<[1], [0], [0], [1], [0, 0, 1, 1], [], []>, transpose_lhs_hint = false} : vector<1152x96xf32>, vector<96x96xf32>, vector<1152x96xf32> -> vector<1152x96xf32>
    %add3A_1071 = arith.addf %add3A_1029, %dot_general3A_1070 : vector<1152x96xf32>
    %add3A_1072 = arith.constant 5807 : i32
    %add3A_1073 = arith.addi %add3A_1072, %mul3A_0 : i32
    %get3A_1074 = arith.index_cast %add3A_1073 : i32 to index
    %get3A_1075 = arith.constant 0 : index
    %get3A_1076 = vector.load %arg1[%get3A_1074, %get3A_1075] : memref<16128x96xf32, #tpu.memory_space<vmem>>, vector<1152x96xf32>
    %max3A_1077 = arith.constant 0.000000e+00 : f32
    %max3A_1078 = vector.broadcast %max3A_1077 : f32 to vector<1152x96xf32>
    %max3A_1079 = arith.maximumf %get3A_1076, %max3A_1078 : vector<1152x96xf32>
    %add3A_1080 = arith.constant -1 : i32
    %add3A_1081 = vector.broadcast %add3A_1080 : i32 to vector<1152x1xi32>
    %add3A_1082 = arith.addi %select_n3A_16, %add3A_1081 : vector<1152x1xi32>
    %add3A_1083 = arith.constant 1 : i32
    %add3A_1084 = vector.broadcast %add3A_1083 : i32 to vector<1152x1xi32>
    %add3A_1085 = arith.addi %select_n3A_66, %add3A_1084 : vector<1152x1xi32>
    %ge3A_1086 = arith.constant 0 : i32
    %ge3A_1087 = vector.broadcast %ge3A_1086 : i32 to vector<1152x1xi32>
    %ge3A_1088 = arith.cmpi sge, %add3A_1082, %ge3A_1087 : vector<1152x1xi32>
    %lt3A_1089 = arith.constant 48 : i32
    %lt3A_1090 = vector.broadcast %lt3A_1089 : i32 to vector<1152x1xi32>
    %lt3A_1091 = arith.cmpi slt, %add3A_1082, %lt3A_1090 : vector<1152x1xi32>
    %and3A_1092 = arith.andi %ge3A_1088, %lt3A_1091 : vector<1152x1xi1>
    %ge3A_1093 = arith.constant 0 : i32
    %ge3A_1094 = vector.broadcast %ge3A_1093 : i32 to vector<1152x1xi32>
    %ge3A_1095 = arith.cmpi sge, %add3A_1085, %ge3A_1094 : vector<1152x1xi32>
    %and3A_1096 = arith.andi %and3A_1092, %ge3A_1095 : vector<1152x1xi1>
    %lt3A_1097 = arith.constant 48 : i32
    %lt3A_1098 = vector.broadcast %lt3A_1097 : i32 to vector<1152x1xi32>
    %lt3A_1099 = arith.cmpi slt, %add3A_1085, %lt3A_1098 : vector<1152x1xi32>
    %and3A_1100 = arith.andi %and3A_1096, %lt3A_1099 : vector<1152x1xi1>
    %jit3A_1101 = arith.constant 0.000000e+00 : f32
    %broadcast_in_dim3A_1102 = vector.shape_cast %and3A_1100 : vector<1152x1xi1> to vector<1152x1xi1>
    %broadcast_in_dim3A_1103 = vector.broadcast %broadcast_in_dim3A_1102 : vector<1152x1xi1> to vector<1152x96xi1>
    %broadcast_in_dim3A_1104 = vector.broadcast %jit3A_1101 : f32 to vector<1152x96xf32>
    %select_n3A_1105 = arith.select %broadcast_in_dim3A_1103, %max3A_1079, %broadcast_in_dim3A_1104 : vector<1152x96xi1>, vector<1152x96xf32>
    %get3A_1106 = arith.constant 24 : index
    %get3A_1107 = arith.constant 0 : index
    %get3A_1108 = arith.constant 0 : index
    %get3A_1109 = vector.load %arg2[%get3A_1106, %get3A_1107, %get3A_1108] : memref<27x96x96xf32, #tpu.memory_space<vmem>>, vector<1x96x96xf32>
    %get3A_1110 = vector.shape_cast %get3A_1109 : vector<1x96x96xf32> to vector<96x96xf32>
    %dot_general3A_1111 = arith.constant dense<0.000000e+00> : vector<1152x96xf32>
    %dot_general3A_1112 = tpu.matmul %select_n3A_1105, %get3A_1110, %dot_general3A_1111 {dimension_numbers = #tpu.dot_dimension_numbers<[1], [0], [0], [1], [0, 0, 1, 1], [], []>, transpose_lhs_hint = false} : vector<1152x96xf32>, vector<96x96xf32>, vector<1152x96xf32> -> vector<1152x96xf32>
    %add3A_1113 = arith.addf %add3A_1071, %dot_general3A_1112 : vector<1152x96xf32>
    %add3A_1114 = arith.constant 5808 : i32
    %add3A_1115 = arith.addi %add3A_1114, %mul3A_0 : i32
    %get3A_1116 = arith.index_cast %add3A_1115 : i32 to index
    %get3A_1117 = arith.constant 0 : index
    %get3A_1118 = vector.load %arg1[%get3A_1116, %get3A_1117] : memref<16128x96xf32, #tpu.memory_space<vmem>>, vector<1152x96xf32>
    %max3A_1119 = arith.constant 0.000000e+00 : f32
    %max3A_1120 = vector.broadcast %max3A_1119 : f32 to vector<1152x96xf32>
    %max3A_1121 = arith.maximumf %get3A_1118, %max3A_1120 : vector<1152x96xf32>
    %add3A_1122 = arith.constant 0 : i32
    %add3A_1123 = vector.broadcast %add3A_1122 : i32 to vector<1152x1xi32>
    %add3A_1124 = arith.addi %select_n3A_16, %add3A_1123 : vector<1152x1xi32>
    %add3A_1125 = arith.constant 1 : i32
    %add3A_1126 = vector.broadcast %add3A_1125 : i32 to vector<1152x1xi32>
    %add3A_1127 = arith.addi %select_n3A_66, %add3A_1126 : vector<1152x1xi32>
    %ge3A_1128 = arith.constant 0 : i32
    %ge3A_1129 = vector.broadcast %ge3A_1128 : i32 to vector<1152x1xi32>
    %ge3A_1130 = arith.cmpi sge, %add3A_1124, %ge3A_1129 : vector<1152x1xi32>
    %lt3A_1131 = arith.constant 48 : i32
    %lt3A_1132 = vector.broadcast %lt3A_1131 : i32 to vector<1152x1xi32>
    %lt3A_1133 = arith.cmpi slt, %add3A_1124, %lt3A_1132 : vector<1152x1xi32>
    %and3A_1134 = arith.andi %ge3A_1130, %lt3A_1133 : vector<1152x1xi1>
    %ge3A_1135 = arith.constant 0 : i32
    %ge3A_1136 = vector.broadcast %ge3A_1135 : i32 to vector<1152x1xi32>
    %ge3A_1137 = arith.cmpi sge, %add3A_1127, %ge3A_1136 : vector<1152x1xi32>
    %and3A_1138 = arith.andi %and3A_1134, %ge3A_1137 : vector<1152x1xi1>
    %lt3A_1139 = arith.constant 48 : i32
    %lt3A_1140 = vector.broadcast %lt3A_1139 : i32 to vector<1152x1xi32>
    %lt3A_1141 = arith.cmpi slt, %add3A_1127, %lt3A_1140 : vector<1152x1xi32>
    %and3A_1142 = arith.andi %and3A_1138, %lt3A_1141 : vector<1152x1xi1>
    %jit3A_1143 = arith.constant 0.000000e+00 : f32
    %broadcast_in_dim3A_1144 = vector.shape_cast %and3A_1142 : vector<1152x1xi1> to vector<1152x1xi1>
    %broadcast_in_dim3A_1145 = vector.broadcast %broadcast_in_dim3A_1144 : vector<1152x1xi1> to vector<1152x96xi1>
    %broadcast_in_dim3A_1146 = vector.broadcast %jit3A_1143 : f32 to vector<1152x96xf32>
    %select_n3A_1147 = arith.select %broadcast_in_dim3A_1145, %max3A_1121, %broadcast_in_dim3A_1146 : vector<1152x96xi1>, vector<1152x96xf32>
    %get3A_1148 = arith.constant 25 : index
    %get3A_1149 = arith.constant 0 : index
    %get3A_1150 = arith.constant 0 : index
    %get3A_1151 = vector.load %arg2[%get3A_1148, %get3A_1149, %get3A_1150] : memref<27x96x96xf32, #tpu.memory_space<vmem>>, vector<1x96x96xf32>
    %get3A_1152 = vector.shape_cast %get3A_1151 : vector<1x96x96xf32> to vector<96x96xf32>
    %dot_general3A_1153 = arith.constant dense<0.000000e+00> : vector<1152x96xf32>
    %dot_general3A_1154 = tpu.matmul %select_n3A_1147, %get3A_1152, %dot_general3A_1153 {dimension_numbers = #tpu.dot_dimension_numbers<[1], [0], [0], [1], [0, 0, 1, 1], [], []>, transpose_lhs_hint = false} : vector<1152x96xf32>, vector<96x96xf32>, vector<1152x96xf32> -> vector<1152x96xf32>
    %add3A_1155 = arith.addf %add3A_1113, %dot_general3A_1154 : vector<1152x96xf32>
    %add3A_1156 = arith.constant 5809 : i32
    %add3A_1157 = arith.addi %add3A_1156, %mul3A_0 : i32
    %get3A_1158 = arith.index_cast %add3A_1157 : i32 to index
    %get3A_1159 = arith.constant 0 : index
    %get3A_1160 = vector.load %arg1[%get3A_1158, %get3A_1159] : memref<16128x96xf32, #tpu.memory_space<vmem>>, vector<1152x96xf32>
    %max3A_1161 = arith.constant 0.000000e+00 : f32
    %max3A_1162 = vector.broadcast %max3A_1161 : f32 to vector<1152x96xf32>
    %max3A_1163 = arith.maximumf %get3A_1160, %max3A_1162 : vector<1152x96xf32>
    %add3A_1164 = arith.constant 1 : i32
    %add3A_1165 = vector.broadcast %add3A_1164 : i32 to vector<1152x1xi32>
    %add3A_1166 = arith.addi %select_n3A_16, %add3A_1165 : vector<1152x1xi32>
    %add3A_1167 = arith.constant 1 : i32
    %add3A_1168 = vector.broadcast %add3A_1167 : i32 to vector<1152x1xi32>
    %add3A_1169 = arith.addi %select_n3A_66, %add3A_1168 : vector<1152x1xi32>
    %ge3A_1170 = arith.constant 0 : i32
    %ge3A_1171 = vector.broadcast %ge3A_1170 : i32 to vector<1152x1xi32>
    %ge3A_1172 = arith.cmpi sge, %add3A_1166, %ge3A_1171 : vector<1152x1xi32>
    %lt3A_1173 = arith.constant 48 : i32
    %lt3A_1174 = vector.broadcast %lt3A_1173 : i32 to vector<1152x1xi32>
    %lt3A_1175 = arith.cmpi slt, %add3A_1166, %lt3A_1174 : vector<1152x1xi32>
    %and3A_1176 = arith.andi %ge3A_1172, %lt3A_1175 : vector<1152x1xi1>
    %ge3A_1177 = arith.constant 0 : i32
    %ge3A_1178 = vector.broadcast %ge3A_1177 : i32 to vector<1152x1xi32>
    %ge3A_1179 = arith.cmpi sge, %add3A_1169, %ge3A_1178 : vector<1152x1xi32>
    %and3A_1180 = arith.andi %and3A_1176, %ge3A_1179 : vector<1152x1xi1>
    %lt3A_1181 = arith.constant 48 : i32
    %lt3A_1182 = vector.broadcast %lt3A_1181 : i32 to vector<1152x1xi32>
    %lt3A_1183 = arith.cmpi slt, %add3A_1169, %lt3A_1182 : vector<1152x1xi32>
    %and3A_1184 = arith.andi %and3A_1180, %lt3A_1183 : vector<1152x1xi1>
    %jit3A_1185 = arith.constant 0.000000e+00 : f32
    %broadcast_in_dim3A_1186 = vector.shape_cast %and3A_1184 : vector<1152x1xi1> to vector<1152x1xi1>
    %broadcast_in_dim3A_1187 = vector.broadcast %broadcast_in_dim3A_1186 : vector<1152x1xi1> to vector<1152x96xi1>
    %broadcast_in_dim3A_1188 = vector.broadcast %jit3A_1185 : f32 to vector<1152x96xf32>
    %select_n3A_1189 = arith.select %broadcast_in_dim3A_1187, %max3A_1163, %broadcast_in_dim3A_1188 : vector<1152x96xi1>, vector<1152x96xf32>
    %get3A_1190 = arith.constant 26 : index
    %get3A_1191 = arith.constant 0 : index
    %get3A_1192 = arith.constant 0 : index
    %get3A_1193 = vector.load %arg2[%get3A_1190, %get3A_1191, %get3A_1192] : memref<27x96x96xf32, #tpu.memory_space<vmem>>, vector<1x96x96xf32>
    %get3A_1194 = vector.shape_cast %get3A_1193 : vector<1x96x96xf32> to vector<96x96xf32>
    %dot_general3A_1195 = arith.constant dense<0.000000e+00> : vector<1152x96xf32>
    %dot_general3A_1196 = tpu.matmul %select_n3A_1189, %get3A_1194, %dot_general3A_1195 {dimension_numbers = #tpu.dot_dimension_numbers<[1], [0], [0], [1], [0, 0, 1, 1], [], []>, transpose_lhs_hint = false} : vector<1152x96xf32>, vector<96x96xf32>, vector<1152x96xf32> -> vector<1152x96xf32>
    %add3A_1197 = arith.addf %add3A_1155, %dot_general3A_1196 : vector<1152x96xf32>
    %add3A_1198 = arith.constant 3456 : i32
    %add3A_1199 = arith.addi %add3A_1198, %mul3A_0 : i32
    %get3A_1200 = arith.index_cast %add3A_1199 : i32 to index
    %get3A_1201 = arith.constant 0 : index
    %get3A_1202 = vector.load %arg1[%get3A_1200, %get3A_1201] : memref<16128x96xf32, #tpu.memory_space<vmem>>, vector<1152x96xf32>
    %add3A_1203 = arith.addf %get3A_1202, %add3A_1197 : vector<1152x96xf32>
    %get3A_1204 = arith.constant 0 : index
    %get3A_1205 = arith.constant 0 : index
    %get3A_1206 = vector.load %arg3[%get3A_1204, %get3A_1205] : memref<1x96xf32, #tpu.memory_space<vmem>>, vector<1x96xf32>
    %add3A_1207 = vector.broadcast %get3A_1206 : vector<1x96xf32> to vector<1152x96xf32>
    %add3A_1208 = arith.addf %add3A_1203, %add3A_1207 : vector<1152x96xf32>
    %swap3A = arith.constant 0 : index
    %swap3A_1209 = arith.constant 0 : index
    %swap3A_1210 = vector.load %arg4[%swap3A, %swap3A_1209] : memref<1152x96xf32, #tpu.memory_space<vmem>>, vector<1152x96xf32>
    tpu.vector_store %arg4[%swap3A, %swap3A_1209], %add3A_1208 {strides = array<i32>} : memref<1152x96xf32, #tpu.memory_space<vmem>>, vector<1152x96xf32>,
    return
  }
  func.func @transform_0(%arg0: i32) -> (i32, i32) {
    %c0_i32 = arith.constant 0 : i32
    %c0_i32_0 = arith.constant 0 : i32
    %c0_i32_1 = arith.constant 0 : i32
    return %c0_i32, %c0_i32_0 : i32, i32
  }
  func.func @transform_1(%arg0: i32) -> (i32, i32, i32) {
    %c0_i32 = arith.constant 0 : i32
    %c0_i32_0 = arith.constant 0 : i32
    %c0_i32_1 = arith.constant 0 : i32
    %c0_i32_2 = arith.constant 0 : i32
    return %c0_i32, %c0_i32_0, %c0_i32_1 : i32, i32, i32
  }
  func.func @transform_2(%arg0: i32) -> (i32, i32) {
    %c0_i32 = arith.constant 0 : i32
    %c0_i32_0 = arith.constant 0 : i32
    %c0_i32_1 = arith.constant 0 : i32
    return %c0_i32, %c0_i32_0 : i32, i32
  }
  func.func @transform_3(%arg0: i32) -> (i32, i32) {
    %c0_i32 = arith.constant 0 : i32
    %c0_i32_0 = arith.constant 0 : i32
    return %arg0, %c0_i32 : i32, i32
  }
}

</mosaic_0001>

<sc_bundles>
// kernel: kernel.10.cloned.1.call-start
scs
__scs_entry_jumppad:
0x0: {  	(pc) =	sbr.rel $0x88, $3  }
0x1: {  	(tag) =	ssettag $0x0;
	lr =	simm.s32 $0x1  }
0x2: {  	[smem:$0x3F99] =	sst lr;
	_ =	strace $0xD0000000  }
0x3: {  	_ = 	snop  }
0x4: {  	_ = 	snop  }
0x5: {  	_ = 	snop  }
0x6: {  	_ = 	snop  }
0x7: {  	_ = 	snop  }
__scs_overlays_trampoline_lowered:
0x8: {  	[smem:$0x3FA8] =	sst s0  }
0x9: {  	[smem:$0x3FA9] =	sst s1  }
0xa: {  	[smem:$0x3FAA] =	sst s2  }
0xb: {  	[smem:$0x3FAB] =	sst s3  }
0xc: {  	[smem:$0x3FAC] =	sst s4  }
0xd: {  	[smem:$0x3FAD] =	sst s5  }
0xe: {  	[smem:$0x3FAE] =	sst s6  }
0xf: {  	[smem:$0x3FAF] =	sst s7  }
0x10: {  	[smem:$0x3FB0] =	sst s8  }
0x11: {  	[smem:$0x3FB1] =	sst s9;
	s0 =	simm.s32 @!p0 $0x0  }
0x12: {  	s1 =	sld [smem:$0x3F97];
	s0 =	simm.s32 @p0 $0x1  }
0x13: {  	[smem:$0x3FB2] =	sst s0;
	s0 =	simm.s32 @!p1 $0x0  }
0x14: {  	s2 =	sld [smem:$0x3F96];
	s0 =	simm.s32 @p1 $0x1  }
0x15: {  	[smem:$0x3FB3] =	sst s0;
	s0 =	simm.s32 @!p2 $0x0  }
0x16: {  	s3 =	sld [smem:$0x3FDB];
	s0 =	simm.s32 @p2 $0x1  }
0x17: {  	s4 =	simm.s32 $0x1BF5;
	[smem:$0x3FB5] =	sst s0  }
0x18: {  	s0 =	sld [smem:$0x3F98];
	_ =	swait.ge [sflag:s4], $0x0  }
0x19: {  	s7 =	sld [smem:$0x3F99]  }
0x1a: {  	s8 =	sadd.s32 $0xFFFFE003, lr  }
0x1b: {  	s9 =	sadd.s32 $0xFFFFFEF7, lr;
	s5 =	simm.s32 $0xFFFFFFFF;
	p2 =	slt.u32 s8, $0xFFFFF086  }
0x1c: {  	p1 =	slt.u32 s9, $0xF7A;
	s5 =	simm.s32 @!p2 $0x0  }
0x1d: {  	s5 =	simm.s32 @p1 $0x1;
	p0 =	seq.s32 s7, s2  }
0x1e: {  	s7 =	smul.u32 @!p0 $0xF7A, s2;
	p2 =	seq.s32 @!p0 s5, $0x0  }
0x1f: {  	s9 =	smul.u32 $0xF7A, s1;
	s8 =	simm.s32 @!p0 $0x1BF5;
	p2 =	por !p2, p0  }
0x20: {  	[sflag:s8] =	ssyncset.s32 @!p0 $0xFFFFF086;
	s6 =	sadd.s32 @!p0 s3, s7;
	s7 =	simm.s32 @!p0 $0x108  }
0x21: {  	s3 =	sadd.s32 s3, s9;
	s6 =	sadd.s32 @!p0 $0x88, s6;
	s7 =	simm.s32 @p2 $0x1082  }
0x22: {  	[simem:s7], [sflag:s8] =	dma.local @!p0 [hbm:s6], $0xF7A  }
0x23: {  	s9 =	sor.u32 $0xD0000000, s2;
	s6 =	simm.s32 $0x108;
	_ =	swait.ge @!p0 [sflag:s8], $0x0  }
0x24: {  	s3 =	sadd.s32 $0x88, s3;
	s6 =	simm.s32 @!p1 $0x1082;
	[sflag:s4] =	ssyncset.s32 $0xFFFFF086  }
0x25: {  	[simem:s6], [sflag:s4] =	dma.local [hbm:s3], $0xF7A  }
0x26: {  	[smem:$0x3F99] =	sst s1;
	(tag) =	ssettag s2;
	_ =	strace s9  }
0x27: {  	s1 =	sld [smem:$0x3FA9]  }
0x28: {  	s2 =	sld [smem:$0x3FAA]  }
0x29: {  	s4 =	sld [smem:$0x3FAC]  }
0x2a: {  	p0 =	seq.s32 s5, $0x0;
	s5 =	sld [smem:$0x3FAD]  }
0x2b: {  	s6 =	sld [smem:$0x3FAE]  }
0x2c: {  	s7 =	sld [smem:$0x3FAF]  }
0x2d: {  	s3 =	simm.s32 $0x108;
	s8 =	sld [smem:$0x3FB0]  }
0x2e: {  	s3 =	simm.s32 @!p0 $0x1082;
	s9 =	sld [smem:$0x3FB1]  }
0x2f: {  	lr =	sadd.s32 s0, s3;
	s0 =	sld [smem:$0x3FA8]  }
0x30: {  	s3 =	sld [smem:$0x3FAB]  }
0x31: {  	[smem:$0x3FB4] =	sst s10  }
0x32: {  	s10 =	sld [smem:$0x3FB2];
	_ =	sdelay $0x3  }
0x33: {  	p0 =	seq.s32 s10, $0x1;
	s10 =	sld [smem:$0x3FB4];
	_ =	sdelay $0x3  }
0x34: {  	[smem:$0x3FB4] =	sst s10  }
0x35: {  	s10 =	sld [smem:$0x3FB3];
	_ =	sdelay $0x3  }
0x36: {  	p1 =	seq.s32 s10, $0x1;
	s10 =	sld [smem:$0x3FB4];
	_ =	sdelay $0x3  }
0x37: {  	[smem:$0x3FB4] =	sst s10  }
0x38: {  	s10 =	sld [smem:$0x3FB5]  }
0x39: {  	_ = 	snop;
	(pc) =	sbr.ind lr, $3  }
0x3a: {  	_ = 	snop  }
0x3b: {  	_ = 	snop  }
0x3c: {  	p2 =	seq.s32 s10, $0x1;
	s10 =	sld [smem:$0x3FB4]  }
0x3d: {  	_ =	shalt  }
0x3e: {  	_ =	shalt  }
0x3f: {  	_ =	shalt  }
0x40: {  	_ =	shalt  }
0x41: {  	_ =	shalt  }
0x42: {  	_ =	shalt  }
0x43: {  	_ =	shalt  }
0x44: {  	_ =	shalt  }
0x45: {  	_ =	shalt  }
0x46: {  	_ =	shalt  }
0x47: {  	_ =	shalt  }
0x48: {  	_ =	shalt  }
0x49: {  	_ =	shalt  }
0x4a: {  	_ =	shalt  }
0x4b: {  	_ =	shalt  }
0x4c: {  	_ =	shalt  }
0x4d: {  	_ =	shalt  }
0x4e: {  	_ =	shalt  }
0x4f: {  	_ =	shalt  }
0x50: {  	_ =	shalt  }
0x51: {  	_ =	shalt  }
0x52: {  	_ =	shalt  }
0x53: {  	_ =	shalt  }
0x54: {  	_ =	shalt  }
0x55: {  	_ =	shalt  }
0x56: {  	_ =	shalt  }
0x57: {  	_ =	shalt  }
0x58: {  	_ =	shalt  }
0x59: {  	_ =	shalt  }
0x5a: {  	_ =	shalt  }
0x5b: {  	_ =	shalt  }
0x5c: {  	_ =	shalt  }
0x5d: {  	_ =	shalt  }
0x5e: {  	_ =	shalt  }
0x5f: {  	_ =	shalt  }
0x60: {  	_ =	shalt  }
0x61: {  	_ =	shalt  }
0x62: {  	_ =	shalt  }
0x63: {  	_ =	shalt  }
0x64: {  	_ =	shalt  }
0x65: {  	_ =	shalt  }
0x66: {  	_ =	shalt  }
0x67: {  	_ =	shalt  }
0x68: {  	_ =	shalt  }
0x69: {  	_ =	shalt  }
0x6a: {  	_ =	shalt  }
0x6b: {  	_ =	shalt  }
0x6c: {  	_ =	shalt  }
0x6d: {  	_ =	shalt  }
0x6e: {  	_ =	shalt  }
0x6f: {  	_ =	shalt  }
0x70: {  	_ =	shalt  }
0x71: {  	_ =	shalt  }
0x72: {  	_ =	shalt  }
0x73: {  	_ =	shalt  }
0x74: {  	_ =	shalt  }
0x75: {  	_ =	shalt  }
0x76: {  	_ =	shalt  }
0x77: {  	_ =	shalt  }
0x78: {  	_ =	shalt  }
0x79: {  	_ =	shalt  }
0x7a: {  	_ =	shalt  }
0x7b: {  	_ =	shalt  }
0x7c: {  	_ =	shalt  }
0x7d: {  	_ =	shalt  }
0x7e: {  	_ =	shalt  }
0x7f: {  	_ =	shalt  }
0x80: {  	_ =	shalt  }
0x81: {  	_ =	shalt  }
0x82: {  	_ =	shalt  }
0x83: {  	_ =	shalt  }
0x84: {  	_ =	shalt  }
0x85: {  	_ =	shalt  }
0x86: {  	_ =	shalt  }
0x87: {  	_ =	shalt  }
.Lfunc_end0:
.L_simem_size_0:
called_computation_lowered:
.L_overlay_start_0:
0x88: {  	s2 =	sld [smem:$0x3FD9]  }
0x89: {  	s3 =	sld [smem:$0x3FFE];
	_ =	sdelay $0x1  }
0x8a: {  	s1 =	srdreg.scid  }
0x8b: {  	s0 =	sand.u32 $0x1, s1  }
0x8c: {  	s17 =	sshll.u32 s0, $0xA;
	s2 =	sadd.s32 s3, s2  }
0x8d: {  	s2 =	sadd.s32 s2, s17  }
0x8e: {  	[smem:$0x3FC0] =	sst s2  }
0x8f: {  	_ = 	snop  }
0x90: {  	s2 =	sld [smem:$0x3FD0];
	(tm) =	ssettm $0x1  }
0x91: {  	s18 =	sld [smem:$0x3FFB];
	_ =	sdelay $0x3  }
0x92: {  	_ =	strace s18  }
0x93: {  	s3 =	sld [smem:$0x3FFC];
	_ =	sdelay $0x3  }
0x94: {  	_ =	strace s3  }
0x95: {  	s3 =	sld [smem:$0x3FFD];
	_ =	sdelay $0x3  }
0x96: {  	_ =	strace s3  }
0x97: {  	_ =	strace $0x8FFFFFFF  }
0x98: {  	s19 =	sld [smem:$0x3FDB];
	_ =	sdelay $0x1  }
0x99: {  	s4 =	simm.s32 $_scs_section_size  }
0x9a: {  	s5 =	simm.s32 $_size__tile_overlayer_lowered;
	s6 =	simm.s32 $_tile_overlayer_lowered  }
0x9b: {  	s22 =	simm.s32 $0x1BFF;
	s21 =	sshll.u32 s6, $0x1;
	s3 =	sadd.s32 s4, s19  }
0x9c: {  	s7 =	simm.s32 $0x0;
	s20 =	sshll.u32 s5, $0x1;
	s5 =	sadd.s32 s21, s3  }
0x9d: {  	[timem:s7], [sflag:s22] =	dma.local [hbm:s5], s20  }
0x9e: {  	_ =	swait.ge [sflag:s22], s20  }
0x9f: {  	s4 =	ssub.s32 $0x0, s20;
	[sflag:s22] =	ssyncset.done $0x0  }
0xa0: {  	[sflag:s22] =	ssyncadd.s32 s4;
	_ =	sdelay $0x1  }
0xa1: {  	s23 =	simm.s32 $0x1B8B  }
0xa2: {  	_ =	swait.ge [sflag:s23], $0x1  }
0xa3: {  	[sflag:s23] =	ssyncset.done $0x0  }
0xa4: {  	s25 =	simm.s32 $0x1B8E;
	s24 =	sld [smem:$0x3FFE];
	[sflag:s23] =	ssyncadd.s32 $0xFFFFFFFF  }
0xa5: {  	s26 =	simm.s32 $execute0_lowered;
	[smem:$0x3FD2] =	sst s25  }
0xa6: {  	s5 =	sshll.u32 s26, $0x1;
	_ =	strace $0x80000046;
	[dreg:$0x1] =	wrdreg $0xFFFFFFFF  }
0xa7: {  	s28 =	simm.s32 $_size_execute0_lowered;
	s3 =	sadd.s32 s3, s5;
	[dreg:$0x0] =	wrdreg $0x0  }
0xa8: {  	s5 =	sshll.u32 s28, $0x1;
	[dreg:$0x2] =	wrdreg s3  }
0xa9: {  	[dreg:$0x3] =	wrdreg s5  }
0xaa: {  	[dreg:$0x4] =	wrdreg $0xC0  }
0xab: {  	_ =	task [dreg:s7], $0x5FFFF  }
0xac: {  	[dreg:$0x1] =	wrdreg $0xFFFFFFFF  }
0xad: {  	[dreg:$0x0] =	wrdreg $0x60  }
0xae: {  	[dreg:$0x2] =	wrdreg s2  }
0xaf: {  	[dreg:$0x3] =	wrdreg s24  }
0xb0: {  	[dreg:$0x4] =	wrdreg $0x9  }
0xb1: {  	_ =	task.clear_ibuf [dreg:s7], $0x5FFFF;
	_ =	strace $0x90000046  }
0xb2: {  	s29 =	simm.s32 $0x9;
	_ =	strace $0x80000048  }
0xb3: {  	_ =	swait.ge [sflag:s29], $0x1  }
0xb4: {  	[sflag:s29] =	ssyncadd.s32 $0xFFFFFFFF  }
0xb5: {  	_ =	strace $0x90000048  }
0xb6: {  	_ =	sfence  }
0xb7: {  	s30 =	sld [smem:$0x0];
	_ =	sdelay $0x2  }
0xb8: {  	s31 =	sshll.u32 s1, $0xD;
	s1 =	sshrl.u32 s1, $0x2  }
0xb9: {  	s3 =	sand.u32 $0x4000, s31;
	s1 =	sadd.s32 s1, s30  }
0xba: {  	s0 =	sor.u32 s3, s0;
	s1 =	sshll.u32 s1, $0x11  }
0xbb: {  	s0 =	sor.u32 s1, s0  }
0xbc: {  	s0 =	sadd.s32 $0x8F2B, s0  }
0xbd: {  	[sflag:s0] =	ssyncadd.remote.s32 $0x1  }
0xbe: {  	_ =	sfence.sel $0xFFFF  }
0xbf: {  	[dreg:$0x0] =	wrdreg $0xFFFFFFFF;
	(pc) =	sbr.abs _section_cstart, $3  }
0xc0: {  	[dreg:$0x1] =	wrdreg $0xFFFFFFFF  }
0xc1: {  	_ =	task.clear_ibuf [dreg:s7], $0x2FFFF;
	_ =	strace $0x9FFFFFFF  }
0xc2: {  	(tm) =	ssettm $0x7FFFFFFF  }
0xc3: {  	_ =	shalt  }
tec
execute0_lowered:
.L_overlay_start_1:
0x0: {  	(tag) =	ssettag $0x1  }
0x1: {  	s1 =	srdreg.scid;
	s0 =	stileid.u32  }
0x2: {  	s8 =	rddreg [dreg:$0x0];
	s25 =	sand.u32 $0x1, s1;
	s3 =	sshll.u32 s0, $0x1  }
0x3: {  	s7 =	rddreg [dreg:$0x1];
	s2 =	simm.s32 $0x0;
	s3 =	sor.u32 s25, s3  }
0x4: {  	[smem:$0x7FF] =	sst s2;
	s4 =	sshll.u32 s3, $0x8  }
0x5: {  	s1 =	rddreg [dreg:$0x2];
	_ =	strace $0x80000047;
	s4 =	sadd.s32 s4, s7  }
0x6: {  	s6 =	sand.u32 $0x7, s3;
	s3 =	sadd.s32 $0x1C00, s4;
	s4 =	simm.s32 $0x2  }
0x7: {  	[tilespmem:s2], [sflag:$0x2] =	stream.linear.gather [hbm4b:s3+s2], $0x480, $0x38;
	[tilespmem:$0x8800] =	vst v63  }
0x8: {  	s5 =	smul.u32 $0x4800, s6;
	_ =	swait.ge [sflag:s4], $0x480  }
0x9: {  	s9 =	smul.u32 $0x24000, s6;
	[sflag:s4] =	ssyncset.done $0x0  }
0xa: {  	s6 =	simm.s32 $0x800;
	s5 =	sadd.s32 s8, s5;
	[sflag:s4] =	ssyncadd.s32 $0xFFFFFB80  }
0xb: {  	[tilespmem:s6], [sflag:$0x2] =	stream.linear.gather [hbm4b:s5+s2], $0x4000, $0x38;
	[tilespmem:$0x8800] =	vst v63  }
0xc: {  	_ =	swait.ge [sflag:s4], $0x4000  }
0xd: {  	s7 =	sadd.s32 $0x3C00, s7;
	s9 =	sshrl.u32 s9, $0x3;
	[sflag:s4] =	ssyncset.done $0x0  }
0xe: {  	s24 =	sadd.s32 s8, s9;
	s8 =	simm.s32 $0x80;
	[sflag:s4] =	ssyncadd.s32 $0xFFFFC000  }
0xf: {  	[hbm4b:s7+s8] =	stream.indirect.scatter [tilespmem:s6], [sflag:$0x1], $0x80, s2, s8, $0xb8;
	[tilespmem:$0x8800] =	vst v63  }
0x10: {  	s10 =	simm.s32 $0x4800;
	s9 =	sadd.s32 $0x800, s24  }
0x11: {  	[tilespmem:s10], [sflag:$0x2] =	stream.linear.gather [hbm4b:s9+s2], $0x4000, $0x38;
	[tilespmem:$0x8800] =	vst v63  }
0x12: {  	_ =	swait.ge [sflag:s4], $0x4000  }
0x13: {  	[sflag:s4] =	ssyncset.done $0x0  }
0x14: {  	s11 =	simm.s32 $0x1;
	[sflag:s4] =	ssyncadd.s32 $0xFFFFC000  }
0x15: {  	[hbm4b:s7+s8] =	stream.indirect.scatter [tilespmem:s10], [sflag:$0x1], $0x80, s8, s8, $0xb8;
	[tilespmem:$0x8800] =	vst v63  }
0x16: {  	_ =	swait.ge [sflag:s11], $0x4000  }
0x17: {  	[sflag:s11] =	ssyncset.done $0x0  }
0x18: {  	s12 =	sadd.s32 $0x1000, s24;
	[sflag:s11] =	ssyncadd.s32 $0xFFFFC000  }
0x19: {  	[tilespmem:s6], [sflag:$0x2] =	stream.linear.gather [hbm4b:s12+s2], $0x4000, $0x38;
	[tilespmem:$0x8800] =	vst v63  }
0x1a: {  	_ =	swait.ge [sflag:s4], $0x4000  }
0x1b: {  	[sflag:s4] =	ssyncset.done $0x0  }
0x1c: {  	s13 =	simm.s32 $0x100;
	[sflag:s4] =	ssyncadd.s32 $0xFFFFC000  }
0x1d: {  	[hbm4b:s7+s8] =	stream.indirect.scatter [tilespmem:s6], [sflag:$0x1], $0x80, s13, s8, $0xb8;
	[tilespmem:$0x8800] =	vst v63  }
0x1e: {  	_ =	swait.ge [sflag:s11], $0x4000  }
0x1f: {  	[sflag:s11] =	ssyncset.done $0x0  }
0x20: {  	s14 =	sadd.s32 $0x1800, s24;
	[sflag:s11] =	ssyncadd.s32 $0xFFFFC000  }
0x21: {  	[tilespmem:s10], [sflag:$0x2] =	stream.linear.gather [hbm4b:s14+s2], $0x4000, $0x38;
	[tilespmem:$0x8800] =	vst v63  }
0x22: {  	_ =	swait.ge [sflag:s4], $0x4000  }
0x23: {  	[sflag:s4] =	ssyncset.done $0x0  }
0x24: {  	s15 =	simm.s32 $0x180;
	[sflag:s4] =	ssyncadd.s32 $0xFFFFC000  }
0x25: {  	[hbm4b:s7+s8] =	stream.indirect.scatter [tilespmem:s10], [sflag:$0x1], $0x80, s15, s8, $0xb8;
	[tilespmem:$0x8800] =	vst v63  }
0x26: {  	_ =	swait.ge [sflag:s11], $0x4000  }
0x27: {  	[sflag:s11] =	ssyncset.done $0x0  }
0x28: {  	s16 =	sadd.s32 $0x2000, s24;
	[sflag:s11] =	ssyncadd.s32 $0xFFFFC000  }
0x29: {  	[tilespmem:s6], [sflag:$0x2] =	stream.linear.gather [hbm4b:s16+s2], $0x4000, $0x38;
	[tilespmem:$0x8800] =	vst v63  }
0x2a: {  	_ =	swait.ge [sflag:s4], $0x4000  }
0x2b: {  	[sflag:s4] =	ssyncset.done $0x0  }
0x2c: {  	s17 =	simm.s32 $0x200;
	[sflag:s4] =	ssyncadd.s32 $0xFFFFC000  }
0x2d: {  	[hbm4b:s7+s8] =	stream.indirect.scatter [tilespmem:s6], [sflag:$0x1], $0x80, s17, s8, $0xb8;
	[tilespmem:$0x8800] =	vst v63  }
0x2e: {  	_ =	swait.ge [sflag:s11], $0x4000  }
0x2f: {  	[sflag:s11] =	ssyncset.done $0x0  }
0x30: {  	s18 =	sadd.s32 $0x2800, s24;
	[sflag:s11] =	ssyncadd.s32 $0xFFFFC000  }
0x31: {  	[tilespmem:s10], [sflag:$0x2] =	stream.linear.gather [hbm4b:s18+s2], $0x4000, $0x38;
	[tilespmem:$0x8800] =	vst v63  }
0x32: {  	_ =	swait.ge [sflag:s4], $0x4000  }
0x33: {  	[sflag:s4] =	ssyncset.done $0x0  }
0x34: {  	s19 =	simm.s32 $0x280;
	[sflag:s4] =	ssyncadd.s32 $0xFFFFC000  }
0x35: {  	[hbm4b:s7+s8] =	stream.indirect.scatter [tilespmem:s10], [sflag:$0x1], $0x80, s19, s8, $0xb8;
	[tilespmem:$0x8800] =	vst v63  }
0x36: {  	_ =	swait.ge [sflag:s11], $0x4000  }
0x37: {  	[sflag:s11] =	ssyncset.done $0x0  }
0x38: {  	s20 =	sadd.s32 $0x3000, s24;
	[sflag:s11] =	ssyncadd.s32 $0xFFFFC000  }
0x39: {  	[tilespmem:s6], [sflag:$0x2] =	stream.linear.gather [hbm4b:s20+s2], $0x4000, $0x38;
	[tilespmem:$0x8800] =	vst v63  }
0x3a: {  	_ =	swait.ge [sflag:s4], $0x4000  }
0x3b: {  	[sflag:s4] =	ssyncset.done $0x0  }
0x3c: {  	s21 =	simm.s32 $0x300;
	[sflag:s4] =	ssyncadd.s32 $0xFFFFC000  }
0x3d: {  	[hbm4b:s7+s8] =	stream.indirect.scatter [tilespmem:s6], [sflag:$0x1], $0x80, s21, s8, $0xb8;
	[tilespmem:$0x8800] =	vst v63  }
0x3e: {  	_ =	swait.ge [sflag:s11], $0x4000  }
0x3f: {  	[sflag:s11] =	ssyncset.done $0x0  }
0x40: {  	s22 =	sadd.s32 $0x3800, s24;
	[sflag:s11] =	ssyncadd.s32 $0xFFFFC000  }
0x41: {  	[tilespmem:s10], [sflag:$0x2] =	stream.linear.gather [hbm4b:s22+s2], $0x4000, $0x38;
	[tilespmem:$0x8800] =	vst v63  }
0x42: {  	_ =	swait.ge [sflag:s4], $0x4000  }
0x43: {  	[sflag:s4] =	ssyncset.done $0x0  }
0x44: {  	s23 =	simm.s32 $0x380;
	[sflag:s4] =	ssyncadd.s32 $0xFFFFC000  }
0x45: {  	[hbm4b:s7+s8] =	stream.indirect.scatter [tilespmem:s10], [sflag:$0x1], $0x80, s23, s8, $0xb8;
	[tilespmem:$0x8800] =	vst v63  }
0x46: {  	_ =	swait.ge [sflag:s11], $0x4000  }
0x47: {  	s26 =	ssub.s32 $0x2, s25;
	[sflag:s11] =	ssyncset.done $0x0  }
0x48: {  	s28 =	sshrl.u32 s26, $0x1;
	s24 =	sadd.s32 $0x4000, s24;
	[sflag:s11] =	ssyncadd.s32 $0xFFFFC000  }
0x49: {  	[tilespmem:s6], [sflag:$0x2] =	stream.linear.gather [hbm4b:s24+s2], $0x4000, $0x38;
	[tilespmem:$0x8800] =	vst v63  }
0x4a: {  	s26 =	ssub.s32 s26, s28;
	_ =	swait.ge [sflag:s4], $0x4000  }
0x4b: {  	s26 =	smax.u32 s26, $0x1;
	[sflag:s4] =	ssyncset.done $0x0  }
0x4c: {  	s25 =	simm.s32 $0x400;
	p0 =	sne.s32 s26, $0x1;
	[sflag:s4] =	ssyncadd.s32 $0xFFFFC000  }
0x4d: {  	[hbm4b:s7+s8] =	stream.indirect.scatter [tilespmem:s6], [sflag:$0x1], $0x80, s25, s8, $0xb8;
	[tilespmem:$0x8800] =	vst v63  }
.Ltmp0:
0x4e: {  	_ =	swait.ge [sflag:s11], $0x4000;
	(pc) =	sbr.rel @!p0 .LBB2_2-.Ltmp0, $4  }
0x4f: {  	[sflag:s11] =	ssyncset.done $0x0  }
0x50: {  	[sflag:s11] =	ssyncadd.s32 $0xFFFFC000  }
0x51: {  	_ =	swait.ge [sflag:s11], $0x4000  }
0x52: {  	s26 =	sadd.s32 $0xFFFFFFFF, s26;
	[sflag:s11] =	ssyncset.done $0x0  }
.LBB2_1:
0x53: {  	p0 =	sne.s32 s26, $0x1;
	s26 =	sadd.s32 $0xFFFFFFFF, s26;
	[sflag:s11] =	ssyncadd.s32 $0xFFFFC000  }
0x54: {  	[tilespmem:s2], [sflag:$0x2] =	stream.linear.gather [hbm4b:s3+s2], $0x480, $0x38;
	[tilespmem:$0x8800] =	vst v63  }
0x55: {  	_ =	swait.ge [sflag:s4], $0x480  }
0x56: {  	[sflag:s4] =	ssyncset.done $0x0  }
0x57: {  	[sflag:s4] =	ssyncadd.s32 $0xFFFFFB80  }
0x58: {  	[tilespmem:s6], [sflag:$0x2] =	stream.linear.gather [hbm4b:s5+s2], $0x4000, $0x38;
	[tilespmem:$0x8800] =	vst v63  }
0x59: {  	_ =	swait.ge [sflag:s4], $0x4000  }
0x5a: {  	[sflag:s4] =	ssyncset.done $0x0  }
0x5b: {  	[sflag:s4] =	ssyncadd.s32 $0xFFFFC000  }
0x5c: {  	[hbm4b:s7+s8] =	stream.indirect.scatter [tilespmem:s6], [sflag:$0x1], $0x80, s2, s8, $0xb8;
	[tilespmem:$0x8800] =	vst v63  }
0x5d: {  	_ = 	snop  }
0x5e: {  	[tilespmem:s10], [sflag:$0x2] =	stream.linear.gather [hbm4b:s9+s2], $0x4000, $0x38;
	[tilespmem:$0x8800] =	vst v63  }
0x5f: {  	_ =	swait.ge [sflag:s4], $0x4000  }
0x60: {  	[sflag:s4] =	ssyncset.done $0x0  }
0x61: {  	[sflag:s4] =	ssyncadd.s32 $0xFFFFC000  }
0x62: {  	[hbm4b:s7+s8] =	stream.indirect.scatter [tilespmem:s10], [sflag:$0x1], $0x80, s8, s8, $0xb8;
	[tilespmem:$0x8800] =	vst v63  }
0x63: {  	_ =	swait.ge [sflag:s11], $0x4000  }
0x64: {  	[sflag:s11] =	ssyncset.done $0x0  }
0x65: {  	[sflag:s11] =	ssyncadd.s32 $0xFFFFC000  }
0x66: {  	[tilespmem:s6], [sflag:$0x2] =	stream.linear.gather [hbm4b:s12+s2], $0x4000, $0x38;
	[tilespmem:$0x8800] =	vst v63  }
0x67: {  	_ =	swait.ge [sflag:s4], $0x4000  }
0x68: {  	[sflag:s4] =	ssyncset.done $0x0  }
0x69: {  	[sflag:s4] =	ssyncadd.s32 $0xFFFFC000  }
0x6a: {  	[hbm4b:s7+s8] =	stream.indirect.scatter [tilespmem:s6], [sflag:$0x1], $0x80, s13, s8, $0xb8;
	[tilespmem:$0x8800] =	vst v63  }
0x6b: {  	_ =	swait.ge [sflag:s11], $0x4000  }
0x6c: {  	[sflag:s11] =	ssyncset.done $0x0  }
0x6d: {  	[sflag:s11] =	ssyncadd.s32 $0xFFFFC000  }
0x6e: {  	[tilespmem:s10], [sflag:$0x2] =	stream.linear.gather [hbm4b:s14+s2], $0x4000, $0x38;
	[tilespmem:$0x8800] =	vst v63  }
0x6f: {  	_ =	swait.ge [sflag:s4], $0x4000  }
0x70: {  	[sflag:s4] =	ssyncset.done $0x0  }
0x71: {  	[sflag:s4] =	ssyncadd.s32 $0xFFFFC000  }
0x72: {  	[hbm4b:s7+s8] =	stream.indirect.scatter [tilespmem:s10], [sflag:$0x1], $0x80, s15, s8, $0xb8;
	[tilespmem:$0x8800] =	vst v63  }
0x73: {  	_ =	swait.ge [sflag:s11], $0x4000  }
0x74: {  	[sflag:s11] =	ssyncset.done $0x0  }
0x75: {  	[sflag:s11] =	ssyncadd.s32 $0xFFFFC000  }
0x76: {  	[tilespmem:s6], [sflag:$0x2] =	stream.linear.gather [hbm4b:s16+s2], $0x4000, $0x38;
	[tilespmem:$0x8800] =	vst v63  }
0x77: {  	_ =	swait.ge [sflag:s4], $0x4000  }
0x78: {  	[sflag:s4] =	ssyncset.done $0x0  }
0x79: {  	[sflag:s4] =	ssyncadd.s32 $0xFFFFC000  }
0x7a: {  	[hbm4b:s7+s8] =	stream.indirect.scatter [tilespmem:s6], [sflag:$0x1], $0x80, s17, s8, $0xb8;
	[tilespmem:$0x8800] =	vst v63  }
0x7b: {  	_ =	swait.ge [sflag:s11], $0x4000  }
0x7c: {  	[sflag:s11] =	ssyncset.done $0x0  }
0x7d: {  	[sflag:s11] =	ssyncadd.s32 $0xFFFFC000  }
0x7e: {  	[tilespmem:s10], [sflag:$0x2] =	stream.linear.gather [hbm4b:s18+s2], $0x4000, $0x38;
	[tilespmem:$0x8800] =	vst v63  }
0x7f: {  	_ =	swait.ge [sflag:s4], $0x4000  }
0x80: {  	[sflag:s4] =	ssyncset.done $0x0  }
0x81: {  	[sflag:s4] =	ssyncadd.s32 $0xFFFFC000  }
0x82: {  	[hbm4b:s7+s8] =	stream.indirect.scatter [tilespmem:s10], [sflag:$0x1], $0x80, s19, s8, $0xb8;
	[tilespmem:$0x8800] =	vst v63  }
0x83: {  	_ =	swait.ge [sflag:s11], $0x4000  }
0x84: {  	[sflag:s11] =	ssyncset.done $0x0  }
0x85: {  	[sflag:s11] =	ssyncadd.s32 $0xFFFFC000  }
0x86: {  	[tilespmem:s6], [sflag:$0x2] =	stream.linear.gather [hbm4b:s20+s2], $0x4000, $0x38;
	[tilespmem:$0x8800] =	vst v63  }
0x87: {  	_ =	swait.ge [sflag:s4], $0x4000  }
0x88: {  	[sflag:s4] =	ssyncset.done $0x0  }
0x89: {  	[sflag:s4] =	ssyncadd.s32 $0xFFFFC000  }
0x8a: {  	[hbm4b:s7+s8] =	stream.indirect.scatter [tilespmem:s6], [sflag:$0x1], $0x80, s21, s8, $0xb8;
	[tilespmem:$0x8800] =	vst v63  }
0x8b: {  	_ =	swait.ge [sflag:s11], $0x4000  }
0x8c: {  	[sflag:s11] =	ssyncset.done $0x0  }
0x8d: {  	[sflag:s11] =	ssyncadd.s32 $0xFFFFC000  }
0x8e: {  	[tilespmem:s10], [sflag:$0x2] =	stream.linear.gather [hbm4b:s22+s2], $0x4000, $0x38;
	[tilespmem:$0x8800] =	vst v63  }
0x8f: {  	_ =	swait.ge [sflag:s4], $0x4000  }
0x90: {  	[sflag:s4] =	ssyncset.done $0x0  }
0x91: {  	[sflag:s4] =	ssyncadd.s32 $0xFFFFC000  }
0x92: {  	[hbm4b:s7+s8] =	stream.indirect.scatter [tilespmem:s10], [sflag:$0x1], $0x80, s23, s8, $0xb8;
	[tilespmem:$0x8800] =	vst v63  }
0x93: {  	_ =	swait.ge [sflag:s11], $0x4000  }
0x94: {  	[sflag:s11] =	ssyncset.done $0x0  }
0x95: {  	[sflag:s11] =	ssyncadd.s32 $0xFFFFC000  }
0x96: {  	[tilespmem:s6], [sflag:$0x2] =	stream.linear.gather [hbm4b:s24+s2], $0x4000, $0x38;
	[tilespmem:$0x8800] =	vst v63  }
0x97: {  	_ =	swait.ge [sflag:s4], $0x4000  }
0x98: {  	[sflag:s4] =	ssyncset.done $0x0  }
0x99: {  	[sflag:s4] =	ssyncadd.s32 $0xFFFFC000  }
0x9a: {  	[hbm4b:s7+s8] =	stream.indirect.scatter [tilespmem:s6], [sflag:$0x1], $0x80, s25, s8, $0xb8;
	[tilespmem:$0x8800] =	vst v63  }
.Ltmp1:
0x9b: {  	_ =	swait.ge [sflag:s11], $0x4000;
	(pc) =	sbr.rel @p0 .LBB2_1-.Ltmp1, $4  }
0x9c: {  	[sflag:s11] =	ssyncset.done $0x0  }
0x9d: {  	[sflag:s11] =	ssyncadd.s32 $0xFFFFC000  }
0x9e: {  	_ =	swait.ge [sflag:s11], $0x4000  }
0x9f: {  	[sflag:s11] =	ssyncset.done $0x0  }
.LBB2_2:
0xa0: {  	[sflag:s11] =	ssyncadd.s32 $0xFFFFC000  }
0xa1: {  	_ =	sfence.sel $0x180000  }
0xa2: {  	[bflag:$0x0] =	sbarrier.arrive $0xFFFF  }
0xa3: {  	p0 =	sne.s32 s0, $0x0;
	_ =	strace $0x90000047  }
0xa4: {  	s0 =	sadd.s32 @!p0 $0x100000, s1;
	[bflag:$0x2] =	sbarrier.arrive $0xFFFF  }
0xa5: {  	[sflag:s0] =	ssyncadd.tile.s32 @!p0 $0x1;
	_ =	shalt  }
.Lfunc_end2:
_tile_overlayer_lowered:
.L_overlay_start_2:
0xa6: {  	(tag) =	ssettag $0x2  }
0xa7: {  	s0 =	rddreg [dreg:$0x0];
	s2 =	stileid.u32  }
0xa8: {  	s1 =	rddreg [dreg:$0x1];
	p0 =	sne.s32 s2, $0x0  }
0xa9: {  	s3 =	rddreg [dreg:$0x2];
	[bflag:$0x3] =	sbarrier.arrive $0xFFFF;
	s2 =	simm.s32 @!p0 $0x1C02  }
0xaa: {  	[timem:s3], [sflag:s2] =	dma.local @!p0 [hbm:s0], s1  }
0xab: {  	s0 =	simm.s32 @!p0 $0x2  }
0xac: {  	_ =	swait.ge @!p0 [sflag:s0], s1  }
0xad: {  	s1 =	ssub.s32 @!p0 $0x0, s1;
	[sflag:s0] =	ssyncset.done @!p0 $0x0  }
0xae: {  	[sflag:s0] =	ssyncadd.s32 @!p0 s1  }
0xaf: {  	[bflag:$0x3] =	sbarrier.arrive $0xFFFF  }
0xb0: {  	_ =	shalt  }

// kernel: kernel.13.cloned.1.call-start
scs
__scs_entry_jumppad:
0x0: {  	(pc) =	sbr.rel $0x88, $3  }
0x1: {  	(tag) =	ssettag $0x0;
	lr =	simm.s32 $0x1  }
0x2: {  	[smem:$0x3F99] =	sst lr;
	_ =	strace $0xD0000000  }
0x3: {  	_ = 	snop  }
0x4: {  	_ = 	snop  }
0x5: {  	_ = 	snop  }
0x6: {  	_ = 	snop  }
0x7: {  	_ = 	snop  }
__scs_overlays_trampoline_lowered:
0x8: {  	[smem:$0x3FA8] =	sst s0  }
0x9: {  	[smem:$0x3FA9] =	sst s1  }
0xa: {  	[smem:$0x3FAA] =	sst s2  }
0xb: {  	[smem:$0x3FAB] =	sst s3  }
0xc: {  	[smem:$0x3FAC] =	sst s4  }
0xd: {  	[smem:$0x3FAD] =	sst s5  }
0xe: {  	[smem:$0x3FAE] =	sst s6  }
0xf: {  	[smem:$0x3FAF] =	sst s7  }
0x10: {  	[smem:$0x3FB0] =	sst s8  }
0x11: {  	[smem:$0x3FB1] =	sst s9;
	s0 =	simm.s32 @!p0 $0x0  }
0x12: {  	s1 =	sld [smem:$0x3F97];
	s0 =	simm.s32 @p0 $0x1  }
0x13: {  	[smem:$0x3FB2] =	sst s0;
	s0 =	simm.s32 @!p1 $0x0  }
0x14: {  	s2 =	sld [smem:$0x3F96];
	s0 =	simm.s32 @p1 $0x1  }
0x15: {  	[smem:$0x3FB3] =	sst s0;
	s0 =	simm.s32 @!p2 $0x0  }
0x16: {  	s3 =	sld [smem:$0x3FDB];
	s0 =	simm.s32 @p2 $0x1  }
0x17: {  	s4 =	simm.s32 $0x1BF5;
	[smem:$0x3FB5] =	sst s0  }
0x18: {  	s0 =	sld [smem:$0x3F98];
	_ =	swait.ge [sflag:s4], $0x0  }
0x19: {  	s7 =	sld [smem:$0x3F99]  }
0x1a: {  	s8 =	sadd.s32 $0xFFFFE003, lr  }
0x1b: {  	s9 =	sadd.s32 $0xFFFFFEF7, lr;
	s5 =	simm.s32 $0xFFFFFFFF;
	p2 =	slt.u32 s8, $0xFFFFF086  }
0x1c: {  	p1 =	slt.u32 s9, $0xF7A;
	s5 =	simm.s32 @!p2 $0x0  }
0x1d: {  	s5 =	simm.s32 @p1 $0x1;
	p0 =	seq.s32 s7, s2  }
0x1e: {  	s7 =	smul.u32 @!p0 $0xF7A, s2;
	p2 =	seq.s32 @!p0 s5, $0x0  }
0x1f: {  	s9 =	smul.u32 $0xF7A, s1;
	s8 =	simm.s32 @!p0 $0x1BF5;
	p2 =	por !p2, p0  }
0x20: {  	[sflag:s8] =	ssyncset.s32 @!p0 $0xFFFFF086;
	s6 =	sadd.s32 @!p0 s3, s7;
	s7 =	simm.s32 @!p0 $0x108  }
0x21: {  	s3 =	sadd.s32 s3, s9;
	s6 =	sadd.s32 @!p0 $0x88, s6;
	s7 =	simm.s32 @p2 $0x1082  }
0x22: {  	[simem:s7], [sflag:s8] =	dma.local @!p0 [hbm:s6], $0xF7A  }
0x23: {  	s9 =	sor.u32 $0xD0000000, s2;
	s6 =	simm.s32 $0x108;
	_ =	swait.ge @!p0 [sflag:s8], $0x0  }
0x24: {  	s3 =	sadd.s32 $0x88, s3;
	s6 =	simm.s32 @!p1 $0x1082;
	[sflag:s4] =	ssyncset.s32 $0xFFFFF086  }
0x25: {  	[simem:s6], [sflag:s4] =	dma.local [hbm:s3], $0xF7A  }
0x26: {  	[smem:$0x3F99] =	sst s1;
	(tag) =	ssettag s2;
	_ =	strace s9  }
0x27: {  	s1 =	sld [smem:$0x3FA9]  }
0x28: {  	s2 =	sld [smem:$0x3FAA]  }
0x29: {  	s4 =	sld [smem:$0x3FAC]  }
0x2a: {  	p0 =	seq.s32 s5, $0x0;
	s5 =	sld [smem:$0x3FAD]  }
0x2b: {  	s6 =	sld [smem:$0x3FAE]  }
0x2c: {  	s7 =	sld [smem:$0x3FAF]  }
0x2d: {  	s3 =	simm.s32 $0x108;
	s8 =	sld [smem:$0x3FB0]  }
0x2e: {  	s3 =	simm.s32 @!p0 $0x1082;
	s9 =	sld [smem:$0x3FB1]  }
0x2f: {  	lr =	sadd.s32 s0, s3;
	s0 =	sld [smem:$0x3FA8]  }
0x30: {  	s3 =	sld [smem:$0x3FAB]  }
0x31: {  	[smem:$0x3FB4] =	sst s10  }
0x32: {  	s10 =	sld [smem:$0x3FB2];
	_ =	sdelay $0x3  }
0x33: {  	p0 =	seq.s32 s10, $0x1;
	s10 =	sld [smem:$0x3FB4];
	_ =	sdelay $0x3  }
0x34: {  	[smem:$0x3FB4] =	sst s10  }
0x35: {  	s10 =	sld [smem:$0x3FB3];
	_ =	sdelay $0x3  }
0x36: {  	p1 =	seq.s32 s10, $0x1;
	s10 =	sld [smem:$0x3FB4];
	_ =	sdelay $0x3  }
0x37: {  	[smem:$0x3FB4] =	sst s10  }
0x38: {  	s10 =	sld [smem:$0x3FB5]  }
0x39: {  	_ = 	snop;
	(pc) =	sbr.ind lr, $3  }
0x3a: {  	_ = 	snop  }
0x3b: {  	_ = 	snop  }
0x3c: {  	p2 =	seq.s32 s10, $0x1;
	s10 =	sld [smem:$0x3FB4]  }
0x3d: {  	_ =	shalt  }
0x3e: {  	_ =	shalt  }
0x3f: {  	_ =	shalt  }
0x40: {  	_ =	shalt  }
0x41: {  	_ =	shalt  }
0x42: {  	_ =	shalt  }
0x43: {  	_ =	shalt  }
0x44: {  	_ =	shalt  }
0x45: {  	_ =	shalt  }
0x46: {  	_ =	shalt  }
0x47: {  	_ =	shalt  }
0x48: {  	_ =	shalt  }
0x49: {  	_ =	shalt  }
0x4a: {  	_ =	shalt  }
0x4b: {  	_ =	shalt  }
0x4c: {  	_ =	shalt  }
0x4d: {  	_ =	shalt  }
0x4e: {  	_ =	shalt  }
0x4f: {  	_ =	shalt  }
0x50: {  	_ =	shalt  }
0x51: {  	_ =	shalt  }
0x52: {  	_ =	shalt  }
0x53: {  	_ =	shalt  }
0x54: {  	_ =	shalt  }
0x55: {  	_ =	shalt  }
0x56: {  	_ =	shalt  }
0x57: {  	_ =	shalt  }
0x58: {  	_ =	shalt  }
0x59: {  	_ =	shalt  }
0x5a: {  	_ =	shalt  }
0x5b: {  	_ =	shalt  }
0x5c: {  	_ =	shalt  }
0x5d: {  	_ =	shalt  }
0x5e: {  	_ =	shalt  }
0x5f: {  	_ =	shalt  }
0x60: {  	_ =	shalt  }
0x61: {  	_ =	shalt  }
0x62: {  	_ =	shalt  }
0x63: {  	_ =	shalt  }
0x64: {  	_ =	shalt  }
0x65: {  	_ =	shalt  }
0x66: {  	_ =	shalt  }
0x67: {  	_ =	shalt  }
0x68: {  	_ =	shalt  }
0x69: {  	_ =	shalt  }
0x6a: {  	_ =	shalt  }
0x6b: {  	_ =	shalt  }
0x6c: {  	_ =	shalt  }
0x6d: {  	_ =	shalt  }
0x6e: {  	_ =	shalt  }
0x6f: {  	_ =	shalt  }
0x70: {  	_ =	shalt  }
0x71: {  	_ =	shalt  }
0x72: {  	_ =	shalt  }
0x73: {  	_ =	shalt  }
0x74: {  	_ =	shalt  }
0x75: {  	_ =	shalt  }
0x76: {  	_ =	shalt  }
0x77: {  	_ =	shalt  }
0x78: {  	_ =	shalt  }
0x79: {  	_ =	shalt  }
0x7a: {  	_ =	shalt  }
0x7b: {  	_ =	shalt  }
0x7c: {  	_ =	shalt  }
0x7d: {  	_ =	shalt  }
0x7e: {  	_ =	shalt  }
0x7f: {  	_ =	shalt  }
0x80: {  	_ =	shalt  }
0x81: {  	_ =	shalt  }
0x82: {  	_ =	shalt  }
0x83: {  	_ =	shalt  }
0x84: {  	_ =	shalt  }
0x85: {  	_ =	shalt  }
0x86: {  	_ =	shalt  }
0x87: {  	_ =	shalt  }
.Lfunc_end0:
.L_simem_size_0:
called_computation.1_lowered:
.L_overlay_start_0:
0x88: {  	s2 =	sld [smem:$0x3FD9]  }
0x89: {  	s3 =	sld [smem:$0x3FFE];
	_ =	sdelay $0x1  }
0x8a: {  	s1 =	srdreg.scid  }
0x8b: {  	s0 =	sand.u32 $0x1, s1  }
0x8c: {  	s16 =	sshll.u32 s0, $0xA;
	s2 =	sadd.s32 s3, s2  }
0x8d: {  	s2 =	sadd.s32 s2, s16  }
0x8e: {  	[smem:$0x3FC0] =	sst s2  }
0x8f: {  	_ = 	snop  }
0x90: {  	(tm) =	ssettm $0x1  }
0x91: {  	s17 =	sld [smem:$0x3FFB];
	_ =	sdelay $0x3  }
0x92: {  	_ =	strace s17  }
0x93: {  	s2 =	sld [smem:$0x3FFC];
	_ =	sdelay $0x3  }
0x94: {  	_ =	strace s2  }
0x95: {  	s2 =	sld [smem:$0x3FFD];
	_ =	sdelay $0x3  }
0x96: {  	_ =	strace s2  }
0x97: {  	_ =	strace $0x8FFFFFFF  }
0x98: {  	s18 =	sld [smem:$0x3FDB];
	_ =	sdelay $0x1  }
0x99: {  	s19 =	simm.s32 $_scs_section_size  }
0x9a: {  	s4 =	simm.s32 $_size__tile_overlayer_lowered;
	s5 =	simm.s32 $_tile_overlayer_lowered  }
0x9b: {  	s22 =	simm.s32 $0x1BFF;
	s21 =	sshll.u32 s5, $0x1;
	s2 =	sadd.s32 s19, s18  }
0x9c: {  	s6 =	simm.s32 $0x0;
	s20 =	sshll.u32 s4, $0x1;
	s4 =	sadd.s32 s21, s2  }
0x9d: {  	[timem:s6], [sflag:s22] =	dma.local [hbm:s4], s20  }
0x9e: {  	_ =	swait.ge [sflag:s22], s20  }
0x9f: {  	s3 =	ssub.s32 $0x0, s20;
	[sflag:s22] =	ssyncset.done $0x0  }
0xa0: {  	[sflag:s22] =	ssyncadd.s32 s3;
	_ =	sdelay $0x1  }
0xa1: {  	s23 =	simm.s32 $0x1B8B  }
0xa2: {  	_ =	swait.ge [sflag:s23], $0x1  }
0xa3: {  	[sflag:s23] =	ssyncset.done $0x0  }
0xa4: {  	s25 =	simm.s32 $0x1B8E;
	s24 =	sld [smem:$0x3FFE];
	[sflag:s23] =	ssyncadd.s32 $0xFFFFFFFF  }
0xa5: {  	s26 =	simm.s32 $execute0_lowered;
	[smem:$0x3FD2] =	sst s25  }
0xa6: {  	s4 =	sshll.u32 s26, $0x1;
	_ =	strace $0x80000049;
	[dreg:$0x1] =	wrdreg $0xFFFFFFFF  }
0xa7: {  	s28 =	simm.s32 $_size_execute0_lowered;
	s2 =	sadd.s32 s2, s4;
	[dreg:$0x0] =	wrdreg $0x0  }
0xa8: {  	s4 =	sshll.u32 s28, $0x1;
	[dreg:$0x2] =	wrdreg s2  }
0xa9: {  	[dreg:$0x3] =	wrdreg s4  }
0xaa: {  	[dreg:$0x4] =	wrdreg $0xC0  }
0xab: {  	_ =	task [dreg:s6], $0x5FFFF  }
0xac: {  	[dreg:$0x1] =	wrdreg $0xFFFFFFFF  }
0xad: {  	[dreg:$0x0] =	wrdreg $0x60  }
0xae: {  	[dreg:$0x2] =	wrdreg s24  }
0xaf: {  	[dreg:$0x3] =	wrdreg $0x9  }
0xb0: {  	_ =	task.clear_ibuf [dreg:s6], $0x4FFFF;
	_ =	strace $0x90000049  }
0xb1: {  	s29 =	simm.s32 $0x9;
	_ =	strace $0x8000004B  }
0xb2: {  	_ =	swait.ge [sflag:s29], $0x1  }
0xb3: {  	[sflag:s29] =	ssyncadd.s32 $0xFFFFFFFF  }
0xb4: {  	_ =	strace $0x9000004B  }
0xb5: {  	_ =	sfence  }
0xb6: {  	s30 =	sld [smem:$0x0];
	_ =	sdelay $0x2  }
0xb7: {  	s31 =	sshll.u32 s1, $0xD;
	s1 =	sshrl.u32 s1, $0x2  }
0xb8: {  	s3 =	sand.u32 $0x4000, s31;
	s1 =	sadd.s32 s1, s30  }
0xb9: {  	s0 =	sor.u32 s3, s0;
	s1 =	sshll.u32 s1, $0x11  }
0xba: {  	s0 =	sor.u32 s1, s0  }
0xbb: {  	s0 =	sadd.s32 $0x8F2B, s0  }
0xbc: {  	[sflag:s0] =	ssyncadd.remote.s32 $0x1  }
0xbd: {  	_ =	sfence.sel $0xFFFF  }
0xbe: {  	[dreg:$0x0] =	wrdreg $0xFFFFFFFF;
	(pc) =	sbr.abs _section_cstart, $3  }
0xbf: {  	[dreg:$0x1] =	wrdreg $0xFFFFFFFF  }
0xc0: {  	_ =	task.clear_ibuf [dreg:s6], $0x2FFFF;
	_ =	strace $0x9FFFFFFF  }
0xc1: {  	(tm) =	ssettm $0x7FFFFFFF  }
tec
execute0_lowered:
.L_overlay_start_1:
0x0: {  	(tag) =	ssettag $0x1  }
0x1: {  	s1 =	srdreg.scid;
	s0 =	stileid.u32  }
0x2: {  	s25 =	sand.u32 $0x1, s1;
	s29 =	sshll.u32 s0, $0x1  }
0x3: {  	s10 =	rddreg [dreg:$0x0];
	s11 =	sor.u32 s25, s29  }
0x4: {  	s2 =	simm.s32 $0x0;
	s1 =	rddreg [dreg:$0x1];
	s3 =	sshll.u32 s11, $0x8  }
0x5: {  	[smem:$0x7FF] =	sst s2;
	s3 =	sadd.s32 s3, s10  }
0x6: {  	_ =	strace $0x8000004A;
	s4 =	sadd.s32 $0x1C00, s3;
	s3 =	simm.s32 $0x2  }
0x7: {  	[tilespmem:s2], [sflag:$0x2] =	stream.linear.gather [hbm4b:s4+s2], $0x480, $0x38;
	[tilespmem:$0x8800] =	vst v63  }
0x8: {  	_ =	swait.ge [sflag:s3], $0x480  }
0x9: {  	s6 =	simm.s32 $0x80;
	[sflag:s3] =	ssyncset.done $0x0  }
0xa: {  	s7 =	simm.s32 $0x800;
	s5 =	sadd.s32 $0x3C00, s10;
	[sflag:s3] =	ssyncadd.s32 $0xFFFFFB80  }
0xb: {  	[tilespmem:s7], [sflag:$0x1] =	stream.indirect.gather [hbm4b:s5+s6], $0x80, s2, s6, $0xb8;
	[tilespmem:$0x8800] =	vst v63  }
0xc: {  	s8 =	simm.s32 $0x4800;
	s9 =	simm.s32 $0x1  }
0xd: {  	[tilespmem:s8], [sflag:$0x1] =	stream.indirect.gather [hbm4b:s5+s6], $0x80, s6, s6, $0xb8;
	[tilespmem:$0x8800] =	vst v63  }
0xe: {  	s12 =	smul.u32 $0x4800, s11;
	_ =	swait.ge [sflag:s9], $0x4000  }
0xf: {  	s13 =	sadd.s32 $0x93C00, s10;
	[sflag:s9] =	ssyncset.done $0x0  }
0x10: {  	s10 =	sadd.s32 s13, s12;
	[sflag:s9] =	ssyncadd.s32 $0xFFFFC000  }
0x11: {  	[hbm4b:s10+s2] =	stream.linear.scatter [tilespmem:s7], [sflag:$0x2], $0x4000, $0x38;
	[tilespmem:$0x8800] =	vst v63  }
0x12: {  	_ =	swait.ge [sflag:s3], $0x4000  }
0x13: {  	[sflag:s3] =	ssyncset.done $0x0  }
0x14: {  	s30 =	smul.u32 $0x24000, s11;
	s11 =	simm.s32 $0x100;
	[sflag:s3] =	ssyncadd.s32 $0xFFFFC000  }
0x15: {  	[tilespmem:s7], [sflag:$0x1] =	stream.indirect.gather [hbm4b:s5+s6], $0x80, s11, s6, $0xb8;
	[tilespmem:$0x8800] =	vst v63  }
0x16: {  	s12 =	sshrl.u32 s30, $0x3;
	_ =	swait.ge [sflag:s9], $0x4000  }
0x17: {  	s26 =	sadd.s32 s13, s12;
	[sflag:s9] =	ssyncset.done $0x0  }
0x18: {  	s12 =	sadd.s32 $0x800, s26;
	[sflag:s9] =	ssyncadd.s32 $0xFFFFC000  }
0x19: {  	[hbm4b:s12+s2] =	stream.linear.scatter [tilespmem:s8], [sflag:$0x2], $0x4000, $0x38;
	[tilespmem:$0x8800] =	vst v63  }
0x1a: {  	_ =	swait.ge [sflag:s3], $0x4000  }
0x1b: {  	[sflag:s3] =	ssyncset.done $0x0  }
0x1c: {  	s13 =	simm.s32 $0x180;
	[sflag:s3] =	ssyncadd.s32 $0xFFFFC000  }
0x1d: {  	[tilespmem:s8], [sflag:$0x1] =	stream.indirect.gather [hbm4b:s5+s6], $0x80, s13, s6, $0xb8;
	[tilespmem:$0x8800] =	vst v63  }
0x1e: {  	_ =	swait.ge [sflag:s9], $0x4000  }
0x1f: {  	[sflag:s9] =	ssyncset.done $0x0  }
0x20: {  	s14 =	sadd.s32 $0x1000, s26;
	[sflag:s9] =	ssyncadd.s32 $0xFFFFC000  }
0x21: {  	[hbm4b:s14+s2] =	stream.linear.scatter [tilespmem:s7], [sflag:$0x2], $0x4000, $0x38;
	[tilespmem:$0x8800] =	vst v63  }
0x22: {  	_ =	swait.ge [sflag:s3], $0x4000  }
0x23: {  	[sflag:s3] =	ssyncset.done $0x0  }
0x24: {  	s15 =	simm.s32 $0x200;
	[sflag:s3] =	ssyncadd.s32 $0xFFFFC000  }
0x25: {  	[tilespmem:s7], [sflag:$0x1] =	stream.indirect.gather [hbm4b:s5+s6], $0x80, s15, s6, $0xb8;
	[tilespmem:$0x8800] =	vst v63  }
0x26: {  	_ =	swait.ge [sflag:s9], $0x4000  }
0x27: {  	[sflag:s9] =	ssyncset.done $0x0  }
0x28: {  	s16 =	sadd.s32 $0x1800, s26;
	[sflag:s9] =	ssyncadd.s32 $0xFFFFC000  }
0x29: {  	[hbm4b:s16+s2] =	stream.linear.scatter [tilespmem:s8], [sflag:$0x2], $0x4000, $0x38;
	[tilespmem:$0x8800] =	vst v63  }
0x2a: {  	_ =	swait.ge [sflag:s3], $0x4000  }
0x2b: {  	[sflag:s3] =	ssyncset.done $0x0  }
0x2c: {  	s17 =	simm.s32 $0x280;
	[sflag:s3] =	ssyncadd.s32 $0xFFFFC000  }
0x2d: {  	[tilespmem:s8], [sflag:$0x1] =	stream.indirect.gather [hbm4b:s5+s6], $0x80, s17, s6, $0xb8;
	[tilespmem:$0x8800] =	vst v63  }
0x2e: {  	_ =	swait.ge [sflag:s9], $0x4000  }
0x2f: {  	[sflag:s9] =	ssyncset.done $0x0  }
0x30: {  	s18 =	sadd.s32 $0x2000, s26;
	[sflag:s9] =	ssyncadd.s32 $0xFFFFC000  }
0x31: {  	[hbm4b:s18+s2] =	stream.linear.scatter [tilespmem:s7], [sflag:$0x2], $0x4000, $0x38;
	[tilespmem:$0x8800] =	vst v63  }
0x32: {  	_ =	swait.ge [sflag:s3], $0x4000  }
0x33: {  	[sflag:s3] =	ssyncset.done $0x0  }
0x34: {  	s19 =	simm.s32 $0x300;
	[sflag:s3] =	ssyncadd.s32 $0xFFFFC000  }
0x35: {  	[tilespmem:s7], [sflag:$0x1] =	stream.indirect.gather [hbm4b:s5+s6], $0x80, s19, s6, $0xb8;
	[tilespmem:$0x8800] =	vst v63  }
0x36: {  	_ =	swait.ge [sflag:s9], $0x4000  }
0x37: {  	[sflag:s9] =	ssyncset.done $0x0  }
0x38: {  	s20 =	sadd.s32 $0x2800, s26;
	[sflag:s9] =	ssyncadd.s32 $0xFFFFC000  }
0x39: {  	[hbm4b:s20+s2] =	stream.linear.scatter [tilespmem:s8], [sflag:$0x2], $0x4000, $0x38;
	[tilespmem:$0x8800] =	vst v63  }
0x3a: {  	_ =	swait.ge [sflag:s3], $0x4000  }
0x3b: {  	[sflag:s3] =	ssyncset.done $0x0  }
0x3c: {  	s21 =	simm.s32 $0x380;
	[sflag:s3] =	ssyncadd.s32 $0xFFFFC000  }
0x3d: {  	[tilespmem:s8], [sflag:$0x1] =	stream.indirect.gather [hbm4b:s5+s6], $0x80, s21, s6, $0xb8;
	[tilespmem:$0x8800] =	vst v63  }
0x3e: {  	_ =	swait.ge [sflag:s9], $0x4000  }
0x3f: {  	[sflag:s9] =	ssyncset.done $0x0  }
0x40: {  	s22 =	sadd.s32 $0x3000, s26;
	[sflag:s9] =	ssyncadd.s32 $0xFFFFC000  }
0x41: {  	[hbm4b:s22+s2] =	stream.linear.scatter [tilespmem:s7], [sflag:$0x2], $0x4000, $0x38;
	[tilespmem:$0x8800] =	vst v63  }
0x42: {  	_ =	swait.ge [sflag:s3], $0x4000  }
0x43: {  	[sflag:s3] =	ssyncset.done $0x0  }
0x44: {  	s23 =	simm.s32 $0x400;
	[sflag:s3] =	ssyncadd.s32 $0xFFFFC000  }
0x45: {  	[tilespmem:s7], [sflag:$0x1] =	stream.indirect.gather [hbm4b:s5+s6], $0x80, s23, s6, $0xb8;
	[tilespmem:$0x8800] =	vst v63  }
0x46: {  	_ =	swait.ge [sflag:s9], $0x4000  }
0x47: {  	[sflag:s9] =	ssyncset.done $0x0  }
0x48: {  	s25 =	ssub.s32 $0x2, s25;
	s24 =	sadd.s32 $0x3800, s26;
	[sflag:s9] =	ssyncadd.s32 $0xFFFFC000  }
0x49: {  	[hbm4b:s24+s2] =	stream.linear.scatter [tilespmem:s8], [sflag:$0x2], $0x4000, $0x38;
	[tilespmem:$0x8800] =	vst v63  }
0x4a: {  	s28 =	sshrl.u32 s25, $0x1;
	_ =	swait.ge [sflag:s3], $0x4000  }
0x4b: {  	s28 =	ssub.s32 s25, s28;
	[sflag:s3] =	ssyncset.done $0x0  }
0x4c: {  	s31 =	smax.u32 s28, $0x1;
	[sflag:s3] =	ssyncadd.s32 $0xFFFFC000  }
0x4d: {  	p0 =	sne.s32 s31, $0x1;
	_ =	swait.ge [sflag:s9], $0x4000  }
.Ltmp0:
0x4e: {  	[sflag:s9] =	ssyncset.done $0x0;
	(pc) =	sbr.rel @!p0 .LBB2_2-.Ltmp0, $4  }
0x4f: {  	s25 =	sadd.s32 $0x4000, s26;
	[sflag:s9] =	ssyncadd.s32 $0xFFFFC000  }
0x50: {  	[hbm4b:s25+s2] =	stream.linear.scatter [tilespmem:s7], [sflag:$0x2], $0x4000, $0x38;
	[tilespmem:$0x8800] =	vst v63  }
0x51: {  	_ =	swait.ge [sflag:s3], $0x4000  }
0x52: {  	s26 =	sadd.s32 $0xFFFFFFFF, s31;
	[sflag:s3] =	ssyncset.done $0x0  }
.LBB2_1:
0x53: {  	p0 =	sne.s32 s26, $0x1;
	s26 =	sadd.s32 $0xFFFFFFFF, s26;
	[sflag:s3] =	ssyncadd.s32 $0xFFFFC000  }
0x54: {  	[tilespmem:s2], [sflag:$0x2] =	stream.linear.gather [hbm4b:s4+s2], $0x480, $0x38;
	[tilespmem:$0x8800] =	vst v63  }
0x55: {  	_ =	swait.ge [sflag:s3], $0x480  }
0x56: {  	[sflag:s3] =	ssyncset.done $0x0  }
0x57: {  	[sflag:s3] =	ssyncadd.s32 $0xFFFFFB80  }
0x58: {  	[tilespmem:s7], [sflag:$0x1] =	stream.indirect.gather [hbm4b:s5+s6], $0x80, s2, s6, $0xb8;
	[tilespmem:$0x8800] =	vst v63  }
0x59: {  	_ = 	snop  }
0x5a: {  	[tilespmem:s8], [sflag:$0x1] =	stream.indirect.gather [hbm4b:s5+s6], $0x80, s6, s6, $0xb8;
	[tilespmem:$0x8800] =	vst v63  }
0x5b: {  	_ =	swait.ge [sflag:s9], $0x4000  }
0x5c: {  	[sflag:s9] =	ssyncset.done $0x0  }
0x5d: {  	[sflag:s9] =	ssyncadd.s32 $0xFFFFC000  }
0x5e: {  	[hbm4b:s10+s2] =	stream.linear.scatter [tilespmem:s7], [sflag:$0x2], $0x4000, $0x38;
	[tilespmem:$0x8800] =	vst v63  }
0x5f: {  	_ =	swait.ge [sflag:s3], $0x4000  }
0x60: {  	[sflag:s3] =	ssyncset.done $0x0  }
0x61: {  	[sflag:s3] =	ssyncadd.s32 $0xFFFFC000  }
0x62: {  	[tilespmem:s7], [sflag:$0x1] =	stream.indirect.gather [hbm4b:s5+s6], $0x80, s11, s6, $0xb8;
	[tilespmem:$0x8800] =	vst v63  }
0x63: {  	_ =	swait.ge [sflag:s9], $0x4000  }
0x64: {  	[sflag:s9] =	ssyncset.done $0x0  }
0x65: {  	[sflag:s9] =	ssyncadd.s32 $0xFFFFC000  }
0x66: {  	[hbm4b:s12+s2] =	stream.linear.scatter [tilespmem:s8], [sflag:$0x2], $0x4000, $0x38;
	[tilespmem:$0x8800] =	vst v63  }
0x67: {  	_ =	swait.ge [sflag:s3], $0x4000  }
0x68: {  	[sflag:s3] =	ssyncset.done $0x0  }
0x69: {  	[sflag:s3] =	ssyncadd.s32 $0xFFFFC000  }
0x6a: {  	[tilespmem:s8], [sflag:$0x1] =	stream.indirect.gather [hbm4b:s5+s6], $0x80, s13, s6, $0xb8;
	[tilespmem:$0x8800] =	vst v63  }
0x6b: {  	_ =	swait.ge [sflag:s9], $0x4000  }
0x6c: {  	[sflag:s9] =	ssyncset.done $0x0  }
0x6d: {  	[sflag:s9] =	ssyncadd.s32 $0xFFFFC000  }
0x6e: {  	[hbm4b:s14+s2] =	stream.linear.scatter [tilespmem:s7], [sflag:$0x2], $0x4000, $0x38;
	[tilespmem:$0x8800] =	vst v63  }
0x6f: {  	_ =	swait.ge [sflag:s3], $0x4000  }
0x70: {  	[sflag:s3] =	ssyncset.done $0x0  }
0x71: {  	[sflag:s3] =	ssyncadd.s32 $0xFFFFC000  }
0x72: {  	[tilespmem:s7], [sflag:$0x1] =	stream.indirect.gather [hbm4b:s5+s6], $0x80, s15, s6, $0xb8;
	[tilespmem:$0x8800] =	vst v63  }
0x73: {  	_ =	swait.ge [sflag:s9], $0x4000  }
0x74: {  	[sflag:s9] =	ssyncset.done $0x0  }
0x75: {  	[sflag:s9] =	ssyncadd.s32 $0xFFFFC000  }
0x76: {  	[hbm4b:s16+s2] =	stream.linear.scatter [tilespmem:s8], [sflag:$0x2], $0x4000, $0x38;
	[tilespmem:$0x8800] =	vst v63  }
0x77: {  	_ =	swait.ge [sflag:s3], $0x4000  }
0x78: {  	[sflag:s3] =	ssyncset.done $0x0  }
0x79: {  	[sflag:s3] =	ssyncadd.s32 $0xFFFFC000  }
0x7a: {  	[tilespmem:s8], [sflag:$0x1] =	stream.indirect.gather [hbm4b:s5+s6], $0x80, s17, s6, $0xb8;
	[tilespmem:$0x8800] =	vst v63  }
0x7b: {  	_ =	swait.ge [sflag:s9], $0x4000  }
0x7c: {  	[sflag:s9] =	ssyncset.done $0x0  }
0x7d: {  	[sflag:s9] =	ssyncadd.s32 $0xFFFFC000  }
0x7e: {  	[hbm4b:s18+s2] =	stream.linear.scatter [tilespmem:s7], [sflag:$0x2], $0x4000, $0x38;
	[tilespmem:$0x8800] =	vst v63  }
0x7f: {  	_ =	swait.ge [sflag:s3], $0x4000  }
0x80: {  	[sflag:s3] =	ssyncset.done $0x0  }
0x81: {  	[sflag:s3] =	ssyncadd.s32 $0xFFFFC000  }
0x82: {  	[tilespmem:s7], [sflag:$0x1] =	stream.indirect.gather [hbm4b:s5+s6], $0x80, s19, s6, $0xb8;
	[tilespmem:$0x8800] =	vst v63  }
0x83: {  	_ =	swait.ge [sflag:s9], $0x4000  }
0x84: {  	[sflag:s9] =	ssyncset.done $0x0  }
0x85: {  	[sflag:s9] =	ssyncadd.s32 $0xFFFFC000  }
0x86: {  	[hbm4b:s20+s2] =	stream.linear.scatter [tilespmem:s8], [sflag:$0x2], $0x4000, $0x38;
	[tilespmem:$0x8800] =	vst v63  }
0x87: {  	_ =	swait.ge [sflag:s3], $0x4000  }
0x88: {  	[sflag:s3] =	ssyncset.done $0x0  }
0x89: {  	[sflag:s3] =	ssyncadd.s32 $0xFFFFC000  }
0x8a: {  	[tilespmem:s8], [sflag:$0x1] =	stream.indirect.gather [hbm4b:s5+s6], $0x80, s21, s6, $0xb8;
	[tilespmem:$0x8800] =	vst v63  }
0x8b: {  	_ =	swait.ge [sflag:s9], $0x4000  }
0x8c: {  	[sflag:s9] =	ssyncset.done $0x0  }
0x8d: {  	[sflag:s9] =	ssyncadd.s32 $0xFFFFC000  }
0x8e: {  	[hbm4b:s22+s2] =	stream.linear.scatter [tilespmem:s7], [sflag:$0x2], $0x4000, $0x38;
	[tilespmem:$0x8800] =	vst v63  }
0x8f: {  	_ =	swait.ge [sflag:s3], $0x4000  }
0x90: {  	[sflag:s3] =	ssyncset.done $0x0  }
0x91: {  	[sflag:s3] =	ssyncadd.s32 $0xFFFFC000  }
0x92: {  	[tilespmem:s7], [sflag:$0x1] =	stream.indirect.gather [hbm4b:s5+s6], $0x80, s23, s6, $0xb8;
	[tilespmem:$0x8800] =	vst v63  }
0x93: {  	_ =	swait.ge [sflag:s9], $0x4000  }
0x94: {  	[sflag:s9] =	ssyncset.done $0x0  }
0x95: {  	[sflag:s9] =	ssyncadd.s32 $0xFFFFC000  }
0x96: {  	[hbm4b:s24+s2] =	stream.linear.scatter [tilespmem:s8], [sflag:$0x2], $0x4000, $0x38;
	[tilespmem:$0x8800] =	vst v63  }
0x97: {  	_ =	swait.ge [sflag:s3], $0x4000  }
0x98: {  	[sflag:s3] =	ssyncset.done $0x0  }
0x99: {  	[sflag:s3] =	ssyncadd.s32 $0xFFFFC000  }
0x9a: {  	_ =	swait.ge [sflag:s9], $0x4000  }
.Ltmp1:
0x9b: {  	[sflag:s9] =	ssyncset.done $0x0;
	(pc) =	sbr.rel @p0 .LBB2_1-.Ltmp1, $4  }
0x9c: {  	[sflag:s9] =	ssyncadd.s32 $0xFFFFC000  }
0x9d: {  	[hbm4b:s25+s2] =	stream.linear.scatter [tilespmem:s7], [sflag:$0x2], $0x4000, $0x38;
	[tilespmem:$0x8800] =	vst v63  }
0x9e: {  	_ =	swait.ge [sflag:s3], $0x4000  }
0x9f: {  	[sflag:s3] =	ssyncset.done $0x0  }
.LBB2_2:
0xa0: {  	[sflag:s3] =	ssyncadd.s32 $0xFFFFC000  }
0xa1: {  	_ =	sfence.sel $0x180000  }
0xa2: {  	[bflag:$0x0] =	sbarrier.arrive $0xFFFF  }
0xa3: {  	p0 =	sne.s32 s0, $0x0;
	_ =	strace $0x9000004A  }
0xa4: {  	s0 =	sadd.s32 @!p0 $0x100000, s1;
	[bflag:$0x2] =	sbarrier.arrive $0xFFFF  }
0xa5: {  	[sflag:s0] =	ssyncadd.tile.s32 @!p0 $0x1;
	_ =	shalt  }
.Lfunc_end2:
_tile_overlayer_lowered:
.L_overlay_start_2:
0xa6: {  	(tag) =	ssettag $0x2  }
0xa7: {  	s0 =	rddreg [dreg:$0x0];
	s2 =	stileid.u32  }
0xa8: {  	s1 =	rddreg [dreg:$0x1];
	p0 =	sne.s32 s2, $0x0  }
0xa9: {  	s3 =	rddreg [dreg:$0x2];
	[bflag:$0x3] =	sbarrier.arrive $0xFFFF;
	s2 =	simm.s32 @!p0 $0x1C02  }
0xaa: {  	[timem:s3], [sflag:s2] =	dma.local @!p0 [hbm:s0], s1  }
0xab: {  	s0 =	simm.s32 @!p0 $0x2  }
0xac: {  	_ =	swait.ge @!p0 [sflag:s0], s1  }
0xad: {  	s1 =	ssub.s32 @!p0 $0x0, s1;
	[sflag:s0] =	ssyncset.done @!p0 $0x0  }
0xae: {  	[sflag:s0] =	ssyncadd.s32 @!p0 s1  }
0xaf: {  	[bflag:$0x3] =	sbarrier.arrive $0xFFFF  }
0xb0: {  	_ =	shalt  }

</sc_bundles>
